<compile_context>
chip_gen: v7x
topology: tpu7x:2x2x1
jax: 0.10.2.dev20260603
libtpu: 0.0.44.dev20260713+nightly
codegen_flags: <defaults>
</compile_context>

<pallas_src>
import dataclasses
import functools

import jax
import jax.numpy as jnp
from jax import lax
from jax.experimental import pallas as pl
from jax.experimental.pallas import tpu as pltpu
from jax.experimental.pallas import tpu_sc as plsc

N = 10000
E = 320000
NEG_SLOPE = 0.2
NPAD = 10112
B = 256
E_PAD = 327680
NEG = -1e30


def _sc_compiler_params():
    cp = pltpu.CompilerParams()
    if "needs_layout_passes" in pltpu.CompilerParams.__dataclass_fields__:
        cp = dataclasses.replace(cp, needs_layout_passes=False)
    return cp


def _matmul_kernel(x_ref, w_ref, o_ref):
    o_ref[...] = jnp.dot(x_ref[...], w_ref[...],
                         preferred_element_type=jnp.float32)


def _matmul(x, w):
    m, k = x.shape
    _, n = w.shape
    bm = 1000
    return pl.pallas_call(
        _matmul_kernel,
        grid=(m // bm,),
        in_specs=[pl.BlockSpec((bm, k), lambda i: (i, 0)),
                  pl.BlockSpec((k, n), lambda i: (0, 0))],
        out_specs=pl.BlockSpec((bm, n), lambda i: (i, 0)),
        out_shape=jax.ShapeDtypeStruct((m, n), jnp.float32),
    )(x, w)


_MESH = dict(core_axis_name="c", subcore_axis_name="s")


def _weight_kernel(head_split):
    nb = E_PAD // (16 * B) if head_split else E_PAD // (32 * B)

    @functools.partial(
        pl.kernel,
        out_type=(jax.ShapeDtypeStruct((4 * E_PAD,), jnp.float32),
                  jax.ShapeDtypeStruct((32 * 2 * NPAD,), jnp.float32)),
        mesh=plsc.VectorSubcoreMesh(**_MESH),
        compiler_params=_sc_compiler_params(),
        scratch_types=[
            pltpu.VMEM((NPAD,), jnp.float32),
            pltpu.VMEM((NPAD,), jnp.float32),
            pltpu.VMEM((NPAD,), jnp.float32),
            pltpu.VMEM((NPAD,), jnp.float32),
            pltpu.VMEM((NPAD,), jnp.float32),
            pltpu.VMEM((NPAD,), jnp.float32),
            pltpu.VMEM((B,), jnp.int32),
            pltpu.VMEM((B,), jnp.int32),
            pltpu.VMEM((B,), jnp.float32),
            pltpu.VMEM((B,), jnp.float32),
            pltpu.VMEM((16,), jnp.int32),
            pltpu.VMEM((16,), jnp.float32),
        ],
    )
    def k(atab_hbm, src_hbm, dst_hbm, w_hbm, den_hbm,
          as_a, as_b, ad_a, ad_b, den_a, den_b, src_v, dst_v, w_a, w_b,
          ktmp, wtmp):
        c = lax.axis_index("c")
        s = lax.axis_index("s")
        trow = (4 * c * NPAD) if head_split else 0
        pltpu.sync_copy(atab_hbm.at[pl.ds(trow, NPAD)], as_a)
        pltpu.sync_copy(atab_hbm.at[pl.ds(trow + NPAD, NPAD)], as_b)
        pltpu.sync_copy(atab_hbm.at[pl.ds(trow + 2 * NPAD, NPAD)], ad_a)
        pltpu.sync_copy(atab_hbm.at[pl.ds(trow + 3 * NPAD, NPAD)], ad_b)
        zero16 = jnp.zeros((16,), jnp.float32)

        @pl.loop(0, NPAD // 16)
        def _(i):
            den_a[pl.ds(i * 16, 16)] = zero16
            den_b[pl.ds(i * 16, 16)] = zero16

        base = (s * nb * B) if head_split else ((c * 16 + s) * nb * B)
        pbase = (2 * c * E_PAD) if head_split else 0
        lane = lax.iota(jnp.int32, 16)

        def den_accum(den_ref, dv, wv):
            sk, sw = plsc.sort_key_val(dv, wv)
            ktmp[...] = sk
            wtmp[...] = sw
            acc_w = sw
            for d in (1, 2, 4, 8):
                pidx = jnp.maximum(lane - d, 0)
                kprev = jnp.where(lane >= d, plsc.load_gather(ktmp, [pidx]),
                                  jnp.full((16,), -1, jnp.int32))
                wprev = jnp.where(lane >= d, plsc.load_gather(wtmp, [pidx]),
                                  zero16)
                acc_w = acc_w + jnp.where(sk == kprev, wprev, zero16)
                wtmp[...] = acc_w
            knext = plsc.load_gather(ktmp, [jnp.minimum(lane + 1, 15)])
            mend = (sk != knext) | (lane == 15)
            plsc.addupdate_scatter(den_ref, [sk], acc_w, mask=mend)

        @pl.loop(0, nb)
        def _(i):
            pltpu.sync_copy(src_hbm.at[pl.ds(base + i * B, B)], src_v)
            pltpu.sync_copy(dst_hbm.at[pl.ds(base + i * B, B)], dst_v)

            @pl.loop(0, B // 16)
            def _(j):
                sv = src_v[pl.ds(j * 16, 16)]
                dv = dst_v[pl.ds(j * 16, 16)]
                e0 = plsc.load_gather(as_a, [sv]) + plsc.load_gather(ad_a, [dv])
                e1 = plsc.load_gather(as_b, [sv]) + plsc.load_gather(ad_b, [dv])
                e0 = jnp.where(e0 > 0, e0, NEG_SLOPE * e0)
                e1 = jnp.where(e1 > 0, e1, NEG_SLOPE * e1)
                w0 = jnp.exp(e0)
                w1 = jnp.exp(e1)
                w_a[pl.ds(j * 16, 16)] = w0
                w_b[pl.ds(j * 16, 16)] = w1
                den_accum(den_a, dv, w0)
                den_accum(den_b, dv, w1)

            pltpu.sync_copy(w_a, w_hbm.at[pl.ds(pbase + base + i * B, B)])
            pltpu.sync_copy(w_b, w_hbm.at[pl.ds(pbase + E_PAD + base + i * B,
                                                B)])

        wid = c * 16 + s
        pltpu.sync_copy(den_a, den_hbm.at[pl.ds(wid * 2 * NPAD, NPAD)])
        pltpu.sync_copy(den_b, den_hbm.at[pl.ds(wid * 2 * NPAD + NPAD, NPAD)])

    return k


def _scatter_kernel(head_split):
    nb = E_PAD // (16 * B) if head_split else E_PAD // (32 * B)

    @functools.partial(
        pl.kernel,
        out_type=jax.ShapeDtypeStruct((2 * NPAD, 128), jnp.float32),
        mesh=plsc.VectorSubcoreMesh(**_MESH),
        compiler_params=_sc_compiler_params(),
        scratch_types=[
            pltpu.VMEM((B,), jnp.int32),
            pltpu.VMEM((B,), jnp.int32),
            pltpu.VMEM((B, 128), jnp.float32),
            pltpu.VMEM((B,), jnp.float32),
            pltpu.VMEM((B,), jnp.float32),
            pltpu.VMEM_SHARED((NPAD, 128), jnp.float32),
            pltpu.SemaphoreType.DMA,
        ],
    )
    def k(h_hbm, src_hbm, dst_hbm, w_hbm, init_hbm, out_hbm,
          src_v, dst_v, rows_v, w_a, w_b, acc, sem):
        c = lax.axis_index("c")
        s = lax.axis_index("s")
        srow = s * (NPAD // 16)
        pltpu.sync_copy(init_hbm.at[pl.ds(c * NPAD + srow, NPAD // 16)],
                        acc.at[pl.ds(srow, NPAD // 16)])
        plsc.subcore_barrier()

        base = (s * nb * B) if head_split else ((c * 16 + s) * nb * B)
        pbase = (2 * c * E_PAD) if head_split else 0
        toff = (c * NPAD) if head_split else 0

        @pl.loop(0, nb)
        def _(i):
            pltpu.sync_copy(src_hbm.at[pl.ds(base + i * B, B)], src_v)
            pltpu.sync_copy(dst_hbm.at[pl.ds(base + i * B, B)], dst_v)
            pltpu.sync_copy(w_hbm.at[pl.ds(pbase + base + i * B, B)], w_a)
            pltpu.sync_copy(w_hbm.at[pl.ds(pbase + E_PAD + base + i * B, B)],
                            w_b)

            @pl.loop(0, B // 16)
            def _(j):
                src_v[pl.ds(j * 16, 16)] = src_v[pl.ds(j * 16, 16)] + toff

            pltpu.async_copy(h_hbm.at[src_v], rows_v, sem).wait()

            @pl.loop(0, B)
            def _(j):
                idx = jnp.full((16,), j, jnp.int32)
                w0 = plsc.load_gather(w_a, [idx])
                w1 = plsc.load_gather(w_b, [idx])
                for kk in range(4):
                    rows_v[j, pl.ds(kk * 16, 16)] = (
                        rows_v[j, pl.ds(kk * 16, 16)] * w0)
                for kk in range(4, 8):
                    rows_v[j, pl.ds(kk * 16, 16)] = (
                        rows_v[j, pl.ds(kk * 16, 16)] * w1)

            pltpu.sync_copy(rows_v, acc.at[dst_v], add=True)

        plsc.subcore_barrier()
        pltpu.sync_copy(acc.at[pl.ds(srow, NPAD // 16)],
                        out_hbm.at[pl.ds(c * NPAD + srow, NPAD // 16)])

    return k


_weight_hs = _weight_kernel(True)
_weight_es = _weight_kernel(False)
_scatter_hs = _scatter_kernel(True)
_scatter_es = _scatter_kernel(False)


def _pad_nodes(a, fill=0.0):
    return jnp.pad(a, ((0, NPAD - N),) + ((0, 0),) * (a.ndim - 1),
                   constant_values=fill)


def _gat_layer(x, src_pad, dst_pad, W, a_src, a_dst, b, H):
    C = 64 if H == 4 else 128
    h = _matmul(x, W)
    h3 = h.reshape(N, H, C)
    alpha_src = jnp.einsum("nhc,hc->nh", h3, a_src)
    alpha_dst = jnp.einsum("nhc,hc->nh", h3, a_dst)
    e_self = alpha_src + alpha_dst
    w_self = jnp.exp(jnp.where(e_self > 0, e_self, NEG_SLOPE * e_self))

    as_p = _pad_nodes(alpha_src, NEG).T
    ad_p = _pad_nodes(alpha_dst, NEG).T

    if H == 4:
        atab = jnp.concatenate([as_p[0], as_p[1], ad_p[0], ad_p[1],
                                as_p[2], as_p[3], ad_p[2], ad_p[3]])
        w_pl, den_out = _weight_hs(atab, src_pad, dst_pad)
        h_cat = jnp.concatenate([_pad_nodes(h[:, :128]),
                                 _pad_nodes(h[:, 128:])])
        num_init = (h3 * w_self[:, :, None]).reshape(N, 256)
        init = jnp.concatenate([_pad_nodes(num_init[:, :128]),
                                _pad_nodes(num_init[:, 128:])])
        out_cat = _scatter_hs(h_cat, src_pad, dst_pad, w_pl, init)
        den_sc = den_out.reshape(2, 16, 2, NPAD).sum(axis=1)
        den = den_sc.reshape(4, NPAD)[:, :N].T + w_self
        num = jnp.concatenate([out_cat[:N], out_cat[NPAD:NPAD + N]], axis=1)
        out = (num.reshape(N, 4, C) / den[:, :, None]).reshape(N, 4 * C)
    else:
        atab = jnp.concatenate([as_p[0], as_p[0], ad_p[0], ad_p[0]])
        w_pl, den_out = _weight_es(atab, src_pad, dst_pad)
        h_cat = _pad_nodes(h)
        init = jnp.concatenate([_pad_nodes(h * w_self),
                                jnp.zeros((NPAD, 128), jnp.float32)])
        out_cat = _scatter_es(h_cat, src_pad, dst_pad, w_pl, init)
        num = out_cat[:N] + out_cat[NPAD:NPAD + N]
        den = den_out.reshape(32, 2, NPAD)[:, 0, :N].sum(axis=0) + w_self[:, 0]
        out = num / den[:, None]
    return out + b


def kernel(x, edge_index, W0, a_src0, a_dst0, b0, W1, a_src1, a_dst1, b1,
           W2, a_src2, a_dst2, b2):
    src = jnp.pad(edge_index[0], (0, E_PAD - E), constant_values=N)
    dst = jnp.pad(edge_index[1], (0, E_PAD - E), constant_values=N)
    h = _gat_layer(x, src, dst, W0, a_src0, a_dst0, b0, 4)
    h = jax.nn.elu(h)
    h = _gat_layer(h, src, dst, W1, a_src1, a_dst1, b1, 4)
    h = jax.nn.elu(h)
    return _gat_layer(h, src, dst, W2, a_src2, a_dst2, b2, 1)

# --- scband reference (transcript-rebuilt; emitter-appended) ---
"""Pipeline reference for scband-gat-23450521436404 (READ-ONLY COPY).

The authoritative reference and input builder live on the scoring server;
editing this copy changes nothing except your own understanding.
"""

import jax, jax.numpy as jnp
import numpy as np

N = 10000
E = 320000
NFEAT = 128
NHID = 64
NHEAD = 4
NOUT = 128
NEG_SLOPE = 0.2


def _glorot(key, shape):
    fan_in, fan_out = shape[0], shape[-1]
    limit = np.sqrt(6.0 / (fan_in + fan_out))
    return jax.random.uniform(key, shape, dtype=jnp.float32, minval=-limit, maxval=limit)


def setup_inputs(seed: int = 0) -> dict:
    key = jax.random.key(seed)
    ks = jax.random.split(key, 16)
    x = jax.random.normal(ks[0], (N, NFEAT), dtype=jnp.float32)
    edge_index = jax.random.randint(ks[1], (2, E), 0, N, dtype=jnp.int32)
    # layer 0: in=NFEAT, heads=NHEAD, out=NHID, concat
    W0 = _glorot(ks[2], (NFEAT, NHEAD * NHID))
    a_src0 = _glorot(ks[3], (NHEAD, NHID))
    a_dst0 = _glorot(ks[4], (NHEAD, NHID))
    b0 = jnp.zeros((NHEAD * NHID,), dtype=jnp.float32)
    # layer 1: in=NHEAD*NHID, heads=NHEAD, out=NHID, concat
    W1 = _glorot(ks[5], (NHEAD * NHID, NHEAD * NHID))
    a_src1 = _glorot(ks[6], (NHEAD, NHID))
    a_dst1 = _glorot(ks[7], (NHEAD, NHID))
    b1 = jnp.zeros((NHEAD * NHID,), dtype=jnp.float32)
    # output layer: in=NHEAD*NHID, heads=1, out=NOUT, concat=False (mean)
    W2 = _glorot(ks[8], (NHEAD * NHID, 1 * NOUT))
    a_src2 = _glorot(ks[9], (1, NOUT))
    a_dst2 = _glorot(ks[10], (1, NOUT))
    b2 = jnp.zeros((NOUT,), dtype=jnp.float32)
    return {"x": x, "edge_index": edge_index,
            "W0": W0, "a_src0": a_src0, "a_dst0": a_dst0, "b0": b0,
            "W1": W1, "a_src1": a_src1, "a_dst1": a_dst1, "b1": b1,
            "W2": W2, "a_src2": a_src2, "a_dst2": a_dst2, "b2": b2}


def gat_conv(x, src, dst, W, a_src, a_dst, b, H, C, concat, num_nodes):
    # add self loops (PyG GATConv default add_self_loops=True)
    loop = jnp.arange(num_nodes, dtype=src.dtype)
    src = jnp.concatenate([src, loop])
    dst = jnp.concatenate([dst, loop])
    h = (x @ W).reshape(-1, H, C)                       # [N, H, C]
    alpha_src = jnp.sum(h * a_src[None, :, :], axis=-1)  # [N, H]
    alpha_dst = jnp.sum(h * a_dst[None, :, :], axis=-1)  # [N, H]
    e = alpha_src[src] + alpha_dst[dst]                  # [E', H]
    e = jnp.where(e > 0, e, NEG_SLOPE * e)               # leaky_relu
    # softmax over incoming edges of each dst node
    e_max = jax.ops.segment_max(e, dst, num_segments=num_nodes)
    e_max = jnp.where(jnp.isfinite(e_max), e_max, 0.0)
    e_exp = jnp.exp(e - e_max[dst])
    denom = jax.ops.segment_sum(e_exp, dst, num_segments=num_nodes)
    alpha = e_exp / (denom[dst] + 1e-16)                 # [E', H]
    # dropout on alpha (p=0.2) is identity in eval mode
    msg = h[src] * alpha[:, :, None]                     # [E', H, C]
    out = jax.ops.segment_sum(msg, dst, num_segments=num_nodes)  # [N, H, C]
    if concat:
        out = out.reshape(num_nodes, H * C)
    else:
        out = out.mean(axis=1)
    return out + b


def reference(x, edge_index, W0, a_src0, a_dst0, b0, W1, a_src1, a_dst1, b1, W2, a_src2, a_dst2, b2):
    src, dst = edge_index[0], edge_index[1]
    # eval mode: F.dropout(x, 0.2, training=False) is identity
    h = gat_conv(x, src, dst, W0, a_src0, a_dst0, b0, NHEAD, NHID, True, N)
    h = jax.nn.elu(h)
    h = gat_conv(h, src, dst, W1, a_src1, a_dst1, b1, NHEAD, NHID, True, N)
    h = jax.nn.elu(h)
    out = gat_conv(h, src, dst, W2, a_src2, a_dst2, b2, 1, NOUT, False, N)
    return out

if __name__ == "__main__":
    import jax
    _d = setup_inputs()
    print(jax.jit(kernel)(*tuple(_d.values())))

</pallas_src>

<mosaic_0001>
#map = affine_map<(d0, d1) -> (0, 0)>
#map1 = affine_map<(d0, d1) -> (0)>
module attributes {stable_mosaic.version = 14 : i64} {
  func.func @k(%arg0: i32, %arg1: i32, %arg2: memref<20224x128xf32, #tpu.memory_space<hbm>>, %arg3: memref<327680xi32, #tpu.memory_space<hbm>>, %arg4: memref<327680xi32, #tpu.memory_space<hbm>>, %arg5: memref<1310720xf32, #tpu.memory_space<hbm>>, %arg6: memref<20224x128xf32, #tpu.memory_space<hbm>>, %arg7: memref<20224x128xf32, #tpu.memory_space<hbm>>, %arg8: memref<256xi32, #tpu.memory_space<vmem>>, %arg9: memref<256xi32, #tpu.memory_space<vmem>>, %arg10: memref<256x128xf32, #tpu.memory_space<vmem>>, %arg11: memref<256xf32, #tpu.memory_space<vmem>>, %arg12: memref<256xf32, #tpu.memory_space<vmem>>, %arg13: memref<10112x128xf32, #tpu.memory_space<vmem_shared>>, %arg14: memref<!tpu.dma_semaphore, #tpu.memory_space<semaphore_mem>>) attributes {dimension_semantics = [#tpu.dimension_semantics<core_parallel>, #tpu.dimension_semantics<subcore_parallel>], iteration_bounds = array<i64: 2, 16>, scalar_prefetch = 0 : i64, scratch_operands = 7 : i64, tpu.core_type = #tpu.core_type<sc_vector_subcore>, window_params = [{transform_indices = #map}, {transform_indices = #map1}, {transform_indices = #map1}, {transform_indices = #map1}, {transform_indices = #map}, {transform_indices = #map}]} {
    %mul3A = arith.constant 632 : i32
    %mul3A_0 = arith.muli %arg1, %mul3A : i32
    %mul3A_1 = arith.constant 10112 : i32
    %mul3A_2 = arith.muli %arg0, %mul3A_1 : i32
    %add3A = arith.addi %mul3A_2, %mul3A_0 : i32
    "tpu.region"() ({
      %run_scoped3A = tpu.sem_alloc : memref<!tpu.dma_semaphore, #tpu.memory_space<semaphore_mem>>
      %dma_start3A = arith.constant 0 : i32
      %dma_start3A_21 = tpu.memref_slice %arg13[%mul3A_0, %dma_start3A] : memref<10112x128xf32, #tpu.memory_space<vmem_shared>> -> memref<632x128xf32, #tpu.memory_space<vmem_shared>>
      %dma_start3A_22 = arith.constant 0 : i32
      %dma_start3A_23 = tpu.memref_slice %arg6[%add3A, %dma_start3A_22] : memref<20224x128xf32, #tpu.memory_space<hbm>> -> memref<632x128xf32, #tpu.memory_space<hbm>>
      tpu.enqueue_dma source(%dma_start3A_23 : memref<632x128xf32, #tpu.memory_space<hbm>>) target(%dma_start3A_21 : memref<632x128xf32, #tpu.memory_space<vmem_shared>>) target_semaphore(%run_scoped3A : memref<!tpu.dma_semaphore, #tpu.memory_space<semaphore_mem>>)
      %dma_wait3A = arith.constant 0 : i32
      %dma_wait3A_24 = tpu.memref_slice %arg13[%mul3A_0, %dma_wait3A] : memref<10112x128xf32, #tpu.memory_space<vmem_shared>> -> memref<632x128xf32, #tpu.memory_space<vmem_shared>>
      %dma_wait3A_25 = arith.constant 0 : i32
      %dma_wait3A_26 = tpu.memref_slice %arg6[%add3A, %dma_wait3A_25] : memref<20224x128xf32, #tpu.memory_space<hbm>> -> memref<632x128xf32, #tpu.memory_space<hbm>>
      tpu.wait_dma2 semaphore(%run_scoped3A : memref<!tpu.dma_semaphore, #tpu.memory_space<semaphore_mem>>) src(%dma_wait3A_26 : memref<632x128xf32, #tpu.memory_space<hbm>>) dst(%dma_wait3A_24 : memref<632x128xf32, #tpu.memory_space<vmem_shared>>)
      tpu.yield
    }) : () -> ()
    %barrier3A = arith.constant 0 : index
    tpu.barrier barrier_id(%barrier3A)
    %mul3A_3 = arith.constant 80 : i32
    %mul3A_4 = arith.muli %arg1, %mul3A_3 : i32
    %mul3A_5 = arith.constant 256 : i32
    %mul3A_6 = arith.muli %mul3A_4, %mul3A_5 : i32
    %mul3A_7 = arith.constant 2 : i32
    %mul3A_8 = arith.muli %mul3A_7, %arg0 : i32
    %mul3A_9 = arith.constant 327680 : i32
    %mul3A_10 = arith.muli %mul3A_8, %mul3A_9 : i32
    %mul3A_11 = arith.constant 10112 : i32
    %mul3A_12 = arith.muli %arg0, %mul3A_11 : i32
    %scan3A = arith.constant 0 : i32
    %scan3A_13 = arith.constant 80 : i32
    %scan3A_14 = arith.addi %scan3A, %scan3A_13 : i32
    %scan3A_15 = arith.constant 1 : i32
    scf.for %scan3A_21 = %scan3A to %scan3A_14 step %scan3A_15  : i32 {
      %mul3A_22 = arith.constant 1 : i32
      %mul3A_23 = arith.muli %scan3A_21, %mul3A_22 : i32
      %add3A_24 = arith.constant 0 : i32
      %add3A_25 = arith.addi %add3A_24, %mul3A_23 : i32
      %mul3A_26 = arith.constant 256 : i32
      %mul3A_27 = arith.muli %add3A_25, %mul3A_26 : i32
      %add3A_28 = arith.addi %mul3A_6, %mul3A_27 : i32
      "tpu.region"() ({
        %run_scoped3A = tpu.sem_alloc : memref<!tpu.dma_semaphore, #tpu.memory_space<semaphore_mem>>
        %dma_start3A_56 = tpu.memref_slice %arg3[%add3A_28] : memref<327680xi32, #tpu.memory_space<hbm>> -> memref<256xi32, #tpu.memory_space<hbm>>
        %dma_start3A_57 = tpu.memref_slice %arg3[%add3A_28] : memref<327680xi32, #tpu.memory_space<hbm>> -> memref<256xi32, #tpu.memory_space<hbm>>
        tpu.enqueue_dma source(%dma_start3A_57 : memref<256xi32, #tpu.memory_space<hbm>>) target(%arg8 : memref<256xi32, #tpu.memory_space<vmem>>) target_semaphore(%run_scoped3A : memref<!tpu.dma_semaphore, #tpu.memory_space<semaphore_mem>>)
        %dma_wait3A_58 = tpu.memref_slice %arg3[%add3A_28] : memref<327680xi32, #tpu.memory_space<hbm>> -> memref<256xi32, #tpu.memory_space<hbm>>
        %dma_wait3A_59 = tpu.memref_slice %arg3[%add3A_28] : memref<327680xi32, #tpu.memory_space<hbm>> -> memref<256xi32, #tpu.memory_space<hbm>>
        tpu.wait_dma2 semaphore(%run_scoped3A : memref<!tpu.dma_semaphore, #tpu.memory_space<semaphore_mem>>) src(%dma_wait3A_59 : memref<256xi32, #tpu.memory_space<hbm>>) dst(%arg8 : memref<256xi32, #tpu.memory_space<vmem>>)
        tpu.yield
      }) : () -> ()
      %mul3A_29 = arith.constant 256 : i32
      %mul3A_30 = arith.muli %add3A_25, %mul3A_29 : i32
      %add3A_31 = arith.addi %mul3A_6, %mul3A_30 : i32
      "tpu.region"() ({
        %run_scoped3A = tpu.sem_alloc : memref<!tpu.dma_semaphore, #tpu.memory_space<semaphore_mem>>
        %dma_start3A_56 = tpu.memref_slice %arg4[%add3A_31] : memref<327680xi32, #tpu.memory_space<hbm>> -> memref<256xi32, #tpu.memory_space<hbm>>
        %dma_start3A_57 = tpu.memref_slice %arg4[%add3A_31] : memref<327680xi32, #tpu.memory_space<hbm>> -> memref<256xi32, #tpu.memory_space<hbm>>
        tpu.enqueue_dma source(%dma_start3A_57 : memref<256xi32, #tpu.memory_space<hbm>>) target(%arg9 : memref<256xi32, #tpu.memory_space<vmem>>) target_semaphore(%run_scoped3A : memref<!tpu.dma_semaphore, #tpu.memory_space<semaphore_mem>>)
        %dma_wait3A_58 = tpu.memref_slice %arg4[%add3A_31] : memref<327680xi32, #tpu.memory_space<hbm>> -> memref<256xi32, #tpu.memory_space<hbm>>
        %dma_wait3A_59 = tpu.memref_slice %arg4[%add3A_31] : memref<327680xi32, #tpu.memory_space<hbm>> -> memref<256xi32, #tpu.memory_space<hbm>>
        tpu.wait_dma2 semaphore(%run_scoped3A : memref<!tpu.dma_semaphore, #tpu.memory_space<semaphore_mem>>) src(%dma_wait3A_59 : memref<256xi32, #tpu.memory_space<hbm>>) dst(%arg9 : memref<256xi32, #tpu.memory_space<vmem>>)
        tpu.yield
      }) : () -> ()
      %add3A_32 = arith.addi %mul3A_10, %mul3A_6 : i32
      %mul3A_33 = arith.constant 256 : i32
      %mul3A_34 = arith.muli %add3A_25, %mul3A_33 : i32
      %add3A_35 = arith.addi %add3A_32, %mul3A_34 : i32
      "tpu.region"() ({
        %run_scoped3A = tpu.sem_alloc : memref<!tpu.dma_semaphore, #tpu.memory_space<semaphore_mem>>
        %dma_start3A_56 = tpu.memref_slice %arg5[%add3A_35] : memref<1310720xf32, #tpu.memory_space<hbm>> -> memref<256xf32, #tpu.memory_space<hbm>>
        %dma_start3A_57 = tpu.memref_slice %arg5[%add3A_35] : memref<1310720xf32, #tpu.memory_space<hbm>> -> memref<256xf32, #tpu.memory_space<hbm>>
        tpu.enqueue_dma source(%dma_start3A_57 : memref<256xf32, #tpu.memory_space<hbm>>) target(%arg11 : memref<256xf32, #tpu.memory_space<vmem>>) target_semaphore(%run_scoped3A : memref<!tpu.dma_semaphore, #tpu.memory_space<semaphore_mem>>)
        %dma_wait3A_58 = tpu.memref_slice %arg5[%add3A_35] : memref<1310720xf32, #tpu.memory_space<hbm>> -> memref<256xf32, #tpu.memory_space<hbm>>
        %dma_wait3A_59 = tpu.memref_slice %arg5[%add3A_35] : memref<1310720xf32, #tpu.memory_space<hbm>> -> memref<256xf32, #tpu.memory_space<hbm>>
        tpu.wait_dma2 semaphore(%run_scoped3A : memref<!tpu.dma_semaphore, #tpu.memory_space<semaphore_mem>>) src(%dma_wait3A_59 : memref<256xf32, #tpu.memory_space<hbm>>) dst(%arg11 : memref<256xf32, #tpu.memory_space<vmem>>)
        tpu.yield
      }) : () -> ()
      %add3A_36 = arith.constant 327680 : i32
      %add3A_37 = arith.addi %mul3A_10, %add3A_36 : i32
      %add3A_38 = arith.addi %add3A_37, %mul3A_6 : i32
      %mul3A_39 = arith.constant 256 : i32
      %mul3A_40 = arith.muli %add3A_25, %mul3A_39 : i32
      %add3A_41 = arith.addi %add3A_38, %mul3A_40 : i32
      "tpu.region"() ({
        %run_scoped3A = tpu.sem_alloc : memref<!tpu.dma_semaphore, #tpu.memory_space<semaphore_mem>>
        %dma_start3A_56 = tpu.memref_slice %arg5[%add3A_41] : memref<1310720xf32, #tpu.memory_space<hbm>> -> memref<256xf32, #tpu.memory_space<hbm>>
        %dma_start3A_57 = tpu.memref_slice %arg5[%add3A_41] : memref<1310720xf32, #tpu.memory_space<hbm>> -> memref<256xf32, #tpu.memory_space<hbm>>
        tpu.enqueue_dma source(%dma_start3A_57 : memref<256xf32, #tpu.memory_space<hbm>>) target(%arg12 : memref<256xf32, #tpu.memory_space<vmem>>) target_semaphore(%run_scoped3A : memref<!tpu.dma_semaphore, #tpu.memory_space<semaphore_mem>>)
        %dma_wait3A_58 = tpu.memref_slice %arg5[%add3A_41] : memref<1310720xf32, #tpu.memory_space<hbm>> -> memref<256xf32, #tpu.memory_space<hbm>>
        %dma_wait3A_59 = tpu.memref_slice %arg5[%add3A_41] : memref<1310720xf32, #tpu.memory_space<hbm>> -> memref<256xf32, #tpu.memory_space<hbm>>
        tpu.wait_dma2 semaphore(%run_scoped3A : memref<!tpu.dma_semaphore, #tpu.memory_space<semaphore_mem>>) src(%dma_wait3A_59 : memref<256xf32, #tpu.memory_space<hbm>>) dst(%arg12 : memref<256xf32, #tpu.memory_space<vmem>>)
        tpu.yield
      }) : () -> ()
      %scan3A_42 = arith.constant 0 : i32
      %scan3A_43 = arith.constant 16 : i32
      %scan3A_44 = arith.addi %scan3A_42, %scan3A_43 : i32
      %scan3A_45 = arith.constant 1 : i32
      scf.for %scan3A_56 = %scan3A_42 to %scan3A_44 step %scan3A_45  : i32 {
        %mul3A_57 = arith.constant 1 : i32
        %mul3A_58 = arith.muli %scan3A_56, %mul3A_57 : i32
        %add3A_59 = arith.constant 0 : i32
        %add3A_60 = arith.addi %add3A_59, %mul3A_58 : i32
        %mul3A_61 = arith.constant 16 : i32
        %mul3A_62 = arith.muli %add3A_60, %mul3A_61 : i32
        %get3A = arith.index_cast %mul3A_62 : i32 to index
        %get3A_63 = tpu.vector_load %arg8[%get3A] {strides = array<i32>} : memref<256xi32, #tpu.memory_space<vmem>>, vector<16xi32>,
        %add3A_64 = vector.broadcast %mul3A_12 : i32 to vector<16xi32>
        %add3A_65 = arith.addi %get3A_63, %add3A_64 : vector<16xi32>
        %mul3A_66 = arith.constant 16 : i32
        %mul3A_67 = arith.muli %add3A_60, %mul3A_66 : i32
        %swap3A = arith.index_cast %mul3A_67 : i32 to index
        %swap3A_68 = tpu.vector_load %arg8[%swap3A] {strides = array<i32>} : memref<256xi32, #tpu.memory_space<vmem>>, vector<16xi32>,
        tpu.vector_store %arg8[%swap3A], %add3A_65 {strides = array<i32>} : memref<256xi32, #tpu.memory_space<vmem>>, vector<16xi32>,
      }
      %scan3A_46 = arith.constant 16 : i32
      %dma_start3A = arith.constant 0 : i32
      %dma_start3A_47 = arith.constant 0 : i32
      %dma_start3A_48 = tpu.memref_slice %arg2[%dma_start3A, %dma_start3A_47] : memref<20224x128xf32, #tpu.memory_space<hbm>> -> memref<20224x128xf32, #tpu.memory_space<hbm>>
      tpu.enqueue_indirect_dma source(%dma_start3A_48 : memref<20224x128xf32, #tpu.memory_space<hbm>>) target(%arg10 : memref<256x128xf32, #tpu.memory_space<vmem>>) offsets(%arg8 : memref<256xi32, #tpu.memory_space<vmem>>) semaphore(%arg14 : memref<!tpu.dma_semaphore, #tpu.memory_space<semaphore_mem>>)
      %dma_wait3A = arith.constant 0 : i32
      %dma_wait3A_49 = arith.constant 0 : i32
      %dma_wait3A_50 = tpu.memref_slice %arg2[%dma_wait3A, %dma_wait3A_49] : memref<20224x128xf32, #tpu.memory_space<hbm>> -> memref<20224x128xf32, #tpu.memory_space<hbm>>
      tpu.wait_indirect_dma semaphore(%arg14 : memref<!tpu.dma_semaphore, #tpu.memory_space<semaphore_mem>>) src(%dma_wait3A_50 : memref<20224x128xf32, #tpu.memory_space<hbm>>) dst(%arg10 : memref<256x128xf32, #tpu.memory_space<vmem>>)
      %scan3A_51 = arith.constant 0 : i32
      %scan3A_52 = arith.constant 256 : i32
      %scan3A_53 = arith.addi %scan3A_51, %scan3A_52 : i32
      %scan3A_54 = arith.constant 1 : i32
      scf.for %scan3A_56 = %scan3A_51 to %scan3A_53 step %scan3A_54  : i32 {
        %mul3A_57 = arith.constant 1 : i32
        %mul3A_58 = arith.muli %scan3A_56, %mul3A_57 : i32
        %add3A_59 = arith.constant 0 : i32
        %add3A_60 = arith.addi %add3A_59, %mul3A_58 : i32
        %broadcast_in_dim3A = vector.broadcast %add3A_60 : i32 to vector<16xi32>
        %gather3A = tpu.vector_load_idx %arg11[%broadcast_in_dim3A] : memref<256xf32, #tpu.memory_space<vmem>>[vector<16xi32>], vector<16xf32>,
        %gather3A_61 = tpu.vector_load_idx %arg12[%broadcast_in_dim3A] : memref<256xf32, #tpu.memory_space<vmem>>[vector<16xi32>], vector<16xf32>,
        %get3A = arith.index_cast %add3A_60 : i32 to index
        %get3A_62 = arith.constant 0 : index
        %get3A_63 = tpu.vector_load %arg10[%get3A, %get3A_62] {strides = array<i32>} : memref<256x128xf32, #tpu.memory_space<vmem>>, vector<16xf32>,
        %mul3A_64 = arith.mulf %get3A_63, %gather3A : vector<16xf32>
        %swap3A = arith.index_cast %add3A_60 : i32 to index
        %swap3A_65 = arith.constant 0 : index
        %swap3A_66 = tpu.vector_load %arg10[%swap3A, %swap3A_65] {strides = array<i32>} : memref<256x128xf32, #tpu.memory_space<vmem>>, vector<16xf32>,
        tpu.vector_store %arg10[%swap3A, %swap3A_65], %mul3A_64 {strides = array<i32>} : memref<256x128xf32, #tpu.memory_space<vmem>>, vector<16xf32>,
        %get3A_67 = arith.index_cast %add3A_60 : i32 to index
        %get3A_68 = arith.constant 16 : index
        %get3A_69 = tpu.vector_load %arg10[%get3A_67, %get3A_68] {strides = array<i32>} : memref<256x128xf32, #tpu.memory_space<vmem>>, vector<16xf32>,
        %mul3A_70 = arith.mulf %get3A_69, %gather3A : vector<16xf32>
        %swap3A_71 = arith.index_cast %add3A_60 : i32 to index
        %swap3A_72 = arith.constant 16 : index
        %swap3A_73 = tpu.vector_load %arg10[%swap3A_71, %swap3A_72] {strides = array<i32>} : memref<256x128xf32, #tpu.memory_space<vmem>>, vector<16xf32>,
        tpu.vector_store %arg10[%swap3A_71, %swap3A_72], %mul3A_70 {strides = array<i32>} : memref<256x128xf32, #tpu.memory_space<vmem>>, vector<16xf32>,
        %get3A_74 = arith.index_cast %add3A_60 : i32 to index
        %get3A_75 = arith.constant 32 : index
        %get3A_76 = tpu.vector_load %arg10[%get3A_74, %get3A_75] {strides = array<i32>} : memref<256x128xf32, #tpu.memory_space<vmem>>, vector<16xf32>,
        %mul3A_77 = arith.mulf %get3A_76, %gather3A : vector<16xf32>
        %swap3A_78 = arith.index_cast %add3A_60 : i32 to index
        %swap3A_79 = arith.constant 32 : index
        %swap3A_80 = tpu.vector_load %arg10[%swap3A_78, %swap3A_79] {strides = array<i32>} : memref<256x128xf32, #tpu.memory_space<vmem>>, vector<16xf32>,
        tpu.vector_store %arg10[%swap3A_78, %swap3A_79], %mul3A_77 {strides = array<i32>} : memref<256x128xf32, #tpu.memory_space<vmem>>, vector<16xf32>,
        %get3A_81 = arith.index_cast %add3A_60 : i32 to index
        %get3A_82 = arith.constant 48 : index
        %get3A_83 = tpu.vector_load %arg10[%get3A_81, %get3A_82] {strides = array<i32>} : memref<256x128xf32, #tpu.memory_space<vmem>>, vector<16xf32>,
        %mul3A_84 = arith.mulf %get3A_83, %gather3A : vector<16xf32>
        %swap3A_85 = arith.index_cast %add3A_60 : i32 to index
        %swap3A_86 = arith.constant 48 : index
        %swap3A_87 = tpu.vector_load %arg10[%swap3A_85, %swap3A_86] {strides = array<i32>} : memref<256x128xf32, #tpu.memory_space<vmem>>, vector<16xf32>,
        tpu.vector_store %arg10[%swap3A_85, %swap3A_86], %mul3A_84 {strides = array<i32>} : memref<256x128xf32, #tpu.memory_space<vmem>>, vector<16xf32>,
        %get3A_88 = arith.index_cast %add3A_60 : i32 to index
        %get3A_89 = arith.constant 64 : index
        %get3A_90 = tpu.vector_load %arg10[%get3A_88, %get3A_89] {strides = array<i32>} : memref<256x128xf32, #tpu.memory_space<vmem>>, vector<16xf32>,
        %mul3A_91 = arith.mulf %get3A_90, %gather3A_61 : vector<16xf32>
        %swap3A_92 = arith.index_cast %add3A_60 : i32 to index
        %swap3A_93 = arith.constant 64 : index
        %swap3A_94 = tpu.vector_load %arg10[%swap3A_92, %swap3A_93] {strides = array<i32>} : memref<256x128xf32, #tpu.memory_space<vmem>>, vector<16xf32>,
        tpu.vector_store %arg10[%swap3A_92, %swap3A_93], %mul3A_91 {strides = array<i32>} : memref<256x128xf32, #tpu.memory_space<vmem>>, vector<16xf32>,
        %get3A_95 = arith.index_cast %add3A_60 : i32 to index
        %get3A_96 = arith.constant 80 : index
        %get3A_97 = tpu.vector_load %arg10[%get3A_95, %get3A_96] {strides = array<i32>} : memref<256x128xf32, #tpu.memory_space<vmem>>, vector<16xf32>,
        %mul3A_98 = arith.mulf %get3A_97, %gather3A_61 : vector<16xf32>
        %swap3A_99 = arith.index_cast %add3A_60 : i32 to index
        %swap3A_100 = arith.constant 80 : index
        %swap3A_101 = tpu.vector_load %arg10[%swap3A_99, %swap3A_100] {strides = array<i32>} : memref<256x128xf32, #tpu.memory_space<vmem>>, vector<16xf32>,
        tpu.vector_store %arg10[%swap3A_99, %swap3A_100], %mul3A_98 {strides = array<i32>} : memref<256x128xf32, #tpu.memory_space<vmem>>, vector<16xf32>,
        %get3A_102 = arith.index_cast %add3A_60 : i32 to index
        %get3A_103 = arith.constant 96 : index
        %get3A_104 = tpu.vector_load %arg10[%get3A_102, %get3A_103] {strides = array<i32>} : memref<256x128xf32, #tpu.memory_space<vmem>>, vector<16xf32>,
        %mul3A_105 = arith.mulf %get3A_104, %gather3A_61 : vector<16xf32>
        %swap3A_106 = arith.index_cast %add3A_60 : i32 to index
        %swap3A_107 = arith.constant 96 : index
        %swap3A_108 = tpu.vector_load %arg10[%swap3A_106, %swap3A_107] {strides = array<i32>} : memref<256x128xf32, #tpu.memory_space<vmem>>, vector<16xf32>,
        tpu.vector_store %arg10[%swap3A_106, %swap3A_107], %mul3A_105 {strides = array<i32>} : memref<256x128xf32, #tpu.memory_space<vmem>>, vector<16xf32>,
        %get3A_109 = arith.index_cast %add3A_60 : i32 to index
        %get3A_110 = arith.constant 112 : index
        %get3A_111 = tpu.vector_load %arg10[%get3A_109, %get3A_110] {strides = array<i32>} : memref<256x128xf32, #tpu.memory_space<vmem>>, vector<16xf32>,
        %mul3A_112 = arith.mulf %get3A_111, %gather3A_61 : vector<16xf32>
        %swap3A_113 = arith.index_cast %add3A_60 : i32 to index
        %swap3A_114 = arith.constant 112 : index
        %swap3A_115 = tpu.vector_load %arg10[%swap3A_113, %swap3A_114] {strides = array<i32>} : memref<256x128xf32, #tpu.memory_space<vmem>>, vector<16xf32>,
        tpu.vector_store %arg10[%swap3A_113, %swap3A_114], %mul3A_112 {strides = array<i32>} : memref<256x128xf32, #tpu.memory_space<vmem>>, vector<16xf32>,
      }
      %scan3A_55 = arith.constant 256 : i32
      "tpu.region"() ({
        %run_scoped3A = tpu.sem_alloc : memref<!tpu.dma_semaphore, #tpu.memory_space<semaphore_mem>>
        %dma_start3A_56 = arith.constant 0 : i32
        %dma_start3A_57 = arith.constant 0 : i32
        %dma_start3A_58 = tpu.memref_slice %arg13[%dma_start3A_56, %dma_start3A_57] : memref<10112x128xf32, #tpu.memory_space<vmem_shared>> -> memref<10112x128xf32, #tpu.memory_space<vmem_shared>>
        tpu.enqueue_indirect_dma source(%arg10 : memref<256x128xf32, #tpu.memory_space<vmem>>) target(%dma_start3A_58 : memref<10112x128xf32, #tpu.memory_space<vmem_shared>>) offsets(%arg9 : memref<256xi32, #tpu.memory_space<vmem>>) semaphore(%run_scoped3A : memref<!tpu.dma_semaphore, #tpu.memory_space<semaphore_mem>>) {add = true}
        %dma_wait3A_59 = arith.constant 0 : i32
        %dma_wait3A_60 = arith.constant 0 : i32
        %dma_wait3A_61 = tpu.memref_slice %arg13[%dma_wait3A_59, %dma_wait3A_60] : memref<10112x128xf32, #tpu.memory_space<vmem_shared>> -> memref<10112x128xf32, #tpu.memory_space<vmem_shared>>
        tpu.wait_indirect_dma semaphore(%run_scoped3A : memref<!tpu.dma_semaphore, #tpu.memory_space<semaphore_mem>>) src(%arg10 : memref<256x128xf32, #tpu.memory_space<vmem>>) dst(%dma_wait3A_61 : memref<10112x128xf32, #tpu.memory_space<vmem_shared>>)
        tpu.yield
      }) : () -> ()
    }
    %scan3A_16 = arith.constant 80 : i32
    %barrier3A_17 = arith.constant 0 : index
    tpu.barrier barrier_id(%barrier3A_17)
    %mul3A_18 = arith.constant 10112 : i32
    %mul3A_19 = arith.muli %arg0, %mul3A_18 : i32
    %add3A_20 = arith.addi %mul3A_19, %mul3A_0 : i32
    "tpu.region"() ({
      %run_scoped3A = tpu.sem_alloc : memref<!tpu.dma_semaphore, #tpu.memory_space<semaphore_mem>>
      %dma_start3A = arith.constant 0 : i32
      %dma_start3A_21 = tpu.memref_slice %arg7[%add3A_20, %dma_start3A] : memref<20224x128xf32, #tpu.memory_space<hbm>> -> memref<632x128xf32, #tpu.memory_space<hbm>>
      %dma_start3A_22 = arith.constant 0 : i32
      %dma_start3A_23 = tpu.memref_slice %arg13[%mul3A_0, %dma_start3A_22] : memref<10112x128xf32, #tpu.memory_space<vmem_shared>> -> memref<632x128xf32, #tpu.memory_space<vmem_shared>>
      tpu.enqueue_dma source(%dma_start3A_23 : memref<632x128xf32, #tpu.memory_space<vmem_shared>>) target(%dma_start3A_21 : memref<632x128xf32, #tpu.memory_space<hbm>>) target_semaphore(%run_scoped3A : memref<!tpu.dma_semaphore, #tpu.memory_space<semaphore_mem>>)
      %dma_wait3A = arith.constant 0 : i32
      %dma_wait3A_24 = tpu.memref_slice %arg7[%add3A_20, %dma_wait3A] : memref<20224x128xf32, #tpu.memory_space<hbm>> -> memref<632x128xf32, #tpu.memory_space<hbm>>
      %dma_wait3A_25 = arith.constant 0 : i32
      %dma_wait3A_26 = tpu.memref_slice %arg13[%mul3A_0, %dma_wait3A_25] : memref<10112x128xf32, #tpu.memory_space<vmem_shared>> -> memref<632x128xf32, #tpu.memory_space<vmem_shared>>
      tpu.wait_dma2 semaphore(%run_scoped3A : memref<!tpu.dma_semaphore, #tpu.memory_space<semaphore_mem>>) src(%dma_wait3A_26 : memref<632x128xf32, #tpu.memory_space<vmem_shared>>) dst(%dma_wait3A_24 : memref<632x128xf32, #tpu.memory_space<hbm>>)
      tpu.yield
    }) : () -> ()
    return
  }
}

#map = affine_map<(d0, d1) -> (0)>
module attributes {stable_mosaic.version = 14 : i64} {
  func.func @k(%arg0: i32, %arg1: i32, %arg2: memref<80896xf32, #tpu.memory_space<hbm>>, %arg3: memref<327680xi32, #tpu.memory_space<hbm>>, %arg4: memref<327680xi32, #tpu.memory_space<hbm>>, %arg5: memref<1310720xf32, #tpu.memory_space<hbm>>, %arg6: memref<647168xf32, #tpu.memory_space<hbm>>, %arg7: memref<10112xf32, #tpu.memory_space<vmem>>, %arg8: memref<10112xf32, #tpu.memory_space<vmem>>, %arg9: memref<10112xf32, #tpu.memory_space<vmem>>, %arg10: memref<10112xf32, #tpu.memory_space<vmem>>, %arg11: memref<10112xf32, #tpu.memory_space<vmem>>, %arg12: memref<10112xf32, #tpu.memory_space<vmem>>, %arg13: memref<256xi32, #tpu.memory_space<vmem>>, %arg14: memref<256xi32, #tpu.memory_space<vmem>>, %arg15: memref<256xf32, #tpu.memory_space<vmem>>, %arg16: memref<256xf32, #tpu.memory_space<vmem>>, %arg17: memref<16xi32, #tpu.memory_space<vmem>>, %arg18: memref<16xf32, #tpu.memory_space<vmem>>) attributes {dimension_semantics = [#tpu.dimension_semantics<core_parallel>, #tpu.dimension_semantics<subcore_parallel>], iteration_bounds = array<i64: 2, 16>, scalar_prefetch = 0 : i64, scratch_operands = 12 : i64, tpu.core_type = #tpu.core_type<sc_vector_subcore>, window_params = [{transform_indices = #map}, {transform_indices = #map}, {transform_indices = #map}, {transform_indices = #map}, {transform_indices = #map}]} {
    %mul3A = arith.constant 4 : i32
    %mul3A_0 = arith.muli %mul3A, %arg0 : i32
    %mul3A_1 = arith.constant 10112 : i32
    %mul3A_2 = arith.muli %mul3A_0, %mul3A_1 : i32
    "tpu.region"() ({
      %run_scoped3A = tpu.sem_alloc : memref<!tpu.dma_semaphore, #tpu.memory_space<semaphore_mem>>
      %dma_start3A = tpu.memref_slice %arg2[%mul3A_2] : memref<80896xf32, #tpu.memory_space<hbm>> -> memref<10112xf32, #tpu.memory_space<hbm>>
      %dma_start3A_39 = tpu.memref_slice %arg2[%mul3A_2] : memref<80896xf32, #tpu.memory_space<hbm>> -> memref<10112xf32, #tpu.memory_space<hbm>>
      tpu.enqueue_dma source(%dma_start3A_39 : memref<10112xf32, #tpu.memory_space<hbm>>) target(%arg7 : memref<10112xf32, #tpu.memory_space<vmem>>) target_semaphore(%run_scoped3A : memref<!tpu.dma_semaphore, #tpu.memory_space<semaphore_mem>>)
      %dma_wait3A = tpu.memref_slice %arg2[%mul3A_2] : memref<80896xf32, #tpu.memory_space<hbm>> -> memref<10112xf32, #tpu.memory_space<hbm>>
      %dma_wait3A_40 = tpu.memref_slice %arg2[%mul3A_2] : memref<80896xf32, #tpu.memory_space<hbm>> -> memref<10112xf32, #tpu.memory_space<hbm>>
      tpu.wait_dma2 semaphore(%run_scoped3A : memref<!tpu.dma_semaphore, #tpu.memory_space<semaphore_mem>>) src(%dma_wait3A_40 : memref<10112xf32, #tpu.memory_space<hbm>>) dst(%arg7 : memref<10112xf32, #tpu.memory_space<vmem>>)
      tpu.yield
    }) : () -> ()
    %add3A = arith.constant 10112 : i32
    %add3A_3 = arith.addi %mul3A_2, %add3A : i32
    "tpu.region"() ({
      %run_scoped3A = tpu.sem_alloc : memref<!tpu.dma_semaphore, #tpu.memory_space<semaphore_mem>>
      %dma_start3A = tpu.memref_slice %arg2[%add3A_3] : memref<80896xf32, #tpu.memory_space<hbm>> -> memref<10112xf32, #tpu.memory_space<hbm>>
      %dma_start3A_39 = tpu.memref_slice %arg2[%add3A_3] : memref<80896xf32, #tpu.memory_space<hbm>> -> memref<10112xf32, #tpu.memory_space<hbm>>
      tpu.enqueue_dma source(%dma_start3A_39 : memref<10112xf32, #tpu.memory_space<hbm>>) target(%arg8 : memref<10112xf32, #tpu.memory_space<vmem>>) target_semaphore(%run_scoped3A : memref<!tpu.dma_semaphore, #tpu.memory_space<semaphore_mem>>)
      %dma_wait3A = tpu.memref_slice %arg2[%add3A_3] : memref<80896xf32, #tpu.memory_space<hbm>> -> memref<10112xf32, #tpu.memory_space<hbm>>
      %dma_wait3A_40 = tpu.memref_slice %arg2[%add3A_3] : memref<80896xf32, #tpu.memory_space<hbm>> -> memref<10112xf32, #tpu.memory_space<hbm>>
      tpu.wait_dma2 semaphore(%run_scoped3A : memref<!tpu.dma_semaphore, #tpu.memory_space<semaphore_mem>>) src(%dma_wait3A_40 : memref<10112xf32, #tpu.memory_space<hbm>>) dst(%arg8 : memref<10112xf32, #tpu.memory_space<vmem>>)
      tpu.yield
    }) : () -> ()
    %add3A_4 = arith.constant 20224 : i32
    %add3A_5 = arith.addi %mul3A_2, %add3A_4 : i32
    "tpu.region"() ({
      %run_scoped3A = tpu.sem_alloc : memref<!tpu.dma_semaphore, #tpu.memory_space<semaphore_mem>>
      %dma_start3A = tpu.memref_slice %arg2[%add3A_5] : memref<80896xf32, #tpu.memory_space<hbm>> -> memref<10112xf32, #tpu.memory_space<hbm>>
      %dma_start3A_39 = tpu.memref_slice %arg2[%add3A_5] : memref<80896xf32, #tpu.memory_space<hbm>> -> memref<10112xf32, #tpu.memory_space<hbm>>
      tpu.enqueue_dma source(%dma_start3A_39 : memref<10112xf32, #tpu.memory_space<hbm>>) target(%arg9 : memref<10112xf32, #tpu.memory_space<vmem>>) target_semaphore(%run_scoped3A : memref<!tpu.dma_semaphore, #tpu.memory_space<semaphore_mem>>)
      %dma_wait3A = tpu.memref_slice %arg2[%add3A_5] : memref<80896xf32, #tpu.memory_space<hbm>> -> memref<10112xf32, #tpu.memory_space<hbm>>
      %dma_wait3A_40 = tpu.memref_slice %arg2[%add3A_5] : memref<80896xf32, #tpu.memory_space<hbm>> -> memref<10112xf32, #tpu.memory_space<hbm>>
      tpu.wait_dma2 semaphore(%run_scoped3A : memref<!tpu.dma_semaphore, #tpu.memory_space<semaphore_mem>>) src(%dma_wait3A_40 : memref<10112xf32, #tpu.memory_space<hbm>>) dst(%arg9 : memref<10112xf32, #tpu.memory_space<vmem>>)
      tpu.yield
    }) : () -> ()
    %add3A_6 = arith.constant 30336 : i32
    %add3A_7 = arith.addi %mul3A_2, %add3A_6 : i32
    "tpu.region"() ({
      %run_scoped3A = tpu.sem_alloc : memref<!tpu.dma_semaphore, #tpu.memory_space<semaphore_mem>>
      %dma_start3A = tpu.memref_slice %arg2[%add3A_7] : memref<80896xf32, #tpu.memory_space<hbm>> -> memref<10112xf32, #tpu.memory_space<hbm>>
      %dma_start3A_39 = tpu.memref_slice %arg2[%add3A_7] : memref<80896xf32, #tpu.memory_space<hbm>> -> memref<10112xf32, #tpu.memory_space<hbm>>
      tpu.enqueue_dma source(%dma_start3A_39 : memref<10112xf32, #tpu.memory_space<hbm>>) target(%arg10 : memref<10112xf32, #tpu.memory_space<vmem>>) target_semaphore(%run_scoped3A : memref<!tpu.dma_semaphore, #tpu.memory_space<semaphore_mem>>)
      %dma_wait3A = tpu.memref_slice %arg2[%add3A_7] : memref<80896xf32, #tpu.memory_space<hbm>> -> memref<10112xf32, #tpu.memory_space<hbm>>
      %dma_wait3A_40 = tpu.memref_slice %arg2[%add3A_7] : memref<80896xf32, #tpu.memory_space<hbm>> -> memref<10112xf32, #tpu.memory_space<hbm>>
      tpu.wait_dma2 semaphore(%run_scoped3A : memref<!tpu.dma_semaphore, #tpu.memory_space<semaphore_mem>>) src(%dma_wait3A_40 : memref<10112xf32, #tpu.memory_space<hbm>>) dst(%arg10 : memref<10112xf32, #tpu.memory_space<vmem>>)
      tpu.yield
    }) : () -> ()
    %broadcast_in_dim3A = arith.constant 0.000000e+00 : f32
    %broadcast_in_dim3A_8 = vector.broadcast %broadcast_in_dim3A : f32 to vector<16xf32>
    %scan3A = arith.constant 0 : i32
    %scan3A_9 = arith.constant 632 : i32
    %scan3A_10 = arith.addi %scan3A, %scan3A_9 : i32
    %scan3A_11 = arith.constant 1 : i32
    scf.for %scan3A_39 = %scan3A to %scan3A_10 step %scan3A_11  : i32 {
      %mul3A_40 = arith.constant 1 : i32
      %mul3A_41 = arith.muli %scan3A_39, %mul3A_40 : i32
      %add3A_42 = arith.constant 0 : i32
      %add3A_43 = arith.addi %add3A_42, %mul3A_41 : i32
      %mul3A_44 = arith.constant 16 : i32
      %mul3A_45 = arith.muli %add3A_43, %mul3A_44 : i32
      %swap3A = arith.index_cast %mul3A_45 : i32 to index
      %swap3A_46 = tpu.vector_load %arg11[%swap3A] {strides = array<i32>} : memref<10112xf32, #tpu.memory_space<vmem>>, vector<16xf32>,
      tpu.vector_store %arg11[%swap3A], %broadcast_in_dim3A_8 {strides = array<i32>} : memref<10112xf32, #tpu.memory_space<vmem>>, vector<16xf32>,
      %mul3A_47 = arith.constant 16 : i32
      %mul3A_48 = arith.muli %add3A_43, %mul3A_47 : i32
      %swap3A_49 = arith.index_cast %mul3A_48 : i32 to index
      %swap3A_50 = tpu.vector_load %arg12[%swap3A_49] {strides = array<i32>} : memref<10112xf32, #tpu.memory_space<vmem>>, vector<16xf32>,
      tpu.vector_store %arg12[%swap3A_49], %broadcast_in_dim3A_8 {strides = array<i32>} : memref<10112xf32, #tpu.memory_space<vmem>>, vector<16xf32>,
    }
    %scan3A_12 = arith.constant 632 : i32
    %mul3A_13 = arith.constant 80 : i32
    %mul3A_14 = arith.muli %arg1, %mul3A_13 : i32
    %mul3A_15 = arith.constant 256 : i32
    %mul3A_16 = arith.muli %mul3A_14, %mul3A_15 : i32
    %mul3A_17 = arith.constant 2 : i32
    %mul3A_18 = arith.muli %mul3A_17, %arg0 : i32
    %mul3A_19 = arith.constant 327680 : i32
    %mul3A_20 = arith.muli %mul3A_18, %mul3A_19 : i32
    %iota3A = tpu.iota {dimensions = array<i32: 0>} : vector<16xi32>
    %scan3A_21 = arith.constant 0 : i32
    %scan3A_22 = arith.constant 80 : i32
    %scan3A_23 = arith.addi %scan3A_21, %scan3A_22 : i32
    %scan3A_24 = arith.constant 1 : i32
    scf.for %scan3A_39 = %scan3A_21 to %scan3A_23 step %scan3A_24  : i32 {
      %mul3A_40 = arith.constant 1 : i32
      %mul3A_41 = arith.muli %scan3A_39, %mul3A_40 : i32
      %add3A_42 = arith.constant 0 : i32
      %add3A_43 = arith.addi %add3A_42, %mul3A_41 : i32
      %mul3A_44 = arith.constant 256 : i32
      %mul3A_45 = arith.muli %add3A_43, %mul3A_44 : i32
      %add3A_46 = arith.addi %mul3A_16, %mul3A_45 : i32
      "tpu.region"() ({
        %run_scoped3A = tpu.sem_alloc : memref<!tpu.dma_semaphore, #tpu.memory_space<semaphore_mem>>
        %dma_start3A = tpu.memref_slice %arg3[%add3A_46] : memref<327680xi32, #tpu.memory_space<hbm>> -> memref<256xi32, #tpu.memory_space<hbm>>
        %dma_start3A_65 = tpu.memref_slice %arg3[%add3A_46] : memref<327680xi32, #tpu.memory_space<hbm>> -> memref<256xi32, #tpu.memory_space<hbm>>
        tpu.enqueue_dma source(%dma_start3A_65 : memref<256xi32, #tpu.memory_space<hbm>>) target(%arg13 : memref<256xi32, #tpu.memory_space<vmem>>) target_semaphore(%run_scoped3A : memref<!tpu.dma_semaphore, #tpu.memory_space<semaphore_mem>>)
        %dma_wait3A = tpu.memref_slice %arg3[%add3A_46] : memref<327680xi32, #tpu.memory_space<hbm>> -> memref<256xi32, #tpu.memory_space<hbm>>
        %dma_wait3A_66 = tpu.memref_slice %arg3[%add3A_46] : memref<327680xi32, #tpu.memory_space<hbm>> -> memref<256xi32, #tpu.memory_space<hbm>>
        tpu.wait_dma2 semaphore(%run_scoped3A : memref<!tpu.dma_semaphore, #tpu.memory_space<semaphore_mem>>) src(%dma_wait3A_66 : memref<256xi32, #tpu.memory_space<hbm>>) dst(%arg13 : memref<256xi32, #tpu.memory_space<vmem>>)
        tpu.yield
      }) : () -> ()
      %mul3A_47 = arith.constant 256 : i32
      %mul3A_48 = arith.muli %add3A_43, %mul3A_47 : i32
      %add3A_49 = arith.addi %mul3A_16, %mul3A_48 : i32
      "tpu.region"() ({
        %run_scoped3A = tpu.sem_alloc : memref<!tpu.dma_semaphore, #tpu.memory_space<semaphore_mem>>
        %dma_start3A = tpu.memref_slice %arg4[%add3A_49] : memref<327680xi32, #tpu.memory_space<hbm>> -> memref<256xi32, #tpu.memory_space<hbm>>
        %dma_start3A_65 = tpu.memref_slice %arg4[%add3A_49] : memref<327680xi32, #tpu.memory_space<hbm>> -> memref<256xi32, #tpu.memory_space<hbm>>
        tpu.enqueue_dma source(%dma_start3A_65 : memref<256xi32, #tpu.memory_space<hbm>>) target(%arg14 : memref<256xi32, #tpu.memory_space<vmem>>) target_semaphore(%run_scoped3A : memref<!tpu.dma_semaphore, #tpu.memory_space<semaphore_mem>>)
        %dma_wait3A = tpu.memref_slice %arg4[%add3A_49] : memref<327680xi32, #tpu.memory_space<hbm>> -> memref<256xi32, #tpu.memory_space<hbm>>
        %dma_wait3A_66 = tpu.memref_slice %arg4[%add3A_49] : memref<327680xi32, #tpu.memory_space<hbm>> -> memref<256xi32, #tpu.memory_space<hbm>>
        tpu.wait_dma2 semaphore(%run_scoped3A : memref<!tpu.dma_semaphore, #tpu.memory_space<semaphore_mem>>) src(%dma_wait3A_66 : memref<256xi32, #tpu.memory_space<hbm>>) dst(%arg14 : memref<256xi32, #tpu.memory_space<vmem>>)
        tpu.yield
      }) : () -> ()
      %scan3A_50 = arith.constant 0 : i32
      %scan3A_51 = arith.constant 16 : i32
      %scan3A_52 = arith.addi %scan3A_50, %scan3A_51 : i32
      %scan3A_53 = arith.constant 1 : i32
      scf.for %scan3A_65 = %scan3A_50 to %scan3A_52 step %scan3A_53  : i32 {
        %mul3A_66 = arith.constant 1 : i32
        %mul3A_67 = arith.muli %scan3A_65, %mul3A_66 : i32
        %add3A_68 = arith.constant 0 : i32
        %add3A_69 = arith.addi %add3A_68, %mul3A_67 : i32
        %mul3A_70 = arith.constant 16 : i32
        %mul3A_71 = arith.muli %add3A_69, %mul3A_70 : i32
        %get3A = arith.index_cast %mul3A_71 : i32 to index
        %get3A_72 = tpu.vector_load %arg13[%get3A] {strides = array<i32>} : memref<256xi32, #tpu.memory_space<vmem>>, vector<16xi32>,
        %mul3A_73 = arith.constant 16 : i32
        %mul3A_74 = arith.muli %add3A_69, %mul3A_73 : i32
        %get3A_75 = arith.index_cast %mul3A_74 : i32 to index
        %get3A_76 = tpu.vector_load %arg14[%get3A_75] {strides = array<i32>} : memref<256xi32, #tpu.memory_space<vmem>>, vector<16xi32>,
        %gather3A = tpu.vector_load_idx %arg7[%get3A_72] : memref<10112xf32, #tpu.memory_space<vmem>>[vector<16xi32>], vector<16xf32>,
        %gather3A_77 = tpu.vector_load_idx %arg9[%get3A_76] : memref<10112xf32, #tpu.memory_space<vmem>>[vector<16xi32>], vector<16xf32>,
        %add3A_78 = arith.addf %gather3A, %gather3A_77 : vector<16xf32>
        %gather3A_79 = tpu.vector_load_idx %arg8[%get3A_72] : memref<10112xf32, #tpu.memory_space<vmem>>[vector<16xi32>], vector<16xf32>,
        %gather3A_80 = tpu.vector_load_idx %arg10[%get3A_76] : memref<10112xf32, #tpu.memory_space<vmem>>[vector<16xi32>], vector<16xf32>,
        %add3A_81 = arith.addf %gather3A_79, %gather3A_80 : vector<16xf32>
        %gt3A = arith.constant 0.000000e+00 : f32
        %gt3A_82 = vector.broadcast %gt3A : f32 to vector<16xf32>
        %gt3A_83 = arith.cmpf ogt, %add3A_78, %gt3A_82 : vector<16xf32>
        %mul3A_84 = arith.constant 2.000000e-01 : f32
        %mul3A_85 = vector.broadcast %mul3A_84 : f32 to vector<16xf32>
        %mul3A_86 = arith.mulf %mul3A_85, %add3A_78 : vector<16xf32>
        %select_n3A = arith.select %gt3A_83, %add3A_78, %mul3A_86 : vector<16xi1>, vector<16xf32>
        %gt3A_87 = arith.constant 0.000000e+00 : f32
        %gt3A_88 = vector.broadcast %gt3A_87 : f32 to vector<16xf32>
        %gt3A_89 = arith.cmpf ogt, %add3A_81, %gt3A_88 : vector<16xf32>
        %mul3A_90 = arith.constant 2.000000e-01 : f32
        %mul3A_91 = vector.broadcast %mul3A_90 : f32 to vector<16xf32>
        %mul3A_92 = arith.mulf %mul3A_91, %add3A_81 : vector<16xf32>
        %select_n3A_93 = arith.select %gt3A_89, %add3A_81, %mul3A_92 : vector<16xi1>, vector<16xf32>
        %exp3A = math.exp %select_n3A : vector<16xf32>
        %exp3A_94 = math.exp %select_n3A_93 : vector<16xf32>
        %mul3A_95 = arith.constant 16 : i32
        %mul3A_96 = arith.muli %add3A_69, %mul3A_95 : i32
        %swap3A = arith.index_cast %mul3A_96 : i32 to index
        %swap3A_97 = tpu.vector_load %arg15[%swap3A] {strides = array<i32>} : memref<256xf32, #tpu.memory_space<vmem>>, vector<16xf32>,
        tpu.vector_store %arg15[%swap3A], %exp3A {strides = array<i32>} : memref<256xf32, #tpu.memory_space<vmem>>, vector<16xf32>,
        %mul3A_98 = arith.constant 16 : i32
        %mul3A_99 = arith.muli %add3A_69, %mul3A_98 : i32
        %swap3A_100 = arith.index_cast %mul3A_99 : i32 to index
        %swap3A_101 = tpu.vector_load %arg16[%swap3A_100] {strides = array<i32>} : memref<256xf32, #tpu.memory_space<vmem>>, vector<16xf32>,
        tpu.vector_store %arg16[%swap3A_100], %exp3A_94 {strides = array<i32>} : memref<256xf32, #tpu.memory_space<vmem>>, vector<16xf32>,
        %masked_sort3A = arith.constant dense<true> : vector<16xi1>
        %masked_sort3A_102 = arith.constant -2147483648 : i32
        %masked_sort3A_103 = vector.broadcast %masked_sort3A_102 : i32 to vector<16xi32>
        %masked_sort3A_104 = arith.xori %get3A_76, %masked_sort3A_103 : vector<16xi32>
        %masked_sort3A_105, %masked_sort3A_106, %masked_sort3A_107 = tpu.sort %masked_sort3A_104, %exp3A masked %masked_sort3A : (vector<16xi32>, vector<16xf32>, vector<16xi1>) -> (vector<16xi1>, vector<16xi32>, vector<16xf32>)
        %masked_sort3A_108 = arith.xori %masked_sort3A_106, %masked_sort3A_103 : vector<16xi32>
        %swap3A_109 = arith.constant 0 : index
        %swap3A_110 = tpu.vector_load %arg17[%swap3A_109] {strides = array<i32>} : memref<16xi32, #tpu.memory_space<vmem>>, vector<16xi32>,
        tpu.vector_store %arg17[%swap3A_109], %masked_sort3A_108 {strides = array<i32>} : memref<16xi32, #tpu.memory_space<vmem>>, vector<16xi32>,
        %swap3A_111 = arith.constant 0 : index
        %swap3A_112 = tpu.vector_load %arg18[%swap3A_111] {strides = array<i32>} : memref<16xf32, #tpu.memory_space<vmem>>, vector<16xf32>,
        tpu.vector_store %arg18[%swap3A_111], %masked_sort3A_107 {strides = array<i32>} : memref<16xf32, #tpu.memory_space<vmem>>, vector<16xf32>,
        %sub3A = arith.constant 1 : i32
        %sub3A_113 = vector.broadcast %sub3A : i32 to vector<16xi32>
        %sub3A_114 = arith.subi %iota3A, %sub3A_113 : vector<16xi32>
        %max3A = arith.constant 0 : i32
        %max3A_115 = vector.broadcast %max3A : i32 to vector<16xi32>
        %max3A_116 = arith.maxsi %sub3A_114, %max3A_115 : vector<16xi32>
        %ge3A = arith.constant 1 : i32
        %ge3A_117 = vector.broadcast %ge3A : i32 to vector<16xi32>
        %ge3A_118 = arith.cmpi sge, %iota3A, %ge3A_117 : vector<16xi32>
        %gather3A_119 = tpu.vector_load_idx %arg17[%max3A_116] : memref<16xi32, #tpu.memory_space<vmem>>[vector<16xi32>], vector<16xi32>,
        %broadcast_in_dim3A_120 = arith.constant -1 : i32
        %broadcast_in_dim3A_121 = vector.broadcast %broadcast_in_dim3A_120 : i32 to vector<16xi32>
        %select_n3A_122 = arith.select %ge3A_118, %gather3A_119, %broadcast_in_dim3A_121 : vector<16xi1>, vector<16xi32>
        %ge3A_123 = arith.constant 1 : i32
        %ge3A_124 = vector.broadcast %ge3A_123 : i32 to vector<16xi32>
        %ge3A_125 = arith.cmpi sge, %iota3A, %ge3A_124 : vector<16xi32>
        %gather3A_126 = tpu.vector_load_idx %arg18[%max3A_116] : memref<16xf32, #tpu.memory_space<vmem>>[vector<16xi32>], vector<16xf32>,
        %select_n3A_127 = arith.select %ge3A_125, %gather3A_126, %broadcast_in_dim3A_8 : vector<16xi1>, vector<16xf32>
        %eq3A = arith.cmpi eq, %masked_sort3A_108, %select_n3A_122 : vector<16xi32>
        %select_n3A_128 = arith.select %eq3A, %select_n3A_127, %broadcast_in_dim3A_8 : vector<16xi1>, vector<16xf32>
        %add3A_129 = arith.addf %masked_sort3A_107, %select_n3A_128 : vector<16xf32>
        %swap3A_130 = arith.constant 0 : index
        %swap3A_131 = tpu.vector_load %arg18[%swap3A_130] {strides = array<i32>} : memref<16xf32, #tpu.memory_space<vmem>>, vector<16xf32>,
        tpu.vector_store %arg18[%swap3A_130], %add3A_129 {strides = array<i32>} : memref<16xf32, #tpu.memory_space<vmem>>, vector<16xf32>,
        %sub3A_132 = arith.constant 2 : i32
        %sub3A_133 = vector.broadcast %sub3A_132 : i32 to vector<16xi32>
        %sub3A_134 = arith.subi %iota3A, %sub3A_133 : vector<16xi32>
        %max3A_135 = arith.constant 0 : i32
        %max3A_136 = vector.broadcast %max3A_135 : i32 to vector<16xi32>
        %max3A_137 = arith.maxsi %sub3A_134, %max3A_136 : vector<16xi32>
        %ge3A_138 = arith.constant 2 : i32
        %ge3A_139 = vector.broadcast %ge3A_138 : i32 to vector<16xi32>
        %ge3A_140 = arith.cmpi sge, %iota3A, %ge3A_139 : vector<16xi32>
        %gather3A_141 = tpu.vector_load_idx %arg17[%max3A_137] : memref<16xi32, #tpu.memory_space<vmem>>[vector<16xi32>], vector<16xi32>,
        %broadcast_in_dim3A_142 = arith.constant -1 : i32
        %broadcast_in_dim3A_143 = vector.broadcast %broadcast_in_dim3A_142 : i32 to vector<16xi32>
        %select_n3A_144 = arith.select %ge3A_140, %gather3A_141, %broadcast_in_dim3A_143 : vector<16xi1>, vector<16xi32>
        %ge3A_145 = arith.constant 2 : i32
        %ge3A_146 = vector.broadcast %ge3A_145 : i32 to vector<16xi32>
        %ge3A_147 = arith.cmpi sge, %iota3A, %ge3A_146 : vector<16xi32>
        %gather3A_148 = tpu.vector_load_idx %arg18[%max3A_137] : memref<16xf32, #tpu.memory_space<vmem>>[vector<16xi32>], vector<16xf32>,
        %select_n3A_149 = arith.select %ge3A_147, %gather3A_148, %broadcast_in_dim3A_8 : vector<16xi1>, vector<16xf32>
        %eq3A_150 = arith.cmpi eq, %masked_sort3A_108, %select_n3A_144 : vector<16xi32>
        %select_n3A_151 = arith.select %eq3A_150, %select_n3A_149, %broadcast_in_dim3A_8 : vector<16xi1>, vector<16xf32>
        %add3A_152 = arith.addf %add3A_129, %select_n3A_151 : vector<16xf32>
        %swap3A_153 = arith.constant 0 : index
        %swap3A_154 = tpu.vector_load %arg18[%swap3A_153] {strides = array<i32>} : memref<16xf32, #tpu.memory_space<vmem>>, vector<16xf32>,
        tpu.vector_store %arg18[%swap3A_153], %add3A_152 {strides = array<i32>} : memref<16xf32, #tpu.memory_space<vmem>>, vector<16xf32>,
        %sub3A_155 = arith.constant 4 : i32
        %sub3A_156 = vector.broadcast %sub3A_155 : i32 to vector<16xi32>
        %sub3A_157 = arith.subi %iota3A, %sub3A_156 : vector<16xi32>
        %max3A_158 = arith.constant 0 : i32
        %max3A_159 = vector.broadcast %max3A_158 : i32 to vector<16xi32>
        %max3A_160 = arith.maxsi %sub3A_157, %max3A_159 : vector<16xi32>
        %ge3A_161 = arith.constant 4 : i32
        %ge3A_162 = vector.broadcast %ge3A_161 : i32 to vector<16xi32>
        %ge3A_163 = arith.cmpi sge, %iota3A, %ge3A_162 : vector<16xi32>
        %gather3A_164 = tpu.vector_load_idx %arg17[%max3A_160] : memref<16xi32, #tpu.memory_space<vmem>>[vector<16xi32>], vector<16xi32>,
        %broadcast_in_dim3A_165 = arith.constant -1 : i32
        %broadcast_in_dim3A_166 = vector.broadcast %broadcast_in_dim3A_165 : i32 to vector<16xi32>
        %select_n3A_167 = arith.select %ge3A_163, %gather3A_164, %broadcast_in_dim3A_166 : vector<16xi1>, vector<16xi32>
        %ge3A_168 = arith.constant 4 : i32
        %ge3A_169 = vector.broadcast %ge3A_168 : i32 to vector<16xi32>
        %ge3A_170 = arith.cmpi sge, %iota3A, %ge3A_169 : vector<16xi32>
        %gather3A_171 = tpu.vector_load_idx %arg18[%max3A_160] : memref<16xf32, #tpu.memory_space<vmem>>[vector<16xi32>], vector<16xf32>,
        %select_n3A_172 = arith.select %ge3A_170, %gather3A_171, %broadcast_in_dim3A_8 : vector<16xi1>, vector<16xf32>
        %eq3A_173 = arith.cmpi eq, %masked_sort3A_108, %select_n3A_167 : vector<16xi32>
        %select_n3A_174 = arith.select %eq3A_173, %select_n3A_172, %broadcast_in_dim3A_8 : vector<16xi1>, vector<16xf32>
        %add3A_175 = arith.addf %add3A_152, %select_n3A_174 : vector<16xf32>
        %swap3A_176 = arith.constant 0 : index
        %swap3A_177 = tpu.vector_load %arg18[%swap3A_176] {strides = array<i32>} : memref<16xf32, #tpu.memory_space<vmem>>, vector<16xf32>,
        tpu.vector_store %arg18[%swap3A_176], %add3A_175 {strides = array<i32>} : memref<16xf32, #tpu.memory_space<vmem>>, vector<16xf32>,
        %sub3A_178 = arith.constant 8 : i32
        %sub3A_179 = vector.broadcast %sub3A_178 : i32 to vector<16xi32>
        %sub3A_180 = arith.subi %iota3A, %sub3A_179 : vector<16xi32>
        %max3A_181 = arith.constant 0 : i32
        %max3A_182 = vector.broadcast %max3A_181 : i32 to vector<16xi32>
        %max3A_183 = arith.maxsi %sub3A_180, %max3A_182 : vector<16xi32>
        %ge3A_184 = arith.constant 8 : i32
        %ge3A_185 = vector.broadcast %ge3A_184 : i32 to vector<16xi32>
        %ge3A_186 = arith.cmpi sge, %iota3A, %ge3A_185 : vector<16xi32>
        %gather3A_187 = tpu.vector_load_idx %arg17[%max3A_183] : memref<16xi32, #tpu.memory_space<vmem>>[vector<16xi32>], vector<16xi32>,
        %broadcast_in_dim3A_188 = arith.constant -1 : i32
        %broadcast_in_dim3A_189 = vector.broadcast %broadcast_in_dim3A_188 : i32 to vector<16xi32>
        %select_n3A_190 = arith.select %ge3A_186, %gather3A_187, %broadcast_in_dim3A_189 : vector<16xi1>, vector<16xi32>
        %ge3A_191 = arith.constant 8 : i32
        %ge3A_192 = vector.broadcast %ge3A_191 : i32 to vector<16xi32>
        %ge3A_193 = arith.cmpi sge, %iota3A, %ge3A_192 : vector<16xi32>
        %gather3A_194 = tpu.vector_load_idx %arg18[%max3A_183] : memref<16xf32, #tpu.memory_space<vmem>>[vector<16xi32>], vector<16xf32>,
        %select_n3A_195 = arith.select %ge3A_193, %gather3A_194, %broadcast_in_dim3A_8 : vector<16xi1>, vector<16xf32>
        %eq3A_196 = arith.cmpi eq, %masked_sort3A_108, %select_n3A_190 : vector<16xi32>
        %select_n3A_197 = arith.select %eq3A_196, %select_n3A_195, %broadcast_in_dim3A_8 : vector<16xi1>, vector<16xf32>
        %add3A_198 = arith.addf %add3A_175, %select_n3A_197 : vector<16xf32>
        %swap3A_199 = arith.constant 0 : index
        %swap3A_200 = tpu.vector_load %arg18[%swap3A_199] {strides = array<i32>} : memref<16xf32, #tpu.memory_space<vmem>>, vector<16xf32>,
        tpu.vector_store %arg18[%swap3A_199], %add3A_198 {strides = array<i32>} : memref<16xf32, #tpu.memory_space<vmem>>, vector<16xf32>,
        %add3A_201 = arith.constant 1 : i32
        %add3A_202 = vector.broadcast %add3A_201 : i32 to vector<16xi32>
        %add3A_203 = arith.addi %iota3A, %add3A_202 : vector<16xi32>
        %min3A = arith.constant 15 : i32
        %min3A_204 = vector.broadcast %min3A : i32 to vector<16xi32>
        %min3A_205 = arith.minsi %add3A_203, %min3A_204 : vector<16xi32>
        %gather3A_206 = tpu.vector_load_idx %arg17[%min3A_205] : memref<16xi32, #tpu.memory_space<vmem>>[vector<16xi32>], vector<16xi32>,
        %ne3A = arith.cmpi ne, %masked_sort3A_108, %gather3A_206 : vector<16xi32>
        %eq3A_207 = arith.constant 15 : i32
        %eq3A_208 = vector.broadcast %eq3A_207 : i32 to vector<16xi32>
        %eq3A_209 = arith.cmpi eq, %iota3A, %eq3A_208 : vector<16xi32>
        %or3A = arith.ori %ne3A, %eq3A_209 : vector<16xi1>
        tpu.vector_store_idx %arg11[%masked_sort3A_108], %add3A_198 masked %or3A {add = true} : memref<10112xf32, #tpu.memory_space<vmem>>[vector<16xi32>], vector<16xf32>, vector<16xi1>
        %masked_sort3A_210 = arith.constant dense<true> : vector<16xi1>
        %masked_sort3A_211 = arith.constant -2147483648 : i32
        %masked_sort3A_212 = vector.broadcast %masked_sort3A_211 : i32 to vector<16xi32>
        %masked_sort3A_213 = arith.xori %get3A_76, %masked_sort3A_212 : vector<16xi32>
        %masked_sort3A_214, %masked_sort3A_215, %masked_sort3A_216 = tpu.sort %masked_sort3A_213, %exp3A_94 masked %masked_sort3A_210 : (vector<16xi32>, vector<16xf32>, vector<16xi1>) -> (vector<16xi1>, vector<16xi32>, vector<16xf32>)
        %masked_sort3A_217 = arith.xori %masked_sort3A_215, %masked_sort3A_212 : vector<16xi32>
        %swap3A_218 = arith.constant 0 : index
        %swap3A_219 = tpu.vector_load %arg17[%swap3A_218] {strides = array<i32>} : memref<16xi32, #tpu.memory_space<vmem>>, vector<16xi32>,
        tpu.vector_store %arg17[%swap3A_218], %masked_sort3A_217 {strides = array<i32>} : memref<16xi32, #tpu.memory_space<vmem>>, vector<16xi32>,
        %swap3A_220 = arith.constant 0 : index
        %swap3A_221 = tpu.vector_load %arg18[%swap3A_220] {strides = array<i32>} : memref<16xf32, #tpu.memory_space<vmem>>, vector<16xf32>,
        tpu.vector_store %arg18[%swap3A_220], %masked_sort3A_216 {strides = array<i32>} : memref<16xf32, #tpu.memory_space<vmem>>, vector<16xf32>,
        %sub3A_222 = arith.constant 1 : i32
        %sub3A_223 = vector.broadcast %sub3A_222 : i32 to vector<16xi32>
        %sub3A_224 = arith.subi %iota3A, %sub3A_223 : vector<16xi32>
        %max3A_225 = arith.constant 0 : i32
        %max3A_226 = vector.broadcast %max3A_225 : i32 to vector<16xi32>
        %max3A_227 = arith.maxsi %sub3A_224, %max3A_226 : vector<16xi32>
        %ge3A_228 = arith.constant 1 : i32
        %ge3A_229 = vector.broadcast %ge3A_228 : i32 to vector<16xi32>
        %ge3A_230 = arith.cmpi sge, %iota3A, %ge3A_229 : vector<16xi32>
        %gather3A_231 = tpu.vector_load_idx %arg17[%max3A_227] : memref<16xi32, #tpu.memory_space<vmem>>[vector<16xi32>], vector<16xi32>,
        %broadcast_in_dim3A_232 = arith.constant -1 : i32
        %broadcast_in_dim3A_233 = vector.broadcast %broadcast_in_dim3A_232 : i32 to vector<16xi32>
        %select_n3A_234 = arith.select %ge3A_230, %gather3A_231, %broadcast_in_dim3A_233 : vector<16xi1>, vector<16xi32>
        %ge3A_235 = arith.constant 1 : i32
        %ge3A_236 = vector.broadcast %ge3A_235 : i32 to vector<16xi32>
        %ge3A_237 = arith.cmpi sge, %iota3A, %ge3A_236 : vector<16xi32>
        %gather3A_238 = tpu.vector_load_idx %arg18[%max3A_227] : memref<16xf32, #tpu.memory_space<vmem>>[vector<16xi32>], vector<16xf32>,
        %select_n3A_239 = arith.select %ge3A_237, %gather3A_238, %broadcast_in_dim3A_8 : vector<16xi1>, vector<16xf32>
        %eq3A_240 = arith.cmpi eq, %masked_sort3A_217, %select_n3A_234 : vector<16xi32>
        %select_n3A_241 = arith.select %eq3A_240, %select_n3A_239, %broadcast_in_dim3A_8 : vector<16xi1>, vector<16xf32>
        %add3A_242 = arith.addf %masked_sort3A_216, %select_n3A_241 : vector<16xf32>
        %swap3A_243 = arith.constant 0 : index
        %swap3A_244 = tpu.vector_load %arg18[%swap3A_243] {strides = array<i32>} : memref<16xf32, #tpu.memory_space<vmem>>, vector<16xf32>,
        tpu.vector_store %arg18[%swap3A_243], %add3A_242 {strides = array<i32>} : memref<16xf32, #tpu.memory_space<vmem>>, vector<16xf32>,
        %sub3A_245 = arith.constant 2 : i32
        %sub3A_246 = vector.broadcast %sub3A_245 : i32 to vector<16xi32>
        %sub3A_247 = arith.subi %iota3A, %sub3A_246 : vector<16xi32>
        %max3A_248 = arith.constant 0 : i32
        %max3A_249 = vector.broadcast %max3A_248 : i32 to vector<16xi32>
        %max3A_250 = arith.maxsi %sub3A_247, %max3A_249 : vector<16xi32>
        %ge3A_251 = arith.constant 2 : i32
        %ge3A_252 = vector.broadcast %ge3A_251 : i32 to vector<16xi32>
        %ge3A_253 = arith.cmpi sge, %iota3A, %ge3A_252 : vector<16xi32>
        %gather3A_254 = tpu.vector_load_idx %arg17[%max3A_250] : memref<16xi32, #tpu.memory_space<vmem>>[vector<16xi32>], vector<16xi32>,
        %broadcast_in_dim3A_255 = arith.constant -1 : i32
        %broadcast_in_dim3A_256 = vector.broadcast %broadcast_in_dim3A_255 : i32 to vector<16xi32>
        %select_n3A_257 = arith.select %ge3A_253, %gather3A_254, %broadcast_in_dim3A_256 : vector<16xi1>, vector<16xi32>
        %ge3A_258 = arith.constant 2 : i32
        %ge3A_259 = vector.broadcast %ge3A_258 : i32 to vector<16xi32>
        %ge3A_260 = arith.cmpi sge, %iota3A, %ge3A_259 : vector<16xi32>
        %gather3A_261 = tpu.vector_load_idx %arg18[%max3A_250] : memref<16xf32, #tpu.memory_space<vmem>>[vector<16xi32>], vector<16xf32>,
        %select_n3A_262 = arith.select %ge3A_260, %gather3A_261, %broadcast_in_dim3A_8 : vector<16xi1>, vector<16xf32>
        %eq3A_263 = arith.cmpi eq, %masked_sort3A_217, %select_n3A_257 : vector<16xi32>
        %select_n3A_264 = arith.select %eq3A_263, %select_n3A_262, %broadcast_in_dim3A_8 : vector<16xi1>, vector<16xf32>
        %add3A_265 = arith.addf %add3A_242, %select_n3A_264 : vector<16xf32>
        %swap3A_266 = arith.constant 0 : index
        %swap3A_267 = tpu.vector_load %arg18[%swap3A_266] {strides = array<i32>} : memref<16xf32, #tpu.memory_space<vmem>>, vector<16xf32>,
        tpu.vector_store %arg18[%swap3A_266], %add3A_265 {strides = array<i32>} : memref<16xf32, #tpu.memory_space<vmem>>, vector<16xf32>,
        %sub3A_268 = arith.constant 4 : i32
        %sub3A_269 = vector.broadcast %sub3A_268 : i32 to vector<16xi32>
        %sub3A_270 = arith.subi %iota3A, %sub3A_269 : vector<16xi32>
        %max3A_271 = arith.constant 0 : i32
        %max3A_272 = vector.broadcast %max3A_271 : i32 to vector<16xi32>
        %max3A_273 = arith.maxsi %sub3A_270, %max3A_272 : vector<16xi32>
        %ge3A_274 = arith.constant 4 : i32
        %ge3A_275 = vector.broadcast %ge3A_274 : i32 to vector<16xi32>
        %ge3A_276 = arith.cmpi sge, %iota3A, %ge3A_275 : vector<16xi32>
        %gather3A_277 = tpu.vector_load_idx %arg17[%max3A_273] : memref<16xi32, #tpu.memory_space<vmem>>[vector<16xi32>], vector<16xi32>,
        %broadcast_in_dim3A_278 = arith.constant -1 : i32
        %broadcast_in_dim3A_279 = vector.broadcast %broadcast_in_dim3A_278 : i32 to vector<16xi32>
        %select_n3A_280 = arith.select %ge3A_276, %gather3A_277, %broadcast_in_dim3A_279 : vector<16xi1>, vector<16xi32>
        %ge3A_281 = arith.constant 4 : i32
        %ge3A_282 = vector.broadcast %ge3A_281 : i32 to vector<16xi32>
        %ge3A_283 = arith.cmpi sge, %iota3A, %ge3A_282 : vector<16xi32>
        %gather3A_284 = tpu.vector_load_idx %arg18[%max3A_273] : memref<16xf32, #tpu.memory_space<vmem>>[vector<16xi32>], vector<16xf32>,
        %select_n3A_285 = arith.select %ge3A_283, %gather3A_284, %broadcast_in_dim3A_8 : vector<16xi1>, vector<16xf32>
        %eq3A_286 = arith.cmpi eq, %masked_sort3A_217, %select_n3A_280 : vector<16xi32>
        %select_n3A_287 = arith.select %eq3A_286, %select_n3A_285, %broadcast_in_dim3A_8 : vector<16xi1>, vector<16xf32>
        %add3A_288 = arith.addf %add3A_265, %select_n3A_287 : vector<16xf32>
        %swap3A_289 = arith.constant 0 : index
        %swap3A_290 = tpu.vector_load %arg18[%swap3A_289] {strides = array<i32>} : memref<16xf32, #tpu.memory_space<vmem>>, vector<16xf32>,
        tpu.vector_store %arg18[%swap3A_289], %add3A_288 {strides = array<i32>} : memref<16xf32, #tpu.memory_space<vmem>>, vector<16xf32>,
        %sub3A_291 = arith.constant 8 : i32
        %sub3A_292 = vector.broadcast %sub3A_291 : i32 to vector<16xi32>
        %sub3A_293 = arith.subi %iota3A, %sub3A_292 : vector<16xi32>
        %max3A_294 = arith.constant 0 : i32
        %max3A_295 = vector.broadcast %max3A_294 : i32 to vector<16xi32>
        %max3A_296 = arith.maxsi %sub3A_293, %max3A_295 : vector<16xi32>
        %ge3A_297 = arith.constant 8 : i32
        %ge3A_298 = vector.broadcast %ge3A_297 : i32 to vector<16xi32>
        %ge3A_299 = arith.cmpi sge, %iota3A, %ge3A_298 : vector<16xi32>
        %gather3A_300 = tpu.vector_load_idx %arg17[%max3A_296] : memref<16xi32, #tpu.memory_space<vmem>>[vector<16xi32>], vector<16xi32>,
        %broadcast_in_dim3A_301 = arith.constant -1 : i32
        %broadcast_in_dim3A_302 = vector.broadcast %broadcast_in_dim3A_301 : i32 to vector<16xi32>
        %select_n3A_303 = arith.select %ge3A_299, %gather3A_300, %broadcast_in_dim3A_302 : vector<16xi1>, vector<16xi32>
        %ge3A_304 = arith.constant 8 : i32
        %ge3A_305 = vector.broadcast %ge3A_304 : i32 to vector<16xi32>
        %ge3A_306 = arith.cmpi sge, %iota3A, %ge3A_305 : vector<16xi32>
        %gather3A_307 = tpu.vector_load_idx %arg18[%max3A_296] : memref<16xf32, #tpu.memory_space<vmem>>[vector<16xi32>], vector<16xf32>,
        %select_n3A_308 = arith.select %ge3A_306, %gather3A_307, %broadcast_in_dim3A_8 : vector<16xi1>, vector<16xf32>
        %eq3A_309 = arith.cmpi eq, %masked_sort3A_217, %select_n3A_303 : vector<16xi32>
        %select_n3A_310 = arith.select %eq3A_309, %select_n3A_308, %broadcast_in_dim3A_8 : vector<16xi1>, vector<16xf32>
        %add3A_311 = arith.addf %add3A_288, %select_n3A_310 : vector<16xf32>
        %swap3A_312 = arith.constant 0 : index
        %swap3A_313 = tpu.vector_load %arg18[%swap3A_312] {strides = array<i32>} : memref<16xf32, #tpu.memory_space<vmem>>, vector<16xf32>,
        tpu.vector_store %arg18[%swap3A_312], %add3A_311 {strides = array<i32>} : memref<16xf32, #tpu.memory_space<vmem>>, vector<16xf32>,
        %add3A_314 = arith.constant 1 : i32
        %add3A_315 = vector.broadcast %add3A_314 : i32 to vector<16xi32>
        %add3A_316 = arith.addi %iota3A, %add3A_315 : vector<16xi32>
        %min3A_317 = arith.constant 15 : i32
        %min3A_318 = vector.broadcast %min3A_317 : i32 to vector<16xi32>
        %min3A_319 = arith.minsi %add3A_316, %min3A_318 : vector<16xi32>
        %gather3A_320 = tpu.vector_load_idx %arg17[%min3A_319] : memref<16xi32, #tpu.memory_space<vmem>>[vector<16xi32>], vector<16xi32>,
        %ne3A_321 = arith.cmpi ne, %masked_sort3A_217, %gather3A_320 : vector<16xi32>
        %eq3A_322 = arith.constant 15 : i32
        %eq3A_323 = vector.broadcast %eq3A_322 : i32 to vector<16xi32>
        %eq3A_324 = arith.cmpi eq, %iota3A, %eq3A_323 : vector<16xi32>
        %or3A_325 = arith.ori %ne3A_321, %eq3A_324 : vector<16xi1>
        tpu.vector_store_idx %arg12[%masked_sort3A_217], %add3A_311 masked %or3A_325 {add = true} : memref<10112xf32, #tpu.memory_space<vmem>>[vector<16xi32>], vector<16xf32>, vector<16xi1>
      }
      %scan3A_54 = arith.constant 16 : i32
      %add3A_55 = arith.addi %mul3A_20, %mul3A_16 : i32
      %mul3A_56 = arith.constant 256 : i32
      %mul3A_57 = arith.muli %add3A_43, %mul3A_56 : i32
      %add3A_58 = arith.addi %add3A_55, %mul3A_57 : i32
      "tpu.region"() ({
        %run_scoped3A = tpu.sem_alloc : memref<!tpu.dma_semaphore, #tpu.memory_space<semaphore_mem>>
        %dma_start3A = tpu.memref_slice %arg5[%add3A_58] : memref<1310720xf32, #tpu.memory_space<hbm>> -> memref<256xf32, #tpu.memory_space<hbm>>
        %dma_start3A_65 = tpu.memref_slice %arg5[%add3A_58] : memref<1310720xf32, #tpu.memory_space<hbm>> -> memref<256xf32, #tpu.memory_space<hbm>>
        tpu.enqueue_dma source(%arg15 : memref<256xf32, #tpu.memory_space<vmem>>) target(%dma_start3A_65 : memref<256xf32, #tpu.memory_space<hbm>>) target_semaphore(%run_scoped3A : memref<!tpu.dma_semaphore, #tpu.memory_space<semaphore_mem>>)
        %dma_wait3A = tpu.memref_slice %arg5[%add3A_58] : memref<1310720xf32, #tpu.memory_space<hbm>> -> memref<256xf32, #tpu.memory_space<hbm>>
        %dma_wait3A_66 = tpu.memref_slice %arg5[%add3A_58] : memref<1310720xf32, #tpu.memory_space<hbm>> -> memref<256xf32, #tpu.memory_space<hbm>>
        tpu.wait_dma2 semaphore(%run_scoped3A : memref<!tpu.dma_semaphore, #tpu.memory_space<semaphore_mem>>) src(%arg15 : memref<256xf32, #tpu.memory_space<vmem>>) dst(%dma_wait3A_66 : memref<256xf32, #tpu.memory_space<hbm>>)
        tpu.yield
      }) : () -> ()
      %add3A_59 = arith.constant 327680 : i32
      %add3A_60 = arith.addi %mul3A_20, %add3A_59 : i32
      %add3A_61 = arith.addi %add3A_60, %mul3A_16 : i32
      %mul3A_62 = arith.constant 256 : i32
      %mul3A_63 = arith.muli %add3A_43, %mul3A_62 : i32
      %add3A_64 = arith.addi %add3A_61, %mul3A_63 : i32
      "tpu.region"() ({
        %run_scoped3A = tpu.sem_alloc : memref<!tpu.dma_semaphore, #tpu.memory_space<semaphore_mem>>
        %dma_start3A = tpu.memref_slice %arg5[%add3A_64] : memref<1310720xf32, #tpu.memory_space<hbm>> -> memref<256xf32, #tpu.memory_space<hbm>>
        %dma_start3A_65 = tpu.memref_slice %arg5[%add3A_64] : memref<1310720xf32, #tpu.memory_space<hbm>> -> memref<256xf32, #tpu.memory_space<hbm>>
        tpu.enqueue_dma source(%arg16 : memref<256xf32, #tpu.memory_space<vmem>>) target(%dma_start3A_65 : memref<256xf32, #tpu.memory_space<hbm>>) target_semaphore(%run_scoped3A : memref<!tpu.dma_semaphore, #tpu.memory_space<semaphore_mem>>)
        %dma_wait3A = tpu.memref_slice %arg5[%add3A_64] : memref<1310720xf32, #tpu.memory_space<hbm>> -> memref<256xf32, #tpu.memory_space<hbm>>
        %dma_wait3A_66 = tpu.memref_slice %arg5[%add3A_64] : memref<1310720xf32, #tpu.memory_space<hbm>> -> memref<256xf32, #tpu.memory_space<hbm>>
        tpu.wait_dma2 semaphore(%run_scoped3A : memref<!tpu.dma_semaphore, #tpu.memory_space<semaphore_mem>>) src(%arg16 : memref<256xf32, #tpu.memory_space<vmem>>) dst(%dma_wait3A_66 : memref<256xf32, #tpu.memory_space<hbm>>)
        tpu.yield
      }) : () -> ()
    }
    %scan3A_25 = arith.constant 80 : i32
    %mul3A_26 = arith.constant 16 : i32
    %mul3A_27 = arith.muli %arg0, %mul3A_26 : i32
    %add3A_28 = arith.addi %mul3A_27, %arg1 : i32
    %mul3A_29 = arith.constant 2 : i32
    %mul3A_30 = arith.muli %add3A_28, %mul3A_29 : i32
    %mul3A_31 = arith.constant 10112 : i32
    %mul3A_32 = arith.muli %mul3A_30, %mul3A_31 : i32
    "tpu.region"() ({
      %run_scoped3A = tpu.sem_alloc : memref<!tpu.dma_semaphore, #tpu.memory_space<semaphore_mem>>
      %dma_start3A = tpu.memref_slice %arg6[%mul3A_32] : memref<647168xf32, #tpu.memory_space<hbm>> -> memref<10112xf32, #tpu.memory_space<hbm>>
      %dma_start3A_39 = tpu.memref_slice %arg6[%mul3A_32] : memref<647168xf32, #tpu.memory_space<hbm>> -> memref<10112xf32, #tpu.memory_space<hbm>>
      tpu.enqueue_dma source(%arg11 : memref<10112xf32, #tpu.memory_space<vmem>>) target(%dma_start3A_39 : memref<10112xf32, #tpu.memory_space<hbm>>) target_semaphore(%run_scoped3A : memref<!tpu.dma_semaphore, #tpu.memory_space<semaphore_mem>>)
      %dma_wait3A = tpu.memref_slice %arg6[%mul3A_32] : memref<647168xf32, #tpu.memory_space<hbm>> -> memref<10112xf32, #tpu.memory_space<hbm>>
      %dma_wait3A_40 = tpu.memref_slice %arg6[%mul3A_32] : memref<647168xf32, #tpu.memory_space<hbm>> -> memref<10112xf32, #tpu.memory_space<hbm>>
      tpu.wait_dma2 semaphore(%run_scoped3A : memref<!tpu.dma_semaphore, #tpu.memory_space<semaphore_mem>>) src(%arg11 : memref<10112xf32, #tpu.memory_space<vmem>>) dst(%dma_wait3A_40 : memref<10112xf32, #tpu.memory_space<hbm>>)
      tpu.yield
    }) : () -> ()
    %mul3A_33 = arith.constant 2 : i32
    %mul3A_34 = arith.muli %add3A_28, %mul3A_33 : i32
    %mul3A_35 = arith.constant 10112 : i32
    %mul3A_36 = arith.muli %mul3A_34, %mul3A_35 : i32
    %add3A_37 = arith.constant 10112 : i32
    %add3A_38 = arith.addi %mul3A_36, %add3A_37 : i32
    "tpu.region"() ({
      %run_scoped3A = tpu.sem_alloc : memref<!tpu.dma_semaphore, #tpu.memory_space<semaphore_mem>>
      %dma_start3A = tpu.memref_slice %arg6[%add3A_38] : memref<647168xf32, #tpu.memory_space<hbm>> -> memref<10112xf32, #tpu.memory_space<hbm>>
      %dma_start3A_39 = tpu.memref_slice %arg6[%add3A_38] : memref<647168xf32, #tpu.memory_space<hbm>> -> memref<10112xf32, #tpu.memory_space<hbm>>
      tpu.enqueue_dma source(%arg12 : memref<10112xf32, #tpu.memory_space<vmem>>) target(%dma_start3A_39 : memref<10112xf32, #tpu.memory_space<hbm>>) target_semaphore(%run_scoped3A : memref<!tpu.dma_semaphore, #tpu.memory_space<semaphore_mem>>)
      %dma_wait3A = tpu.memref_slice %arg6[%add3A_38] : memref<647168xf32, #tpu.memory_space<hbm>> -> memref<10112xf32, #tpu.memory_space<hbm>>
      %dma_wait3A_40 = tpu.memref_slice %arg6[%add3A_38] : memref<647168xf32, #tpu.memory_space<hbm>> -> memref<10112xf32, #tpu.memory_space<hbm>>
      tpu.wait_dma2 semaphore(%run_scoped3A : memref<!tpu.dma_semaphore, #tpu.memory_space<semaphore_mem>>) src(%arg12 : memref<10112xf32, #tpu.memory_space<vmem>>) dst(%dma_wait3A_40 : memref<10112xf32, #tpu.memory_space<hbm>>)
      tpu.yield
    }) : () -> ()
    return
  }
}

#map = affine_map<(d0, d1) -> (0, 0)>
#map1 = affine_map<(d0, d1) -> (0)>
module attributes {stable_mosaic.version = 14 : i64} {
  func.func @k(%arg0: i32, %arg1: i32, %arg2: memref<20224x128xf32, #tpu.memory_space<hbm>>, %arg3: memref<327680xi32, #tpu.memory_space<hbm>>, %arg4: memref<327680xi32, #tpu.memory_space<hbm>>, %arg5: memref<1310720xf32, #tpu.memory_space<hbm>>, %arg6: memref<20224x128xf32, #tpu.memory_space<hbm>>, %arg7: memref<20224x128xf32, #tpu.memory_space<hbm>>, %arg8: memref<256xi32, #tpu.memory_space<vmem>>, %arg9: memref<256xi32, #tpu.memory_space<vmem>>, %arg10: memref<256x128xf32, #tpu.memory_space<vmem>>, %arg11: memref<256xf32, #tpu.memory_space<vmem>>, %arg12: memref<256xf32, #tpu.memory_space<vmem>>, %arg13: memref<10112x128xf32, #tpu.memory_space<vmem_shared>>, %arg14: memref<!tpu.dma_semaphore, #tpu.memory_space<semaphore_mem>>) attributes {dimension_semantics = [#tpu.dimension_semantics<core_parallel>, #tpu.dimension_semantics<subcore_parallel>], iteration_bounds = array<i64: 2, 16>, scalar_prefetch = 0 : i64, scratch_operands = 7 : i64, tpu.core_type = #tpu.core_type<sc_vector_subcore>, window_params = [{transform_indices = #map}, {transform_indices = #map1}, {transform_indices = #map1}, {transform_indices = #map1}, {transform_indices = #map}, {transform_indices = #map}]} {
    %mul3A = arith.constant 632 : i32
    %mul3A_0 = arith.muli %arg1, %mul3A : i32
    %mul3A_1 = arith.constant 10112 : i32
    %mul3A_2 = arith.muli %arg0, %mul3A_1 : i32
    %add3A = arith.addi %mul3A_2, %mul3A_0 : i32
    "tpu.region"() ({
      %run_scoped3A = tpu.sem_alloc : memref<!tpu.dma_semaphore, #tpu.memory_space<semaphore_mem>>
      %dma_start3A = arith.constant 0 : i32
      %dma_start3A_21 = tpu.memref_slice %arg13[%mul3A_0, %dma_start3A] : memref<10112x128xf32, #tpu.memory_space<vmem_shared>> -> memref<632x128xf32, #tpu.memory_space<vmem_shared>>
      %dma_start3A_22 = arith.constant 0 : i32
      %dma_start3A_23 = tpu.memref_slice %arg6[%add3A, %dma_start3A_22] : memref<20224x128xf32, #tpu.memory_space<hbm>> -> memref<632x128xf32, #tpu.memory_space<hbm>>
      tpu.enqueue_dma source(%dma_start3A_23 : memref<632x128xf32, #tpu.memory_space<hbm>>) target(%dma_start3A_21 : memref<632x128xf32, #tpu.memory_space<vmem_shared>>) target_semaphore(%run_scoped3A : memref<!tpu.dma_semaphore, #tpu.memory_space<semaphore_mem>>)
      %dma_wait3A = arith.constant 0 : i32
      %dma_wait3A_24 = tpu.memref_slice %arg13[%mul3A_0, %dma_wait3A] : memref<10112x128xf32, #tpu.memory_space<vmem_shared>> -> memref<632x128xf32, #tpu.memory_space<vmem_shared>>
      %dma_wait3A_25 = arith.constant 0 : i32
      %dma_wait3A_26 = tpu.memref_slice %arg6[%add3A, %dma_wait3A_25] : memref<20224x128xf32, #tpu.memory_space<hbm>> -> memref<632x128xf32, #tpu.memory_space<hbm>>
      tpu.wait_dma2 semaphore(%run_scoped3A : memref<!tpu.dma_semaphore, #tpu.memory_space<semaphore_mem>>) src(%dma_wait3A_26 : memref<632x128xf32, #tpu.memory_space<hbm>>) dst(%dma_wait3A_24 : memref<632x128xf32, #tpu.memory_space<vmem_shared>>)
      tpu.yield
    }) : () -> ()
    %barrier3A = arith.constant 0 : index
    tpu.barrier barrier_id(%barrier3A)
    %mul3A_3 = arith.constant 80 : i32
    %mul3A_4 = arith.muli %arg1, %mul3A_3 : i32
    %mul3A_5 = arith.constant 256 : i32
    %mul3A_6 = arith.muli %mul3A_4, %mul3A_5 : i32
    %mul3A_7 = arith.constant 2 : i32
    %mul3A_8 = arith.muli %mul3A_7, %arg0 : i32
    %mul3A_9 = arith.constant 327680 : i32
    %mul3A_10 = arith.muli %mul3A_8, %mul3A_9 : i32
    %mul3A_11 = arith.constant 10112 : i32
    %mul3A_12 = arith.muli %arg0, %mul3A_11 : i32
    %scan3A = arith.constant 0 : i32
    %scan3A_13 = arith.constant 80 : i32
    %scan3A_14 = arith.addi %scan3A, %scan3A_13 : i32
    %scan3A_15 = arith.constant 1 : i32
    scf.for %scan3A_21 = %scan3A to %scan3A_14 step %scan3A_15  : i32 {
      %mul3A_22 = arith.constant 1 : i32
      %mul3A_23 = arith.muli %scan3A_21, %mul3A_22 : i32
      %add3A_24 = arith.constant 0 : i32
      %add3A_25 = arith.addi %add3A_24, %mul3A_23 : i32
      %mul3A_26 = arith.constant 256 : i32
      %mul3A_27 = arith.muli %add3A_25, %mul3A_26 : i32
      %add3A_28 = arith.addi %mul3A_6, %mul3A_27 : i32
      "tpu.region"() ({
        %run_scoped3A = tpu.sem_alloc : memref<!tpu.dma_semaphore, #tpu.memory_space<semaphore_mem>>
        %dma_start3A_56 = tpu.memref_slice %arg3[%add3A_28] : memref<327680xi32, #tpu.memory_space<hbm>> -> memref<256xi32, #tpu.memory_space<hbm>>
        %dma_start3A_57 = tpu.memref_slice %arg3[%add3A_28] : memref<327680xi32, #tpu.memory_space<hbm>> -> memref<256xi32, #tpu.memory_space<hbm>>
        tpu.enqueue_dma source(%dma_start3A_57 : memref<256xi32, #tpu.memory_space<hbm>>) target(%arg8 : memref<256xi32, #tpu.memory_space<vmem>>) target_semaphore(%run_scoped3A : memref<!tpu.dma_semaphore, #tpu.memory_space<semaphore_mem>>)
        %dma_wait3A_58 = tpu.memref_slice %arg3[%add3A_28] : memref<327680xi32, #tpu.memory_space<hbm>> -> memref<256xi32, #tpu.memory_space<hbm>>
        %dma_wait3A_59 = tpu.memref_slice %arg3[%add3A_28] : memref<327680xi32, #tpu.memory_space<hbm>> -> memref<256xi32, #tpu.memory_space<hbm>>
        tpu.wait_dma2 semaphore(%run_scoped3A : memref<!tpu.dma_semaphore, #tpu.memory_space<semaphore_mem>>) src(%dma_wait3A_59 : memref<256xi32, #tpu.memory_space<hbm>>) dst(%arg8 : memref<256xi32, #tpu.memory_space<vmem>>)
        tpu.yield
      }) : () -> ()
      %mul3A_29 = arith.constant 256 : i32
      %mul3A_30 = arith.muli %add3A_25, %mul3A_29 : i32
      %add3A_31 = arith.addi %mul3A_6, %mul3A_30 : i32
      "tpu.region"() ({
        %run_scoped3A = tpu.sem_alloc : memref<!tpu.dma_semaphore, #tpu.memory_space<semaphore_mem>>
        %dma_start3A_56 = tpu.memref_slice %arg4[%add3A_31] : memref<327680xi32, #tpu.memory_space<hbm>> -> memref<256xi32, #tpu.memory_space<hbm>>
        %dma_start3A_57 = tpu.memref_slice %arg4[%add3A_31] : memref<327680xi32, #tpu.memory_space<hbm>> -> memref<256xi32, #tpu.memory_space<hbm>>
        tpu.enqueue_dma source(%dma_start3A_57 : memref<256xi32, #tpu.memory_space<hbm>>) target(%arg9 : memref<256xi32, #tpu.memory_space<vmem>>) target_semaphore(%run_scoped3A : memref<!tpu.dma_semaphore, #tpu.memory_space<semaphore_mem>>)
        %dma_wait3A_58 = tpu.memref_slice %arg4[%add3A_31] : memref<327680xi32, #tpu.memory_space<hbm>> -> memref<256xi32, #tpu.memory_space<hbm>>
        %dma_wait3A_59 = tpu.memref_slice %arg4[%add3A_31] : memref<327680xi32, #tpu.memory_space<hbm>> -> memref<256xi32, #tpu.memory_space<hbm>>
        tpu.wait_dma2 semaphore(%run_scoped3A : memref<!tpu.dma_semaphore, #tpu.memory_space<semaphore_mem>>) src(%dma_wait3A_59 : memref<256xi32, #tpu.memory_space<hbm>>) dst(%arg9 : memref<256xi32, #tpu.memory_space<vmem>>)
        tpu.yield
      }) : () -> ()
      %add3A_32 = arith.addi %mul3A_10, %mul3A_6 : i32
      %mul3A_33 = arith.constant 256 : i32
      %mul3A_34 = arith.muli %add3A_25, %mul3A_33 : i32
      %add3A_35 = arith.addi %add3A_32, %mul3A_34 : i32
      "tpu.region"() ({
        %run_scoped3A = tpu.sem_alloc : memref<!tpu.dma_semaphore, #tpu.memory_space<semaphore_mem>>
        %dma_start3A_56 = tpu.memref_slice %arg5[%add3A_35] : memref<1310720xf32, #tpu.memory_space<hbm>> -> memref<256xf32, #tpu.memory_space<hbm>>
        %dma_start3A_57 = tpu.memref_slice %arg5[%add3A_35] : memref<1310720xf32, #tpu.memory_space<hbm>> -> memref<256xf32, #tpu.memory_space<hbm>>
        tpu.enqueue_dma source(%dma_start3A_57 : memref<256xf32, #tpu.memory_space<hbm>>) target(%arg11 : memref<256xf32, #tpu.memory_space<vmem>>) target_semaphore(%run_scoped3A : memref<!tpu.dma_semaphore, #tpu.memory_space<semaphore_mem>>)
        %dma_wait3A_58 = tpu.memref_slice %arg5[%add3A_35] : memref<1310720xf32, #tpu.memory_space<hbm>> -> memref<256xf32, #tpu.memory_space<hbm>>
        %dma_wait3A_59 = tpu.memref_slice %arg5[%add3A_35] : memref<1310720xf32, #tpu.memory_space<hbm>> -> memref<256xf32, #tpu.memory_space<hbm>>
        tpu.wait_dma2 semaphore(%run_scoped3A : memref<!tpu.dma_semaphore, #tpu.memory_space<semaphore_mem>>) src(%dma_wait3A_59 : memref<256xf32, #tpu.memory_space<hbm>>) dst(%arg11 : memref<256xf32, #tpu.memory_space<vmem>>)
        tpu.yield
      }) : () -> ()
      %add3A_36 = arith.constant 327680 : i32
      %add3A_37 = arith.addi %mul3A_10, %add3A_36 : i32
      %add3A_38 = arith.addi %add3A_37, %mul3A_6 : i32
      %mul3A_39 = arith.constant 256 : i32
      %mul3A_40 = arith.muli %add3A_25, %mul3A_39 : i32
      %add3A_41 = arith.addi %add3A_38, %mul3A_40 : i32
      "tpu.region"() ({
        %run_scoped3A = tpu.sem_alloc : memref<!tpu.dma_semaphore, #tpu.memory_space<semaphore_mem>>
        %dma_start3A_56 = tpu.memref_slice %arg5[%add3A_41] : memref<1310720xf32, #tpu.memory_space<hbm>> -> memref<256xf32, #tpu.memory_space<hbm>>
        %dma_start3A_57 = tpu.memref_slice %arg5[%add3A_41] : memref<1310720xf32, #tpu.memory_space<hbm>> -> memref<256xf32, #tpu.memory_space<hbm>>
        tpu.enqueue_dma source(%dma_start3A_57 : memref<256xf32, #tpu.memory_space<hbm>>) target(%arg12 : memref<256xf32, #tpu.memory_space<vmem>>) target_semaphore(%run_scoped3A : memref<!tpu.dma_semaphore, #tpu.memory_space<semaphore_mem>>)
        %dma_wait3A_58 = tpu.memref_slice %arg5[%add3A_41] : memref<1310720xf32, #tpu.memory_space<hbm>> -> memref<256xf32, #tpu.memory_space<hbm>>
        %dma_wait3A_59 = tpu.memref_slice %arg5[%add3A_41] : memref<1310720xf32, #tpu.memory_space<hbm>> -> memref<256xf32, #tpu.memory_space<hbm>>
        tpu.wait_dma2 semaphore(%run_scoped3A : memref<!tpu.dma_semaphore, #tpu.memory_space<semaphore_mem>>) src(%dma_wait3A_59 : memref<256xf32, #tpu.memory_space<hbm>>) dst(%arg12 : memref<256xf32, #tpu.memory_space<vmem>>)
        tpu.yield
      }) : () -> ()
      %scan3A_42 = arith.constant 0 : i32
      %scan3A_43 = arith.constant 16 : i32
      %scan3A_44 = arith.addi %scan3A_42, %scan3A_43 : i32
      %scan3A_45 = arith.constant 1 : i32
      scf.for %scan3A_56 = %scan3A_42 to %scan3A_44 step %scan3A_45  : i32 {
        %mul3A_57 = arith.constant 1 : i32
        %mul3A_58 = arith.muli %scan3A_56, %mul3A_57 : i32
        %add3A_59 = arith.constant 0 : i32
        %add3A_60 = arith.addi %add3A_59, %mul3A_58 : i32
        %mul3A_61 = arith.constant 16 : i32
        %mul3A_62 = arith.muli %add3A_60, %mul3A_61 : i32
        %get3A = arith.index_cast %mul3A_62 : i32 to index
        %get3A_63 = tpu.vector_load %arg8[%get3A] {strides = array<i32>} : memref<256xi32, #tpu.memory_space<vmem>>, vector<16xi32>,
        %add3A_64 = vector.broadcast %mul3A_12 : i32 to vector<16xi32>
        %add3A_65 = arith.addi %get3A_63, %add3A_64 : vector<16xi32>
        %mul3A_66 = arith.constant 16 : i32
        %mul3A_67 = arith.muli %add3A_60, %mul3A_66 : i32
        %swap3A = arith.index_cast %mul3A_67 : i32 to index
        %swap3A_68 = tpu.vector_load %arg8[%swap3A] {strides = array<i32>} : memref<256xi32, #tpu.memory_space<vmem>>, vector<16xi32>,
        tpu.vector_store %arg8[%swap3A], %add3A_65 {strides = array<i32>} : memref<256xi32, #tpu.memory_space<vmem>>, vector<16xi32>,
      }
      %scan3A_46 = arith.constant 16 : i32
      %dma_start3A = arith.constant 0 : i32
      %dma_start3A_47 = arith.constant 0 : i32
      %dma_start3A_48 = tpu.memref_slice %arg2[%dma_start3A, %dma_start3A_47] : memref<20224x128xf32, #tpu.memory_space<hbm>> -> memref<20224x128xf32, #tpu.memory_space<hbm>>
      tpu.enqueue_indirect_dma source(%dma_start3A_48 : memref<20224x128xf32, #tpu.memory_space<hbm>>) target(%arg10 : memref<256x128xf32, #tpu.memory_space<vmem>>) offsets(%arg8 : memref<256xi32, #tpu.memory_space<vmem>>) semaphore(%arg14 : memref<!tpu.dma_semaphore, #tpu.memory_space<semaphore_mem>>)
      %dma_wait3A = arith.constant 0 : i32
      %dma_wait3A_49 = arith.constant 0 : i32
      %dma_wait3A_50 = tpu.memref_slice %arg2[%dma_wait3A, %dma_wait3A_49] : memref<20224x128xf32, #tpu.memory_space<hbm>> -> memref<20224x128xf32, #tpu.memory_space<hbm>>
      tpu.wait_indirect_dma semaphore(%arg14 : memref<!tpu.dma_semaphore, #tpu.memory_space<semaphore_mem>>) src(%dma_wait3A_50 : memref<20224x128xf32, #tpu.memory_space<hbm>>) dst(%arg10 : memref<256x128xf32, #tpu.memory_space<vmem>>)
      %scan3A_51 = arith.constant 0 : i32
      %scan3A_52 = arith.constant 256 : i32
      %scan3A_53 = arith.addi %scan3A_51, %scan3A_52 : i32
      %scan3A_54 = arith.constant 1 : i32
      scf.for %scan3A_56 = %scan3A_51 to %scan3A_53 step %scan3A_54  : i32 {
        %mul3A_57 = arith.constant 1 : i32
        %mul3A_58 = arith.muli %scan3A_56, %mul3A_57 : i32
        %add3A_59 = arith.constant 0 : i32
        %add3A_60 = arith.addi %add3A_59, %mul3A_58 : i32
        %broadcast_in_dim3A = vector.broadcast %add3A_60 : i32 to vector<16xi32>
        %gather3A = tpu.vector_load_idx %arg11[%broadcast_in_dim3A] : memref<256xf32, #tpu.memory_space<vmem>>[vector<16xi32>], vector<16xf32>,
        %gather3A_61 = tpu.vector_load_idx %arg12[%broadcast_in_dim3A] : memref<256xf32, #tpu.memory_space<vmem>>[vector<16xi32>], vector<16xf32>,
        %get3A = arith.index_cast %add3A_60 : i32 to index
        %get3A_62 = arith.constant 0 : index
        %get3A_63 = tpu.vector_load %arg10[%get3A, %get3A_62] {strides = array<i32>} : memref<256x128xf32, #tpu.memory_space<vmem>>, vector<16xf32>,
        %mul3A_64 = arith.mulf %get3A_63, %gather3A : vector<16xf32>
        %swap3A = arith.index_cast %add3A_60 : i32 to index
        %swap3A_65 = arith.constant 0 : index
        %swap3A_66 = tpu.vector_load %arg10[%swap3A, %swap3A_65] {strides = array<i32>} : memref<256x128xf32, #tpu.memory_space<vmem>>, vector<16xf32>,
        tpu.vector_store %arg10[%swap3A, %swap3A_65], %mul3A_64 {strides = array<i32>} : memref<256x128xf32, #tpu.memory_space<vmem>>, vector<16xf32>,
        %get3A_67 = arith.index_cast %add3A_60 : i32 to index
        %get3A_68 = arith.constant 16 : index
        %get3A_69 = tpu.vector_load %arg10[%get3A_67, %get3A_68] {strides = array<i32>} : memref<256x128xf32, #tpu.memory_space<vmem>>, vector<16xf32>,
        %mul3A_70 = arith.mulf %get3A_69, %gather3A : vector<16xf32>
        %swap3A_71 = arith.index_cast %add3A_60 : i32 to index
        %swap3A_72 = arith.constant 16 : index
        %swap3A_73 = tpu.vector_load %arg10[%swap3A_71, %swap3A_72] {strides = array<i32>} : memref<256x128xf32, #tpu.memory_space<vmem>>, vector<16xf32>,
        tpu.vector_store %arg10[%swap3A_71, %swap3A_72], %mul3A_70 {strides = array<i32>} : memref<256x128xf32, #tpu.memory_space<vmem>>, vector<16xf32>,
        %get3A_74 = arith.index_cast %add3A_60 : i32 to index
        %get3A_75 = arith.constant 32 : index
        %get3A_76 = tpu.vector_load %arg10[%get3A_74, %get3A_75] {strides = array<i32>} : memref<256x128xf32, #tpu.memory_space<vmem>>, vector<16xf32>,
        %mul3A_77 = arith.mulf %get3A_76, %gather3A : vector<16xf32>
        %swap3A_78 = arith.index_cast %add3A_60 : i32 to index
        %swap3A_79 = arith.constant 32 : index
        %swap3A_80 = tpu.vector_load %arg10[%swap3A_78, %swap3A_79] {strides = array<i32>} : memref<256x128xf32, #tpu.memory_space<vmem>>, vector<16xf32>,
        tpu.vector_store %arg10[%swap3A_78, %swap3A_79], %mul3A_77 {strides = array<i32>} : memref<256x128xf32, #tpu.memory_space<vmem>>, vector<16xf32>,
        %get3A_81 = arith.index_cast %add3A_60 : i32 to index
        %get3A_82 = arith.constant 48 : index
        %get3A_83 = tpu.vector_load %arg10[%get3A_81, %get3A_82] {strides = array<i32>} : memref<256x128xf32, #tpu.memory_space<vmem>>, vector<16xf32>,
        %mul3A_84 = arith.mulf %get3A_83, %gather3A : vector<16xf32>
        %swap3A_85 = arith.index_cast %add3A_60 : i32 to index
        %swap3A_86 = arith.constant 48 : index
        %swap3A_87 = tpu.vector_load %arg10[%swap3A_85, %swap3A_86] {strides = array<i32>} : memref<256x128xf32, #tpu.memory_space<vmem>>, vector<16xf32>,
        tpu.vector_store %arg10[%swap3A_85, %swap3A_86], %mul3A_84 {strides = array<i32>} : memref<256x128xf32, #tpu.memory_space<vmem>>, vector<16xf32>,
        %get3A_88 = arith.index_cast %add3A_60 : i32 to index
        %get3A_89 = arith.constant 64 : index
        %get3A_90 = tpu.vector_load %arg10[%get3A_88, %get3A_89] {strides = array<i32>} : memref<256x128xf32, #tpu.memory_space<vmem>>, vector<16xf32>,
        %mul3A_91 = arith.mulf %get3A_90, %gather3A_61 : vector<16xf32>
        %swap3A_92 = arith.index_cast %add3A_60 : i32 to index
        %swap3A_93 = arith.constant 64 : index
        %swap3A_94 = tpu.vector_load %arg10[%swap3A_92, %swap3A_93] {strides = array<i32>} : memref<256x128xf32, #tpu.memory_space<vmem>>, vector<16xf32>,
        tpu.vector_store %arg10[%swap3A_92, %swap3A_93], %mul3A_91 {strides = array<i32>} : memref<256x128xf32, #tpu.memory_space<vmem>>, vector<16xf32>,
        %get3A_95 = arith.index_cast %add3A_60 : i32 to index
        %get3A_96 = arith.constant 80 : index
        %get3A_97 = tpu.vector_load %arg10[%get3A_95, %get3A_96] {strides = array<i32>} : memref<256x128xf32, #tpu.memory_space<vmem>>, vector<16xf32>,
        %mul3A_98 = arith.mulf %get3A_97, %gather3A_61 : vector<16xf32>
        %swap3A_99 = arith.index_cast %add3A_60 : i32 to index
        %swap3A_100 = arith.constant 80 : index
        %swap3A_101 = tpu.vector_load %arg10[%swap3A_99, %swap3A_100] {strides = array<i32>} : memref<256x128xf32, #tpu.memory_space<vmem>>, vector<16xf32>,
        tpu.vector_store %arg10[%swap3A_99, %swap3A_100], %mul3A_98 {strides = array<i32>} : memref<256x128xf32, #tpu.memory_space<vmem>>, vector<16xf32>,
        %get3A_102 = arith.index_cast %add3A_60 : i32 to index
        %get3A_103 = arith.constant 96 : index
        %get3A_104 = tpu.vector_load %arg10[%get3A_102, %get3A_103] {strides = array<i32>} : memref<256x128xf32, #tpu.memory_space<vmem>>, vector<16xf32>,
        %mul3A_105 = arith.mulf %get3A_104, %gather3A_61 : vector<16xf32>
        %swap3A_106 = arith.index_cast %add3A_60 : i32 to index
        %swap3A_107 = arith.constant 96 : index
        %swap3A_108 = tpu.vector_load %arg10[%swap3A_106, %swap3A_107] {strides = array<i32>} : memref<256x128xf32, #tpu.memory_space<vmem>>, vector<16xf32>,
        tpu.vector_store %arg10[%swap3A_106, %swap3A_107], %mul3A_105 {strides = array<i32>} : memref<256x128xf32, #tpu.memory_space<vmem>>, vector<16xf32>,
        %get3A_109 = arith.index_cast %add3A_60 : i32 to index
        %get3A_110 = arith.constant 112 : index
        %get3A_111 = tpu.vector_load %arg10[%get3A_109, %get3A_110] {strides = array<i32>} : memref<256x128xf32, #tpu.memory_space<vmem>>, vector<16xf32>,
        %mul3A_112 = arith.mulf %get3A_111, %gather3A_61 : vector<16xf32>
        %swap3A_113 = arith.index_cast %add3A_60 : i32 to index
        %swap3A_114 = arith.constant 112 : index
        %swap3A_115 = tpu.vector_load %arg10[%swap3A_113, %swap3A_114] {strides = array<i32>} : memref<256x128xf32, #tpu.memory_space<vmem>>, vector<16xf32>,
        tpu.vector_store %arg10[%swap3A_113, %swap3A_114], %mul3A_112 {strides = array<i32>} : memref<256x128xf32, #tpu.memory_space<vmem>>, vector<16xf32>,
      }
      %scan3A_55 = arith.constant 256 : i32
      "tpu.region"() ({
        %run_scoped3A = tpu.sem_alloc : memref<!tpu.dma_semaphore, #tpu.memory_space<semaphore_mem>>
        %dma_start3A_56 = arith.constant 0 : i32
        %dma_start3A_57 = arith.constant 0 : i32
        %dma_start3A_58 = tpu.memref_slice %arg13[%dma_start3A_56, %dma_start3A_57] : memref<10112x128xf32, #tpu.memory_space<vmem_shared>> -> memref<10112x128xf32, #tpu.memory_space<vmem_shared>>
        tpu.enqueue_indirect_dma source(%arg10 : memref<256x128xf32, #tpu.memory_space<vmem>>) target(%dma_start3A_58 : memref<10112x128xf32, #tpu.memory_space<vmem_shared>>) offsets(%arg9 : memref<256xi32, #tpu.memory_space<vmem>>) semaphore(%run_scoped3A : memref<!tpu.dma_semaphore, #tpu.memory_space<semaphore_mem>>) {add = true}
        %dma_wait3A_59 = arith.constant 0 : i32
        %dma_wait3A_60 = arith.constant 0 : i32
        %dma_wait3A_61 = tpu.memref_slice %arg13[%dma_wait3A_59, %dma_wait3A_60] : memref<10112x128xf32, #tpu.memory_space<vmem_shared>> -> memref<10112x128xf32, #tpu.memory_space<vmem_shared>>
        tpu.wait_indirect_dma semaphore(%run_scoped3A : memref<!tpu.dma_semaphore, #tpu.memory_space<semaphore_mem>>) src(%arg10 : memref<256x128xf32, #tpu.memory_space<vmem>>) dst(%dma_wait3A_61 : memref<10112x128xf32, #tpu.memory_space<vmem_shared>>)
        tpu.yield
      }) : () -> ()
    }
    %scan3A_16 = arith.constant 80 : i32
    %barrier3A_17 = arith.constant 0 : index
    tpu.barrier barrier_id(%barrier3A_17)
    %mul3A_18 = arith.constant 10112 : i32
    %mul3A_19 = arith.muli %arg0, %mul3A_18 : i32
    %add3A_20 = arith.addi %mul3A_19, %mul3A_0 : i32
    "tpu.region"() ({
      %run_scoped3A = tpu.sem_alloc : memref<!tpu.dma_semaphore, #tpu.memory_space<semaphore_mem>>
      %dma_start3A = arith.constant 0 : i32
      %dma_start3A_21 = tpu.memref_slice %arg7[%add3A_20, %dma_start3A] : memref<20224x128xf32, #tpu.memory_space<hbm>> -> memref<632x128xf32, #tpu.memory_space<hbm>>
      %dma_start3A_22 = arith.constant 0 : i32
      %dma_start3A_23 = tpu.memref_slice %arg13[%mul3A_0, %dma_start3A_22] : memref<10112x128xf32, #tpu.memory_space<vmem_shared>> -> memref<632x128xf32, #tpu.memory_space<vmem_shared>>
      tpu.enqueue_dma source(%dma_start3A_23 : memref<632x128xf32, #tpu.memory_space<vmem_shared>>) target(%dma_start3A_21 : memref<632x128xf32, #tpu.memory_space<hbm>>) target_semaphore(%run_scoped3A : memref<!tpu.dma_semaphore, #tpu.memory_space<semaphore_mem>>)
      %dma_wait3A = arith.constant 0 : i32
      %dma_wait3A_24 = tpu.memref_slice %arg7[%add3A_20, %dma_wait3A] : memref<20224x128xf32, #tpu.memory_space<hbm>> -> memref<632x128xf32, #tpu.memory_space<hbm>>
      %dma_wait3A_25 = arith.constant 0 : i32
      %dma_wait3A_26 = tpu.memref_slice %arg13[%mul3A_0, %dma_wait3A_25] : memref<10112x128xf32, #tpu.memory_space<vmem_shared>> -> memref<632x128xf32, #tpu.memory_space<vmem_shared>>
      tpu.wait_dma2 semaphore(%run_scoped3A : memref<!tpu.dma_semaphore, #tpu.memory_space<semaphore_mem>>) src(%dma_wait3A_26 : memref<632x128xf32, #tpu.memory_space<vmem_shared>>) dst(%dma_wait3A_24 : memref<632x128xf32, #tpu.memory_space<hbm>>)
      tpu.yield
    }) : () -> ()
    return
  }
}

#map = affine_map<(d0, d1) -> (0)>
module attributes {stable_mosaic.version = 14 : i64} {
  func.func @k(%arg0: i32, %arg1: i32, %arg2: memref<80896xf32, #tpu.memory_space<hbm>>, %arg3: memref<327680xi32, #tpu.memory_space<hbm>>, %arg4: memref<327680xi32, #tpu.memory_space<hbm>>, %arg5: memref<1310720xf32, #tpu.memory_space<hbm>>, %arg6: memref<647168xf32, #tpu.memory_space<hbm>>, %arg7: memref<10112xf32, #tpu.memory_space<vmem>>, %arg8: memref<10112xf32, #tpu.memory_space<vmem>>, %arg9: memref<10112xf32, #tpu.memory_space<vmem>>, %arg10: memref<10112xf32, #tpu.memory_space<vmem>>, %arg11: memref<10112xf32, #tpu.memory_space<vmem>>, %arg12: memref<10112xf32, #tpu.memory_space<vmem>>, %arg13: memref<256xi32, #tpu.memory_space<vmem>>, %arg14: memref<256xi32, #tpu.memory_space<vmem>>, %arg15: memref<256xf32, #tpu.memory_space<vmem>>, %arg16: memref<256xf32, #tpu.memory_space<vmem>>, %arg17: memref<16xi32, #tpu.memory_space<vmem>>, %arg18: memref<16xf32, #tpu.memory_space<vmem>>) attributes {dimension_semantics = [#tpu.dimension_semantics<core_parallel>, #tpu.dimension_semantics<subcore_parallel>], iteration_bounds = array<i64: 2, 16>, scalar_prefetch = 0 : i64, scratch_operands = 12 : i64, tpu.core_type = #tpu.core_type<sc_vector_subcore>, window_params = [{transform_indices = #map}, {transform_indices = #map}, {transform_indices = #map}, {transform_indices = #map}, {transform_indices = #map}]} {
    %mul3A = arith.constant 4 : i32
    %mul3A_0 = arith.muli %mul3A, %arg0 : i32
    %mul3A_1 = arith.constant 10112 : i32
    %mul3A_2 = arith.muli %mul3A_0, %mul3A_1 : i32
    "tpu.region"() ({
      %run_scoped3A = tpu.sem_alloc : memref<!tpu.dma_semaphore, #tpu.memory_space<semaphore_mem>>
      %dma_start3A = tpu.memref_slice %arg2[%mul3A_2] : memref<80896xf32, #tpu.memory_space<hbm>> -> memref<10112xf32, #tpu.memory_space<hbm>>
      %dma_start3A_39 = tpu.memref_slice %arg2[%mul3A_2] : memref<80896xf32, #tpu.memory_space<hbm>> -> memref<10112xf32, #tpu.memory_space<hbm>>
      tpu.enqueue_dma source(%dma_start3A_39 : memref<10112xf32, #tpu.memory_space<hbm>>) target(%arg7 : memref<10112xf32, #tpu.memory_space<vmem>>) target_semaphore(%run_scoped3A : memref<!tpu.dma_semaphore, #tpu.memory_space<semaphore_mem>>)
      %dma_wait3A = tpu.memref_slice %arg2[%mul3A_2] : memref<80896xf32, #tpu.memory_space<hbm>> -> memref<10112xf32, #tpu.memory_space<hbm>>
      %dma_wait3A_40 = tpu.memref_slice %arg2[%mul3A_2] : memref<80896xf32, #tpu.memory_space<hbm>> -> memref<10112xf32, #tpu.memory_space<hbm>>
      tpu.wait_dma2 semaphore(%run_scoped3A : memref<!tpu.dma_semaphore, #tpu.memory_space<semaphore_mem>>) src(%dma_wait3A_40 : memref<10112xf32, #tpu.memory_space<hbm>>) dst(%arg7 : memref<10112xf32, #tpu.memory_space<vmem>>)
      tpu.yield
    }) : () -> ()
    %add3A = arith.constant 10112 : i32
    %add3A_3 = arith.addi %mul3A_2, %add3A : i32
    "tpu.region"() ({
      %run_scoped3A = tpu.sem_alloc : memref<!tpu.dma_semaphore, #tpu.memory_space<semaphore_mem>>
      %dma_start3A = tpu.memref_slice %arg2[%add3A_3] : memref<80896xf32, #tpu.memory_space<hbm>> -> memref<10112xf32, #tpu.memory_space<hbm>>
      %dma_start3A_39 = tpu.memref_slice %arg2[%add3A_3] : memref<80896xf32, #tpu.memory_space<hbm>> -> memref<10112xf32, #tpu.memory_space<hbm>>
      tpu.enqueue_dma source(%dma_start3A_39 : memref<10112xf32, #tpu.memory_space<hbm>>) target(%arg8 : memref<10112xf32, #tpu.memory_space<vmem>>) target_semaphore(%run_scoped3A : memref<!tpu.dma_semaphore, #tpu.memory_space<semaphore_mem>>)
      %dma_wait3A = tpu.memref_slice %arg2[%add3A_3] : memref<80896xf32, #tpu.memory_space<hbm>> -> memref<10112xf32, #tpu.memory_space<hbm>>
      %dma_wait3A_40 = tpu.memref_slice %arg2[%add3A_3] : memref<80896xf32, #tpu.memory_space<hbm>> -> memref<10112xf32, #tpu.memory_space<hbm>>
      tpu.wait_dma2 semaphore(%run_scoped3A : memref<!tpu.dma_semaphore, #tpu.memory_space<semaphore_mem>>) src(%dma_wait3A_40 : memref<10112xf32, #tpu.memory_space<hbm>>) dst(%arg8 : memref<10112xf32, #tpu.memory_space<vmem>>)
      tpu.yield
    }) : () -> ()
    %add3A_4 = arith.constant 20224 : i32
    %add3A_5 = arith.addi %mul3A_2, %add3A_4 : i32
    "tpu.region"() ({
      %run_scoped3A = tpu.sem_alloc : memref<!tpu.dma_semaphore, #tpu.memory_space<semaphore_mem>>
      %dma_start3A = tpu.memref_slice %arg2[%add3A_5] : memref<80896xf32, #tpu.memory_space<hbm>> -> memref<10112xf32, #tpu.memory_space<hbm>>
      %dma_start3A_39 = tpu.memref_slice %arg2[%add3A_5] : memref<80896xf32, #tpu.memory_space<hbm>> -> memref<10112xf32, #tpu.memory_space<hbm>>
      tpu.enqueue_dma source(%dma_start3A_39 : memref<10112xf32, #tpu.memory_space<hbm>>) target(%arg9 : memref<10112xf32, #tpu.memory_space<vmem>>) target_semaphore(%run_scoped3A : memref<!tpu.dma_semaphore, #tpu.memory_space<semaphore_mem>>)
      %dma_wait3A = tpu.memref_slice %arg2[%add3A_5] : memref<80896xf32, #tpu.memory_space<hbm>> -> memref<10112xf32, #tpu.memory_space<hbm>>
      %dma_wait3A_40 = tpu.memref_slice %arg2[%add3A_5] : memref<80896xf32, #tpu.memory_space<hbm>> -> memref<10112xf32, #tpu.memory_space<hbm>>
      tpu.wait_dma2 semaphore(%run_scoped3A : memref<!tpu.dma_semaphore, #tpu.memory_space<semaphore_mem>>) src(%dma_wait3A_40 : memref<10112xf32, #tpu.memory_space<hbm>>) dst(%arg9 : memref<10112xf32, #tpu.memory_space<vmem>>)
      tpu.yield
    }) : () -> ()
    %add3A_6 = arith.constant 30336 : i32
    %add3A_7 = arith.addi %mul3A_2, %add3A_6 : i32
    "tpu.region"() ({
      %run_scoped3A = tpu.sem_alloc : memref<!tpu.dma_semaphore, #tpu.memory_space<semaphore_mem>>
      %dma_start3A = tpu.memref_slice %arg2[%add3A_7] : memref<80896xf32, #tpu.memory_space<hbm>> -> memref<10112xf32, #tpu.memory_space<hbm>>
      %dma_start3A_39 = tpu.memref_slice %arg2[%add3A_7] : memref<80896xf32, #tpu.memory_space<hbm>> -> memref<10112xf32, #tpu.memory_space<hbm>>
      tpu.enqueue_dma source(%dma_start3A_39 : memref<10112xf32, #tpu.memory_space<hbm>>) target(%arg10 : memref<10112xf32, #tpu.memory_space<vmem>>) target_semaphore(%run_scoped3A : memref<!tpu.dma_semaphore, #tpu.memory_space<semaphore_mem>>)
      %dma_wait3A = tpu.memref_slice %arg2[%add3A_7] : memref<80896xf32, #tpu.memory_space<hbm>> -> memref<10112xf32, #tpu.memory_space<hbm>>
      %dma_wait3A_40 = tpu.memref_slice %arg2[%add3A_7] : memref<80896xf32, #tpu.memory_space<hbm>> -> memref<10112xf32, #tpu.memory_space<hbm>>
      tpu.wait_dma2 semaphore(%run_scoped3A : memref<!tpu.dma_semaphore, #tpu.memory_space<semaphore_mem>>) src(%dma_wait3A_40 : memref<10112xf32, #tpu.memory_space<hbm>>) dst(%arg10 : memref<10112xf32, #tpu.memory_space<vmem>>)
      tpu.yield
    }) : () -> ()
    %broadcast_in_dim3A = arith.constant 0.000000e+00 : f32
    %broadcast_in_dim3A_8 = vector.broadcast %broadcast_in_dim3A : f32 to vector<16xf32>
    %scan3A = arith.constant 0 : i32
    %scan3A_9 = arith.constant 632 : i32
    %scan3A_10 = arith.addi %scan3A, %scan3A_9 : i32
    %scan3A_11 = arith.constant 1 : i32
    scf.for %scan3A_39 = %scan3A to %scan3A_10 step %scan3A_11  : i32 {
      %mul3A_40 = arith.constant 1 : i32
      %mul3A_41 = arith.muli %scan3A_39, %mul3A_40 : i32
      %add3A_42 = arith.constant 0 : i32
      %add3A_43 = arith.addi %add3A_42, %mul3A_41 : i32
      %mul3A_44 = arith.constant 16 : i32
      %mul3A_45 = arith.muli %add3A_43, %mul3A_44 : i32
      %swap3A = arith.index_cast %mul3A_45 : i32 to index
      %swap3A_46 = tpu.vector_load %arg11[%swap3A] {strides = array<i32>} : memref<10112xf32, #tpu.memory_space<vmem>>, vector<16xf32>,
      tpu.vector_store %arg11[%swap3A], %broadcast_in_dim3A_8 {strides = array<i32>} : memref<10112xf32, #tpu.memory_space<vmem>>, vector<16xf32>,
      %mul3A_47 = arith.constant 16 : i32
      %mul3A_48 = arith.muli %add3A_43, %mul3A_47 : i32
      %swap3A_49 = arith.index_cast %mul3A_48 : i32 to index
      %swap3A_50 = tpu.vector_load %arg12[%swap3A_49] {strides = array<i32>} : memref<10112xf32, #tpu.memory_space<vmem>>, vector<16xf32>,
      tpu.vector_store %arg12[%swap3A_49], %broadcast_in_dim3A_8 {strides = array<i32>} : memref<10112xf32, #tpu.memory_space<vmem>>, vector<16xf32>,
    }
    %scan3A_12 = arith.constant 632 : i32
    %mul3A_13 = arith.constant 80 : i32
    %mul3A_14 = arith.muli %arg1, %mul3A_13 : i32
    %mul3A_15 = arith.constant 256 : i32
    %mul3A_16 = arith.muli %mul3A_14, %mul3A_15 : i32
    %mul3A_17 = arith.constant 2 : i32
    %mul3A_18 = arith.muli %mul3A_17, %arg0 : i32
    %mul3A_19 = arith.constant 327680 : i32
    %mul3A_20 = arith.muli %mul3A_18, %mul3A_19 : i32
    %iota3A = tpu.iota {dimensions = array<i32: 0>} : vector<16xi32>
    %scan3A_21 = arith.constant 0 : i32
    %scan3A_22 = arith.constant 80 : i32
    %scan3A_23 = arith.addi %scan3A_21, %scan3A_22 : i32
    %scan3A_24 = arith.constant 1 : i32
    scf.for %scan3A_39 = %scan3A_21 to %scan3A_23 step %scan3A_24  : i32 {
      %mul3A_40 = arith.constant 1 : i32
      %mul3A_41 = arith.muli %scan3A_39, %mul3A_40 : i32
      %add3A_42 = arith.constant 0 : i32
      %add3A_43 = arith.addi %add3A_42, %mul3A_41 : i32
      %mul3A_44 = arith.constant 256 : i32
      %mul3A_45 = arith.muli %add3A_43, %mul3A_44 : i32
      %add3A_46 = arith.addi %mul3A_16, %mul3A_45 : i32
      "tpu.region"() ({
        %run_scoped3A = tpu.sem_alloc : memref<!tpu.dma_semaphore, #tpu.memory_space<semaphore_mem>>
        %dma_start3A = tpu.memref_slice %arg3[%add3A_46] : memref<327680xi32, #tpu.memory_space<hbm>> -> memref<256xi32, #tpu.memory_space<hbm>>
        %dma_start3A_65 = tpu.memref_slice %arg3[%add3A_46] : memref<327680xi32, #tpu.memory_space<hbm>> -> memref<256xi32, #tpu.memory_space<hbm>>
        tpu.enqueue_dma source(%dma_start3A_65 : memref<256xi32, #tpu.memory_space<hbm>>) target(%arg13 : memref<256xi32, #tpu.memory_space<vmem>>) target_semaphore(%run_scoped3A : memref<!tpu.dma_semaphore, #tpu.memory_space<semaphore_mem>>)
        %dma_wait3A = tpu.memref_slice %arg3[%add3A_46] : memref<327680xi32, #tpu.memory_space<hbm>> -> memref<256xi32, #tpu.memory_space<hbm>>
        %dma_wait3A_66 = tpu.memref_slice %arg3[%add3A_46] : memref<327680xi32, #tpu.memory_space<hbm>> -> memref<256xi32, #tpu.memory_space<hbm>>
        tpu.wait_dma2 semaphore(%run_scoped3A : memref<!tpu.dma_semaphore, #tpu.memory_space<semaphore_mem>>) src(%dma_wait3A_66 : memref<256xi32, #tpu.memory_space<hbm>>) dst(%arg13 : memref<256xi32, #tpu.memory_space<vmem>>)
        tpu.yield
      }) : () -> ()
      %mul3A_47 = arith.constant 256 : i32
      %mul3A_48 = arith.muli %add3A_43, %mul3A_47 : i32
      %add3A_49 = arith.addi %mul3A_16, %mul3A_48 : i32
      "tpu.region"() ({
        %run_scoped3A = tpu.sem_alloc : memref<!tpu.dma_semaphore, #tpu.memory_space<semaphore_mem>>
        %dma_start3A = tpu.memref_slice %arg4[%add3A_49] : memref<327680xi32, #tpu.memory_space<hbm>> -> memref<256xi32, #tpu.memory_space<hbm>>
        %dma_start3A_65 = tpu.memref_slice %arg4[%add3A_49] : memref<327680xi32, #tpu.memory_space<hbm>> -> memref<256xi32, #tpu.memory_space<hbm>>
        tpu.enqueue_dma source(%dma_start3A_65 : memref<256xi32, #tpu.memory_space<hbm>>) target(%arg14 : memref<256xi32, #tpu.memory_space<vmem>>) target_semaphore(%run_scoped3A : memref<!tpu.dma_semaphore, #tpu.memory_space<semaphore_mem>>)
        %dma_wait3A = tpu.memref_slice %arg4[%add3A_49] : memref<327680xi32, #tpu.memory_space<hbm>> -> memref<256xi32, #tpu.memory_space<hbm>>
        %dma_wait3A_66 = tpu.memref_slice %arg4[%add3A_49] : memref<327680xi32, #tpu.memory_space<hbm>> -> memref<256xi32, #tpu.memory_space<hbm>>
        tpu.wait_dma2 semaphore(%run_scoped3A : memref<!tpu.dma_semaphore, #tpu.memory_space<semaphore_mem>>) src(%dma_wait3A_66 : memref<256xi32, #tpu.memory_space<hbm>>) dst(%arg14 : memref<256xi32, #tpu.memory_space<vmem>>)
        tpu.yield
      }) : () -> ()
      %scan3A_50 = arith.constant 0 : i32
      %scan3A_51 = arith.constant 16 : i32
      %scan3A_52 = arith.addi %scan3A_50, %scan3A_51 : i32
      %scan3A_53 = arith.constant 1 : i32
      scf.for %scan3A_65 = %scan3A_50 to %scan3A_52 step %scan3A_53  : i32 {
        %mul3A_66 = arith.constant 1 : i32
        %mul3A_67 = arith.muli %scan3A_65, %mul3A_66 : i32
        %add3A_68 = arith.constant 0 : i32
        %add3A_69 = arith.addi %add3A_68, %mul3A_67 : i32
        %mul3A_70 = arith.constant 16 : i32
        %mul3A_71 = arith.muli %add3A_69, %mul3A_70 : i32
        %get3A = arith.index_cast %mul3A_71 : i32 to index
        %get3A_72 = tpu.vector_load %arg13[%get3A] {strides = array<i32>} : memref<256xi32, #tpu.memory_space<vmem>>, vector<16xi32>,
        %mul3A_73 = arith.constant 16 : i32
        %mul3A_74 = arith.muli %add3A_69, %mul3A_73 : i32
        %get3A_75 = arith.index_cast %mul3A_74 : i32 to index
        %get3A_76 = tpu.vector_load %arg14[%get3A_75] {strides = array<i32>} : memref<256xi32, #tpu.memory_space<vmem>>, vector<16xi32>,
        %gather3A = tpu.vector_load_idx %arg7[%get3A_72] : memref<10112xf32, #tpu.memory_space<vmem>>[vector<16xi32>], vector<16xf32>,
        %gather3A_77 = tpu.vector_load_idx %arg9[%get3A_76] : memref<10112xf32, #tpu.memory_space<vmem>>[vector<16xi32>], vector<16xf32>,
        %add3A_78 = arith.addf %gather3A, %gather3A_77 : vector<16xf32>
        %gather3A_79 = tpu.vector_load_idx %arg8[%get3A_72] : memref<10112xf32, #tpu.memory_space<vmem>>[vector<16xi32>], vector<16xf32>,
        %gather3A_80 = tpu.vector_load_idx %arg10[%get3A_76] : memref<10112xf32, #tpu.memory_space<vmem>>[vector<16xi32>], vector<16xf32>,
        %add3A_81 = arith.addf %gather3A_79, %gather3A_80 : vector<16xf32>
        %gt3A = arith.constant 0.000000e+00 : f32
        %gt3A_82 = vector.broadcast %gt3A : f32 to vector<16xf32>
        %gt3A_83 = arith.cmpf ogt, %add3A_78, %gt3A_82 : vector<16xf32>
        %mul3A_84 = arith.constant 2.000000e-01 : f32
        %mul3A_85 = vector.broadcast %mul3A_84 : f32 to vector<16xf32>
        %mul3A_86 = arith.mulf %mul3A_85, %add3A_78 : vector<16xf32>
        %select_n3A = arith.select %gt3A_83, %add3A_78, %mul3A_86 : vector<16xi1>, vector<16xf32>
        %gt3A_87 = arith.constant 0.000000e+00 : f32
        %gt3A_88 = vector.broadcast %gt3A_87 : f32 to vector<16xf32>
        %gt3A_89 = arith.cmpf ogt, %add3A_81, %gt3A_88 : vector<16xf32>
        %mul3A_90 = arith.constant 2.000000e-01 : f32
        %mul3A_91 = vector.broadcast %mul3A_90 : f32 to vector<16xf32>
        %mul3A_92 = arith.mulf %mul3A_91, %add3A_81 : vector<16xf32>
        %select_n3A_93 = arith.select %gt3A_89, %add3A_81, %mul3A_92 : vector<16xi1>, vector<16xf32>
        %exp3A = math.exp %select_n3A : vector<16xf32>
        %exp3A_94 = math.exp %select_n3A_93 : vector<16xf32>
        %mul3A_95 = arith.constant 16 : i32
        %mul3A_96 = arith.muli %add3A_69, %mul3A_95 : i32
        %swap3A = arith.index_cast %mul3A_96 : i32 to index
        %swap3A_97 = tpu.vector_load %arg15[%swap3A] {strides = array<i32>} : memref<256xf32, #tpu.memory_space<vmem>>, vector<16xf32>,
        tpu.vector_store %arg15[%swap3A], %exp3A {strides = array<i32>} : memref<256xf32, #tpu.memory_space<vmem>>, vector<16xf32>,
        %mul3A_98 = arith.constant 16 : i32
        %mul3A_99 = arith.muli %add3A_69, %mul3A_98 : i32
        %swap3A_100 = arith.index_cast %mul3A_99 : i32 to index
        %swap3A_101 = tpu.vector_load %arg16[%swap3A_100] {strides = array<i32>} : memref<256xf32, #tpu.memory_space<vmem>>, vector<16xf32>,
        tpu.vector_store %arg16[%swap3A_100], %exp3A_94 {strides = array<i32>} : memref<256xf32, #tpu.memory_space<vmem>>, vector<16xf32>,
        %masked_sort3A = arith.constant dense<true> : vector<16xi1>
        %masked_sort3A_102 = arith.constant -2147483648 : i32
        %masked_sort3A_103 = vector.broadcast %masked_sort3A_102 : i32 to vector<16xi32>
        %masked_sort3A_104 = arith.xori %get3A_76, %masked_sort3A_103 : vector<16xi32>
        %masked_sort3A_105, %masked_sort3A_106, %masked_sort3A_107 = tpu.sort %masked_sort3A_104, %exp3A masked %masked_sort3A : (vector<16xi32>, vector<16xf32>, vector<16xi1>) -> (vector<16xi1>, vector<16xi32>, vector<16xf32>)
        %masked_sort3A_108 = arith.xori %masked_sort3A_106, %masked_sort3A_103 : vector<16xi32>
        %swap3A_109 = arith.constant 0 : index
        %swap3A_110 = tpu.vector_load %arg17[%swap3A_109] {strides = array<i32>} : memref<16xi32, #tpu.memory_space<vmem>>, vector<16xi32>,
        tpu.vector_store %arg17[%swap3A_109], %masked_sort3A_108 {strides = array<i32>} : memref<16xi32, #tpu.memory_space<vmem>>, vector<16xi32>,
        %swap3A_111 = arith.constant 0 : index
        %swap3A_112 = tpu.vector_load %arg18[%swap3A_111] {strides = array<i32>} : memref<16xf32, #tpu.memory_space<vmem>>, vector<16xf32>,
        tpu.vector_store %arg18[%swap3A_111], %masked_sort3A_107 {strides = array<i32>} : memref<16xf32, #tpu.memory_space<vmem>>, vector<16xf32>,
        %sub3A = arith.constant 1 : i32
        %sub3A_113 = vector.broadcast %sub3A : i32 to vector<16xi32>
        %sub3A_114 = arith.subi %iota3A, %sub3A_113 : vector<16xi32>
        %max3A = arith.constant 0 : i32
        %max3A_115 = vector.broadcast %max3A : i32 to vector<16xi32>
        %max3A_116 = arith.maxsi %sub3A_114, %max3A_115 : vector<16xi32>
        %ge3A = arith.constant 1 : i32
        %ge3A_117 = vector.broadcast %ge3A : i32 to vector<16xi32>
        %ge3A_118 = arith.cmpi sge, %iota3A, %ge3A_117 : vector<16xi32>
        %gather3A_119 = tpu.vector_load_idx %arg17[%max3A_116] : memref<16xi32, #tpu.memory_space<vmem>>[vector<16xi32>], vector<16xi32>,
        %broadcast_in_dim3A_120 = arith.constant -1 : i32
        %broadcast_in_dim3A_121 = vector.broadcast %broadcast_in_dim3A_120 : i32 to vector<16xi32>
        %select_n3A_122 = arith.select %ge3A_118, %gather3A_119, %broadcast_in_dim3A_121 : vector<16xi1>, vector<16xi32>
        %ge3A_123 = arith.constant 1 : i32
        %ge3A_124 = vector.broadcast %ge3A_123 : i32 to vector<16xi32>
        %ge3A_125 = arith.cmpi sge, %iota3A, %ge3A_124 : vector<16xi32>
        %gather3A_126 = tpu.vector_load_idx %arg18[%max3A_116] : memref<16xf32, #tpu.memory_space<vmem>>[vector<16xi32>], vector<16xf32>,
        %select_n3A_127 = arith.select %ge3A_125, %gather3A_126, %broadcast_in_dim3A_8 : vector<16xi1>, vector<16xf32>
        %eq3A = arith.cmpi eq, %masked_sort3A_108, %select_n3A_122 : vector<16xi32>
        %select_n3A_128 = arith.select %eq3A, %select_n3A_127, %broadcast_in_dim3A_8 : vector<16xi1>, vector<16xf32>
        %add3A_129 = arith.addf %masked_sort3A_107, %select_n3A_128 : vector<16xf32>
        %swap3A_130 = arith.constant 0 : index
        %swap3A_131 = tpu.vector_load %arg18[%swap3A_130] {strides = array<i32>} : memref<16xf32, #tpu.memory_space<vmem>>, vector<16xf32>,
        tpu.vector_store %arg18[%swap3A_130], %add3A_129 {strides = array<i32>} : memref<16xf32, #tpu.memory_space<vmem>>, vector<16xf32>,
        %sub3A_132 = arith.constant 2 : i32
        %sub3A_133 = vector.broadcast %sub3A_132 : i32 to vector<16xi32>
        %sub3A_134 = arith.subi %iota3A, %sub3A_133 : vector<16xi32>
        %max3A_135 = arith.constant 0 : i32
        %max3A_136 = vector.broadcast %max3A_135 : i32 to vector<16xi32>
        %max3A_137 = arith.maxsi %sub3A_134, %max3A_136 : vector<16xi32>
        %ge3A_138 = arith.constant 2 : i32
        %ge3A_139 = vector.broadcast %ge3A_138 : i32 to vector<16xi32>
        %ge3A_140 = arith.cmpi sge, %iota3A, %ge3A_139 : vector<16xi32>
        %gather3A_141 = tpu.vector_load_idx %arg17[%max3A_137] : memref<16xi32, #tpu.memory_space<vmem>>[vector<16xi32>], vector<16xi32>,
        %broadcast_in_dim3A_142 = arith.constant -1 : i32
        %broadcast_in_dim3A_143 = vector.broadcast %broadcast_in_dim3A_142 : i32 to vector<16xi32>
        %select_n3A_144 = arith.select %ge3A_140, %gather3A_141, %broadcast_in_dim3A_143 : vector<16xi1>, vector<16xi32>
        %ge3A_145 = arith.constant 2 : i32
        %ge3A_146 = vector.broadcast %ge3A_145 : i32 to vector<16xi32>
        %ge3A_147 = arith.cmpi sge, %iota3A, %ge3A_146 : vector<16xi32>
        %gather3A_148 = tpu.vector_load_idx %arg18[%max3A_137] : memref<16xf32, #tpu.memory_space<vmem>>[vector<16xi32>], vector<16xf32>,
        %select_n3A_149 = arith.select %ge3A_147, %gather3A_148, %broadcast_in_dim3A_8 : vector<16xi1>, vector<16xf32>
        %eq3A_150 = arith.cmpi eq, %masked_sort3A_108, %select_n3A_144 : vector<16xi32>
        %select_n3A_151 = arith.select %eq3A_150, %select_n3A_149, %broadcast_in_dim3A_8 : vector<16xi1>, vector<16xf32>
        %add3A_152 = arith.addf %add3A_129, %select_n3A_151 : vector<16xf32>
        %swap3A_153 = arith.constant 0 : index
        %swap3A_154 = tpu.vector_load %arg18[%swap3A_153] {strides = array<i32>} : memref<16xf32, #tpu.memory_space<vmem>>, vector<16xf32>,
        tpu.vector_store %arg18[%swap3A_153], %add3A_152 {strides = array<i32>} : memref<16xf32, #tpu.memory_space<vmem>>, vector<16xf32>,
        %sub3A_155 = arith.constant 4 : i32
        %sub3A_156 = vector.broadcast %sub3A_155 : i32 to vector<16xi32>
        %sub3A_157 = arith.subi %iota3A, %sub3A_156 : vector<16xi32>
        %max3A_158 = arith.constant 0 : i32
        %max3A_159 = vector.broadcast %max3A_158 : i32 to vector<16xi32>
        %max3A_160 = arith.maxsi %sub3A_157, %max3A_159 : vector<16xi32>
        %ge3A_161 = arith.constant 4 : i32
        %ge3A_162 = vector.broadcast %ge3A_161 : i32 to vector<16xi32>
        %ge3A_163 = arith.cmpi sge, %iota3A, %ge3A_162 : vector<16xi32>
        %gather3A_164 = tpu.vector_load_idx %arg17[%max3A_160] : memref<16xi32, #tpu.memory_space<vmem>>[vector<16xi32>], vector<16xi32>,
        %broadcast_in_dim3A_165 = arith.constant -1 : i32
        %broadcast_in_dim3A_166 = vector.broadcast %broadcast_in_dim3A_165 : i32 to vector<16xi32>
        %select_n3A_167 = arith.select %ge3A_163, %gather3A_164, %broadcast_in_dim3A_166 : vector<16xi1>, vector<16xi32>
        %ge3A_168 = arith.constant 4 : i32
        %ge3A_169 = vector.broadcast %ge3A_168 : i32 to vector<16xi32>
        %ge3A_170 = arith.cmpi sge, %iota3A, %ge3A_169 : vector<16xi32>
        %gather3A_171 = tpu.vector_load_idx %arg18[%max3A_160] : memref<16xf32, #tpu.memory_space<vmem>>[vector<16xi32>], vector<16xf32>,
        %select_n3A_172 = arith.select %ge3A_170, %gather3A_171, %broadcast_in_dim3A_8 : vector<16xi1>, vector<16xf32>
        %eq3A_173 = arith.cmpi eq, %masked_sort3A_108, %select_n3A_167 : vector<16xi32>
        %select_n3A_174 = arith.select %eq3A_173, %select_n3A_172, %broadcast_in_dim3A_8 : vector<16xi1>, vector<16xf32>
        %add3A_175 = arith.addf %add3A_152, %select_n3A_174 : vector<16xf32>
        %swap3A_176 = arith.constant 0 : index
        %swap3A_177 = tpu.vector_load %arg18[%swap3A_176] {strides = array<i32>} : memref<16xf32, #tpu.memory_space<vmem>>, vector<16xf32>,
        tpu.vector_store %arg18[%swap3A_176], %add3A_175 {strides = array<i32>} : memref<16xf32, #tpu.memory_space<vmem>>, vector<16xf32>,
        %sub3A_178 = arith.constant 8 : i32
        %sub3A_179 = vector.broadcast %sub3A_178 : i32 to vector<16xi32>
        %sub3A_180 = arith.subi %iota3A, %sub3A_179 : vector<16xi32>
        %max3A_181 = arith.constant 0 : i32
        %max3A_182 = vector.broadcast %max3A_181 : i32 to vector<16xi32>
        %max3A_183 = arith.maxsi %sub3A_180, %max3A_182 : vector<16xi32>
        %ge3A_184 = arith.constant 8 : i32
        %ge3A_185 = vector.broadcast %ge3A_184 : i32 to vector<16xi32>
        %ge3A_186 = arith.cmpi sge, %iota3A, %ge3A_185 : vector<16xi32>
        %gather3A_187 = tpu.vector_load_idx %arg17[%max3A_183] : memref<16xi32, #tpu.memory_space<vmem>>[vector<16xi32>], vector<16xi32>,
        %broadcast_in_dim3A_188 = arith.constant -1 : i32
        %broadcast_in_dim3A_189 = vector.broadcast %broadcast_in_dim3A_188 : i32 to vector<16xi32>
        %select_n3A_190 = arith.select %ge3A_186, %gather3A_187, %broadcast_in_dim3A_189 : vector<16xi1>, vector<16xi32>
        %ge3A_191 = arith.constant 8 : i32
        %ge3A_192 = vector.broadcast %ge3A_191 : i32 to vector<16xi32>
        %ge3A_193 = arith.cmpi sge, %iota3A, %ge3A_192 : vector<16xi32>
        %gather3A_194 = tpu.vector_load_idx %arg18[%max3A_183] : memref<16xf32, #tpu.memory_space<vmem>>[vector<16xi32>], vector<16xf32>,
        %select_n3A_195 = arith.select %ge3A_193, %gather3A_194, %broadcast_in_dim3A_8 : vector<16xi1>, vector<16xf32>
        %eq3A_196 = arith.cmpi eq, %masked_sort3A_108, %select_n3A_190 : vector<16xi32>
        %select_n3A_197 = arith.select %eq3A_196, %select_n3A_195, %broadcast_in_dim3A_8 : vector<16xi1>, vector<16xf32>
        %add3A_198 = arith.addf %add3A_175, %select_n3A_197 : vector<16xf32>
        %swap3A_199 = arith.constant 0 : index
        %swap3A_200 = tpu.vector_load %arg18[%swap3A_199] {strides = array<i32>} : memref<16xf32, #tpu.memory_space<vmem>>, vector<16xf32>,
        tpu.vector_store %arg18[%swap3A_199], %add3A_198 {strides = array<i32>} : memref<16xf32, #tpu.memory_space<vmem>>, vector<16xf32>,
        %add3A_201 = arith.constant 1 : i32
        %add3A_202 = vector.broadcast %add3A_201 : i32 to vector<16xi32>
        %add3A_203 = arith.addi %iota3A, %add3A_202 : vector<16xi32>
        %min3A = arith.constant 15 : i32
        %min3A_204 = vector.broadcast %min3A : i32 to vector<16xi32>
        %min3A_205 = arith.minsi %add3A_203, %min3A_204 : vector<16xi32>
        %gather3A_206 = tpu.vector_load_idx %arg17[%min3A_205] : memref<16xi32, #tpu.memory_space<vmem>>[vector<16xi32>], vector<16xi32>,
        %ne3A = arith.cmpi ne, %masked_sort3A_108, %gather3A_206 : vector<16xi32>
        %eq3A_207 = arith.constant 15 : i32
        %eq3A_208 = vector.broadcast %eq3A_207 : i32 to vector<16xi32>
        %eq3A_209 = arith.cmpi eq, %iota3A, %eq3A_208 : vector<16xi32>
        %or3A = arith.ori %ne3A, %eq3A_209 : vector<16xi1>
        tpu.vector_store_idx %arg11[%masked_sort3A_108], %add3A_198 masked %or3A {add = true} : memref<10112xf32, #tpu.memory_space<vmem>>[vector<16xi32>], vector<16xf32>, vector<16xi1>
        %masked_sort3A_210 = arith.constant dense<true> : vector<16xi1>
        %masked_sort3A_211 = arith.constant -2147483648 : i32
        %masked_sort3A_212 = vector.broadcast %masked_sort3A_211 : i32 to vector<16xi32>
        %masked_sort3A_213 = arith.xori %get3A_76, %masked_sort3A_212 : vector<16xi32>
        %masked_sort3A_214, %masked_sort3A_215, %masked_sort3A_216 = tpu.sort %masked_sort3A_213, %exp3A_94 masked %masked_sort3A_210 : (vector<16xi32>, vector<16xf32>, vector<16xi1>) -> (vector<16xi1>, vector<16xi32>, vector<16xf32>)
        %masked_sort3A_217 = arith.xori %masked_sort3A_215, %masked_sort3A_212 : vector<16xi32>
        %swap3A_218 = arith.constant 0 : index
        %swap3A_219 = tpu.vector_load %arg17[%swap3A_218] {strides = array<i32>} : memref<16xi32, #tpu.memory_space<vmem>>, vector<16xi32>,
        tpu.vector_store %arg17[%swap3A_218], %masked_sort3A_217 {strides = array<i32>} : memref<16xi32, #tpu.memory_space<vmem>>, vector<16xi32>,
        %swap3A_220 = arith.constant 0 : index
        %swap3A_221 = tpu.vector_load %arg18[%swap3A_220] {strides = array<i32>} : memref<16xf32, #tpu.memory_space<vmem>>, vector<16xf32>,
        tpu.vector_store %arg18[%swap3A_220], %masked_sort3A_216 {strides = array<i32>} : memref<16xf32, #tpu.memory_space<vmem>>, vector<16xf32>,
        %sub3A_222 = arith.constant 1 : i32
        %sub3A_223 = vector.broadcast %sub3A_222 : i32 to vector<16xi32>
        %sub3A_224 = arith.subi %iota3A, %sub3A_223 : vector<16xi32>
        %max3A_225 = arith.constant 0 : i32
        %max3A_226 = vector.broadcast %max3A_225 : i32 to vector<16xi32>
        %max3A_227 = arith.maxsi %sub3A_224, %max3A_226 : vector<16xi32>
        %ge3A_228 = arith.constant 1 : i32
        %ge3A_229 = vector.broadcast %ge3A_228 : i32 to vector<16xi32>
        %ge3A_230 = arith.cmpi sge, %iota3A, %ge3A_229 : vector<16xi32>
        %gather3A_231 = tpu.vector_load_idx %arg17[%max3A_227] : memref<16xi32, #tpu.memory_space<vmem>>[vector<16xi32>], vector<16xi32>,
        %broadcast_in_dim3A_232 = arith.constant -1 : i32
        %broadcast_in_dim3A_233 = vector.broadcast %broadcast_in_dim3A_232 : i32 to vector<16xi32>
        %select_n3A_234 = arith.select %ge3A_230, %gather3A_231, %broadcast_in_dim3A_233 : vector<16xi1>, vector<16xi32>
        %ge3A_235 = arith.constant 1 : i32
        %ge3A_236 = vector.broadcast %ge3A_235 : i32 to vector<16xi32>
        %ge3A_237 = arith.cmpi sge, %iota3A, %ge3A_236 : vector<16xi32>
        %gather3A_238 = tpu.vector_load_idx %arg18[%max3A_227] : memref<16xf32, #tpu.memory_space<vmem>>[vector<16xi32>], vector<16xf32>,
        %select_n3A_239 = arith.select %ge3A_237, %gather3A_238, %broadcast_in_dim3A_8 : vector<16xi1>, vector<16xf32>
        %eq3A_240 = arith.cmpi eq, %masked_sort3A_217, %select_n3A_234 : vector<16xi32>
        %select_n3A_241 = arith.select %eq3A_240, %select_n3A_239, %broadcast_in_dim3A_8 : vector<16xi1>, vector<16xf32>
        %add3A_242 = arith.addf %masked_sort3A_216, %select_n3A_241 : vector<16xf32>
        %swap3A_243 = arith.constant 0 : index
        %swap3A_244 = tpu.vector_load %arg18[%swap3A_243] {strides = array<i32>} : memref<16xf32, #tpu.memory_space<vmem>>, vector<16xf32>,
        tpu.vector_store %arg18[%swap3A_243], %add3A_242 {strides = array<i32>} : memref<16xf32, #tpu.memory_space<vmem>>, vector<16xf32>,
        %sub3A_245 = arith.constant 2 : i32
        %sub3A_246 = vector.broadcast %sub3A_245 : i32 to vector<16xi32>
        %sub3A_247 = arith.subi %iota3A, %sub3A_246 : vector<16xi32>
        %max3A_248 = arith.constant 0 : i32
        %max3A_249 = vector.broadcast %max3A_248 : i32 to vector<16xi32>
        %max3A_250 = arith.maxsi %sub3A_247, %max3A_249 : vector<16xi32>
        %ge3A_251 = arith.constant 2 : i32
        %ge3A_252 = vector.broadcast %ge3A_251 : i32 to vector<16xi32>
        %ge3A_253 = arith.cmpi sge, %iota3A, %ge3A_252 : vector<16xi32>
        %gather3A_254 = tpu.vector_load_idx %arg17[%max3A_250] : memref<16xi32, #tpu.memory_space<vmem>>[vector<16xi32>], vector<16xi32>,
        %broadcast_in_dim3A_255 = arith.constant -1 : i32
        %broadcast_in_dim3A_256 = vector.broadcast %broadcast_in_dim3A_255 : i32 to vector<16xi32>
        %select_n3A_257 = arith.select %ge3A_253, %gather3A_254, %broadcast_in_dim3A_256 : vector<16xi1>, vector<16xi32>
        %ge3A_258 = arith.constant 2 : i32
        %ge3A_259 = vector.broadcast %ge3A_258 : i32 to vector<16xi32>
        %ge3A_260 = arith.cmpi sge, %iota3A, %ge3A_259 : vector<16xi32>
        %gather3A_261 = tpu.vector_load_idx %arg18[%max3A_250] : memref<16xf32, #tpu.memory_space<vmem>>[vector<16xi32>], vector<16xf32>,
        %select_n3A_262 = arith.select %ge3A_260, %gather3A_261, %broadcast_in_dim3A_8 : vector<16xi1>, vector<16xf32>
        %eq3A_263 = arith.cmpi eq, %masked_sort3A_217, %select_n3A_257 : vector<16xi32>
        %select_n3A_264 = arith.select %eq3A_263, %select_n3A_262, %broadcast_in_dim3A_8 : vector<16xi1>, vector<16xf32>
        %add3A_265 = arith.addf %add3A_242, %select_n3A_264 : vector<16xf32>
        %swap3A_266 = arith.constant 0 : index
        %swap3A_267 = tpu.vector_load %arg18[%swap3A_266] {strides = array<i32>} : memref<16xf32, #tpu.memory_space<vmem>>, vector<16xf32>,
        tpu.vector_store %arg18[%swap3A_266], %add3A_265 {strides = array<i32>} : memref<16xf32, #tpu.memory_space<vmem>>, vector<16xf32>,
        %sub3A_268 = arith.constant 4 : i32
        %sub3A_269 = vector.broadcast %sub3A_268 : i32 to vector<16xi32>
        %sub3A_270 = arith.subi %iota3A, %sub3A_269 : vector<16xi32>
        %max3A_271 = arith.constant 0 : i32
        %max3A_272 = vector.broadcast %max3A_271 : i32 to vector<16xi32>
        %max3A_273 = arith.maxsi %sub3A_270, %max3A_272 : vector<16xi32>
        %ge3A_274 = arith.constant 4 : i32
        %ge3A_275 = vector.broadcast %ge3A_274 : i32 to vector<16xi32>
        %ge3A_276 = arith.cmpi sge, %iota3A, %ge3A_275 : vector<16xi32>
        %gather3A_277 = tpu.vector_load_idx %arg17[%max3A_273] : memref<16xi32, #tpu.memory_space<vmem>>[vector<16xi32>], vector<16xi32>,
        %broadcast_in_dim3A_278 = arith.constant -1 : i32
        %broadcast_in_dim3A_279 = vector.broadcast %broadcast_in_dim3A_278 : i32 to vector<16xi32>
        %select_n3A_280 = arith.select %ge3A_276, %gather3A_277, %broadcast_in_dim3A_279 : vector<16xi1>, vector<16xi32>
        %ge3A_281 = arith.constant 4 : i32
        %ge3A_282 = vector.broadcast %ge3A_281 : i32 to vector<16xi32>
        %ge3A_283 = arith.cmpi sge, %iota3A, %ge3A_282 : vector<16xi32>
        %gather3A_284 = tpu.vector_load_idx %arg18[%max3A_273] : memref<16xf32, #tpu.memory_space<vmem>>[vector<16xi32>], vector<16xf32>,
        %select_n3A_285 = arith.select %ge3A_283, %gather3A_284, %broadcast_in_dim3A_8 : vector<16xi1>, vector<16xf32>
        %eq3A_286 = arith.cmpi eq, %masked_sort3A_217, %select_n3A_280 : vector<16xi32>
        %select_n3A_287 = arith.select %eq3A_286, %select_n3A_285, %broadcast_in_dim3A_8 : vector<16xi1>, vector<16xf32>
        %add3A_288 = arith.addf %add3A_265, %select_n3A_287 : vector<16xf32>
        %swap3A_289 = arith.constant 0 : index
        %swap3A_290 = tpu.vector_load %arg18[%swap3A_289] {strides = array<i32>} : memref<16xf32, #tpu.memory_space<vmem>>, vector<16xf32>,
        tpu.vector_store %arg18[%swap3A_289], %add3A_288 {strides = array<i32>} : memref<16xf32, #tpu.memory_space<vmem>>, vector<16xf32>,
        %sub3A_291 = arith.constant 8 : i32
        %sub3A_292 = vector.broadcast %sub3A_291 : i32 to vector<16xi32>
        %sub3A_293 = arith.subi %iota3A, %sub3A_292 : vector<16xi32>
        %max3A_294 = arith.constant 0 : i32
        %max3A_295 = vector.broadcast %max3A_294 : i32 to vector<16xi32>
        %max3A_296 = arith.maxsi %sub3A_293, %max3A_295 : vector<16xi32>
        %ge3A_297 = arith.constant 8 : i32
        %ge3A_298 = vector.broadcast %ge3A_297 : i32 to vector<16xi32>
        %ge3A_299 = arith.cmpi sge, %iota3A, %ge3A_298 : vector<16xi32>
        %gather3A_300 = tpu.vector_load_idx %arg17[%max3A_296] : memref<16xi32, #tpu.memory_space<vmem>>[vector<16xi32>], vector<16xi32>,
        %broadcast_in_dim3A_301 = arith.constant -1 : i32
        %broadcast_in_dim3A_302 = vector.broadcast %broadcast_in_dim3A_301 : i32 to vector<16xi32>
        %select_n3A_303 = arith.select %ge3A_299, %gather3A_300, %broadcast_in_dim3A_302 : vector<16xi1>, vector<16xi32>
        %ge3A_304 = arith.constant 8 : i32
        %ge3A_305 = vector.broadcast %ge3A_304 : i32 to vector<16xi32>
        %ge3A_306 = arith.cmpi sge, %iota3A, %ge3A_305 : vector<16xi32>
        %gather3A_307 = tpu.vector_load_idx %arg18[%max3A_296] : memref<16xf32, #tpu.memory_space<vmem>>[vector<16xi32>], vector<16xf32>,
        %select_n3A_308 = arith.select %ge3A_306, %gather3A_307, %broadcast_in_dim3A_8 : vector<16xi1>, vector<16xf32>
        %eq3A_309 = arith.cmpi eq, %masked_sort3A_217, %select_n3A_303 : vector<16xi32>
        %select_n3A_310 = arith.select %eq3A_309, %select_n3A_308, %broadcast_in_dim3A_8 : vector<16xi1>, vector<16xf32>
        %add3A_311 = arith.addf %add3A_288, %select_n3A_310 : vector<16xf32>
        %swap3A_312 = arith.constant 0 : index
        %swap3A_313 = tpu.vector_load %arg18[%swap3A_312] {strides = array<i32>} : memref<16xf32, #tpu.memory_space<vmem>>, vector<16xf32>,
        tpu.vector_store %arg18[%swap3A_312], %add3A_311 {strides = array<i32>} : memref<16xf32, #tpu.memory_space<vmem>>, vector<16xf32>,
        %add3A_314 = arith.constant 1 : i32
        %add3A_315 = vector.broadcast %add3A_314 : i32 to vector<16xi32>
        %add3A_316 = arith.addi %iota3A, %add3A_315 : vector<16xi32>
        %min3A_317 = arith.constant 15 : i32
        %min3A_318 = vector.broadcast %min3A_317 : i32 to vector<16xi32>
        %min3A_319 = arith.minsi %add3A_316, %min3A_318 : vector<16xi32>
        %gather3A_320 = tpu.vector_load_idx %arg17[%min3A_319] : memref<16xi32, #tpu.memory_space<vmem>>[vector<16xi32>], vector<16xi32>,
        %ne3A_321 = arith.cmpi ne, %masked_sort3A_217, %gather3A_320 : vector<16xi32>
        %eq3A_322 = arith.constant 15 : i32
        %eq3A_323 = vector.broadcast %eq3A_322 : i32 to vector<16xi32>
        %eq3A_324 = arith.cmpi eq, %iota3A, %eq3A_323 : vector<16xi32>
        %or3A_325 = arith.ori %ne3A_321, %eq3A_324 : vector<16xi1>
        tpu.vector_store_idx %arg12[%masked_sort3A_217], %add3A_311 masked %or3A_325 {add = true} : memref<10112xf32, #tpu.memory_space<vmem>>[vector<16xi32>], vector<16xf32>, vector<16xi1>
      }
      %scan3A_54 = arith.constant 16 : i32
      %add3A_55 = arith.addi %mul3A_20, %mul3A_16 : i32
      %mul3A_56 = arith.constant 256 : i32
      %mul3A_57 = arith.muli %add3A_43, %mul3A_56 : i32
      %add3A_58 = arith.addi %add3A_55, %mul3A_57 : i32
      "tpu.region"() ({
        %run_scoped3A = tpu.sem_alloc : memref<!tpu.dma_semaphore, #tpu.memory_space<semaphore_mem>>
        %dma_start3A = tpu.memref_slice %arg5[%add3A_58] : memref<1310720xf32, #tpu.memory_space<hbm>> -> memref<256xf32, #tpu.memory_space<hbm>>
        %dma_start3A_65 = tpu.memref_slice %arg5[%add3A_58] : memref<1310720xf32, #tpu.memory_space<hbm>> -> memref<256xf32, #tpu.memory_space<hbm>>
        tpu.enqueue_dma source(%arg15 : memref<256xf32, #tpu.memory_space<vmem>>) target(%dma_start3A_65 : memref<256xf32, #tpu.memory_space<hbm>>) target_semaphore(%run_scoped3A : memref<!tpu.dma_semaphore, #tpu.memory_space<semaphore_mem>>)
        %dma_wait3A = tpu.memref_slice %arg5[%add3A_58] : memref<1310720xf32, #tpu.memory_space<hbm>> -> memref<256xf32, #tpu.memory_space<hbm>>
        %dma_wait3A_66 = tpu.memref_slice %arg5[%add3A_58] : memref<1310720xf32, #tpu.memory_space<hbm>> -> memref<256xf32, #tpu.memory_space<hbm>>
        tpu.wait_dma2 semaphore(%run_scoped3A : memref<!tpu.dma_semaphore, #tpu.memory_space<semaphore_mem>>) src(%arg15 : memref<256xf32, #tpu.memory_space<vmem>>) dst(%dma_wait3A_66 : memref<256xf32, #tpu.memory_space<hbm>>)
        tpu.yield
      }) : () -> ()
      %add3A_59 = arith.constant 327680 : i32
      %add3A_60 = arith.addi %mul3A_20, %add3A_59 : i32
      %add3A_61 = arith.addi %add3A_60, %mul3A_16 : i32
      %mul3A_62 = arith.constant 256 : i32
      %mul3A_63 = arith.muli %add3A_43, %mul3A_62 : i32
      %add3A_64 = arith.addi %add3A_61, %mul3A_63 : i32
      "tpu.region"() ({
        %run_scoped3A = tpu.sem_alloc : memref<!tpu.dma_semaphore, #tpu.memory_space<semaphore_mem>>
        %dma_start3A = tpu.memref_slice %arg5[%add3A_64] : memref<1310720xf32, #tpu.memory_space<hbm>> -> memref<256xf32, #tpu.memory_space<hbm>>
        %dma_start3A_65 = tpu.memref_slice %arg5[%add3A_64] : memref<1310720xf32, #tpu.memory_space<hbm>> -> memref<256xf32, #tpu.memory_space<hbm>>
        tpu.enqueue_dma source(%arg16 : memref<256xf32, #tpu.memory_space<vmem>>) target(%dma_start3A_65 : memref<256xf32, #tpu.memory_space<hbm>>) target_semaphore(%run_scoped3A : memref<!tpu.dma_semaphore, #tpu.memory_space<semaphore_mem>>)
        %dma_wait3A = tpu.memref_slice %arg5[%add3A_64] : memref<1310720xf32, #tpu.memory_space<hbm>> -> memref<256xf32, #tpu.memory_space<hbm>>
        %dma_wait3A_66 = tpu.memref_slice %arg5[%add3A_64] : memref<1310720xf32, #tpu.memory_space<hbm>> -> memref<256xf32, #tpu.memory_space<hbm>>
        tpu.wait_dma2 semaphore(%run_scoped3A : memref<!tpu.dma_semaphore, #tpu.memory_space<semaphore_mem>>) src(%arg16 : memref<256xf32, #tpu.memory_space<vmem>>) dst(%dma_wait3A_66 : memref<256xf32, #tpu.memory_space<hbm>>)
        tpu.yield
      }) : () -> ()
    }
    %scan3A_25 = arith.constant 80 : i32
    %mul3A_26 = arith.constant 16 : i32
    %mul3A_27 = arith.muli %arg0, %mul3A_26 : i32
    %add3A_28 = arith.addi %mul3A_27, %arg1 : i32
    %mul3A_29 = arith.constant 2 : i32
    %mul3A_30 = arith.muli %add3A_28, %mul3A_29 : i32
    %mul3A_31 = arith.constant 10112 : i32
    %mul3A_32 = arith.muli %mul3A_30, %mul3A_31 : i32
    "tpu.region"() ({
      %run_scoped3A = tpu.sem_alloc : memref<!tpu.dma_semaphore, #tpu.memory_space<semaphore_mem>>
      %dma_start3A = tpu.memref_slice %arg6[%mul3A_32] : memref<647168xf32, #tpu.memory_space<hbm>> -> memref<10112xf32, #tpu.memory_space<hbm>>
      %dma_start3A_39 = tpu.memref_slice %arg6[%mul3A_32] : memref<647168xf32, #tpu.memory_space<hbm>> -> memref<10112xf32, #tpu.memory_space<hbm>>
      tpu.enqueue_dma source(%arg11 : memref<10112xf32, #tpu.memory_space<vmem>>) target(%dma_start3A_39 : memref<10112xf32, #tpu.memory_space<hbm>>) target_semaphore(%run_scoped3A : memref<!tpu.dma_semaphore, #tpu.memory_space<semaphore_mem>>)
      %dma_wait3A = tpu.memref_slice %arg6[%mul3A_32] : memref<647168xf32, #tpu.memory_space<hbm>> -> memref<10112xf32, #tpu.memory_space<hbm>>
      %dma_wait3A_40 = tpu.memref_slice %arg6[%mul3A_32] : memref<647168xf32, #tpu.memory_space<hbm>> -> memref<10112xf32, #tpu.memory_space<hbm>>
      tpu.wait_dma2 semaphore(%run_scoped3A : memref<!tpu.dma_semaphore, #tpu.memory_space<semaphore_mem>>) src(%arg11 : memref<10112xf32, #tpu.memory_space<vmem>>) dst(%dma_wait3A_40 : memref<10112xf32, #tpu.memory_space<hbm>>)
      tpu.yield
    }) : () -> ()
    %mul3A_33 = arith.constant 2 : i32
    %mul3A_34 = arith.muli %add3A_28, %mul3A_33 : i32
    %mul3A_35 = arith.constant 10112 : i32
    %mul3A_36 = arith.muli %mul3A_34, %mul3A_35 : i32
    %add3A_37 = arith.constant 10112 : i32
    %add3A_38 = arith.addi %mul3A_36, %add3A_37 : i32
    "tpu.region"() ({
      %run_scoped3A = tpu.sem_alloc : memref<!tpu.dma_semaphore, #tpu.memory_space<semaphore_mem>>
      %dma_start3A = tpu.memref_slice %arg6[%add3A_38] : memref<647168xf32, #tpu.memory_space<hbm>> -> memref<10112xf32, #tpu.memory_space<hbm>>
      %dma_start3A_39 = tpu.memref_slice %arg6[%add3A_38] : memref<647168xf32, #tpu.memory_space<hbm>> -> memref<10112xf32, #tpu.memory_space<hbm>>
      tpu.enqueue_dma source(%arg12 : memref<10112xf32, #tpu.memory_space<vmem>>) target(%dma_start3A_39 : memref<10112xf32, #tpu.memory_space<hbm>>) target_semaphore(%run_scoped3A : memref<!tpu.dma_semaphore, #tpu.memory_space<semaphore_mem>>)
      %dma_wait3A = tpu.memref_slice %arg6[%add3A_38] : memref<647168xf32, #tpu.memory_space<hbm>> -> memref<10112xf32, #tpu.memory_space<hbm>>
      %dma_wait3A_40 = tpu.memref_slice %arg6[%add3A_38] : memref<647168xf32, #tpu.memory_space<hbm>> -> memref<10112xf32, #tpu.memory_space<hbm>>
      tpu.wait_dma2 semaphore(%run_scoped3A : memref<!tpu.dma_semaphore, #tpu.memory_space<semaphore_mem>>) src(%arg12 : memref<10112xf32, #tpu.memory_space<vmem>>) dst(%dma_wait3A_40 : memref<10112xf32, #tpu.memory_space<hbm>>)
      tpu.yield
    }) : () -> ()
    return
  }
}

#map = affine_map<(d0, d1) -> (0)>
module attributes {stable_mosaic.version = 14 : i64} {
  func.func @k(%arg0: i32, %arg1: i32, %arg2: memref<40448xf32, #tpu.memory_space<hbm>>, %arg3: memref<327680xi32, #tpu.memory_space<hbm>>, %arg4: memref<327680xi32, #tpu.memory_space<hbm>>, %arg5: memref<1310720xf32, #tpu.memory_space<hbm>>, %arg6: memref<647168xf32, #tpu.memory_space<hbm>>, %arg7: memref<10112xf32, #tpu.memory_space<vmem>>, %arg8: memref<10112xf32, #tpu.memory_space<vmem>>, %arg9: memref<10112xf32, #tpu.memory_space<vmem>>, %arg10: memref<10112xf32, #tpu.memory_space<vmem>>, %arg11: memref<10112xf32, #tpu.memory_space<vmem>>, %arg12: memref<10112xf32, #tpu.memory_space<vmem>>, %arg13: memref<256xi32, #tpu.memory_space<vmem>>, %arg14: memref<256xi32, #tpu.memory_space<vmem>>, %arg15: memref<256xf32, #tpu.memory_space<vmem>>, %arg16: memref<256xf32, #tpu.memory_space<vmem>>, %arg17: memref<16xi32, #tpu.memory_space<vmem>>, %arg18: memref<16xf32, #tpu.memory_space<vmem>>) attributes {dimension_semantics = [#tpu.dimension_semantics<core_parallel>, #tpu.dimension_semantics<subcore_parallel>], iteration_bounds = array<i64: 2, 16>, scalar_prefetch = 0 : i64, scratch_operands = 12 : i64, tpu.core_type = #tpu.core_type<sc_vector_subcore>, window_params = [{transform_indices = #map}, {transform_indices = #map}, {transform_indices = #map}, {transform_indices = #map}, {transform_indices = #map}]} {
    "tpu.region"() ({
      %run_scoped3A = tpu.sem_alloc : memref<!tpu.dma_semaphore, #tpu.memory_space<semaphore_mem>>
      %dma_start3A = arith.constant 0 : i32
      %dma_start3A_28 = tpu.memref_slice %arg2[%dma_start3A] : memref<40448xf32, #tpu.memory_space<hbm>> -> memref<10112xf32, #tpu.memory_space<hbm>>
      %dma_start3A_29 = arith.constant 0 : i32
      %dma_start3A_30 = tpu.memref_slice %arg2[%dma_start3A_29] : memref<40448xf32, #tpu.memory_space<hbm>> -> memref<10112xf32, #tpu.memory_space<hbm>>
      tpu.enqueue_dma source(%dma_start3A_30 : memref<10112xf32, #tpu.memory_space<hbm>>) target(%arg7 : memref<10112xf32, #tpu.memory_space<vmem>>) target_semaphore(%run_scoped3A : memref<!tpu.dma_semaphore, #tpu.memory_space<semaphore_mem>>)
      %dma_wait3A = arith.constant 0 : i32
      %dma_wait3A_31 = tpu.memref_slice %arg2[%dma_wait3A] : memref<40448xf32, #tpu.memory_space<hbm>> -> memref<10112xf32, #tpu.memory_space<hbm>>
      %dma_wait3A_32 = arith.constant 0 : i32
      %dma_wait3A_33 = tpu.memref_slice %arg2[%dma_wait3A_32] : memref<40448xf32, #tpu.memory_space<hbm>> -> memref<10112xf32, #tpu.memory_space<hbm>>
      tpu.wait_dma2 semaphore(%run_scoped3A : memref<!tpu.dma_semaphore, #tpu.memory_space<semaphore_mem>>) src(%dma_wait3A_33 : memref<10112xf32, #tpu.memory_space<hbm>>) dst(%arg7 : memref<10112xf32, #tpu.memory_space<vmem>>)
      tpu.yield
    }) : () -> ()
    "tpu.region"() ({
      %run_scoped3A = tpu.sem_alloc : memref<!tpu.dma_semaphore, #tpu.memory_space<semaphore_mem>>
      %dma_start3A = arith.constant 10112 : i32
      %dma_start3A_28 = tpu.memref_slice %arg2[%dma_start3A] : memref<40448xf32, #tpu.memory_space<hbm>> -> memref<10112xf32, #tpu.memory_space<hbm>>
      %dma_start3A_29 = arith.constant 10112 : i32
      %dma_start3A_30 = tpu.memref_slice %arg2[%dma_start3A_29] : memref<40448xf32, #tpu.memory_space<hbm>> -> memref<10112xf32, #tpu.memory_space<hbm>>
      tpu.enqueue_dma source(%dma_start3A_30 : memref<10112xf32, #tpu.memory_space<hbm>>) target(%arg8 : memref<10112xf32, #tpu.memory_space<vmem>>) target_semaphore(%run_scoped3A : memref<!tpu.dma_semaphore, #tpu.memory_space<semaphore_mem>>)
      %dma_wait3A = arith.constant 10112 : i32
      %dma_wait3A_31 = tpu.memref_slice %arg2[%dma_wait3A] : memref<40448xf32, #tpu.memory_space<hbm>> -> memref<10112xf32, #tpu.memory_space<hbm>>
      %dma_wait3A_32 = arith.constant 10112 : i32
      %dma_wait3A_33 = tpu.memref_slice %arg2[%dma_wait3A_32] : memref<40448xf32, #tpu.memory_space<hbm>> -> memref<10112xf32, #tpu.memory_space<hbm>>
      tpu.wait_dma2 semaphore(%run_scoped3A : memref<!tpu.dma_semaphore, #tpu.memory_space<semaphore_mem>>) src(%dma_wait3A_33 : memref<10112xf32, #tpu.memory_space<hbm>>) dst(%arg8 : memref<10112xf32, #tpu.memory_space<vmem>>)
      tpu.yield
    }) : () -> ()
    "tpu.region"() ({
      %run_scoped3A = tpu.sem_alloc : memref<!tpu.dma_semaphore, #tpu.memory_space<semaphore_mem>>
      %dma_start3A = arith.constant 20224 : i32
      %dma_start3A_28 = tpu.memref_slice %arg2[%dma_start3A] : memref<40448xf32, #tpu.memory_space<hbm>> -> memref<10112xf32, #tpu.memory_space<hbm>>
      %dma_start3A_29 = arith.constant 20224 : i32
      %dma_start3A_30 = tpu.memref_slice %arg2[%dma_start3A_29] : memref<40448xf32, #tpu.memory_space<hbm>> -> memref<10112xf32, #tpu.memory_space<hbm>>
      tpu.enqueue_dma source(%dma_start3A_30 : memref<10112xf32, #tpu.memory_space<hbm>>) target(%arg9 : memref<10112xf32, #tpu.memory_space<vmem>>) target_semaphore(%run_scoped3A : memref<!tpu.dma_semaphore, #tpu.memory_space<semaphore_mem>>)
      %dma_wait3A = arith.constant 20224 : i32
      %dma_wait3A_31 = tpu.memref_slice %arg2[%dma_wait3A] : memref<40448xf32, #tpu.memory_space<hbm>> -> memref<10112xf32, #tpu.memory_space<hbm>>
      %dma_wait3A_32 = arith.constant 20224 : i32
      %dma_wait3A_33 = tpu.memref_slice %arg2[%dma_wait3A_32] : memref<40448xf32, #tpu.memory_space<hbm>> -> memref<10112xf32, #tpu.memory_space<hbm>>
      tpu.wait_dma2 semaphore(%run_scoped3A : memref<!tpu.dma_semaphore, #tpu.memory_space<semaphore_mem>>) src(%dma_wait3A_33 : memref<10112xf32, #tpu.memory_space<hbm>>) dst(%arg9 : memref<10112xf32, #tpu.memory_space<vmem>>)
      tpu.yield
    }) : () -> ()
    "tpu.region"() ({
      %run_scoped3A = tpu.sem_alloc : memref<!tpu.dma_semaphore, #tpu.memory_space<semaphore_mem>>
      %dma_start3A = arith.constant 30336 : i32
      %dma_start3A_28 = tpu.memref_slice %arg2[%dma_start3A] : memref<40448xf32, #tpu.memory_space<hbm>> -> memref<10112xf32, #tpu.memory_space<hbm>>
      %dma_start3A_29 = arith.constant 30336 : i32
      %dma_start3A_30 = tpu.memref_slice %arg2[%dma_start3A_29] : memref<40448xf32, #tpu.memory_space<hbm>> -> memref<10112xf32, #tpu.memory_space<hbm>>
      tpu.enqueue_dma source(%dma_start3A_30 : memref<10112xf32, #tpu.memory_space<hbm>>) target(%arg10 : memref<10112xf32, #tpu.memory_space<vmem>>) target_semaphore(%run_scoped3A : memref<!tpu.dma_semaphore, #tpu.memory_space<semaphore_mem>>)
      %dma_wait3A = arith.constant 30336 : i32
      %dma_wait3A_31 = tpu.memref_slice %arg2[%dma_wait3A] : memref<40448xf32, #tpu.memory_space<hbm>> -> memref<10112xf32, #tpu.memory_space<hbm>>
      %dma_wait3A_32 = arith.constant 30336 : i32
      %dma_wait3A_33 = tpu.memref_slice %arg2[%dma_wait3A_32] : memref<40448xf32, #tpu.memory_space<hbm>> -> memref<10112xf32, #tpu.memory_space<hbm>>
      tpu.wait_dma2 semaphore(%run_scoped3A : memref<!tpu.dma_semaphore, #tpu.memory_space<semaphore_mem>>) src(%dma_wait3A_33 : memref<10112xf32, #tpu.memory_space<hbm>>) dst(%arg10 : memref<10112xf32, #tpu.memory_space<vmem>>)
      tpu.yield
    }) : () -> ()
    %broadcast_in_dim3A = arith.constant 0.000000e+00 : f32
    %broadcast_in_dim3A_0 = vector.broadcast %broadcast_in_dim3A : f32 to vector<16xf32>
    %scan3A = arith.constant 0 : i32
    %scan3A_1 = arith.constant 632 : i32
    %scan3A_2 = arith.addi %scan3A, %scan3A_1 : i32
    %scan3A_3 = arith.constant 1 : i32
    scf.for %scan3A_28 = %scan3A to %scan3A_2 step %scan3A_3  : i32 {
      %mul3A_29 = arith.constant 1 : i32
      %mul3A_30 = arith.muli %scan3A_28, %mul3A_29 : i32
      %add3A_31 = arith.constant 0 : i32
      %add3A_32 = arith.addi %add3A_31, %mul3A_30 : i32
      %mul3A_33 = arith.constant 16 : i32
      %mul3A_34 = arith.muli %add3A_32, %mul3A_33 : i32
      %swap3A = arith.index_cast %mul3A_34 : i32 to index
      %swap3A_35 = tpu.vector_load %arg11[%swap3A] {strides = array<i32>} : memref<10112xf32, #tpu.memory_space<vmem>>, vector<16xf32>,
      tpu.vector_store %arg11[%swap3A], %broadcast_in_dim3A_0 {strides = array<i32>} : memref<10112xf32, #tpu.memory_space<vmem>>, vector<16xf32>,
      %mul3A_36 = arith.constant 16 : i32
      %mul3A_37 = arith.muli %add3A_32, %mul3A_36 : i32
      %swap3A_38 = arith.index_cast %mul3A_37 : i32 to index
      %swap3A_39 = tpu.vector_load %arg12[%swap3A_38] {strides = array<i32>} : memref<10112xf32, #tpu.memory_space<vmem>>, vector<16xf32>,
      tpu.vector_store %arg12[%swap3A_38], %broadcast_in_dim3A_0 {strides = array<i32>} : memref<10112xf32, #tpu.memory_space<vmem>>, vector<16xf32>,
    }
    %scan3A_4 = arith.constant 632 : i32
    %mul3A = arith.constant 16 : i32
    %mul3A_5 = arith.muli %arg0, %mul3A : i32
    %add3A = arith.addi %mul3A_5, %arg1 : i32
    %mul3A_6 = arith.constant 40 : i32
    %mul3A_7 = arith.muli %add3A, %mul3A_6 : i32
    %mul3A_8 = arith.constant 256 : i32
    %mul3A_9 = arith.muli %mul3A_7, %mul3A_8 : i32
    %iota3A = tpu.iota {dimensions = array<i32: 0>} : vector<16xi32>
    %scan3A_10 = arith.constant 0 : i32
    %scan3A_11 = arith.constant 40 : i32
    %scan3A_12 = arith.addi %scan3A_10, %scan3A_11 : i32
    %scan3A_13 = arith.constant 1 : i32
    scf.for %scan3A_28 = %scan3A_10 to %scan3A_12 step %scan3A_13  : i32 {
      %mul3A_29 = arith.constant 1 : i32
      %mul3A_30 = arith.muli %scan3A_28, %mul3A_29 : i32
      %add3A_31 = arith.constant 0 : i32
      %add3A_32 = arith.addi %add3A_31, %mul3A_30 : i32
      %mul3A_33 = arith.constant 256 : i32
      %mul3A_34 = arith.muli %add3A_32, %mul3A_33 : i32
      %add3A_35 = arith.addi %mul3A_9, %mul3A_34 : i32
      "tpu.region"() ({
        %run_scoped3A = tpu.sem_alloc : memref<!tpu.dma_semaphore, #tpu.memory_space<semaphore_mem>>
        %dma_start3A = tpu.memref_slice %arg3[%add3A_35] : memref<327680xi32, #tpu.memory_space<hbm>> -> memref<256xi32, #tpu.memory_space<hbm>>
        %dma_start3A_54 = tpu.memref_slice %arg3[%add3A_35] : memref<327680xi32, #tpu.memory_space<hbm>> -> memref<256xi32, #tpu.memory_space<hbm>>
        tpu.enqueue_dma source(%dma_start3A_54 : memref<256xi32, #tpu.memory_space<hbm>>) target(%arg13 : memref<256xi32, #tpu.memory_space<vmem>>) target_semaphore(%run_scoped3A : memref<!tpu.dma_semaphore, #tpu.memory_space<semaphore_mem>>)
        %dma_wait3A = tpu.memref_slice %arg3[%add3A_35] : memref<327680xi32, #tpu.memory_space<hbm>> -> memref<256xi32, #tpu.memory_space<hbm>>
        %dma_wait3A_55 = tpu.memref_slice %arg3[%add3A_35] : memref<327680xi32, #tpu.memory_space<hbm>> -> memref<256xi32, #tpu.memory_space<hbm>>
        tpu.wait_dma2 semaphore(%run_scoped3A : memref<!tpu.dma_semaphore, #tpu.memory_space<semaphore_mem>>) src(%dma_wait3A_55 : memref<256xi32, #tpu.memory_space<hbm>>) dst(%arg13 : memref<256xi32, #tpu.memory_space<vmem>>)
        tpu.yield
      }) : () -> ()
      %mul3A_36 = arith.constant 256 : i32
      %mul3A_37 = arith.muli %add3A_32, %mul3A_36 : i32
      %add3A_38 = arith.addi %mul3A_9, %mul3A_37 : i32
      "tpu.region"() ({
        %run_scoped3A = tpu.sem_alloc : memref<!tpu.dma_semaphore, #tpu.memory_space<semaphore_mem>>
        %dma_start3A = tpu.memref_slice %arg4[%add3A_38] : memref<327680xi32, #tpu.memory_space<hbm>> -> memref<256xi32, #tpu.memory_space<hbm>>
        %dma_start3A_54 = tpu.memref_slice %arg4[%add3A_38] : memref<327680xi32, #tpu.memory_space<hbm>> -> memref<256xi32, #tpu.memory_space<hbm>>
        tpu.enqueue_dma source(%dma_start3A_54 : memref<256xi32, #tpu.memory_space<hbm>>) target(%arg14 : memref<256xi32, #tpu.memory_space<vmem>>) target_semaphore(%run_scoped3A : memref<!tpu.dma_semaphore, #tpu.memory_space<semaphore_mem>>)
        %dma_wait3A = tpu.memref_slice %arg4[%add3A_38] : memref<327680xi32, #tpu.memory_space<hbm>> -> memref<256xi32, #tpu.memory_space<hbm>>
        %dma_wait3A_55 = tpu.memref_slice %arg4[%add3A_38] : memref<327680xi32, #tpu.memory_space<hbm>> -> memref<256xi32, #tpu.memory_space<hbm>>
        tpu.wait_dma2 semaphore(%run_scoped3A : memref<!tpu.dma_semaphore, #tpu.memory_space<semaphore_mem>>) src(%dma_wait3A_55 : memref<256xi32, #tpu.memory_space<hbm>>) dst(%arg14 : memref<256xi32, #tpu.memory_space<vmem>>)
        tpu.yield
      }) : () -> ()
      %scan3A_39 = arith.constant 0 : i32
      %scan3A_40 = arith.constant 16 : i32
      %scan3A_41 = arith.addi %scan3A_39, %scan3A_40 : i32
      %scan3A_42 = arith.constant 1 : i32
      scf.for %scan3A_54 = %scan3A_39 to %scan3A_41 step %scan3A_42  : i32 {
        %mul3A_55 = arith.constant 1 : i32
        %mul3A_56 = arith.muli %scan3A_54, %mul3A_55 : i32
        %add3A_57 = arith.constant 0 : i32
        %add3A_58 = arith.addi %add3A_57, %mul3A_56 : i32
        %mul3A_59 = arith.constant 16 : i32
        %mul3A_60 = arith.muli %add3A_58, %mul3A_59 : i32
        %get3A = arith.index_cast %mul3A_60 : i32 to index
        %get3A_61 = tpu.vector_load %arg13[%get3A] {strides = array<i32>} : memref<256xi32, #tpu.memory_space<vmem>>, vector<16xi32>,
        %mul3A_62 = arith.constant 16 : i32
        %mul3A_63 = arith.muli %add3A_58, %mul3A_62 : i32
        %get3A_64 = arith.index_cast %mul3A_63 : i32 to index
        %get3A_65 = tpu.vector_load %arg14[%get3A_64] {strides = array<i32>} : memref<256xi32, #tpu.memory_space<vmem>>, vector<16xi32>,
        %gather3A = tpu.vector_load_idx %arg7[%get3A_61] : memref<10112xf32, #tpu.memory_space<vmem>>[vector<16xi32>], vector<16xf32>,
        %gather3A_66 = tpu.vector_load_idx %arg9[%get3A_65] : memref<10112xf32, #tpu.memory_space<vmem>>[vector<16xi32>], vector<16xf32>,
        %add3A_67 = arith.addf %gather3A, %gather3A_66 : vector<16xf32>
        %gather3A_68 = tpu.vector_load_idx %arg8[%get3A_61] : memref<10112xf32, #tpu.memory_space<vmem>>[vector<16xi32>], vector<16xf32>,
        %gather3A_69 = tpu.vector_load_idx %arg10[%get3A_65] : memref<10112xf32, #tpu.memory_space<vmem>>[vector<16xi32>], vector<16xf32>,
        %add3A_70 = arith.addf %gather3A_68, %gather3A_69 : vector<16xf32>
        %gt3A = arith.constant 0.000000e+00 : f32
        %gt3A_71 = vector.broadcast %gt3A : f32 to vector<16xf32>
        %gt3A_72 = arith.cmpf ogt, %add3A_67, %gt3A_71 : vector<16xf32>
        %mul3A_73 = arith.constant 2.000000e-01 : f32
        %mul3A_74 = vector.broadcast %mul3A_73 : f32 to vector<16xf32>
        %mul3A_75 = arith.mulf %mul3A_74, %add3A_67 : vector<16xf32>
        %select_n3A = arith.select %gt3A_72, %add3A_67, %mul3A_75 : vector<16xi1>, vector<16xf32>
        %gt3A_76 = arith.constant 0.000000e+00 : f32
        %gt3A_77 = vector.broadcast %gt3A_76 : f32 to vector<16xf32>
        %gt3A_78 = arith.cmpf ogt, %add3A_70, %gt3A_77 : vector<16xf32>
        %mul3A_79 = arith.constant 2.000000e-01 : f32
        %mul3A_80 = vector.broadcast %mul3A_79 : f32 to vector<16xf32>
        %mul3A_81 = arith.mulf %mul3A_80, %add3A_70 : vector<16xf32>
        %select_n3A_82 = arith.select %gt3A_78, %add3A_70, %mul3A_81 : vector<16xi1>, vector<16xf32>
        %exp3A = math.exp %select_n3A : vector<16xf32>
        %exp3A_83 = math.exp %select_n3A_82 : vector<16xf32>
        %mul3A_84 = arith.constant 16 : i32
        %mul3A_85 = arith.muli %add3A_58, %mul3A_84 : i32
        %swap3A = arith.index_cast %mul3A_85 : i32 to index
        %swap3A_86 = tpu.vector_load %arg15[%swap3A] {strides = array<i32>} : memref<256xf32, #tpu.memory_space<vmem>>, vector<16xf32>,
        tpu.vector_store %arg15[%swap3A], %exp3A {strides = array<i32>} : memref<256xf32, #tpu.memory_space<vmem>>, vector<16xf32>,
        %mul3A_87 = arith.constant 16 : i32
        %mul3A_88 = arith.muli %add3A_58, %mul3A_87 : i32
        %swap3A_89 = arith.index_cast %mul3A_88 : i32 to index
        %swap3A_90 = tpu.vector_load %arg16[%swap3A_89] {strides = array<i32>} : memref<256xf32, #tpu.memory_space<vmem>>, vector<16xf32>,
        tpu.vector_store %arg16[%swap3A_89], %exp3A_83 {strides = array<i32>} : memref<256xf32, #tpu.memory_space<vmem>>, vector<16xf32>,
        %masked_sort3A = arith.constant dense<true> : vector<16xi1>
        %masked_sort3A_91 = arith.constant -2147483648 : i32
        %masked_sort3A_92 = vector.broadcast %masked_sort3A_91 : i32 to vector<16xi32>
        %masked_sort3A_93 = arith.xori %get3A_65, %masked_sort3A_92 : vector<16xi32>
        %masked_sort3A_94, %masked_sort3A_95, %masked_sort3A_96 = tpu.sort %masked_sort3A_93, %exp3A masked %masked_sort3A : (vector<16xi32>, vector<16xf32>, vector<16xi1>) -> (vector<16xi1>, vector<16xi32>, vector<16xf32>)
        %masked_sort3A_97 = arith.xori %masked_sort3A_95, %masked_sort3A_92 : vector<16xi32>
        %swap3A_98 = arith.constant 0 : index
        %swap3A_99 = tpu.vector_load %arg17[%swap3A_98] {strides = array<i32>} : memref<16xi32, #tpu.memory_space<vmem>>, vector<16xi32>,
        tpu.vector_store %arg17[%swap3A_98], %masked_sort3A_97 {strides = array<i32>} : memref<16xi32, #tpu.memory_space<vmem>>, vector<16xi32>,
        %swap3A_100 = arith.constant 0 : index
        %swap3A_101 = tpu.vector_load %arg18[%swap3A_100] {strides = array<i32>} : memref<16xf32, #tpu.memory_space<vmem>>, vector<16xf32>,
        tpu.vector_store %arg18[%swap3A_100], %masked_sort3A_96 {strides = array<i32>} : memref<16xf32, #tpu.memory_space<vmem>>, vector<16xf32>,
        %sub3A = arith.constant 1 : i32
        %sub3A_102 = vector.broadcast %sub3A : i32 to vector<16xi32>
        %sub3A_103 = arith.subi %iota3A, %sub3A_102 : vector<16xi32>
        %max3A = arith.constant 0 : i32
        %max3A_104 = vector.broadcast %max3A : i32 to vector<16xi32>
        %max3A_105 = arith.maxsi %sub3A_103, %max3A_104 : vector<16xi32>
        %ge3A = arith.constant 1 : i32
        %ge3A_106 = vector.broadcast %ge3A : i32 to vector<16xi32>
        %ge3A_107 = arith.cmpi sge, %iota3A, %ge3A_106 : vector<16xi32>
        %gather3A_108 = tpu.vector_load_idx %arg17[%max3A_105] : memref<16xi32, #tpu.memory_space<vmem>>[vector<16xi32>], vector<16xi32>,
        %broadcast_in_dim3A_109 = arith.constant -1 : i32
        %broadcast_in_dim3A_110 = vector.broadcast %broadcast_in_dim3A_109 : i32 to vector<16xi32>
        %select_n3A_111 = arith.select %ge3A_107, %gather3A_108, %broadcast_in_dim3A_110 : vector<16xi1>, vector<16xi32>
        %ge3A_112 = arith.constant 1 : i32
        %ge3A_113 = vector.broadcast %ge3A_112 : i32 to vector<16xi32>
        %ge3A_114 = arith.cmpi sge, %iota3A, %ge3A_113 : vector<16xi32>
        %gather3A_115 = tpu.vector_load_idx %arg18[%max3A_105] : memref<16xf32, #tpu.memory_space<vmem>>[vector<16xi32>], vector<16xf32>,
        %select_n3A_116 = arith.select %ge3A_114, %gather3A_115, %broadcast_in_dim3A_0 : vector<16xi1>, vector<16xf32>
        %eq3A = arith.cmpi eq, %masked_sort3A_97, %select_n3A_111 : vector<16xi32>
        %select_n3A_117 = arith.select %eq3A, %select_n3A_116, %broadcast_in_dim3A_0 : vector<16xi1>, vector<16xf32>
        %add3A_118 = arith.addf %masked_sort3A_96, %select_n3A_117 : vector<16xf32>
        %swap3A_119 = arith.constant 0 : index
        %swap3A_120 = tpu.vector_load %arg18[%swap3A_119] {strides = array<i32>} : memref<16xf32, #tpu.memory_space<vmem>>, vector<16xf32>,
        tpu.vector_store %arg18[%swap3A_119], %add3A_118 {strides = array<i32>} : memref<16xf32, #tpu.memory_space<vmem>>, vector<16xf32>,
        %sub3A_121 = arith.constant 2 : i32
        %sub3A_122 = vector.broadcast %sub3A_121 : i32 to vector<16xi32>
        %sub3A_123 = arith.subi %iota3A, %sub3A_122 : vector<16xi32>
        %max3A_124 = arith.constant 0 : i32
        %max3A_125 = vector.broadcast %max3A_124 : i32 to vector<16xi32>
        %max3A_126 = arith.maxsi %sub3A_123, %max3A_125 : vector<16xi32>
        %ge3A_127 = arith.constant 2 : i32
        %ge3A_128 = vector.broadcast %ge3A_127 : i32 to vector<16xi32>
        %ge3A_129 = arith.cmpi sge, %iota3A, %ge3A_128 : vector<16xi32>
        %gather3A_130 = tpu.vector_load_idx %arg17[%max3A_126] : memref<16xi32, #tpu.memory_space<vmem>>[vector<16xi32>], vector<16xi32>,
        %broadcast_in_dim3A_131 = arith.constant -1 : i32
        %broadcast_in_dim3A_132 = vector.broadcast %broadcast_in_dim3A_131 : i32 to vector<16xi32>
        %select_n3A_133 = arith.select %ge3A_129, %gather3A_130, %broadcast_in_dim3A_132 : vector<16xi1>, vector<16xi32>
        %ge3A_134 = arith.constant 2 : i32
        %ge3A_135 = vector.broadcast %ge3A_134 : i32 to vector<16xi32>
        %ge3A_136 = arith.cmpi sge, %iota3A, %ge3A_135 : vector<16xi32>
        %gather3A_137 = tpu.vector_load_idx %arg18[%max3A_126] : memref<16xf32, #tpu.memory_space<vmem>>[vector<16xi32>], vector<16xf32>,
        %select_n3A_138 = arith.select %ge3A_136, %gather3A_137, %broadcast_in_dim3A_0 : vector<16xi1>, vector<16xf32>
        %eq3A_139 = arith.cmpi eq, %masked_sort3A_97, %select_n3A_133 : vector<16xi32>
        %select_n3A_140 = arith.select %eq3A_139, %select_n3A_138, %broadcast_in_dim3A_0 : vector<16xi1>, vector<16xf32>
        %add3A_141 = arith.addf %add3A_118, %select_n3A_140 : vector<16xf32>
        %swap3A_142 = arith.constant 0 : index
        %swap3A_143 = tpu.vector_load %arg18[%swap3A_142] {strides = array<i32>} : memref<16xf32, #tpu.memory_space<vmem>>, vector<16xf32>,
        tpu.vector_store %arg18[%swap3A_142], %add3A_141 {strides = array<i32>} : memref<16xf32, #tpu.memory_space<vmem>>, vector<16xf32>,
        %sub3A_144 = arith.constant 4 : i32
        %sub3A_145 = vector.broadcast %sub3A_144 : i32 to vector<16xi32>
        %sub3A_146 = arith.subi %iota3A, %sub3A_145 : vector<16xi32>
        %max3A_147 = arith.constant 0 : i32
        %max3A_148 = vector.broadcast %max3A_147 : i32 to vector<16xi32>
        %max3A_149 = arith.maxsi %sub3A_146, %max3A_148 : vector<16xi32>
        %ge3A_150 = arith.constant 4 : i32
        %ge3A_151 = vector.broadcast %ge3A_150 : i32 to vector<16xi32>
        %ge3A_152 = arith.cmpi sge, %iota3A, %ge3A_151 : vector<16xi32>
        %gather3A_153 = tpu.vector_load_idx %arg17[%max3A_149] : memref<16xi32, #tpu.memory_space<vmem>>[vector<16xi32>], vector<16xi32>,
        %broadcast_in_dim3A_154 = arith.constant -1 : i32
        %broadcast_in_dim3A_155 = vector.broadcast %broadcast_in_dim3A_154 : i32 to vector<16xi32>
        %select_n3A_156 = arith.select %ge3A_152, %gather3A_153, %broadcast_in_dim3A_155 : vector<16xi1>, vector<16xi32>
        %ge3A_157 = arith.constant 4 : i32
        %ge3A_158 = vector.broadcast %ge3A_157 : i32 to vector<16xi32>
        %ge3A_159 = arith.cmpi sge, %iota3A, %ge3A_158 : vector<16xi32>
        %gather3A_160 = tpu.vector_load_idx %arg18[%max3A_149] : memref<16xf32, #tpu.memory_space<vmem>>[vector<16xi32>], vector<16xf32>,
        %select_n3A_161 = arith.select %ge3A_159, %gather3A_160, %broadcast_in_dim3A_0 : vector<16xi1>, vector<16xf32>
        %eq3A_162 = arith.cmpi eq, %masked_sort3A_97, %select_n3A_156 : vector<16xi32>
        %select_n3A_163 = arith.select %eq3A_162, %select_n3A_161, %broadcast_in_dim3A_0 : vector<16xi1>, vector<16xf32>
        %add3A_164 = arith.addf %add3A_141, %select_n3A_163 : vector<16xf32>
        %swap3A_165 = arith.constant 0 : index
        %swap3A_166 = tpu.vector_load %arg18[%swap3A_165] {strides = array<i32>} : memref<16xf32, #tpu.memory_space<vmem>>, vector<16xf32>,
        tpu.vector_store %arg18[%swap3A_165], %add3A_164 {strides = array<i32>} : memref<16xf32, #tpu.memory_space<vmem>>, vector<16xf32>,
        %sub3A_167 = arith.constant 8 : i32
        %sub3A_168 = vector.broadcast %sub3A_167 : i32 to vector<16xi32>
        %sub3A_169 = arith.subi %iota3A, %sub3A_168 : vector<16xi32>
        %max3A_170 = arith.constant 0 : i32
        %max3A_171 = vector.broadcast %max3A_170 : i32 to vector<16xi32>
        %max3A_172 = arith.maxsi %sub3A_169, %max3A_171 : vector<16xi32>
        %ge3A_173 = arith.constant 8 : i32
        %ge3A_174 = vector.broadcast %ge3A_173 : i32 to vector<16xi32>
        %ge3A_175 = arith.cmpi sge, %iota3A, %ge3A_174 : vector<16xi32>
        %gather3A_176 = tpu.vector_load_idx %arg17[%max3A_172] : memref<16xi32, #tpu.memory_space<vmem>>[vector<16xi32>], vector<16xi32>,
        %broadcast_in_dim3A_177 = arith.constant -1 : i32
        %broadcast_in_dim3A_178 = vector.broadcast %broadcast_in_dim3A_177 : i32 to vector<16xi32>
        %select_n3A_179 = arith.select %ge3A_175, %gather3A_176, %broadcast_in_dim3A_178 : vector<16xi1>, vector<16xi32>
        %ge3A_180 = arith.constant 8 : i32
        %ge3A_181 = vector.broadcast %ge3A_180 : i32 to vector<16xi32>
        %ge3A_182 = arith.cmpi sge, %iota3A, %ge3A_181 : vector<16xi32>
        %gather3A_183 = tpu.vector_load_idx %arg18[%max3A_172] : memref<16xf32, #tpu.memory_space<vmem>>[vector<16xi32>], vector<16xf32>,
        %select_n3A_184 = arith.select %ge3A_182, %gather3A_183, %broadcast_in_dim3A_0 : vector<16xi1>, vector<16xf32>
        %eq3A_185 = arith.cmpi eq, %masked_sort3A_97, %select_n3A_179 : vector<16xi32>
        %select_n3A_186 = arith.select %eq3A_185, %select_n3A_184, %broadcast_in_dim3A_0 : vector<16xi1>, vector<16xf32>
        %add3A_187 = arith.addf %add3A_164, %select_n3A_186 : vector<16xf32>
        %swap3A_188 = arith.constant 0 : index
        %swap3A_189 = tpu.vector_load %arg18[%swap3A_188] {strides = array<i32>} : memref<16xf32, #tpu.memory_space<vmem>>, vector<16xf32>,
        tpu.vector_store %arg18[%swap3A_188], %add3A_187 {strides = array<i32>} : memref<16xf32, #tpu.memory_space<vmem>>, vector<16xf32>,
        %add3A_190 = arith.constant 1 : i32
        %add3A_191 = vector.broadcast %add3A_190 : i32 to vector<16xi32>
        %add3A_192 = arith.addi %iota3A, %add3A_191 : vector<16xi32>
        %min3A = arith.constant 15 : i32
        %min3A_193 = vector.broadcast %min3A : i32 to vector<16xi32>
        %min3A_194 = arith.minsi %add3A_192, %min3A_193 : vector<16xi32>
        %gather3A_195 = tpu.vector_load_idx %arg17[%min3A_194] : memref<16xi32, #tpu.memory_space<vmem>>[vector<16xi32>], vector<16xi32>,
        %ne3A = arith.cmpi ne, %masked_sort3A_97, %gather3A_195 : vector<16xi32>
        %eq3A_196 = arith.constant 15 : i32
        %eq3A_197 = vector.broadcast %eq3A_196 : i32 to vector<16xi32>
        %eq3A_198 = arith.cmpi eq, %iota3A, %eq3A_197 : vector<16xi32>
        %or3A = arith.ori %ne3A, %eq3A_198 : vector<16xi1>
        tpu.vector_store_idx %arg11[%masked_sort3A_97], %add3A_187 masked %or3A {add = true} : memref<10112xf32, #tpu.memory_space<vmem>>[vector<16xi32>], vector<16xf32>, vector<16xi1>
        %masked_sort3A_199 = arith.constant dense<true> : vector<16xi1>
        %masked_sort3A_200 = arith.constant -2147483648 : i32
        %masked_sort3A_201 = vector.broadcast %masked_sort3A_200 : i32 to vector<16xi32>
        %masked_sort3A_202 = arith.xori %get3A_65, %masked_sort3A_201 : vector<16xi32>
        %masked_sort3A_203, %masked_sort3A_204, %masked_sort3A_205 = tpu.sort %masked_sort3A_202, %exp3A_83 masked %masked_sort3A_199 : (vector<16xi32>, vector<16xf32>, vector<16xi1>) -> (vector<16xi1>, vector<16xi32>, vector<16xf32>)
        %masked_sort3A_206 = arith.xori %masked_sort3A_204, %masked_sort3A_201 : vector<16xi32>
        %swap3A_207 = arith.constant 0 : index
        %swap3A_208 = tpu.vector_load %arg17[%swap3A_207] {strides = array<i32>} : memref<16xi32, #tpu.memory_space<vmem>>, vector<16xi32>,
        tpu.vector_store %arg17[%swap3A_207], %masked_sort3A_206 {strides = array<i32>} : memref<16xi32, #tpu.memory_space<vmem>>, vector<16xi32>,
        %swap3A_209 = arith.constant 0 : index
        %swap3A_210 = tpu.vector_load %arg18[%swap3A_209] {strides = array<i32>} : memref<16xf32, #tpu.memory_space<vmem>>, vector<16xf32>,
        tpu.vector_store %arg18[%swap3A_209], %masked_sort3A_205 {strides = array<i32>} : memref<16xf32, #tpu.memory_space<vmem>>, vector<16xf32>,
        %sub3A_211 = arith.constant 1 : i32
        %sub3A_212 = vector.broadcast %sub3A_211 : i32 to vector<16xi32>
        %sub3A_213 = arith.subi %iota3A, %sub3A_212 : vector<16xi32>
        %max3A_214 = arith.constant 0 : i32
        %max3A_215 = vector.broadcast %max3A_214 : i32 to vector<16xi32>
        %max3A_216 = arith.maxsi %sub3A_213, %max3A_215 : vector<16xi32>
        %ge3A_217 = arith.constant 1 : i32
        %ge3A_218 = vector.broadcast %ge3A_217 : i32 to vector<16xi32>
        %ge3A_219 = arith.cmpi sge, %iota3A, %ge3A_218 : vector<16xi32>
        %gather3A_220 = tpu.vector_load_idx %arg17[%max3A_216] : memref<16xi32, #tpu.memory_space<vmem>>[vector<16xi32>], vector<16xi32>,
        %broadcast_in_dim3A_221 = arith.constant -1 : i32
        %broadcast_in_dim3A_222 = vector.broadcast %broadcast_in_dim3A_221 : i32 to vector<16xi32>
        %select_n3A_223 = arith.select %ge3A_219, %gather3A_220, %broadcast_in_dim3A_222 : vector<16xi1>, vector<16xi32>
        %ge3A_224 = arith.constant 1 : i32
        %ge3A_225 = vector.broadcast %ge3A_224 : i32 to vector<16xi32>
        %ge3A_226 = arith.cmpi sge, %iota3A, %ge3A_225 : vector<16xi32>
        %gather3A_227 = tpu.vector_load_idx %arg18[%max3A_216] : memref<16xf32, #tpu.memory_space<vmem>>[vector<16xi32>], vector<16xf32>,
        %select_n3A_228 = arith.select %ge3A_226, %gather3A_227, %broadcast_in_dim3A_0 : vector<16xi1>, vector<16xf32>
        %eq3A_229 = arith.cmpi eq, %masked_sort3A_206, %select_n3A_223 : vector<16xi32>
        %select_n3A_230 = arith.select %eq3A_229, %select_n3A_228, %broadcast_in_dim3A_0 : vector<16xi1>, vector<16xf32>
        %add3A_231 = arith.addf %masked_sort3A_205, %select_n3A_230 : vector<16xf32>
        %swap3A_232 = arith.constant 0 : index
        %swap3A_233 = tpu.vector_load %arg18[%swap3A_232] {strides = array<i32>} : memref<16xf32, #tpu.memory_space<vmem>>, vector<16xf32>,
        tpu.vector_store %arg18[%swap3A_232], %add3A_231 {strides = array<i32>} : memref<16xf32, #tpu.memory_space<vmem>>, vector<16xf32>,
        %sub3A_234 = arith.constant 2 : i32
        %sub3A_235 = vector.broadcast %sub3A_234 : i32 to vector<16xi32>
        %sub3A_236 = arith.subi %iota3A, %sub3A_235 : vector<16xi32>
        %max3A_237 = arith.constant 0 : i32
        %max3A_238 = vector.broadcast %max3A_237 : i32 to vector<16xi32>
        %max3A_239 = arith.maxsi %sub3A_236, %max3A_238 : vector<16xi32>
        %ge3A_240 = arith.constant 2 : i32
        %ge3A_241 = vector.broadcast %ge3A_240 : i32 to vector<16xi32>
        %ge3A_242 = arith.cmpi sge, %iota3A, %ge3A_241 : vector<16xi32>
        %gather3A_243 = tpu.vector_load_idx %arg17[%max3A_239] : memref<16xi32, #tpu.memory_space<vmem>>[vector<16xi32>], vector<16xi32>,
        %broadcast_in_dim3A_244 = arith.constant -1 : i32
        %broadcast_in_dim3A_245 = vector.broadcast %broadcast_in_dim3A_244 : i32 to vector<16xi32>
        %select_n3A_246 = arith.select %ge3A_242, %gather3A_243, %broadcast_in_dim3A_245 : vector<16xi1>, vector<16xi32>
        %ge3A_247 = arith.constant 2 : i32
        %ge3A_248 = vector.broadcast %ge3A_247 : i32 to vector<16xi32>
        %ge3A_249 = arith.cmpi sge, %iota3A, %ge3A_248 : vector<16xi32>
        %gather3A_250 = tpu.vector_load_idx %arg18[%max3A_239] : memref<16xf32, #tpu.memory_space<vmem>>[vector<16xi32>], vector<16xf32>,
        %select_n3A_251 = arith.select %ge3A_249, %gather3A_250, %broadcast_in_dim3A_0 : vector<16xi1>, vector<16xf32>
        %eq3A_252 = arith.cmpi eq, %masked_sort3A_206, %select_n3A_246 : vector<16xi32>
        %select_n3A_253 = arith.select %eq3A_252, %select_n3A_251, %broadcast_in_dim3A_0 : vector<16xi1>, vector<16xf32>
        %add3A_254 = arith.addf %add3A_231, %select_n3A_253 : vector<16xf32>
        %swap3A_255 = arith.constant 0 : index
        %swap3A_256 = tpu.vector_load %arg18[%swap3A_255] {strides = array<i32>} : memref<16xf32, #tpu.memory_space<vmem>>, vector<16xf32>,
        tpu.vector_store %arg18[%swap3A_255], %add3A_254 {strides = array<i32>} : memref<16xf32, #tpu.memory_space<vmem>>, vector<16xf32>,
        %sub3A_257 = arith.constant 4 : i32
        %sub3A_258 = vector.broadcast %sub3A_257 : i32 to vector<16xi32>
        %sub3A_259 = arith.subi %iota3A, %sub3A_258 : vector<16xi32>
        %max3A_260 = arith.constant 0 : i32
        %max3A_261 = vector.broadcast %max3A_260 : i32 to vector<16xi32>
        %max3A_262 = arith.maxsi %sub3A_259, %max3A_261 : vector<16xi32>
        %ge3A_263 = arith.constant 4 : i32
        %ge3A_264 = vector.broadcast %ge3A_263 : i32 to vector<16xi32>
        %ge3A_265 = arith.cmpi sge, %iota3A, %ge3A_264 : vector<16xi32>
        %gather3A_266 = tpu.vector_load_idx %arg17[%max3A_262] : memref<16xi32, #tpu.memory_space<vmem>>[vector<16xi32>], vector<16xi32>,
        %broadcast_in_dim3A_267 = arith.constant -1 : i32
        %broadcast_in_dim3A_268 = vector.broadcast %broadcast_in_dim3A_267 : i32 to vector<16xi32>
        %select_n3A_269 = arith.select %ge3A_265, %gather3A_266, %broadcast_in_dim3A_268 : vector<16xi1>, vector<16xi32>
        %ge3A_270 = arith.constant 4 : i32
        %ge3A_271 = vector.broadcast %ge3A_270 : i32 to vector<16xi32>
        %ge3A_272 = arith.cmpi sge, %iota3A, %ge3A_271 : vector<16xi32>
        %gather3A_273 = tpu.vector_load_idx %arg18[%max3A_262] : memref<16xf32, #tpu.memory_space<vmem>>[vector<16xi32>], vector<16xf32>,
        %select_n3A_274 = arith.select %ge3A_272, %gather3A_273, %broadcast_in_dim3A_0 : vector<16xi1>, vector<16xf32>
        %eq3A_275 = arith.cmpi eq, %masked_sort3A_206, %select_n3A_269 : vector<16xi32>
        %select_n3A_276 = arith.select %eq3A_275, %select_n3A_274, %broadcast_in_dim3A_0 : vector<16xi1>, vector<16xf32>
        %add3A_277 = arith.addf %add3A_254, %select_n3A_276 : vector<16xf32>
        %swap3A_278 = arith.constant 0 : index
        %swap3A_279 = tpu.vector_load %arg18[%swap3A_278] {strides = array<i32>} : memref<16xf32, #tpu.memory_space<vmem>>, vector<16xf32>,
        tpu.vector_store %arg18[%swap3A_278], %add3A_277 {strides = array<i32>} : memref<16xf32, #tpu.memory_space<vmem>>, vector<16xf32>,
        %sub3A_280 = arith.constant 8 : i32
        %sub3A_281 = vector.broadcast %sub3A_280 : i32 to vector<16xi32>
        %sub3A_282 = arith.subi %iota3A, %sub3A_281 : vector<16xi32>
        %max3A_283 = arith.constant 0 : i32
        %max3A_284 = vector.broadcast %max3A_283 : i32 to vector<16xi32>
        %max3A_285 = arith.maxsi %sub3A_282, %max3A_284 : vector<16xi32>
        %ge3A_286 = arith.constant 8 : i32
        %ge3A_287 = vector.broadcast %ge3A_286 : i32 to vector<16xi32>
        %ge3A_288 = arith.cmpi sge, %iota3A, %ge3A_287 : vector<16xi32>
        %gather3A_289 = tpu.vector_load_idx %arg17[%max3A_285] : memref<16xi32, #tpu.memory_space<vmem>>[vector<16xi32>], vector<16xi32>,
        %broadcast_in_dim3A_290 = arith.constant -1 : i32
        %broadcast_in_dim3A_291 = vector.broadcast %broadcast_in_dim3A_290 : i32 to vector<16xi32>
        %select_n3A_292 = arith.select %ge3A_288, %gather3A_289, %broadcast_in_dim3A_291 : vector<16xi1>, vector<16xi32>
        %ge3A_293 = arith.constant 8 : i32
        %ge3A_294 = vector.broadcast %ge3A_293 : i32 to vector<16xi32>
        %ge3A_295 = arith.cmpi sge, %iota3A, %ge3A_294 : vector<16xi32>
        %gather3A_296 = tpu.vector_load_idx %arg18[%max3A_285] : memref<16xf32, #tpu.memory_space<vmem>>[vector<16xi32>], vector<16xf32>,
        %select_n3A_297 = arith.select %ge3A_295, %gather3A_296, %broadcast_in_dim3A_0 : vector<16xi1>, vector<16xf32>
        %eq3A_298 = arith.cmpi eq, %masked_sort3A_206, %select_n3A_292 : vector<16xi32>
        %select_n3A_299 = arith.select %eq3A_298, %select_n3A_297, %broadcast_in_dim3A_0 : vector<16xi1>, vector<16xf32>
        %add3A_300 = arith.addf %add3A_277, %select_n3A_299 : vector<16xf32>
        %swap3A_301 = arith.constant 0 : index
        %swap3A_302 = tpu.vector_load %arg18[%swap3A_301] {strides = array<i32>} : memref<16xf32, #tpu.memory_space<vmem>>, vector<16xf32>,
        tpu.vector_store %arg18[%swap3A_301], %add3A_300 {strides = array<i32>} : memref<16xf32, #tpu.memory_space<vmem>>, vector<16xf32>,
        %add3A_303 = arith.constant 1 : i32
        %add3A_304 = vector.broadcast %add3A_303 : i32 to vector<16xi32>
        %add3A_305 = arith.addi %iota3A, %add3A_304 : vector<16xi32>
        %min3A_306 = arith.constant 15 : i32
        %min3A_307 = vector.broadcast %min3A_306 : i32 to vector<16xi32>
        %min3A_308 = arith.minsi %add3A_305, %min3A_307 : vector<16xi32>
        %gather3A_309 = tpu.vector_load_idx %arg17[%min3A_308] : memref<16xi32, #tpu.memory_space<vmem>>[vector<16xi32>], vector<16xi32>,
        %ne3A_310 = arith.cmpi ne, %masked_sort3A_206, %gather3A_309 : vector<16xi32>
        %eq3A_311 = arith.constant 15 : i32
        %eq3A_312 = vector.broadcast %eq3A_311 : i32 to vector<16xi32>
        %eq3A_313 = arith.cmpi eq, %iota3A, %eq3A_312 : vector<16xi32>
        %or3A_314 = arith.ori %ne3A_310, %eq3A_313 : vector<16xi1>
        tpu.vector_store_idx %arg12[%masked_sort3A_206], %add3A_300 masked %or3A_314 {add = true} : memref<10112xf32, #tpu.memory_space<vmem>>[vector<16xi32>], vector<16xf32>, vector<16xi1>
      }
      %scan3A_43 = arith.constant 16 : i32
      %add3A_44 = arith.constant 0 : i32
      %add3A_45 = arith.addi %add3A_44, %mul3A_9 : i32
      %mul3A_46 = arith.constant 256 : i32
      %mul3A_47 = arith.muli %add3A_32, %mul3A_46 : i32
      %add3A_48 = arith.addi %add3A_45, %mul3A_47 : i32
      "tpu.region"() ({
        %run_scoped3A = tpu.sem_alloc : memref<!tpu.dma_semaphore, #tpu.memory_space<semaphore_mem>>
        %dma_start3A = tpu.memref_slice %arg5[%add3A_48] : memref<1310720xf32, #tpu.memory_space<hbm>> -> memref<256xf32, #tpu.memory_space<hbm>>
        %dma_start3A_54 = tpu.memref_slice %arg5[%add3A_48] : memref<1310720xf32, #tpu.memory_space<hbm>> -> memref<256xf32, #tpu.memory_space<hbm>>
        tpu.enqueue_dma source(%arg15 : memref<256xf32, #tpu.memory_space<vmem>>) target(%dma_start3A_54 : memref<256xf32, #tpu.memory_space<hbm>>) target_semaphore(%run_scoped3A : memref<!tpu.dma_semaphore, #tpu.memory_space<semaphore_mem>>)
        %dma_wait3A = tpu.memref_slice %arg5[%add3A_48] : memref<1310720xf32, #tpu.memory_space<hbm>> -> memref<256xf32, #tpu.memory_space<hbm>>
        %dma_wait3A_55 = tpu.memref_slice %arg5[%add3A_48] : memref<1310720xf32, #tpu.memory_space<hbm>> -> memref<256xf32, #tpu.memory_space<hbm>>
        tpu.wait_dma2 semaphore(%run_scoped3A : memref<!tpu.dma_semaphore, #tpu.memory_space<semaphore_mem>>) src(%arg15 : memref<256xf32, #tpu.memory_space<vmem>>) dst(%dma_wait3A_55 : memref<256xf32, #tpu.memory_space<hbm>>)
        tpu.yield
      }) : () -> ()
      %add3A_49 = arith.constant 327680 : i32
      %add3A_50 = arith.addi %add3A_49, %mul3A_9 : i32
      %mul3A_51 = arith.constant 256 : i32
      %mul3A_52 = arith.muli %add3A_32, %mul3A_51 : i32
      %add3A_53 = arith.addi %add3A_50, %mul3A_52 : i32
      "tpu.region"() ({
        %run_scoped3A = tpu.sem_alloc : memref<!tpu.dma_semaphore, #tpu.memory_space<semaphore_mem>>
        %dma_start3A = tpu.memref_slice %arg5[%add3A_53] : memref<1310720xf32, #tpu.memory_space<hbm>> -> memref<256xf32, #tpu.memory_space<hbm>>
        %dma_start3A_54 = tpu.memref_slice %arg5[%add3A_53] : memref<1310720xf32, #tpu.memory_space<hbm>> -> memref<256xf32, #tpu.memory_space<hbm>>
        tpu.enqueue_dma source(%arg16 : memref<256xf32, #tpu.memory_space<vmem>>) target(%dma_start3A_54 : memref<256xf32, #tpu.memory_space<hbm>>) target_semaphore(%run_scoped3A : memref<!tpu.dma_semaphore, #tpu.memory_space<semaphore_mem>>)
        %dma_wait3A = tpu.memref_slice %arg5[%add3A_53] : memref<1310720xf32, #tpu.memory_space<hbm>> -> memref<256xf32, #tpu.memory_space<hbm>>
        %dma_wait3A_55 = tpu.memref_slice %arg5[%add3A_53] : memref<1310720xf32, #tpu.memory_space<hbm>> -> memref<256xf32, #tpu.memory_space<hbm>>
        tpu.wait_dma2 semaphore(%run_scoped3A : memref<!tpu.dma_semaphore, #tpu.memory_space<semaphore_mem>>) src(%arg16 : memref<256xf32, #tpu.memory_space<vmem>>) dst(%dma_wait3A_55 : memref<256xf32, #tpu.memory_space<hbm>>)
        tpu.yield
      }) : () -> ()
    }
    %scan3A_14 = arith.constant 40 : i32
    %mul3A_15 = arith.constant 16 : i32
    %mul3A_16 = arith.muli %arg0, %mul3A_15 : i32
    %add3A_17 = arith.addi %mul3A_16, %arg1 : i32
    %mul3A_18 = arith.constant 2 : i32
    %mul3A_19 = arith.muli %add3A_17, %mul3A_18 : i32
    %mul3A_20 = arith.constant 10112 : i32
    %mul3A_21 = arith.muli %mul3A_19, %mul3A_20 : i32
    "tpu.region"() ({
      %run_scoped3A = tpu.sem_alloc : memref<!tpu.dma_semaphore, #tpu.memory_space<semaphore_mem>>
      %dma_start3A = tpu.memref_slice %arg6[%mul3A_21] : memref<647168xf32, #tpu.memory_space<hbm>> -> memref<10112xf32, #tpu.memory_space<hbm>>
      %dma_start3A_28 = tpu.memref_slice %arg6[%mul3A_21] : memref<647168xf32, #tpu.memory_space<hbm>> -> memref<10112xf32, #tpu.memory_space<hbm>>
      tpu.enqueue_dma source(%arg11 : memref<10112xf32, #tpu.memory_space<vmem>>) target(%dma_start3A_28 : memref<10112xf32, #tpu.memory_space<hbm>>) target_semaphore(%run_scoped3A : memref<!tpu.dma_semaphore, #tpu.memory_space<semaphore_mem>>)
      %dma_wait3A = tpu.memref_slice %arg6[%mul3A_21] : memref<647168xf32, #tpu.memory_space<hbm>> -> memref<10112xf32, #tpu.memory_space<hbm>>
      %dma_wait3A_29 = tpu.memref_slice %arg6[%mul3A_21] : memref<647168xf32, #tpu.memory_space<hbm>> -> memref<10112xf32, #tpu.memory_space<hbm>>
      tpu.wait_dma2 semaphore(%run_scoped3A : memref<!tpu.dma_semaphore, #tpu.memory_space<semaphore_mem>>) src(%arg11 : memref<10112xf32, #tpu.memory_space<vmem>>) dst(%dma_wait3A_29 : memref<10112xf32, #tpu.memory_space<hbm>>)
      tpu.yield
    }) : () -> ()
    %mul3A_22 = arith.constant 2 : i32
    %mul3A_23 = arith.muli %add3A_17, %mul3A_22 : i32
    %mul3A_24 = arith.constant 10112 : i32
    %mul3A_25 = arith.muli %mul3A_23, %mul3A_24 : i32
    %add3A_26 = arith.constant 10112 : i32
    %add3A_27 = arith.addi %mul3A_25, %add3A_26 : i32
    "tpu.region"() ({
      %run_scoped3A = tpu.sem_alloc : memref<!tpu.dma_semaphore, #tpu.memory_space<semaphore_mem>>
      %dma_start3A = tpu.memref_slice %arg6[%add3A_27] : memref<647168xf32, #tpu.memory_space<hbm>> -> memref<10112xf32, #tpu.memory_space<hbm>>
      %dma_start3A_28 = tpu.memref_slice %arg6[%add3A_27] : memref<647168xf32, #tpu.memory_space<hbm>> -> memref<10112xf32, #tpu.memory_space<hbm>>
      tpu.enqueue_dma source(%arg12 : memref<10112xf32, #tpu.memory_space<vmem>>) target(%dma_start3A_28 : memref<10112xf32, #tpu.memory_space<hbm>>) target_semaphore(%run_scoped3A : memref<!tpu.dma_semaphore, #tpu.memory_space<semaphore_mem>>)
      %dma_wait3A = tpu.memref_slice %arg6[%add3A_27] : memref<647168xf32, #tpu.memory_space<hbm>> -> memref<10112xf32, #tpu.memory_space<hbm>>
      %dma_wait3A_29 = tpu.memref_slice %arg6[%add3A_27] : memref<647168xf32, #tpu.memory_space<hbm>> -> memref<10112xf32, #tpu.memory_space<hbm>>
      tpu.wait_dma2 semaphore(%run_scoped3A : memref<!tpu.dma_semaphore, #tpu.memory_space<semaphore_mem>>) src(%arg12 : memref<10112xf32, #tpu.memory_space<vmem>>) dst(%dma_wait3A_29 : memref<10112xf32, #tpu.memory_space<hbm>>)
      tpu.yield
    }) : () -> ()
    return
  }
}

#map = affine_map<(d0, d1) -> (0, 0)>
#map1 = affine_map<(d0, d1) -> (0)>
module attributes {stable_mosaic.version = 14 : i64} {
  func.func @k(%arg0: i32, %arg1: i32, %arg2: memref<10112x128xf32, #tpu.memory_space<hbm>>, %arg3: memref<327680xi32, #tpu.memory_space<hbm>>, %arg4: memref<327680xi32, #tpu.memory_space<hbm>>, %arg5: memref<1310720xf32, #tpu.memory_space<hbm>>, %arg6: memref<20224x128xf32, #tpu.memory_space<hbm>>, %arg7: memref<20224x128xf32, #tpu.memory_space<hbm>>, %arg8: memref<256xi32, #tpu.memory_space<vmem>>, %arg9: memref<256xi32, #tpu.memory_space<vmem>>, %arg10: memref<256x128xf32, #tpu.memory_space<vmem>>, %arg11: memref<256xf32, #tpu.memory_space<vmem>>, %arg12: memref<256xf32, #tpu.memory_space<vmem>>, %arg13: memref<10112x128xf32, #tpu.memory_space<vmem_shared>>, %arg14: memref<!tpu.dma_semaphore, #tpu.memory_space<semaphore_mem>>) attributes {dimension_semantics = [#tpu.dimension_semantics<core_parallel>, #tpu.dimension_semantics<subcore_parallel>], iteration_bounds = array<i64: 2, 16>, scalar_prefetch = 0 : i64, scratch_operands = 7 : i64, tpu.core_type = #tpu.core_type<sc_vector_subcore>, window_params = [{transform_indices = #map}, {transform_indices = #map1}, {transform_indices = #map1}, {transform_indices = #map1}, {transform_indices = #map}, {transform_indices = #map}]} {
    %mul3A = arith.constant 632 : i32
    %mul3A_0 = arith.muli %arg1, %mul3A : i32
    %mul3A_1 = arith.constant 10112 : i32
    %mul3A_2 = arith.muli %arg0, %mul3A_1 : i32
    %add3A = arith.addi %mul3A_2, %mul3A_0 : i32
    "tpu.region"() ({
      %run_scoped3A = tpu.sem_alloc : memref<!tpu.dma_semaphore, #tpu.memory_space<semaphore_mem>>
      %dma_start3A = arith.constant 0 : i32
      %dma_start3A_18 = tpu.memref_slice %arg13[%mul3A_0, %dma_start3A] : memref<10112x128xf32, #tpu.memory_space<vmem_shared>> -> memref<632x128xf32, #tpu.memory_space<vmem_shared>>
      %dma_start3A_19 = arith.constant 0 : i32
      %dma_start3A_20 = tpu.memref_slice %arg6[%add3A, %dma_start3A_19] : memref<20224x128xf32, #tpu.memory_space<hbm>> -> memref<632x128xf32, #tpu.memory_space<hbm>>
      tpu.enqueue_dma source(%dma_start3A_20 : memref<632x128xf32, #tpu.memory_space<hbm>>) target(%dma_start3A_18 : memref<632x128xf32, #tpu.memory_space<vmem_shared>>) target_semaphore(%run_scoped3A : memref<!tpu.dma_semaphore, #tpu.memory_space<semaphore_mem>>)
      %dma_wait3A = arith.constant 0 : i32
      %dma_wait3A_21 = tpu.memref_slice %arg13[%mul3A_0, %dma_wait3A] : memref<10112x128xf32, #tpu.memory_space<vmem_shared>> -> memref<632x128xf32, #tpu.memory_space<vmem_shared>>
      %dma_wait3A_22 = arith.constant 0 : i32
      %dma_wait3A_23 = tpu.memref_slice %arg6[%add3A, %dma_wait3A_22] : memref<20224x128xf32, #tpu.memory_space<hbm>> -> memref<632x128xf32, #tpu.memory_space<hbm>>
      tpu.wait_dma2 semaphore(%run_scoped3A : memref<!tpu.dma_semaphore, #tpu.memory_space<semaphore_mem>>) src(%dma_wait3A_23 : memref<632x128xf32, #tpu.memory_space<hbm>>) dst(%dma_wait3A_21 : memref<632x128xf32, #tpu.memory_space<vmem_shared>>)
      tpu.yield
    }) : () -> ()
    %barrier3A = arith.constant 0 : index
    tpu.barrier barrier_id(%barrier3A)
    %mul3A_3 = arith.constant 16 : i32
    %mul3A_4 = arith.muli %arg0, %mul3A_3 : i32
    %add3A_5 = arith.addi %mul3A_4, %arg1 : i32
    %mul3A_6 = arith.constant 40 : i32
    %mul3A_7 = arith.muli %add3A_5, %mul3A_6 : i32
    %mul3A_8 = arith.constant 256 : i32
    %mul3A_9 = arith.muli %mul3A_7, %mul3A_8 : i32
    %scan3A = arith.constant 0 : i32
    %scan3A_10 = arith.constant 40 : i32
    %scan3A_11 = arith.addi %scan3A, %scan3A_10 : i32
    %scan3A_12 = arith.constant 1 : i32
    scf.for %scan3A_18 = %scan3A to %scan3A_11 step %scan3A_12  : i32 {
      %mul3A_19 = arith.constant 1 : i32
      %mul3A_20 = arith.muli %scan3A_18, %mul3A_19 : i32
      %add3A_21 = arith.constant 0 : i32
      %add3A_22 = arith.addi %add3A_21, %mul3A_20 : i32
      %mul3A_23 = arith.constant 256 : i32
      %mul3A_24 = arith.muli %add3A_22, %mul3A_23 : i32
      %add3A_25 = arith.addi %mul3A_9, %mul3A_24 : i32
      "tpu.region"() ({
        %run_scoped3A = tpu.sem_alloc : memref<!tpu.dma_semaphore, #tpu.memory_space<semaphore_mem>>
        %dma_start3A_53 = tpu.memref_slice %arg3[%add3A_25] : memref<327680xi32, #tpu.memory_space<hbm>> -> memref<256xi32, #tpu.memory_space<hbm>>
        %dma_start3A_54 = tpu.memref_slice %arg3[%add3A_25] : memref<327680xi32, #tpu.memory_space<hbm>> -> memref<256xi32, #tpu.memory_space<hbm>>
        tpu.enqueue_dma source(%dma_start3A_54 : memref<256xi32, #tpu.memory_space<hbm>>) target(%arg8 : memref<256xi32, #tpu.memory_space<vmem>>) target_semaphore(%run_scoped3A : memref<!tpu.dma_semaphore, #tpu.memory_space<semaphore_mem>>)
        %dma_wait3A_55 = tpu.memref_slice %arg3[%add3A_25] : memref<327680xi32, #tpu.memory_space<hbm>> -> memref<256xi32, #tpu.memory_space<hbm>>
        %dma_wait3A_56 = tpu.memref_slice %arg3[%add3A_25] : memref<327680xi32, #tpu.memory_space<hbm>> -> memref<256xi32, #tpu.memory_space<hbm>>
        tpu.wait_dma2 semaphore(%run_scoped3A : memref<!tpu.dma_semaphore, #tpu.memory_space<semaphore_mem>>) src(%dma_wait3A_56 : memref<256xi32, #tpu.memory_space<hbm>>) dst(%arg8 : memref<256xi32, #tpu.memory_space<vmem>>)
        tpu.yield
      }) : () -> ()
      %mul3A_26 = arith.constant 256 : i32
      %mul3A_27 = arith.muli %add3A_22, %mul3A_26 : i32
      %add3A_28 = arith.addi %mul3A_9, %mul3A_27 : i32
      "tpu.region"() ({
        %run_scoped3A = tpu.sem_alloc : memref<!tpu.dma_semaphore, #tpu.memory_space<semaphore_mem>>
        %dma_start3A_53 = tpu.memref_slice %arg4[%add3A_28] : memref<327680xi32, #tpu.memory_space<hbm>> -> memref<256xi32, #tpu.memory_space<hbm>>
        %dma_start3A_54 = tpu.memref_slice %arg4[%add3A_28] : memref<327680xi32, #tpu.memory_space<hbm>> -> memref<256xi32, #tpu.memory_space<hbm>>
        tpu.enqueue_dma source(%dma_start3A_54 : memref<256xi32, #tpu.memory_space<hbm>>) target(%arg9 : memref<256xi32, #tpu.memory_space<vmem>>) target_semaphore(%run_scoped3A : memref<!tpu.dma_semaphore, #tpu.memory_space<semaphore_mem>>)
        %dma_wait3A_55 = tpu.memref_slice %arg4[%add3A_28] : memref<327680xi32, #tpu.memory_space<hbm>> -> memref<256xi32, #tpu.memory_space<hbm>>
        %dma_wait3A_56 = tpu.memref_slice %arg4[%add3A_28] : memref<327680xi32, #tpu.memory_space<hbm>> -> memref<256xi32, #tpu.memory_space<hbm>>
        tpu.wait_dma2 semaphore(%run_scoped3A : memref<!tpu.dma_semaphore, #tpu.memory_space<semaphore_mem>>) src(%dma_wait3A_56 : memref<256xi32, #tpu.memory_space<hbm>>) dst(%arg9 : memref<256xi32, #tpu.memory_space<vmem>>)
        tpu.yield
      }) : () -> ()
      %add3A_29 = arith.constant 0 : i32
      %add3A_30 = arith.addi %add3A_29, %mul3A_9 : i32
      %mul3A_31 = arith.constant 256 : i32
      %mul3A_32 = arith.muli %add3A_22, %mul3A_31 : i32
      %add3A_33 = arith.addi %add3A_30, %mul3A_32 : i32
      "tpu.region"() ({
        %run_scoped3A = tpu.sem_alloc : memref<!tpu.dma_semaphore, #tpu.memory_space<semaphore_mem>>
        %dma_start3A_53 = tpu.memref_slice %arg5[%add3A_33] : memref<1310720xf32, #tpu.memory_space<hbm>> -> memref<256xf32, #tpu.memory_space<hbm>>
        %dma_start3A_54 = tpu.memref_slice %arg5[%add3A_33] : memref<1310720xf32, #tpu.memory_space<hbm>> -> memref<256xf32, #tpu.memory_space<hbm>>
        tpu.enqueue_dma source(%dma_start3A_54 : memref<256xf32, #tpu.memory_space<hbm>>) target(%arg11 : memref<256xf32, #tpu.memory_space<vmem>>) target_semaphore(%run_scoped3A : memref<!tpu.dma_semaphore, #tpu.memory_space<semaphore_mem>>)
        %dma_wait3A_55 = tpu.memref_slice %arg5[%add3A_33] : memref<1310720xf32, #tpu.memory_space<hbm>> -> memref<256xf32, #tpu.memory_space<hbm>>
        %dma_wait3A_56 = tpu.memref_slice %arg5[%add3A_33] : memref<1310720xf32, #tpu.memory_space<hbm>> -> memref<256xf32, #tpu.memory_space<hbm>>
        tpu.wait_dma2 semaphore(%run_scoped3A : memref<!tpu.dma_semaphore, #tpu.memory_space<semaphore_mem>>) src(%dma_wait3A_56 : memref<256xf32, #tpu.memory_space<hbm>>) dst(%arg11 : memref<256xf32, #tpu.memory_space<vmem>>)
        tpu.yield
      }) : () -> ()
      %add3A_34 = arith.constant 327680 : i32
      %add3A_35 = arith.addi %add3A_34, %mul3A_9 : i32
      %mul3A_36 = arith.constant 256 : i32
      %mul3A_37 = arith.muli %add3A_22, %mul3A_36 : i32
      %add3A_38 = arith.addi %add3A_35, %mul3A_37 : i32
      "tpu.region"() ({
        %run_scoped3A = tpu.sem_alloc : memref<!tpu.dma_semaphore, #tpu.memory_space<semaphore_mem>>
        %dma_start3A_53 = tpu.memref_slice %arg5[%add3A_38] : memref<1310720xf32, #tpu.memory_space<hbm>> -> memref<256xf32, #tpu.memory_space<hbm>>
        %dma_start3A_54 = tpu.memref_slice %arg5[%add3A_38] : memref<1310720xf32, #tpu.memory_space<hbm>> -> memref<256xf32, #tpu.memory_space<hbm>>
        tpu.enqueue_dma source(%dma_start3A_54 : memref<256xf32, #tpu.memory_space<hbm>>) target(%arg12 : memref<256xf32, #tpu.memory_space<vmem>>) target_semaphore(%run_scoped3A : memref<!tpu.dma_semaphore, #tpu.memory_space<semaphore_mem>>)
        %dma_wait3A_55 = tpu.memref_slice %arg5[%add3A_38] : memref<1310720xf32, #tpu.memory_space<hbm>> -> memref<256xf32, #tpu.memory_space<hbm>>
        %dma_wait3A_56 = tpu.memref_slice %arg5[%add3A_38] : memref<1310720xf32, #tpu.memory_space<hbm>> -> memref<256xf32, #tpu.memory_space<hbm>>
        tpu.wait_dma2 semaphore(%run_scoped3A : memref<!tpu.dma_semaphore, #tpu.memory_space<semaphore_mem>>) src(%dma_wait3A_56 : memref<256xf32, #tpu.memory_space<hbm>>) dst(%arg12 : memref<256xf32, #tpu.memory_space<vmem>>)
        tpu.yield
      }) : () -> ()
      %scan3A_39 = arith.constant 0 : i32
      %scan3A_40 = arith.constant 16 : i32
      %scan3A_41 = arith.addi %scan3A_39, %scan3A_40 : i32
      %scan3A_42 = arith.constant 1 : i32
      scf.for %scan3A_53 = %scan3A_39 to %scan3A_41 step %scan3A_42  : i32 {
        %mul3A_54 = arith.constant 1 : i32
        %mul3A_55 = arith.muli %scan3A_53, %mul3A_54 : i32
        %add3A_56 = arith.constant 0 : i32
        %add3A_57 = arith.addi %add3A_56, %mul3A_55 : i32
        %mul3A_58 = arith.constant 16 : i32
        %mul3A_59 = arith.muli %add3A_57, %mul3A_58 : i32
        %get3A = arith.index_cast %mul3A_59 : i32 to index
        %get3A_60 = tpu.vector_load %arg8[%get3A] {strides = array<i32>} : memref<256xi32, #tpu.memory_space<vmem>>, vector<16xi32>,
        %add3A_61 = arith.constant 0 : i32
        %add3A_62 = vector.broadcast %add3A_61 : i32 to vector<16xi32>
        %add3A_63 = arith.addi %get3A_60, %add3A_62 : vector<16xi32>
        %mul3A_64 = arith.constant 16 : i32
        %mul3A_65 = arith.muli %add3A_57, %mul3A_64 : i32
        %swap3A = arith.index_cast %mul3A_65 : i32 to index
        %swap3A_66 = tpu.vector_load %arg8[%swap3A] {strides = array<i32>} : memref<256xi32, #tpu.memory_space<vmem>>, vector<16xi32>,
        tpu.vector_store %arg8[%swap3A], %add3A_63 {strides = array<i32>} : memref<256xi32, #tpu.memory_space<vmem>>, vector<16xi32>,
      }
      %scan3A_43 = arith.constant 16 : i32
      %dma_start3A = arith.constant 0 : i32
      %dma_start3A_44 = arith.constant 0 : i32
      %dma_start3A_45 = tpu.memref_slice %arg2[%dma_start3A, %dma_start3A_44] : memref<10112x128xf32, #tpu.memory_space<hbm>> -> memref<10112x128xf32, #tpu.memory_space<hbm>>
      tpu.enqueue_indirect_dma source(%dma_start3A_45 : memref<10112x128xf32, #tpu.memory_space<hbm>>) target(%arg10 : memref<256x128xf32, #tpu.memory_space<vmem>>) offsets(%arg8 : memref<256xi32, #tpu.memory_space<vmem>>) semaphore(%arg14 : memref<!tpu.dma_semaphore, #tpu.memory_space<semaphore_mem>>)
      %dma_wait3A = arith.constant 0 : i32
      %dma_wait3A_46 = arith.constant 0 : i32
      %dma_wait3A_47 = tpu.memref_slice %arg2[%dma_wait3A, %dma_wait3A_46] : memref<10112x128xf32, #tpu.memory_space<hbm>> -> memref<10112x128xf32, #tpu.memory_space<hbm>>
      tpu.wait_indirect_dma semaphore(%arg14 : memref<!tpu.dma_semaphore, #tpu.memory_space<semaphore_mem>>) src(%dma_wait3A_47 : memref<10112x128xf32, #tpu.memory_space<hbm>>) dst(%arg10 : memref<256x128xf32, #tpu.memory_space<vmem>>)
      %scan3A_48 = arith.constant 0 : i32
      %scan3A_49 = arith.constant 256 : i32
      %scan3A_50 = arith.addi %scan3A_48, %scan3A_49 : i32
      %scan3A_51 = arith.constant 1 : i32
      scf.for %scan3A_53 = %scan3A_48 to %scan3A_50 step %scan3A_51  : i32 {
        %mul3A_54 = arith.constant 1 : i32
        %mul3A_55 = arith.muli %scan3A_53, %mul3A_54 : i32
        %add3A_56 = arith.constant 0 : i32
        %add3A_57 = arith.addi %add3A_56, %mul3A_55 : i32
        %broadcast_in_dim3A = vector.broadcast %add3A_57 : i32 to vector<16xi32>
        %gather3A = tpu.vector_load_idx %arg11[%broadcast_in_dim3A] : memref<256xf32, #tpu.memory_space<vmem>>[vector<16xi32>], vector<16xf32>,
        %gather3A_58 = tpu.vector_load_idx %arg12[%broadcast_in_dim3A] : memref<256xf32, #tpu.memory_space<vmem>>[vector<16xi32>], vector<16xf32>,
        %get3A = arith.index_cast %add3A_57 : i32 to index
        %get3A_59 = arith.constant 0 : index
        %get3A_60 = tpu.vector_load %arg10[%get3A, %get3A_59] {strides = array<i32>} : memref<256x128xf32, #tpu.memory_space<vmem>>, vector<16xf32>,
        %mul3A_61 = arith.mulf %get3A_60, %gather3A : vector<16xf32>
        %swap3A = arith.index_cast %add3A_57 : i32 to index
        %swap3A_62 = arith.constant 0 : index
        %swap3A_63 = tpu.vector_load %arg10[%swap3A, %swap3A_62] {strides = array<i32>} : memref<256x128xf32, #tpu.memory_space<vmem>>, vector<16xf32>,
        tpu.vector_store %arg10[%swap3A, %swap3A_62], %mul3A_61 {strides = array<i32>} : memref<256x128xf32, #tpu.memory_space<vmem>>, vector<16xf32>,
        %get3A_64 = arith.index_cast %add3A_57 : i32 to index
        %get3A_65 = arith.constant 16 : index
        %get3A_66 = tpu.vector_load %arg10[%get3A_64, %get3A_65] {strides = array<i32>} : memref<256x128xf32, #tpu.memory_space<vmem>>, vector<16xf32>,
        %mul3A_67 = arith.mulf %get3A_66, %gather3A : vector<16xf32>
        %swap3A_68 = arith.index_cast %add3A_57 : i32 to index
        %swap3A_69 = arith.constant 16 : index
        %swap3A_70 = tpu.vector_load %arg10[%swap3A_68, %swap3A_69] {strides = array<i32>} : memref<256x128xf32, #tpu.memory_space<vmem>>, vector<16xf32>,
        tpu.vector_store %arg10[%swap3A_68, %swap3A_69], %mul3A_67 {strides = array<i32>} : memref<256x128xf32, #tpu.memory_space<vmem>>, vector<16xf32>,
        %get3A_71 = arith.index_cast %add3A_57 : i32 to index
        %get3A_72 = arith.constant 32 : index
        %get3A_73 = tpu.vector_load %arg10[%get3A_71, %get3A_72] {strides = array<i32>} : memref<256x128xf32, #tpu.memory_space<vmem>>, vector<16xf32>,
        %mul3A_74 = arith.mulf %get3A_73, %gather3A : vector<16xf32>
        %swap3A_75 = arith.index_cast %add3A_57 : i32 to index
        %swap3A_76 = arith.constant 32 : index
        %swap3A_77 = tpu.vector_load %arg10[%swap3A_75, %swap3A_76] {strides = array<i32>} : memref<256x128xf32, #tpu.memory_space<vmem>>, vector<16xf32>,
        tpu.vector_store %arg10[%swap3A_75, %swap3A_76], %mul3A_74 {strides = array<i32>} : memref<256x128xf32, #tpu.memory_space<vmem>>, vector<16xf32>,
        %get3A_78 = arith.index_cast %add3A_57 : i32 to index
        %get3A_79 = arith.constant 48 : index
        %get3A_80 = tpu.vector_load %arg10[%get3A_78, %get3A_79] {strides = array<i32>} : memref<256x128xf32, #tpu.memory_space<vmem>>, vector<16xf32>,
        %mul3A_81 = arith.mulf %get3A_80, %gather3A : vector<16xf32>
        %swap3A_82 = arith.index_cast %add3A_57 : i32 to index
        %swap3A_83 = arith.constant 48 : index
        %swap3A_84 = tpu.vector_load %arg10[%swap3A_82, %swap3A_83] {strides = array<i32>} : memref<256x128xf32, #tpu.memory_space<vmem>>, vector<16xf32>,
        tpu.vector_store %arg10[%swap3A_82, %swap3A_83], %mul3A_81 {strides = array<i32>} : memref<256x128xf32, #tpu.memory_space<vmem>>, vector<16xf32>,
        %get3A_85 = arith.index_cast %add3A_57 : i32 to index
        %get3A_86 = arith.constant 64 : index
        %get3A_87 = tpu.vector_load %arg10[%get3A_85, %get3A_86] {strides = array<i32>} : memref<256x128xf32, #tpu.memory_space<vmem>>, vector<16xf32>,
        %mul3A_88 = arith.mulf %get3A_87, %gather3A_58 : vector<16xf32>
        %swap3A_89 = arith.index_cast %add3A_57 : i32 to index
        %swap3A_90 = arith.constant 64 : index
        %swap3A_91 = tpu.vector_load %arg10[%swap3A_89, %swap3A_90] {strides = array<i32>} : memref<256x128xf32, #tpu.memory_space<vmem>>, vector<16xf32>,
        tpu.vector_store %arg10[%swap3A_89, %swap3A_90], %mul3A_88 {strides = array<i32>} : memref<256x128xf32, #tpu.memory_space<vmem>>, vector<16xf32>,
        %get3A_92 = arith.index_cast %add3A_57 : i32 to index
        %get3A_93 = arith.constant 80 : index
        %get3A_94 = tpu.vector_load %arg10[%get3A_92, %get3A_93] {strides = array<i32>} : memref<256x128xf32, #tpu.memory_space<vmem>>, vector<16xf32>,
        %mul3A_95 = arith.mulf %get3A_94, %gather3A_58 : vector<16xf32>
        %swap3A_96 = arith.index_cast %add3A_57 : i32 to index
        %swap3A_97 = arith.constant 80 : index
        %swap3A_98 = tpu.vector_load %arg10[%swap3A_96, %swap3A_97] {strides = array<i32>} : memref<256x128xf32, #tpu.memory_space<vmem>>, vector<16xf32>,
        tpu.vector_store %arg10[%swap3A_96, %swap3A_97], %mul3A_95 {strides = array<i32>} : memref<256x128xf32, #tpu.memory_space<vmem>>, vector<16xf32>,
        %get3A_99 = arith.index_cast %add3A_57 : i32 to index
        %get3A_100 = arith.constant 96 : index
        %get3A_101 = tpu.vector_load %arg10[%get3A_99, %get3A_100] {strides = array<i32>} : memref<256x128xf32, #tpu.memory_space<vmem>>, vector<16xf32>,
        %mul3A_102 = arith.mulf %get3A_101, %gather3A_58 : vector<16xf32>
        %swap3A_103 = arith.index_cast %add3A_57 : i32 to index
        %swap3A_104 = arith.constant 96 : index
        %swap3A_105 = tpu.vector_load %arg10[%swap3A_103, %swap3A_104] {strides = array<i32>} : memref<256x128xf32, #tpu.memory_space<vmem>>, vector<16xf32>,
        tpu.vector_store %arg10[%swap3A_103, %swap3A_104], %mul3A_102 {strides = array<i32>} : memref<256x128xf32, #tpu.memory_space<vmem>>, vector<16xf32>,
        %get3A_106 = arith.index_cast %add3A_57 : i32 to index
        %get3A_107 = arith.constant 112 : index
        %get3A_108 = tpu.vector_load %arg10[%get3A_106, %get3A_107] {strides = array<i32>} : memref<256x128xf32, #tpu.memory_space<vmem>>, vector<16xf32>,
        %mul3A_109 = arith.mulf %get3A_108, %gather3A_58 : vector<16xf32>
        %swap3A_110 = arith.index_cast %add3A_57 : i32 to index
        %swap3A_111 = arith.constant 112 : index
        %swap3A_112 = tpu.vector_load %arg10[%swap3A_110, %swap3A_111] {strides = array<i32>} : memref<256x128xf32, #tpu.memory_space<vmem>>, vector<16xf32>,
        tpu.vector_store %arg10[%swap3A_110, %swap3A_111], %mul3A_109 {strides = array<i32>} : memref<256x128xf32, #tpu.memory_space<vmem>>, vector<16xf32>,
      }
      %scan3A_52 = arith.constant 256 : i32
      "tpu.region"() ({
        %run_scoped3A = tpu.sem_alloc : memref<!tpu.dma_semaphore, #tpu.memory_space<semaphore_mem>>
        %dma_start3A_53 = arith.constant 0 : i32
        %dma_start3A_54 = arith.constant 0 : i32
        %dma_start3A_55 = tpu.memref_slice %arg13[%dma_start3A_53, %dma_start3A_54] : memref<10112x128xf32, #tpu.memory_space<vmem_shared>> -> memref<10112x128xf32, #tpu.memory_space<vmem_shared>>
        tpu.enqueue_indirect_dma source(%arg10 : memref<256x128xf32, #tpu.memory_space<vmem>>) target(%dma_start3A_55 : memref<10112x128xf32, #tpu.memory_space<vmem_shared>>) offsets(%arg9 : memref<256xi32, #tpu.memory_space<vmem>>) semaphore(%run_scoped3A : memref<!tpu.dma_semaphore, #tpu.memory_space<semaphore_mem>>) {add = true}
        %dma_wait3A_56 = arith.constant 0 : i32
        %dma_wait3A_57 = arith.constant 0 : i32
        %dma_wait3A_58 = tpu.memref_slice %arg13[%dma_wait3A_56, %dma_wait3A_57] : memref<10112x128xf32, #tpu.memory_space<vmem_shared>> -> memref<10112x128xf32, #tpu.memory_space<vmem_shared>>
        tpu.wait_indirect_dma semaphore(%run_scoped3A : memref<!tpu.dma_semaphore, #tpu.memory_space<semaphore_mem>>) src(%arg10 : memref<256x128xf32, #tpu.memory_space<vmem>>) dst(%dma_wait3A_58 : memref<10112x128xf32, #tpu.memory_space<vmem_shared>>)
        tpu.yield
      }) : () -> ()
    }
    %scan3A_13 = arith.constant 40 : i32
    %barrier3A_14 = arith.constant 0 : index
    tpu.barrier barrier_id(%barrier3A_14)
    %mul3A_15 = arith.constant 10112 : i32
    %mul3A_16 = arith.muli %arg0, %mul3A_15 : i32
    %add3A_17 = arith.addi %mul3A_16, %mul3A_0 : i32
    "tpu.region"() ({
      %run_scoped3A = tpu.sem_alloc : memref<!tpu.dma_semaphore, #tpu.memory_space<semaphore_mem>>
      %dma_start3A = arith.constant 0 : i32
      %dma_start3A_18 = tpu.memref_slice %arg7[%add3A_17, %dma_start3A] : memref<20224x128xf32, #tpu.memory_space<hbm>> -> memref<632x128xf32, #tpu.memory_space<hbm>>
      %dma_start3A_19 = arith.constant 0 : i32
      %dma_start3A_20 = tpu.memref_slice %arg13[%mul3A_0, %dma_start3A_19] : memref<10112x128xf32, #tpu.memory_space<vmem_shared>> -> memref<632x128xf32, #tpu.memory_space<vmem_shared>>
      tpu.enqueue_dma source(%dma_start3A_20 : memref<632x128xf32, #tpu.memory_space<vmem_shared>>) target(%dma_start3A_18 : memref<632x128xf32, #tpu.memory_space<hbm>>) target_semaphore(%run_scoped3A : memref<!tpu.dma_semaphore, #tpu.memory_space<semaphore_mem>>)
      %dma_wait3A = arith.constant 0 : i32
      %dma_wait3A_21 = tpu.memref_slice %arg7[%add3A_17, %dma_wait3A] : memref<20224x128xf32, #tpu.memory_space<hbm>> -> memref<632x128xf32, #tpu.memory_space<hbm>>
      %dma_wait3A_22 = arith.constant 0 : i32
      %dma_wait3A_23 = tpu.memref_slice %arg13[%mul3A_0, %dma_wait3A_22] : memref<10112x128xf32, #tpu.memory_space<vmem_shared>> -> memref<632x128xf32, #tpu.memory_space<vmem_shared>>
      tpu.wait_dma2 semaphore(%run_scoped3A : memref<!tpu.dma_semaphore, #tpu.memory_space<semaphore_mem>>) src(%dma_wait3A_23 : memref<632x128xf32, #tpu.memory_space<vmem_shared>>) dst(%dma_wait3A_21 : memref<632x128xf32, #tpu.memory_space<hbm>>)
      tpu.yield
    }) : () -> ()
    return
  }
}

module attributes {stable_mosaic.version = 14 : i64} {
  func.func @_matmul_kernel(%arg0: i32, %arg1: memref<1000x128xf32, #tpu.memory_space<vmem>>, %arg2: memref<128x256xf32, #tpu.memory_space<vmem>>, %arg3: memref<1000x256xf32, #tpu.memory_space<vmem>>) attributes {dimension_semantics = [#tpu.dimension_semantics<arbitrary>], iteration_bounds = array<i64: 10>, scalar_prefetch = 0 : i64, scratch_operands = 0 : i64, tpu.core_type = #tpu.core_type<tc>, window_params = [{transform_indices = @transform_0, window_bounds = array<i64: 1000, 128>}, {pipeline_mode = #tpu.pipeline_mode<synchronous>, transform_indices = @transform_1, window_bounds = array<i64: 128, 256>}, {transform_indices = @transform_2, window_bounds = array<i64: 1000, 256>}]} {
    %get3A = arith.constant 0 : index
    %get3A_0 = arith.constant 0 : index
    %get3A_1 = vector.load %arg1[%get3A, %get3A_0] : memref<1000x128xf32, #tpu.memory_space<vmem>>, vector<1000x128xf32>
    %get3A_2 = arith.constant 0 : index
    %get3A_3 = arith.constant 0 : index
    %get3A_4 = vector.load %arg2[%get3A_2, %get3A_3] : memref<128x256xf32, #tpu.memory_space<vmem>>, vector<128x256xf32>
    %dot_general3A = arith.constant dense<0.000000e+00> : vector<1000x256xf32>
    %dot_general3A_5 = tpu.matmul %get3A_1, %get3A_4, %dot_general3A {dimension_numbers = #tpu.dot_dimension_numbers<[1], [0], [0], [1], [0, 0, 1, 1], [], []>, transpose_lhs_hint = false} : vector<1000x128xf32>, vector<128x256xf32>, vector<1000x256xf32> -> vector<1000x256xf32>
    %swap3A = arith.constant 0 : index
    %swap3A_6 = arith.constant 0 : index
    %swap3A_7 = vector.load %arg3[%swap3A, %swap3A_6] : memref<1000x256xf32, #tpu.memory_space<vmem>>, vector<1000x256xf32>
    tpu.vector_store %arg3[%swap3A, %swap3A_6], %dot_general3A_5 {strides = array<i32>} : memref<1000x256xf32, #tpu.memory_space<vmem>>, vector<1000x256xf32>,
    return
  }
  func.func @transform_0(%arg0: i32) -> (i32, i32) {
    %c0_i32 = arith.constant 0 : i32
    %c0_i32_0 = arith.constant 0 : i32
    return %arg0, %c0_i32 : i32, i32
  }
  func.func @transform_1(%arg0: i32) -> (i32, i32) {
    %c0_i32 = arith.constant 0 : i32
    %c0_i32_0 = arith.constant 0 : i32
    %c0_i32_1 = arith.constant 0 : i32
    return %c0_i32, %c0_i32_0 : i32, i32
  }
  func.func @transform_2(%arg0: i32) -> (i32, i32) {
    %c0_i32 = arith.constant 0 : i32
    %c0_i32_0 = arith.constant 0 : i32
    return %arg0, %c0_i32 : i32, i32
  }
}

module attributes {stable_mosaic.version = 14 : i64} {
  func.func @_matmul_kernel(%arg0: i32, %arg1: memref<1000x256xf32, #tpu.memory_space<vmem>>, %arg2: memref<256x256xf32, #tpu.memory_space<vmem>>, %arg3: memref<1000x256xf32, #tpu.memory_space<vmem>>) attributes {dimension_semantics = [#tpu.dimension_semantics<arbitrary>], iteration_bounds = array<i64: 10>, scalar_prefetch = 0 : i64, scratch_operands = 0 : i64, tpu.core_type = #tpu.core_type<tc>, window_params = [{transform_indices = @transform_0, window_bounds = array<i64: 1000, 256>}, {pipeline_mode = #tpu.pipeline_mode<synchronous>, transform_indices = @transform_1, window_bounds = array<i64: 256, 256>}, {transform_indices = @transform_2, window_bounds = array<i64: 1000, 256>}]} {
    %get3A = arith.constant 0 : index
    %get3A_0 = arith.constant 0 : index
    %get3A_1 = vector.load %arg1[%get3A, %get3A_0] : memref<1000x256xf32, #tpu.memory_space<vmem>>, vector<1000x256xf32>
    %get3A_2 = arith.constant 0 : index
    %get3A_3 = arith.constant 0 : index
    %get3A_4 = vector.load %arg2[%get3A_2, %get3A_3] : memref<256x256xf32, #tpu.memory_space<vmem>>, vector<256x256xf32>
    %dot_general3A = arith.constant dense<0.000000e+00> : vector<1000x256xf32>
    %dot_general3A_5 = tpu.matmul %get3A_1, %get3A_4, %dot_general3A {dimension_numbers = #tpu.dot_dimension_numbers<[1], [0], [0], [1], [0, 0, 1, 1], [], []>, transpose_lhs_hint = false} : vector<1000x256xf32>, vector<256x256xf32>, vector<1000x256xf32> -> vector<1000x256xf32>
    %swap3A = arith.constant 0 : index
    %swap3A_6 = arith.constant 0 : index
    %swap3A_7 = vector.load %arg3[%swap3A, %swap3A_6] : memref<1000x256xf32, #tpu.memory_space<vmem>>, vector<1000x256xf32>
    tpu.vector_store %arg3[%swap3A, %swap3A_6], %dot_general3A_5 {strides = array<i32>} : memref<1000x256xf32, #tpu.memory_space<vmem>>, vector<1000x256xf32>,
    return
  }
  func.func @transform_0(%arg0: i32) -> (i32, i32) {
    %c0_i32 = arith.constant 0 : i32
    %c0_i32_0 = arith.constant 0 : i32
    return %arg0, %c0_i32 : i32, i32
  }
  func.func @transform_1(%arg0: i32) -> (i32, i32) {
    %c0_i32 = arith.constant 0 : i32
    %c0_i32_0 = arith.constant 0 : i32
    %c0_i32_1 = arith.constant 0 : i32
    return %c0_i32, %c0_i32_0 : i32, i32
  }
  func.func @transform_2(%arg0: i32) -> (i32, i32) {
    %c0_i32 = arith.constant 0 : i32
    %c0_i32_0 = arith.constant 0 : i32
    return %arg0, %c0_i32 : i32, i32
  }
}

module attributes {stable_mosaic.version = 14 : i64} {
  func.func @_matmul_kernel(%arg0: i32, %arg1: memref<1000x256xf32, #tpu.memory_space<vmem>>, %arg2: memref<256x128xf32, #tpu.memory_space<vmem>>, %arg3: memref<1000x128xf32, #tpu.memory_space<vmem>>) attributes {dimension_semantics = [#tpu.dimension_semantics<arbitrary>], iteration_bounds = array<i64: 10>, scalar_prefetch = 0 : i64, scratch_operands = 0 : i64, tpu.core_type = #tpu.core_type<tc>, window_params = [{transform_indices = @transform_0, window_bounds = array<i64: 1000, 256>}, {pipeline_mode = #tpu.pipeline_mode<synchronous>, transform_indices = @transform_1, window_bounds = array<i64: 256, 128>}, {transform_indices = @transform_2, window_bounds = array<i64: 1000, 128>}]} {
    %get3A = arith.constant 0 : index
    %get3A_0 = arith.constant 0 : index
    %get3A_1 = vector.load %arg1[%get3A, %get3A_0] : memref<1000x256xf32, #tpu.memory_space<vmem>>, vector<1000x256xf32>
    %get3A_2 = arith.constant 0 : index
    %get3A_3 = arith.constant 0 : index
    %get3A_4 = vector.load %arg2[%get3A_2, %get3A_3] : memref<256x128xf32, #tpu.memory_space<vmem>>, vector<256x128xf32>
    %dot_general3A = arith.constant dense<0.000000e+00> : vector<1000x128xf32>
    %dot_general3A_5 = tpu.matmul %get3A_1, %get3A_4, %dot_general3A {dimension_numbers = #tpu.dot_dimension_numbers<[1], [0], [0], [1], [0, 0, 1, 1], [], []>, transpose_lhs_hint = false} : vector<1000x256xf32>, vector<256x128xf32>, vector<1000x128xf32> -> vector<1000x128xf32>
    %swap3A = arith.constant 0 : index
    %swap3A_6 = arith.constant 0 : index
    %swap3A_7 = vector.load %arg3[%swap3A, %swap3A_6] : memref<1000x128xf32, #tpu.memory_space<vmem>>, vector<1000x128xf32>
    tpu.vector_store %arg3[%swap3A, %swap3A_6], %dot_general3A_5 {strides = array<i32>} : memref<1000x128xf32, #tpu.memory_space<vmem>>, vector<1000x128xf32>,
    return
  }
  func.func @transform_0(%arg0: i32) -> (i32, i32) {
    %c0_i32 = arith.constant 0 : i32
    %c0_i32_0 = arith.constant 0 : i32
    return %arg0, %c0_i32 : i32, i32
  }
  func.func @transform_1(%arg0: i32) -> (i32, i32) {
    %c0_i32 = arith.constant 0 : i32
    %c0_i32_0 = arith.constant 0 : i32
    %c0_i32_1 = arith.constant 0 : i32
    return %c0_i32, %c0_i32_0 : i32, i32
  }
  func.func @transform_2(%arg0: i32) -> (i32, i32) {
    %c0_i32 = arith.constant 0 : i32
    %c0_i32_0 = arith.constant 0 : i32
    return %arg0, %c0_i32 : i32, i32
  }
}

</mosaic_0001>

<sc_bundles>
// kernel: kernel.11.cloned.1.call-start
scs
__scs_entry_jumppad:
0x0: {  	(pc) =	sbr.rel $0x88, $3  }
0x1: {  	(tag) =	ssettag $0x0;
	lr =	simm.s32 $0x1  }
0x2: {  	[smem:$0x3F93] =	sst lr;
	_ =	strace $0xD0000000  }
0x3: {  	_ = 	snop  }
0x4: {  	_ = 	snop  }
0x5: {  	_ = 	snop  }
0x6: {  	_ = 	snop  }
0x7: {  	_ = 	snop  }
__scs_overlays_trampoline_lowered:
0x8: {  	[smem:$0x3FA2] =	sst s0  }
0x9: {  	[smem:$0x3FA3] =	sst s1  }
0xa: {  	[smem:$0x3FA4] =	sst s2  }
0xb: {  	[smem:$0x3FA5] =	sst s3  }
0xc: {  	[smem:$0x3FA6] =	sst s4  }
0xd: {  	[smem:$0x3FA7] =	sst s5  }
0xe: {  	[smem:$0x3FA8] =	sst s6  }
0xf: {  	[smem:$0x3FA9] =	sst s7  }
0x10: {  	[smem:$0x3FAA] =	sst s8  }
0x11: {  	[smem:$0x3FAB] =	sst s9;
	s0 =	simm.s32 @!p0 $0x0  }
0x12: {  	s1 =	sld [smem:$0x3F91];
	s0 =	simm.s32 @p0 $0x1  }
0x13: {  	[smem:$0x3FAC] =	sst s0;
	s0 =	simm.s32 @!p1 $0x0  }
0x14: {  	s2 =	sld [smem:$0x3F90];
	s0 =	simm.s32 @p1 $0x1  }
0x15: {  	[smem:$0x3FAD] =	sst s0;
	s0 =	simm.s32 @!p2 $0x0  }
0x16: {  	s3 =	sld [smem:$0x3FDB];
	s0 =	simm.s32 @p2 $0x1  }
0x17: {  	s4 =	simm.s32 $0x1BF5;
	[smem:$0x3FAF] =	sst s0  }
0x18: {  	s0 =	sld [smem:$0x3F92];
	_ =	swait.ge [sflag:s4], $0x0  }
0x19: {  	s7 =	sld [smem:$0x3F93]  }
0x1a: {  	s8 =	sadd.s32 $0xFFFFE003, lr  }
0x1b: {  	s9 =	sadd.s32 $0xFFFFFEF7, lr;
	s5 =	simm.s32 $0xFFFFFFFF;
	p2 =	slt.u32 s8, $0xFFFFF086  }
0x1c: {  	p1 =	slt.u32 s9, $0xF7A;
	s5 =	simm.s32 @!p2 $0x0  }
0x1d: {  	s5 =	simm.s32 @p1 $0x1;
	p0 =	seq.s32 s7, s2  }
0x1e: {  	s7 =	smul.u32 @!p0 $0xF7A, s2;
	p2 =	seq.s32 @!p0 s5, $0x0  }
0x1f: {  	s9 =	smul.u32 $0xF7A, s1;
	s8 =	simm.s32 @!p0 $0x1BF5;
	p2 =	por !p2, p0  }
0x20: {  	[sflag:s8] =	ssyncset.s32 @!p0 $0xFFFFF086;
	s6 =	sadd.s32 @!p0 s3, s7;
	s7 =	simm.s32 @!p0 $0x108  }
0x21: {  	s3 =	sadd.s32 s3, s9;
	s6 =	sadd.s32 @!p0 $0x88, s6;
	s7 =	simm.s32 @p2 $0x1082  }
0x22: {  	[simem:s7], [sflag:s8] =	dma.local @!p0 [hbm:s6], $0xF7A  }
0x23: {  	s9 =	sor.u32 $0xD0000000, s2;
	s6 =	simm.s32 $0x108;
	_ =	swait.ge @!p0 [sflag:s8], $0x0  }
0x24: {  	s3 =	sadd.s32 $0x88, s3;
	s6 =	simm.s32 @!p1 $0x1082;
	[sflag:s4] =	ssyncset.s32 $0xFFFFF086  }
0x25: {  	[simem:s6], [sflag:s4] =	dma.local [hbm:s3], $0xF7A  }
0x26: {  	[smem:$0x3F93] =	sst s1;
	(tag) =	ssettag s2;
	_ =	strace s9  }
0x27: {  	s1 =	sld [smem:$0x3FA3]  }
0x28: {  	s2 =	sld [smem:$0x3FA4]  }
0x29: {  	s4 =	sld [smem:$0x3FA6]  }
0x2a: {  	p0 =	seq.s32 s5, $0x0;
	s5 =	sld [smem:$0x3FA7]  }
0x2b: {  	s6 =	sld [smem:$0x3FA8]  }
0x2c: {  	s7 =	sld [smem:$0x3FA9]  }
0x2d: {  	s3 =	simm.s32 $0x108;
	s8 =	sld [smem:$0x3FAA]  }
0x2e: {  	s3 =	simm.s32 @!p0 $0x1082;
	s9 =	sld [smem:$0x3FAB]  }
0x2f: {  	lr =	sadd.s32 s0, s3;
	s0 =	sld [smem:$0x3FA2]  }
0x30: {  	s3 =	sld [smem:$0x3FA5]  }
0x31: {  	[smem:$0x3FAE] =	sst s10  }
0x32: {  	s10 =	sld [smem:$0x3FAC];
	_ =	sdelay $0x3  }
0x33: {  	p0 =	seq.s32 s10, $0x1;
	s10 =	sld [smem:$0x3FAE];
	_ =	sdelay $0x3  }
0x34: {  	[smem:$0x3FAE] =	sst s10  }
0x35: {  	s10 =	sld [smem:$0x3FAD];
	_ =	sdelay $0x3  }
0x36: {  	p1 =	seq.s32 s10, $0x1;
	s10 =	sld [smem:$0x3FAE];
	_ =	sdelay $0x3  }
0x37: {  	[smem:$0x3FAE] =	sst s10  }
0x38: {  	s10 =	sld [smem:$0x3FAF]  }
0x39: {  	_ = 	snop;
	(pc) =	sbr.ind lr, $3  }
0x3a: {  	_ = 	snop  }
0x3b: {  	_ = 	snop  }
0x3c: {  	p2 =	seq.s32 s10, $0x1;
	s10 =	sld [smem:$0x3FAE]  }
0x3d: {  	_ =	shalt  }
0x3e: {  	_ =	shalt  }
0x3f: {  	_ =	shalt  }
0x40: {  	_ =	shalt  }
0x41: {  	_ =	shalt  }
0x42: {  	_ =	shalt  }
0x43: {  	_ =	shalt  }
0x44: {  	_ =	shalt  }
0x45: {  	_ =	shalt  }
0x46: {  	_ =	shalt  }
0x47: {  	_ =	shalt  }
0x48: {  	_ =	shalt  }
0x49: {  	_ =	shalt  }
0x4a: {  	_ =	shalt  }
0x4b: {  	_ =	shalt  }
0x4c: {  	_ =	shalt  }
0x4d: {  	_ =	shalt  }
0x4e: {  	_ =	shalt  }
0x4f: {  	_ =	shalt  }
0x50: {  	_ =	shalt  }
0x51: {  	_ =	shalt  }
0x52: {  	_ =	shalt  }
0x53: {  	_ =	shalt  }
0x54: {  	_ =	shalt  }
0x55: {  	_ =	shalt  }
0x56: {  	_ =	shalt  }
0x57: {  	_ =	shalt  }
0x58: {  	_ =	shalt  }
0x59: {  	_ =	shalt  }
0x5a: {  	_ =	shalt  }
0x5b: {  	_ =	shalt  }
0x5c: {  	_ =	shalt  }
0x5d: {  	_ =	shalt  }
0x5e: {  	_ =	shalt  }
0x5f: {  	_ =	shalt  }
0x60: {  	_ =	shalt  }
0x61: {  	_ =	shalt  }
0x62: {  	_ =	shalt  }
0x63: {  	_ =	shalt  }
0x64: {  	_ =	shalt  }
0x65: {  	_ =	shalt  }
0x66: {  	_ =	shalt  }
0x67: {  	_ =	shalt  }
0x68: {  	_ =	shalt  }
0x69: {  	_ =	shalt  }
0x6a: {  	_ =	shalt  }
0x6b: {  	_ =	shalt  }
0x6c: {  	_ =	shalt  }
0x6d: {  	_ =	shalt  }
0x6e: {  	_ =	shalt  }
0x6f: {  	_ =	shalt  }
0x70: {  	_ =	shalt  }
0x71: {  	_ =	shalt  }
0x72: {  	_ =	shalt  }
0x73: {  	_ =	shalt  }
0x74: {  	_ =	shalt  }
0x75: {  	_ =	shalt  }
0x76: {  	_ =	shalt  }
0x77: {  	_ =	shalt  }
0x78: {  	_ =	shalt  }
0x79: {  	_ =	shalt  }
0x7a: {  	_ =	shalt  }
0x7b: {  	_ =	shalt  }
0x7c: {  	_ =	shalt  }
0x7d: {  	_ =	shalt  }
0x7e: {  	_ =	shalt  }
0x7f: {  	_ =	shalt  }
0x80: {  	_ =	shalt  }
0x81: {  	_ =	shalt  }
0x82: {  	_ =	shalt  }
0x83: {  	_ =	shalt  }
0x84: {  	_ =	shalt  }
0x85: {  	_ =	shalt  }
0x86: {  	_ =	shalt  }
0x87: {  	_ =	shalt  }
.Lfunc_end0:
.L_simem_size_0:
called_computation_lowered:
.L_overlay_start_0:
0x88: {  	s2 =	sld [smem:$0x3FD9]  }
0x89: {  	s3 =	sld [smem:$0x3FFE];
	_ =	sdelay $0x1  }
0x8a: {  	s1 =	srdreg.scid  }
0x8b: {  	s0 =	sand.u32 $0x1, s1  }
0x8c: {  	s16 =	sshll.u32 s0, $0xA;
	s2 =	sadd.s32 s3, s2  }
0x8d: {  	s2 =	sadd.s32 s2, s16  }
0x8e: {  	[smem:$0x3FBA] =	sst s2  }
0x8f: {  	_ = 	snop  }
0x90: {  	(tm) =	ssettm $0x1  }
0x91: {  	s17 =	sld [smem:$0x3FFB];
	_ =	sdelay $0x3  }
0x92: {  	_ =	strace s17  }
0x93: {  	s2 =	sld [smem:$0x3FFC];
	_ =	sdelay $0x3  }
0x94: {  	_ =	strace s2  }
0x95: {  	s2 =	sld [smem:$0x3FFD];
	_ =	sdelay $0x3  }
0x96: {  	_ =	strace s2  }
0x97: {  	_ =	strace $0x8FFFFFFF  }
0x98: {  	s18 =	sld [smem:$0x3FDB];
	_ =	sdelay $0x1  }
0x99: {  	s19 =	simm.s32 $_scs_section_size  }
0x9a: {  	s4 =	simm.s32 $_size__tile_overlayer_lowered;
	s5 =	simm.s32 $_tile_overlayer_lowered  }
0x9b: {  	s22 =	simm.s32 $0x1BFF;
	s21 =	sshll.u32 s5, $0x1;
	s2 =	sadd.s32 s19, s18  }
0x9c: {  	s6 =	simm.s32 $0x0;
	s20 =	sshll.u32 s4, $0x1;
	s4 =	sadd.s32 s21, s2  }
0x9d: {  	[timem:s6], [sflag:s22] =	dma.local [hbm:s4], s20  }
0x9e: {  	_ =	swait.ge [sflag:s22], s20  }
0x9f: {  	s3 =	ssub.s32 $0x0, s20;
	[sflag:s22] =	ssyncset.done $0x0  }
0xa0: {  	[sflag:s22] =	ssyncadd.s32 s3;
	_ =	sdelay $0x1  }
0xa1: {  	s23 =	simm.s32 $0x1B8B  }
0xa2: {  	_ =	swait.ge [sflag:s23], $0x1  }
0xa3: {  	[sflag:s23] =	ssyncset.done $0x0  }
0xa4: {  	s25 =	simm.s32 $0x1B8E;
	s24 =	sld [smem:$0x3FFE];
	[sflag:s23] =	ssyncadd.s32 $0xFFFFFFFF  }
0xa5: {  	s26 =	simm.s32 $execute0_lowered;
	[smem:$0x3FD2] =	sst s25  }
0xa6: {  	s4 =	sshll.u32 s26, $0x1;
	_ =	strace $0x80000046;
	[dreg:$0x1] =	wrdreg $0xFFFFFFFF  }
0xa7: {  	s28 =	simm.s32 $_size_execute0_lowered;
	s2 =	sadd.s32 s2, s4;
	[dreg:$0x0] =	wrdreg $0x0  }
0xa8: {  	s4 =	sshll.u32 s28, $0x1;
	[dreg:$0x2] =	wrdreg s2  }
0xa9: {  	[dreg:$0x3] =	wrdreg s4  }
0xaa: {  	[dreg:$0x4] =	wrdreg $0xC0  }
0xab: {  	_ =	task [dreg:s6], $0x5FFFF  }
0xac: {  	[dreg:$0x1] =	wrdreg $0xFFFFFFFF  }
0xad: {  	[dreg:$0x0] =	wrdreg $0x60  }
0xae: {  	[dreg:$0x2] =	wrdreg s24  }
0xaf: {  	[dreg:$0x3] =	wrdreg $0x9  }
0xb0: {  	_ =	task.clear_ibuf [dreg:s6], $0x4FFFF;
	_ =	strace $0x90000046  }
0xb1: {  	s29 =	simm.s32 $0x9;
	_ =	strace $0x80000048  }
0xb2: {  	_ =	swait.ge [sflag:s29], $0x1  }
0xb3: {  	[sflag:s29] =	ssyncadd.s32 $0xFFFFFFFF  }
0xb4: {  	_ =	strace $0x90000048  }
0xb5: {  	_ =	sfence  }
0xb6: {  	s30 =	sld [smem:$0x0];
	_ =	sdelay $0x2  }
0xb7: {  	s31 =	sshll.u32 s1, $0xD;
	s1 =	sshrl.u32 s1, $0x2  }
0xb8: {  	s3 =	sand.u32 $0x4000, s31;
	s1 =	sadd.s32 s1, s30  }
0xb9: {  	s0 =	sor.u32 s3, s0;
	s1 =	sshll.u32 s1, $0x11  }
0xba: {  	s0 =	sor.u32 s1, s0  }
0xbb: {  	s0 =	sadd.s32 $0x8F2B, s0  }
0xbc: {  	[sflag:s0] =	ssyncadd.remote.s32 $0x1  }
0xbd: {  	_ =	sfence.sel $0xFFFF  }
0xbe: {  	[dreg:$0x0] =	wrdreg $0xFFFFFFFF;
	(pc) =	sbr.abs _section_cstart, $3  }
0xbf: {  	[dreg:$0x1] =	wrdreg $0xFFFFFFFF  }
0xc0: {  	_ =	task.clear_ibuf [dreg:s6], $0x2FFFF;
	_ =	strace $0x9FFFFFFF  }
0xc1: {  	(tm) =	ssettm $0x7FFFFFFF  }
tec
execute0_lowered:
.L_overlay_start_1:
0x0: {  	(tag) =	ssettag $0x1  }
0x1: {  	v0 =	vimm.s32 $0xEDCBA987;
	v1 =	vimm.s32 $0x65432100  }
0x2: {  	s0 =	srdreg.scid;
	v2 =	vimm.s32 $0xDCBA9876;
	s1 =	rddreg [dreg:$0x0];
	v3 =	vimm.s32 $0x54321000;
	s2 =	simm.s32 $0x0;
	v4 =	vimm.s32 $0xBA987654  }
0x3: {  	s6 =	stileid.u32;
	v6 =	vimm.s32 $0xFFEDCBA9;
	v7 =	vimm.s32 $0x87654321;
	s16 =	simm.s32 $0x1;
	s17 =	simm.s32 $0x2780;
	v0 =	vunpack.c.l.s4.s8 v0  }
0x4: {  	v5 =	vimm.s32 $0xE40000;
	s18 =	simm.s32 $0x4F00;
	s19 =	simm.s32 $0x7680;
	s20 =	simm.s32 $0xED00;
	vm2 =	vcmask $0x3F30;
	v1 =	vunpack.c.l.s4.s8 v1  }
0x5: {  	s21 =	simm.s32 $0xEE00;
	s22 =	simm.s32 $0xF100;
	s23 =	simm.s32 $0xF180;
	vm0 =	vmmov $0x3;
	v2 =	vunpack.c.l.s4.s8 v2;
	v0 =	vunpack.c.0.s8.s32 v0  }
0x6: {  	vm1 =	vmmov $0xf;
	s24 =	simm.s32 $0x9E00;
	s25 =	simm.s32 $0xC580;
	s26 =	simm.s32 $0xEF00;
	v3 =	vunpack.c.l.s4.s8 v3;
	v1 =	vunpack.c.0.s8.s32 v1  }
0x7: {  	s28 =	simm.s32 $0xF000;
	s29 =	simm.s32 $0x0;
	s0 =	sand.u32 $0x1, s0;
	v4 =	vunpack.c.l.s4.s8 v4;
	v2 =	vunpack.c.0.s8.s32 v2;
	v0 =	vand.u32 $0xF, v0  }
0x8: {  	[smem:$0x7FF] =	sst s2;
	s3 =	smul.u32 $0x9E00, s0;
	s4 =	sshll.u32 s0, $0x4;
	v0 =	vcombine.low v1, v0;
	v1 =	vunpack.c.0.s8.s32 v3;
	v3 =	vimm.s32 $0x32100000  }
0x9: {  	v5 =	vunpack.c.l.s2.s4 v5;
	v6 =	vunpack.c.l.s4.s8 v6;
	_ =	strace $0x80000047;
	s8 =	ssub.s32 $0x2, s0;
	s0 =	smul.u32 $0xA0000, s0;
	v3 =	vunpack.c.l.s4.s8 v3  }
0xa: {  	v7 =	vunpack.c.l.s4.s8 v7;
	s5 =	sor.u32 s6, s4;
	s4 =	sadd.s32 $0xA000, s1;
	s6 =	smul.u32 $0x5000, s6;
	v4 =	vunpack.c.0.s8.s32 v4;
	v2 =	vand.u32 $0xF, v2  }
0xb: {  	s9 =	sshrl.u32 s8, $0x1;
	s3 =	sshrl.u32 s3, $0x3;
	s7 =	smul.u32 $0x4F00, s5;
	v1 =	vcombine.low v1, v2;
	v2 =	vunpack.c.0.s8.s32 v3;
	v3 =	vunpack.c.l.s4.s8 v5  }
0xc: {  	s5 =	sadd.s32 $0x2A400, s1;
	s15 =	ssub.s32 s8, s9;
	s3 =	sadd.s32 s3, s1;
	v4 =	vand.u32 $0xF, v4;
	v5 =	vunpack.c.0.s8.s32 v6;
	v6 =	vunpack.c.0.s8.s32 v7  }
0xd: {  	s10 =	sadd.s32 s6, s0;
	s15 =	smax.u32 s15, $0x1;
	s7 =	sshrl.u32 s7, $0x3;
	v2 =	vcombine.low v2, v4;
	v4 =	vimm.s32 $0x7060504;
	v7 =	vunpack.c.0.s8.s32 v3  }
0xe: {  	vm3 =	vcmask $0x3F3C;
	s31 =	sadd.s32 $0x14000, s3;
	s8 =	sadd.s32 $0x144F0, s3;
	s9 =	sadd.s32 $0x149E0, s3;
	v6 =	vcombine.low v6, v5;
	v8 =	vunpack.c.0.s8.s32 v4  }
0xf: {  	s11 =	sadd.s32 $0x14ED0, s3;
	s12 =	sadd.s32 $0x50000, s10;
	s14 =	sadd.s32 s7, s1;
	v3 =	vimm.f32 $0.0e+00;
	v4 =	vlaneseq.u32;
	v5 =	vand.u32 $0x3, v7  }
0x10: {  	[dreg:$0x2] =	wrdreg s31;
	s13 =	sadd.s32 $0x16800, s14;
	s14 =	sadd.s32 $0x16CF0, s14;
	v6 =	vand.u32 $0xF, v6;
	v5 =	vsel vm2, v8, v5;
	vm2 =	vmmov $0xff  }
.LBB2_1:
0x11: {  	s0 =	rddreg [dreg:$0x2]  }
0x12: {  	[tilespmem:s2], [sflag:$0x1] =	stream.linear.gather [hbm4b:s0+s2], $0x2780, $0x38;
	[tilespmem:$0xF200] =	vst v63  }
0x13: {  	_ =	swait.ge [sflag:s16], $0x2780  }
0x14: {  	[sflag:s16] =	ssyncset.done $0x0  }
0x15: {  	[sflag:s16] =	ssyncadd.s32 $0xFFFFD880  }
0x16: {  	[tilespmem:s17], [sflag:$0x1] =	stream.linear.gather [hbm4b:s8+s2], $0x2780, $0x38;
	[tilespmem:$0xF200] =	vst v63  }
0x17: {  	_ =	swait.ge [sflag:s16], $0x2780  }
0x18: {  	[sflag:s16] =	ssyncset.done $0x0  }
0x19: {  	[sflag:s16] =	ssyncadd.s32 $0xFFFFD880  }
0x1a: {  	[tilespmem:s18], [sflag:$0x1] =	stream.linear.gather [hbm4b:s9+s2], $0x2780, $0x38;
	[tilespmem:$0xF200] =	vst v63  }
0x1b: {  	_ =	swait.ge [sflag:s16], $0x2780  }
0x1c: {  	[sflag:s16] =	ssyncset.done $0x0  }
0x1d: {  	[sflag:s16] =	ssyncadd.s32 $0xFFFFD880  }
0x1e: {  	[tilespmem:s19], [sflag:$0x1] =	stream.linear.gather [hbm4b:s11+s2], $0x2780, $0x38;
	[tilespmem:$0xF200] =	vst v63  }
0x1f: {  	_ =	swait.ge [sflag:s16], $0x2780  }
0x20: {  	[sflag:s16] =	ssyncset.done $0x0  }
0x21: {  	s3 =	simm.s32 $0x0;
	s0 =	simm.s32 $0x40;
	[sflag:s16] =	ssyncadd.s32 $0xFFFFD880  }
.LBB2_2:
0x22: {  	p0 =	sne.s32 s0, $0x9DC0;
	[tilespmem:s3+$0x9E00] =	vst v3;
	s30 =	smov.u32 s0;
	s0 =	sadd.s32 $0x40, s0  }
.Ltmp0:
0x23: {  	[tilespmem:s3+$0xC580] =	vst v3;
	(pc) =	sbr.rel @p0 .LBB2_2-.Ltmp0, $2  }
0x24: {  	_ =	sdelay $0x2  }
0x25: {  	s3 =	sshra.s32 s30, $0x2  }
0x26: {  	[tilespmem:s3+$0x9E00] =	vst v3  }
0x27: {  	s30 =	simm.s32 $0x0;
	[tilespmem:s3+$0xC580] =	vst v3;
	s31 =	simm.s32 $0x0  }
.LBB2_4:
0x28: {  	s0 =	sshll.u32 s31, $0x8  }
0x29: {  	s3 =	sadd.s32 s6, s0  }
0x2a: {  	s3 =	sshrl.u32 s3, $0x3  }
0x2b: {  	s7 =	sadd.s32 s1, s3  }
0x2c: {  	[tilespmem:s20], [sflag:$0x1] =	stream.linear.gather [hbm4b:s7+s30], $0x100, $0x38;
	[tilespmem:$0xF200] =	vst v63  }
0x2d: {  	_ =	swait.ge [sflag:s16], $0x100  }
0x2e: {  	[sflag:s16] =	ssyncset.done $0x0  }
0x2f: {  	s3 =	sadd.s32 s4, s3;
	[sflag:s16] =	ssyncadd.s32 $0xFFFFFF00  }
0x30: {  	[tilespmem:s21], [sflag:$0x1] =	stream.linear.gather [hbm4b:s3+s30], $0x100, $0x38;
	[tilespmem:$0xF200] =	vst v63  }
0x31: {  	_ =	swait.ge [sflag:s16], $0x100  }
0x32: {  	[sflag:s16] =	ssyncset.done $0x0  }
0x33: {  	s3 =	simm.s32 $0x0;
	[sflag:s16] =	ssyncadd.s32 $0xFFFFFF00  }
.LBB2_5:
0x34: {  	s7 =	sshra.s32 s3, $0x2  }
0x35: {  	v7 =	vld [tilespmem:s7+$0xED00]  }
0x36: {  	v8 =	vld [tilespmem:s7+$0xEE00];
	_ =	sdelay $0x6  }
0x37: {  	v9 =	vld.idx.msk [tilespmem:v7+s2+$0x0], $0xffff  }
0x38: {  	v10 =	vld.idx.msk [tilespmem:v8+s18+$0x0], $0xffff;
	_ =	sdelay $0x4  }
0x39: {  	v9 =	vadd.f32 v10, v9;
	_ =	sdelay $0x1  }
0x3a: {  	v10 =	vmul.f32 $2.000000030e-01, v9  }
0x3b: {  	vm4 =	vgt.f32 v9, $0.0e+00  }
0x3c: {  	v9 =	vsel vm4, v9, v10  }
0x3d: {  	v9 =	vmul.f32 $1.442695020e+00, v9;
	_ =	sdelay $0x1  }
0x3e: {  	(erf) = vpow2.f32 v9  }
0x3f: {  	v7 =	vld.idx.msk [tilespmem:v7+s17+$0x0], $0xffff  }
0x40: {  	v47 =	vld.idx.msk [tilespmem:v8+s19+$0x0], $0xffff;
	_ =	sdelay $0x4  }
0x41: {  	v7 =	vadd.f32 v47, v7;
	_ =	sdelay $0x1  }
0x42: {  	v8 =	vxor.u32 $0x80000000, v8;
	v9 =	vmul.f32 $2.000000030e-01, v7;
	v48 =	vpop (erf)  }
0x43: {  	vm4 =	vgt.f32 v7, $0.0e+00;
	(xrf1) =	vsort.ascd.msk.u32 $0xffff, v8, v48  }
0x44: {  	v7 =	vsel vm4, v7, v9  }
0x45: {  	v7 =	vmul.f32 $1.442695020e+00, v7;
	_ =	sdelay $0x1  }
0x46: {  	(erf) = vpow2.f32 v7;
	_ =	sdelay $0x8  }
0x47: {  	[tilespmem:s7+$0xEF00] =	vst v48;
	v7 =	vpop (erf)  }
0x48: {  	[tilespmem:s7+$0xF000] =	vst v7;
	v49, v50, _ =	vpop (xrf1)  }
0x49: {  	v9 =	vxor.u32 $0x80000000, v49;
	[tilespmem:$0xF180] =	vst v50  }
0x4a: {  	[tilespmem:$0xF100] =	vst v9  }
0x4b: {  	v11 =	vld.idx.msk [tilespmem:v0+s22+$0x0], $0xffff  }
0x4c: {  	v12 =	vld.idx.msk [tilespmem:v0+s23+$0x0], $0xffff;
	_ =	sdelay $0x2  }
0x4d: {  	vm4 =	veq.s32 v4, $0x0  }
0x4e: {  	v11 =	vsel vm4, $0xFFFFFFFF, v11  }
0x4f: {  	v12 =	vsel vm4, $0x0, v12;
	vm5 =	veq.s32 v9, v11  }
0x50: {  	v11 =	vnsel vm5, $0x0, v12  }
0x51: {  	v10 =	vadd.f32 v11, v50;
	_ =	sdelay $0x1  }
0x52: {  	[tilespmem:$0xF180] =	vst v10  }
0x53: {  	v51 =	vld.idx.msk [tilespmem:v1+s22+$0x0], $0xffff  }
0x54: {  	v52 =	vld.idx.msk [tilespmem:v1+s23+$0x0], $0xffff;
	_ =	sdelay $0x3  }
0x55: {  	v11 =	vsel vm0, $0xFFFFFFFF, v51  }
0x56: {  	v12 =	vsel vm0, $0x0, v52;
	vm5 =	veq.s32 v9, v11  }
0x57: {  	v11 =	vnsel vm5, $0x0, v12  }
0x58: {  	v10 =	vadd.f32 v11, v10;
	_ =	sdelay $0x1  }
0x59: {  	[tilespmem:$0xF180] =	vst v10  }
0x5a: {  	v53 =	vld.idx.msk [tilespmem:v2+s22+$0x0], $0xffff  }
0x5b: {  	v54 =	vld.idx.msk [tilespmem:v2+s23+$0x0], $0xffff;
	_ =	sdelay $0x3  }
0x5c: {  	v11 =	vsel vm1, $0xFFFFFFFF, v53  }
0x5d: {  	v12 =	vsel vm1, $0x0, v54;
	vm5 =	veq.s32 v9, v11  }
0x5e: {  	v11 =	vnsel vm5, $0x0, v12  }
0x5f: {  	v10 =	vadd.f32 v11, v10;
	_ =	sdelay $0x1  }
0x60: {  	[tilespmem:$0xF180] =	vst v10  }
0x61: {  	v55 =	vld.idx.msk [tilespmem:v5+s22+$0x0], $0xffff  }
0x62: {  	v56 =	vld.idx.msk [tilespmem:v5+s23+$0x0], $0xffff;
	_ =	sdelay $0x3  }
0x63: {  	v11 =	vsel vm2, $0xFFFFFFFF, v55  }
0x64: {  	v12 =	vsel vm2, $0x0, v56;
	vm5 =	veq.s32 v9, v11  }
0x65: {  	v11 =	vnsel vm5, $0x0, v12  }
0x66: {  	(xrf1) =	vsort.ascd.msk.u32 $0xffff, v8, v7;
	v10 =	vadd.f32 v11, v10;
	_ =	sdelay $0x1  }
0x67: {  	[tilespmem:$0xF180] =	vst v10  }
0x68: {  	v7 =	vld.idx.msk [tilespmem:v6+s22+$0x0], $0xffff;
	_ =	sdelay $0x4  }
0x69: {  	vm5 =	vne.s32 v9, v7  }
0x6a: {  	vm5 =	vmor vm5, vm3;
	_ =	sdelay $0x4  }
0x6b: {  	v7, v8, _ =	vpop (xrf1)  }
0x6c: {  	v7 =	vxor.u32 $0x80000000, v7;
	[tilespmem:v9+s24+$0x0] =	vst.idx.add.f32.msk vm5, v10  }
0x6d: {  	[tilespmem:$0xF100] =	vst v7  }
0x6e: {  	[tilespmem:$0xF180] =	vst v8  }
0x6f: {  	v9 =	vld.idx.msk [tilespmem:v0+s22+$0x0], $0xffff  }
0x70: {  	v10 =	vld.idx.msk [tilespmem:v0+s23+$0x0], $0xffff;
	_ =	sdelay $0x3  }
0x71: {  	v9 =	vsel vm4, $0xFFFFFFFF, v9  }
0x72: {  	v10 =	vsel vm4, $0x0, v10;
	vm4 =	veq.s32 v7, v9  }
0x73: {  	v9 =	vnsel vm4, $0x0, v10  }
0x74: {  	v8 =	vadd.f32 v9, v8;
	_ =	sdelay $0x1  }
0x75: {  	[tilespmem:$0xF180] =	vst v8  }
0x76: {  	v57 =	vld.idx.msk [tilespmem:v1+s22+$0x0], $0xffff  }
0x77: {  	v58 =	vld.idx.msk [tilespmem:v1+s23+$0x0], $0xffff;
	_ =	sdelay $0x3  }
0x78: {  	v9 =	vsel vm0, $0xFFFFFFFF, v57  }
0x79: {  	v10 =	vsel vm0, $0x0, v58;
	vm4 =	veq.s32 v7, v9  }
0x7a: {  	v9 =	vnsel vm4, $0x0, v10  }
0x7b: {  	v8 =	vadd.f32 v9, v8;
	_ =	sdelay $0x1  }
0x7c: {  	[tilespmem:$0xF180] =	vst v8  }
0x7d: {  	v59 =	vld.idx.msk [tilespmem:v2+s22+$0x0], $0xffff  }
0x7e: {  	v60 =	vld.idx.msk [tilespmem:v2+s23+$0x0], $0xffff;
	_ =	sdelay $0x3  }
0x7f: {  	v9 =	vsel vm1, $0xFFFFFFFF, v59  }
0x80: {  	v10 =	vsel vm1, $0x0, v60;
	vm4 =	veq.s32 v7, v9  }
0x81: {  	v9 =	vnsel vm4, $0x0, v10  }
0x82: {  	v8 =	vadd.f32 v9, v8;
	_ =	sdelay $0x1  }
0x83: {  	[tilespmem:$0xF180] =	vst v8  }
0x84: {  	v61 =	vld.idx.msk [tilespmem:v5+s22+$0x0], $0xffff  }
0x85: {  	v62 =	vld.idx.msk [tilespmem:v5+s23+$0x0], $0xffff;
	_ =	sdelay $0x3  }
0x86: {  	v9 =	vsel vm2, $0xFFFFFFFF, v61  }
0x87: {  	v10 =	vsel vm2, $0x0, v62;
	vm4 =	veq.s32 v7, v9  }
0x88: {  	v9 =	vnsel vm4, $0x0, v10  }
0x89: {  	v8 =	vadd.f32 v9, v8;
	_ =	sdelay $0x1  }
0x8a: {  	[tilespmem:$0xF180] =	vst v8  }
0x8b: {  	v63 =	vld.idx.msk [tilespmem:v6+s22+$0x0], $0xffff;
	_ =	sdelay $0x4  }
0x8c: {  	vm4 =	vne.s32 v7, v63  }
0x8d: {  	vm4 =	vmor vm4, vm3  }
0x8e: {  	p0 =	sne.s32 s3, $0x3C0  }
.Ltmp1:
0x8f: {  	_ = 	snop;
	(pc) =	sbr.rel @p0 .LBB2_5-.Ltmp1, $2  }
0x90: {  	_ =	sdelay $0x2  }
0x91: {  	s3 =	sadd.s32 $0x40, s3;
	[tilespmem:v7+s25+$0x0] =	vst.idx.add.f32.msk vm4, v8  }
0x92: {  	s3 =	sadd.s32 s0, s10  }
0x93: {  	s3 =	sshrl.u32 s3, $0x3  }
0x94: {  	s3 =	sadd.s32 s5, s3  }
0x95: {  	[hbm4b:s3+s2] =	stream.linear.scatter [tilespmem:s26], [sflag:$0x1], $0x100, $0x38;
	[tilespmem:$0xF200] =	vst v63  }
0x96: {  	s7 =	sadd.s32 s0, s12;
	s31 =	sadd.s32 $0x1, s31;
	_ =	swait.ge [sflag:s16], $0x100  }
0x97: {  	s0 =	sshrl.u32 s7, $0x3;
	p0 =	sne.s32 s31, $0x50;
	[sflag:s16] =	ssyncset.done $0x0  }
.Ltmp2:
0x98: {  	s0 =	sadd.s32 s5, s0;
	[sflag:s16] =	ssyncadd.s32 $0xFFFFFF00;
	(pc) =	sbr.rel @p0 .LBB2_4-.Ltmp2, $4  }
0x99: {  	[hbm4b:s0+s2] =	stream.linear.scatter [tilespmem:s28], [sflag:$0x1], $0x100, $0x38;
	[tilespmem:$0xF200] =	vst v63  }
0x9a: {  	_ =	swait.ge [sflag:s16], $0x100  }
0x9b: {  	[sflag:s16] =	ssyncset.done $0x0  }
0x9c: {  	[sflag:s16] =	ssyncadd.s32 $0xFFFFFF00  }
0x9d: {  	[hbm4b:s13+s2] =	stream.linear.scatter [tilespmem:s24], [sflag:$0x1], $0x2780, $0x38;
	[tilespmem:$0xF200] =	vst v63  }
0x9e: {  	s29 =	sadd.s32 $0x1, s29;
	_ =	swait.ge [sflag:s16], $0x2780  }
0x9f: {  	p0 =	sne.s32 s29, s15;
	[sflag:s16] =	ssyncset.done $0x0  }
.Ltmp3:
0xa0: {  	[sflag:s16] =	ssyncadd.s32 $0xFFFFD880;
	(pc) =	sbr.rel @p0 .LBB2_1-.Ltmp3, $4  }
0xa1: {  	[hbm4b:s14+s2] =	stream.linear.scatter [tilespmem:s25], [sflag:$0x1], $0x2780, $0x38;
	[tilespmem:$0xF200] =	vst v63  }
0xa2: {  	_ =	swait.ge [sflag:s16], $0x2780  }
0xa3: {  	[sflag:s16] =	ssyncset.done $0x0  }
0xa4: {  	[sflag:s16] =	ssyncadd.s32 $0xFFFFD880  }
0xa5: {  	_ =	sfence.sel $0x180000  }
0xa6: {  	[bflag:$0x0] =	sbarrier.arrive $0xFFFF  }
0xa7: {  	_ =	strace $0x90000047  }
0xa8: {  	s0 =	stileid.u32;
	[bflag:$0x2] =	sbarrier.arrive $0xFFFF  }
0xa9: {  	p0 =	sne.s32 s0, $0x0;
	s0 =	rddreg [dreg:$0x1]  }
0xaa: {  	s0 =	sadd.s32 @!p0 $0x100000, s0  }
0xab: {  	[sflag:s0] =	ssyncadd.tile.s32 @!p0 $0x1;
	_ =	shalt  }
.Lfunc_end2:
_tile_overlayer_lowered:
.L_overlay_start_2:
0xac: {  	(tag) =	ssettag $0x2  }
0xad: {  	s0 =	rddreg [dreg:$0x0];
	s2 =	stileid.u32  }
0xae: {  	s1 =	rddreg [dreg:$0x1];
	p0 =	sne.s32 s2, $0x0  }
0xaf: {  	s3 =	rddreg [dreg:$0x2];
	[bflag:$0x3] =	sbarrier.arrive $0xFFFF;
	s2 =	simm.s32 @!p0 $0x1C01  }
0xb0: {  	[timem:s3], [sflag:s2] =	dma.local @!p0 [hbm:s0], s1  }
0xb1: {  	s0 =	simm.s32 @!p0 $0x1  }
0xb2: {  	_ =	swait.ge @!p0 [sflag:s0], s1  }
0xb3: {  	s1 =	ssub.s32 @!p0 $0x0, s1;
	[sflag:s0] =	ssyncset.done @!p0 $0x0  }
0xb4: {  	[sflag:s0] =	ssyncadd.s32 @!p0 s1  }
0xb5: {  	[bflag:$0x3] =	sbarrier.arrive $0xFFFF  }
0xb6: {  	_ =	shalt  }

// kernel: kernel.14.cloned.1.call-start
scs
__scs_entry_jumppad:
0x0: {  	(pc) =	sbr.rel $0x88, $3  }
0x1: {  	(tag) =	ssettag $0x0;
	lr =	simm.s32 $0x1  }
0x2: {  	[smem:$0x3F93] =	sst lr;
	_ =	strace $0xD0000000  }
0x3: {  	_ = 	snop  }
0x4: {  	_ = 	snop  }
0x5: {  	_ = 	snop  }
0x6: {  	_ = 	snop  }
0x7: {  	_ = 	snop  }
__scs_overlays_trampoline_lowered:
0x8: {  	[smem:$0x3FA2] =	sst s0  }
0x9: {  	[smem:$0x3FA3] =	sst s1  }
0xa: {  	[smem:$0x3FA4] =	sst s2  }
0xb: {  	[smem:$0x3FA5] =	sst s3  }
0xc: {  	[smem:$0x3FA6] =	sst s4  }
0xd: {  	[smem:$0x3FA7] =	sst s5  }
0xe: {  	[smem:$0x3FA8] =	sst s6  }
0xf: {  	[smem:$0x3FA9] =	sst s7  }
0x10: {  	[smem:$0x3FAA] =	sst s8  }
0x11: {  	[smem:$0x3FAB] =	sst s9;
	s0 =	simm.s32 @!p0 $0x0  }
0x12: {  	s1 =	sld [smem:$0x3F91];
	s0 =	simm.s32 @p0 $0x1  }
0x13: {  	[smem:$0x3FAC] =	sst s0;
	s0 =	simm.s32 @!p1 $0x0  }
0x14: {  	s2 =	sld [smem:$0x3F90];
	s0 =	simm.s32 @p1 $0x1  }
0x15: {  	[smem:$0x3FAD] =	sst s0;
	s0 =	simm.s32 @!p2 $0x0  }
0x16: {  	s3 =	sld [smem:$0x3FDB];
	s0 =	simm.s32 @p2 $0x1  }
0x17: {  	s4 =	simm.s32 $0x1BF5;
	[smem:$0x3FAF] =	sst s0  }
0x18: {  	s0 =	sld [smem:$0x3F92];
	_ =	swait.ge [sflag:s4], $0x0  }
0x19: {  	s7 =	sld [smem:$0x3F93]  }
0x1a: {  	s8 =	sadd.s32 $0xFFFFE003, lr  }
0x1b: {  	s9 =	sadd.s32 $0xFFFFFEF7, lr;
	s5 =	simm.s32 $0xFFFFFFFF;
	p2 =	slt.u32 s8, $0xFFFFF086  }
0x1c: {  	p1 =	slt.u32 s9, $0xF7A;
	s5 =	simm.s32 @!p2 $0x0  }
0x1d: {  	s5 =	simm.s32 @p1 $0x1;
	p0 =	seq.s32 s7, s2  }
0x1e: {  	s7 =	smul.u32 @!p0 $0xF7A, s2;
	p2 =	seq.s32 @!p0 s5, $0x0  }
0x1f: {  	s9 =	smul.u32 $0xF7A, s1;
	s8 =	simm.s32 @!p0 $0x1BF5;
	p2 =	por !p2, p0  }
0x20: {  	[sflag:s8] =	ssyncset.s32 @!p0 $0xFFFFF086;
	s6 =	sadd.s32 @!p0 s3, s7;
	s7 =	simm.s32 @!p0 $0x108  }
0x21: {  	s3 =	sadd.s32 s3, s9;
	s6 =	sadd.s32 @!p0 $0x88, s6;
	s7 =	simm.s32 @p2 $0x1082  }
0x22: {  	[simem:s7], [sflag:s8] =	dma.local @!p0 [hbm:s6], $0xF7A  }
0x23: {  	s9 =	sor.u32 $0xD0000000, s2;
	s6 =	simm.s32 $0x108;
	_ =	swait.ge @!p0 [sflag:s8], $0x0  }
0x24: {  	s3 =	sadd.s32 $0x88, s3;
	s6 =	simm.s32 @!p1 $0x1082;
	[sflag:s4] =	ssyncset.s32 $0xFFFFF086  }
0x25: {  	[simem:s6], [sflag:s4] =	dma.local [hbm:s3], $0xF7A  }
0x26: {  	[smem:$0x3F93] =	sst s1;
	(tag) =	ssettag s2;
	_ =	strace s9  }
0x27: {  	s1 =	sld [smem:$0x3FA3]  }
0x28: {  	s2 =	sld [smem:$0x3FA4]  }
0x29: {  	s4 =	sld [smem:$0x3FA6]  }
0x2a: {  	p0 =	seq.s32 s5, $0x0;
	s5 =	sld [smem:$0x3FA7]  }
0x2b: {  	s6 =	sld [smem:$0x3FA8]  }
0x2c: {  	s7 =	sld [smem:$0x3FA9]  }
0x2d: {  	s3 =	simm.s32 $0x108;
	s8 =	sld [smem:$0x3FAA]  }
0x2e: {  	s3 =	simm.s32 @!p0 $0x1082;
	s9 =	sld [smem:$0x3FAB]  }
0x2f: {  	lr =	sadd.s32 s0, s3;
	s0 =	sld [smem:$0x3FA2]  }
0x30: {  	s3 =	sld [smem:$0x3FA5]  }
0x31: {  	[smem:$0x3FAE] =	sst s10  }
0x32: {  	s10 =	sld [smem:$0x3FAC];
	_ =	sdelay $0x3  }
0x33: {  	p0 =	seq.s32 s10, $0x1;
	s10 =	sld [smem:$0x3FAE];
	_ =	sdelay $0x3  }
0x34: {  	[smem:$0x3FAE] =	sst s10  }
0x35: {  	s10 =	sld [smem:$0x3FAD];
	_ =	sdelay $0x3  }
0x36: {  	p1 =	seq.s32 s10, $0x1;
	s10 =	sld [smem:$0x3FAE];
	_ =	sdelay $0x3  }
0x37: {  	[smem:$0x3FAE] =	sst s10  }
0x38: {  	s10 =	sld [smem:$0x3FAF]  }
0x39: {  	_ = 	snop;
	(pc) =	sbr.ind lr, $3  }
0x3a: {  	_ = 	snop  }
0x3b: {  	_ = 	snop  }
0x3c: {  	p2 =	seq.s32 s10, $0x1;
	s10 =	sld [smem:$0x3FAE]  }
0x3d: {  	_ =	shalt  }
0x3e: {  	_ =	shalt  }
0x3f: {  	_ =	shalt  }
0x40: {  	_ =	shalt  }
0x41: {  	_ =	shalt  }
0x42: {  	_ =	shalt  }
0x43: {  	_ =	shalt  }
0x44: {  	_ =	shalt  }
0x45: {  	_ =	shalt  }
0x46: {  	_ =	shalt  }
0x47: {  	_ =	shalt  }
0x48: {  	_ =	shalt  }
0x49: {  	_ =	shalt  }
0x4a: {  	_ =	shalt  }
0x4b: {  	_ =	shalt  }
0x4c: {  	_ =	shalt  }
0x4d: {  	_ =	shalt  }
0x4e: {  	_ =	shalt  }
0x4f: {  	_ =	shalt  }
0x50: {  	_ =	shalt  }
0x51: {  	_ =	shalt  }
0x52: {  	_ =	shalt  }
0x53: {  	_ =	shalt  }
0x54: {  	_ =	shalt  }
0x55: {  	_ =	shalt  }
0x56: {  	_ =	shalt  }
0x57: {  	_ =	shalt  }
0x58: {  	_ =	shalt  }
0x59: {  	_ =	shalt  }
0x5a: {  	_ =	shalt  }
0x5b: {  	_ =	shalt  }
0x5c: {  	_ =	shalt  }
0x5d: {  	_ =	shalt  }
0x5e: {  	_ =	shalt  }
0x5f: {  	_ =	shalt  }
0x60: {  	_ =	shalt  }
0x61: {  	_ =	shalt  }
0x62: {  	_ =	shalt  }
0x63: {  	_ =	shalt  }
0x64: {  	_ =	shalt  }
0x65: {  	_ =	shalt  }
0x66: {  	_ =	shalt  }
0x67: {  	_ =	shalt  }
0x68: {  	_ =	shalt  }
0x69: {  	_ =	shalt  }
0x6a: {  	_ =	shalt  }
0x6b: {  	_ =	shalt  }
0x6c: {  	_ =	shalt  }
0x6d: {  	_ =	shalt  }
0x6e: {  	_ =	shalt  }
0x6f: {  	_ =	shalt  }
0x70: {  	_ =	shalt  }
0x71: {  	_ =	shalt  }
0x72: {  	_ =	shalt  }
0x73: {  	_ =	shalt  }
0x74: {  	_ =	shalt  }
0x75: {  	_ =	shalt  }
0x76: {  	_ =	shalt  }
0x77: {  	_ =	shalt  }
0x78: {  	_ =	shalt  }
0x79: {  	_ =	shalt  }
0x7a: {  	_ =	shalt  }
0x7b: {  	_ =	shalt  }
0x7c: {  	_ =	shalt  }
0x7d: {  	_ =	shalt  }
0x7e: {  	_ =	shalt  }
0x7f: {  	_ =	shalt  }
0x80: {  	_ =	shalt  }
0x81: {  	_ =	shalt  }
0x82: {  	_ =	shalt  }
0x83: {  	_ =	shalt  }
0x84: {  	_ =	shalt  }
0x85: {  	_ =	shalt  }
0x86: {  	_ =	shalt  }
0x87: {  	_ =	shalt  }
.Lfunc_end0:
.L_simem_size_0:
called_computation.1_lowered:
.L_overlay_start_0:
0x88: {  	s2 =	sld [smem:$0x3FD9]  }
0x89: {  	s3 =	sld [smem:$0x3FFE];
	_ =	sdelay $0x1  }
0x8a: {  	s1 =	srdreg.scid  }
0x8b: {  	s0 =	sand.u32 $0x1, s1  }
0x8c: {  	s16 =	sshll.u32 s0, $0xA;
	s2 =	sadd.s32 s3, s2  }
0x8d: {  	s2 =	sadd.s32 s2, s16  }
0x8e: {  	[smem:$0x3FBA] =	sst s2  }
0x8f: {  	_ = 	snop  }
0x90: {  	(tm) =	ssettm $0x1  }
0x91: {  	s17 =	sld [smem:$0x3FFB];
	_ =	sdelay $0x3  }
0x92: {  	_ =	strace s17  }
0x93: {  	s2 =	sld [smem:$0x3FFC];
	_ =	sdelay $0x3  }
0x94: {  	_ =	strace s2  }
0x95: {  	s2 =	sld [smem:$0x3FFD];
	_ =	sdelay $0x3  }
0x96: {  	_ =	strace s2  }
0x97: {  	_ =	strace $0x8FFFFFFF  }
0x98: {  	s18 =	sld [smem:$0x3FDB];
	_ =	sdelay $0x1  }
0x99: {  	s19 =	simm.s32 $_scs_section_size  }
0x9a: {  	s4 =	simm.s32 $_size__tile_overlayer_lowered;
	s5 =	simm.s32 $_tile_overlayer_lowered  }
0x9b: {  	s22 =	simm.s32 $0x1BFF;
	s21 =	sshll.u32 s5, $0x1;
	s2 =	sadd.s32 s19, s18  }
0x9c: {  	s6 =	simm.s32 $0x0;
	s20 =	sshll.u32 s4, $0x1;
	s4 =	sadd.s32 s21, s2  }
0x9d: {  	[timem:s6], [sflag:s22] =	dma.local [hbm:s4], s20  }
0x9e: {  	_ =	swait.ge [sflag:s22], s20  }
0x9f: {  	s3 =	ssub.s32 $0x0, s20;
	[sflag:s22] =	ssyncset.done $0x0  }
0xa0: {  	[sflag:s22] =	ssyncadd.s32 s3;
	_ =	sdelay $0x1  }
0xa1: {  	s23 =	simm.s32 $0x1B8B  }
0xa2: {  	_ =	swait.ge [sflag:s23], $0x1  }
0xa3: {  	[sflag:s23] =	ssyncset.done $0x0  }
0xa4: {  	s25 =	simm.s32 $0x1B8E;
	s24 =	sld [smem:$0x3FFE];
	[sflag:s23] =	ssyncadd.s32 $0xFFFFFFFF  }
0xa5: {  	s26 =	simm.s32 $execute0_lowered;
	[smem:$0x3FD2] =	sst s25  }
0xa6: {  	s4 =	sshll.u32 s26, $0x1;
	_ =	strace $0x80000049;
	[dreg:$0x1] =	wrdreg $0xFFFFFFFF  }
0xa7: {  	s28 =	simm.s32 $_size_execute0_lowered;
	s2 =	sadd.s32 s2, s4;
	[dreg:$0x0] =	wrdreg $0x0  }
0xa8: {  	s4 =	sshll.u32 s28, $0x1;
	[dreg:$0x2] =	wrdreg s2  }
0xa9: {  	[dreg:$0x3] =	wrdreg s4  }
0xaa: {  	[dreg:$0x4] =	wrdreg $0xC0  }
0xab: {  	_ =	task [dreg:s6], $0x5FFFF  }
0xac: {  	[dreg:$0x1] =	wrdreg $0xFFFFFFFF  }
0xad: {  	[dreg:$0x0] =	wrdreg $0x60  }
0xae: {  	[dreg:$0x2] =	wrdreg s24  }
0xaf: {  	[dreg:$0x3] =	wrdreg $0x84000  }
0xb0: {  	[dreg:$0x4] =	wrdreg $0x9  }
0xb1: {  	_ =	task.clear_ibuf [dreg:s6], $0x5FFFF;
	_ =	strace $0x90000049  }
0xb2: {  	s29 =	simm.s32 $0x9;
	_ =	strace $0x8000004B  }
0xb3: {  	_ =	swait.ge [sflag:s29], $0x1  }
0xb4: {  	[sflag:s29] =	ssyncadd.s32 $0xFFFFFFFF  }
0xb5: {  	_ =	strace $0x9000004B  }
0xb6: {  	_ =	sfence  }
0xb7: {  	s30 =	sld [smem:$0x0];
	_ =	sdelay $0x2  }
0xb8: {  	s31 =	sshll.u32 s1, $0xD;
	s1 =	sshrl.u32 s1, $0x2  }
0xb9: {  	s3 =	sand.u32 $0x4000, s31;
	s1 =	sadd.s32 s1, s30  }
0xba: {  	s0 =	sor.u32 s3, s0;
	s1 =	sshll.u32 s1, $0x11  }
0xbb: {  	s0 =	sor.u32 s1, s0  }
0xbc: {  	s0 =	sadd.s32 $0x8F2B, s0  }
0xbd: {  	[sflag:s0] =	ssyncadd.remote.s32 $0x1  }
0xbe: {  	_ =	sfence.sel $0xFFFF  }
0xbf: {  	[dreg:$0x0] =	wrdreg $0xFFFFFFFF;
	(pc) =	sbr.abs _section_cstart, $3  }
0xc0: {  	[dreg:$0x1] =	wrdreg $0xFFFFFFFF  }
0xc1: {  	_ =	task.clear_ibuf [dreg:s6], $0x2FFFF;
	_ =	strace $0x9FFFFFFF  }
0xc2: {  	(tm) =	ssettm $0x7FFFFFFF  }
0xc3: {  	_ =	shalt  }
tec
execute0_lowered:
.L_overlay_start_1:
0x0: {  	(tag) =	ssettag $0x1  }
0x1: {  	s1 =	rddreg [dreg:$0x0]  }
0x2: {  	s2 =	rddreg [dreg:$0x1]  }
0x3: {  	s0 =	rddreg [dreg:$0x2]  }
0x4: {  	s4 =	simm.s32 $0x0;
	s3 =	srdreg.scid;
	s17 =	simm.s32 $0x100  }
0x5: {  	s18 =	simm.s32 $0x8200;
	s20 =	simm.s32 $0x200;
	s9 =	sand.u32 $0x1, s3  }
0x6: {  	s21 =	simm.s32 $0x1;
	s3 =	stileid.u32;
	s19 =	smul.u32 $0x2780, s9  }
0x7: {  	[smem:$0x7FF] =	sst s4;
	s5 =	sadd.s32 $0x79600, s1;
	s8 =	smul.u32 $0x278, s3  }
0x8: {  	s6 =	sadd.s32 $0xA000, s1;
	s7 =	sadd.s32 $0x2A400, s1;
	s10 =	smul.u32 $0x4F000, s3  }
0x9: {  	_ =	strace $0x8000004A;
	s12 =	ssub.s32 $0x2, s9;
	s9 =	smul.u32 $0xA0000, s9  }
0xa: {  	s31 =	sshll.u32 s3, $0x6;
	s13 =	sshrl.u32 s12, $0x1;
	s11 =	sadd.s32 s8, s19  }
0xb: {  	s8 =	smul.u32 $0x5000, s3;
	s15 =	ssub.s32 s12, s13;
	s10 =	sshrl.u32 s10, $0x2  }
0xc: {  	v0 =	vmov s19;
	s19 =	simm.s32 $0x8300;
	s11 =	sshll.u32 s11, $0x4;
	s16 =	sadd.s32 s10, s2  }
0xd: {  	s14 =	sadd.s32 s11, s1;
	s9 =	sadd.s32 s8, s9;
	s11 =	sor.u32 $0x1C02, s31  }
0xe: {  	s10 =	sadd.s32 $0xC8600, s14;
	s12 =	sadd.s32 $0x50000, s9;
	s13 =	sadd.s32 $0x117600, s14  }
0xf: {  	s14 =	smax.u32 s15, $0x1;
	s15 =	sshrl.u32 s16, $0x3;
	s16 =	simm.s32 $0x2  }
.LBB2_1:
0x10: {  	[spmem:s15], [sflag:s11] =	dma.local [hbm:s10], $0x2780  }
0x11: {  	_ =	swait.ge [sflag:s16], $0x2780  }
0x12: {  	[sflag:s16] =	ssyncset.done $0x0  }
0x13: {  	[sflag:s16] =	ssyncadd.s32 $0xFFFFD880  }
0x14: {  	s22 =	simm.s32 $0x0;
	[bflag:$0x0] =	sbarrier.arrive $0xFFFF  }
.LBB2_2:
0x15: {  	s24 =	sshll.u32 s22, $0x8  }
0x16: {  	s23 =	sadd.s32 s8, s24  }
0x17: {  	s25 =	sshrl.u32 s23, $0x3  }
0x18: {  	s30 =	simm.s32 $0x0;
	s26 =	sadd.s32 s1, s25  }
0x19: {  	[tilespmem:s30], [sflag:$0x2] =	stream.linear.gather [hbm4b:s26+s30], $0x100, $0x38;
	[tilespmem:$0x1C000] =	vst v63  }
0x1a: {  	_ =	swait.ge [sflag:s16], $0x100  }
0x1b: {  	[sflag:s16] =	ssyncset.done $0x0  }
0x1c: {  	s25 =	sadd.s32 s6, s25;
	[sflag:s16] =	ssyncadd.s32 $0xFFFFFF00  }
0x1d: {  	[tilespmem:s17], [sflag:$0x2] =	stream.linear.gather [hbm4b:s25+s30], $0x100, $0x38;
	[tilespmem:$0x1C000] =	vst v63  }
0x1e: {  	s31 =	sadd.s32 s24, s9;
	_ =	swait.ge [sflag:s16], $0x100  }
0x1f: {  	s25 =	sshrl.u32 s31, $0x3;
	[sflag:s16] =	ssyncset.done $0x0  }
0x20: {  	s25 =	sadd.s32 s7, s25;
	[sflag:s16] =	ssyncadd.s32 $0xFFFFFF00  }
0x21: {  	[tilespmem:s18], [sflag:$0x2] =	stream.linear.gather [hbm4b:s25+s30], $0x100, $0x38;
	[tilespmem:$0x1C000] =	vst v63  }
0x22: {  	s24 =	sadd.s32 s24, s12;
	_ =	swait.ge [sflag:s16], $0x100  }
0x23: {  	s24 =	sshrl.u32 s24, $0x3;
	[sflag:s16] =	ssyncset.done $0x0  }
0x24: {  	s24 =	sadd.s32 s7, s24;
	[sflag:s16] =	ssyncadd.s32 $0xFFFFFF00  }
0x25: {  	[tilespmem:s19], [sflag:$0x2] =	stream.linear.gather [hbm4b:s24+s30], $0x100, $0x38;
	[tilespmem:$0x1C000] =	vst v63  }
0x26: {  	_ =	swait.ge [sflag:s16], $0x100  }
0x27: {  	[sflag:s16] =	ssyncset.done $0x0  }
0x28: {  	[sflag:s16] =	ssyncadd.s32 $0xFFFFFF00  }
0x29: {  	v1 =	vld [tilespmem:$0x0]  }
0x2a: {  	v2 =	vld [tilespmem:$0x10]  }
0x2b: {  	v3 =	vld [tilespmem:$0x20]  }
0x2c: {  	v4 =	vld [tilespmem:$0x30]  }
0x2d: {  	v5 =	vld [tilespmem:$0x40]  }
0x2e: {  	v6 =	vld [tilespmem:$0x50];
	v1 =	vadd.s32 v0, v1  }
0x2f: {  	[tilespmem:$0x0] =	vst v1;
	v1 =	vadd.s32 v0, v2;
	v2 =	vld [tilespmem:$0x60]  }
0x30: {  	[tilespmem:$0x10] =	vst v1;
	v1 =	vadd.s32 v0, v3;
	v3 =	vld [tilespmem:$0x70]  }
0x31: {  	[tilespmem:$0x20] =	vst v1;
	v1 =	vadd.s32 v0, v4;
	v4 =	vld [tilespmem:$0x80]  }
0x32: {  	[tilespmem:$0x30] =	vst v1;
	v1 =	vadd.s32 v0, v5;
	v5 =	vld [tilespmem:$0x90]  }
0x33: {  	[tilespmem:$0x40] =	vst v1;
	v1 =	vadd.s32 v0, v6;
	v6 =	vld [tilespmem:$0xA0]  }
0x34: {  	[tilespmem:$0x50] =	vst v1;
	v1 =	vadd.s32 v0, v2;
	v2 =	vld [tilespmem:$0xB0]  }
0x35: {  	[tilespmem:$0x60] =	vst v1;
	v1 =	vadd.s32 v0, v3;
	v3 =	vld [tilespmem:$0xC0]  }
0x36: {  	[tilespmem:$0x70] =	vst v1;
	v1 =	vadd.s32 v0, v4;
	v4 =	vld [tilespmem:$0xD0]  }
0x37: {  	[tilespmem:$0x80] =	vst v1;
	v1 =	vadd.s32 v0, v5;
	v5 =	vld [tilespmem:$0xE0]  }
0x38: {  	[tilespmem:$0x90] =	vst v1;
	v1 =	vadd.s32 v0, v6;
	v6 =	vld [tilespmem:$0xF0]  }
0x39: {  	[tilespmem:$0xA0] =	vst v1;
	v1 =	vadd.s32 v0, v2  }
0x3a: {  	[tilespmem:$0xB0] =	vst v1;
	v1 =	vadd.s32 v0, v3  }
0x3b: {  	[tilespmem:$0xC0] =	vst v1;
	v1 =	vadd.s32 v0, v4  }
0x3c: {  	[tilespmem:$0xD0] =	vst v1;
	v1 =	vadd.s32 v0, v5  }
0x3d: {  	[tilespmem:$0xE0] =	vst v1;
	v1 =	vadd.s32 v0, v6  }
0x3e: {  	[tilespmem:$0xF0] =	vst v1  }
0x3f: {  	[tilespmem:s20], [sflag:$0x1] =	stream.indirect.gather [hbm4b:s5+s17], $0x80, s30, s17, $0xb8;
	[tilespmem:$0x1C000] =	vst v63  }
0x40: {  	_ =	swait.ge [sflag:s21], $0x8000  }
0x41: {  	v1 =	vmov s30;
	[sflag:s21] =	ssyncset.done $0x0  }
0x42: {  	s23 =	simm.s32 $0x240;
	[sflag:s21] =	ssyncadd.s32 $0xFFFF8000  }
0x43: {  	v8 =	vld [tilespmem:s23+$0xFFFFFFF0]  }
0x44: {  	v6 =	vld [tilespmem:s23+$0xFFFFFFC0]  }
0x45: {  	v7 =	vld [tilespmem:s23+$0xFFFFFFD0]  }
0x46: {  	v4 =	vld.idx.msk [tilespmem:v1+s18+$0x0], $0xffff  }
0x47: {  	v2 =	vld.idx.msk [tilespmem:v1+s19+$0x0], $0xffff  }
0x48: {  	v11 =	vld [tilespmem:s23+$0x0]  }
0x49: {  	v3 =	vld [tilespmem:s23+$0xFFFFFFE0]  }
0x4a: {  	v1 =	vld [tilespmem:s23+$0x30]  }
0x4b: {  	v5 =	vld [tilespmem:s23+$0x20]  }
0x4c: {  	v10 =	vmul.f32 v6, v4;
	v6 =	vld [tilespmem:s23+$0x10]  }
0x4d: {  	v7 =	vmul.f32 v7, v4  }
0x4e: {  	s25 =	simm.s32 $0x240;
	s24 =	simm.s32 $0x1;
	v9 =	vmul.f32 v8, v4;
	v8 =	vmul.f32 v11, v2  }
.LBB2_3:
0x4f: {  	p0 =	sne.s32 s24, $0xFF  }
0x50: {  	[tilespmem:s23+$0xFFFFFFC0] =	vst v10;
	v3 =	vmul.f32 v3, v4;
	v4 =	vmul.f32 v5, v2;
	s25 =	sadd.s32 $0x80, s25;
	s26 =	smov.u32 s24;
	s24 =	sadd.s32 $0x1, s24  }
0x51: {  	v1 =	vmul.f32 v1, v2;
	[tilespmem:s23+$0xFFFFFFF0] =	vst v9;
	v5 =	vmul.f32 v6, v2  }
0x52: {  	[tilespmem:s23+$0xFFFFFFD0] =	vst v7  }
0x53: {  	v2 =	vmov s26;
	v9 =	vld [tilespmem:s25+$0xFFFFFFF0];
	[tilespmem:s23+$0x0] =	vst v8  }
0x54: {  	v7 =	vld [tilespmem:s25+$0xFFFFFFC0];
	[tilespmem:s23+$0xFFFFFFE0] =	vst v3  }
0x55: {  	v3 =	vld [tilespmem:s25+$0xFFFFFFE0];
	[tilespmem:s23+$0x30] =	vst v1  }
0x56: {  	v1 =	vld [tilespmem:s25+$0x30];
	[tilespmem:s23+$0x10] =	vst v5  }
0x57: {  	v8 =	vld [tilespmem:s25+$0xFFFFFFD0];
	[tilespmem:s23+$0x20] =	vst v4;
	s23 =	smov.u32 s25  }
0x58: {  	v4 =	vld.idx.msk [tilespmem:v2+s18+$0x0], $0xffff  }
0x59: {  	v2 =	vld.idx.msk [tilespmem:v2+s19+$0x0], $0xffff  }
0x5a: {  	v11 =	vld [tilespmem:s25+$0x0]  }
.Ltmp0:
0x5b: {  	v5 =	vld [tilespmem:s25+$0x20];
	(pc) =	sbr.rel @p0 .LBB2_3-.Ltmp0, $3  }
0x5c: {  	v6 =	vld [tilespmem:s25+$0x10];
	_ =	sdelay $0x1  }
0x5d: {  	v10 =	vmul.f32 v7, v4;
	v7 =	vmul.f32 v8, v4  }
0x5e: {  	v9 =	vmul.f32 v9, v4;
	v8 =	vmul.f32 v11, v2  }
0x5f: {  	[tilespmem:s23+$0xFFFFFFC0] =	vst v10  }
0x60: {  	[tilespmem:s23+$0xFFFFFFD0] =	vst v7  }
0x61: {  	v3 =	vmul.f32 v3, v4;
	[tilespmem:s23+$0xFFFFFFF0] =	vst v9  }
0x62: {  	v1 =	vmul.f32 v1, v2;
	[tilespmem:s23+$0x0] =	vst v8  }
0x63: {  	v63 =	vmul.f32 v6, v2;
	[tilespmem:s23+$0xFFFFFFE0] =	vst v3  }
0x64: {  	s22 =	sadd.s32 $0x1, s22;
	v2 =	vmul.f32 v5, v2;
	[tilespmem:s23+$0x30] =	vst v1  }
0x65: {  	p0 =	sne.s32 s22, $0x50;
	[tilespmem:s23+$0x10] =	vst v63  }
.Ltmp1:
0x66: {  	[tilespmem:s23+$0x20] =	vst v2;
	(pc) =	sbr.rel @p0 .LBB2_2-.Ltmp1, $4  }
0x67: {  	[spmem:s2] =	stream.indirect.scatter.add.f32 [tilespmem:s20], [sflag:$0x2], $0x80, s17, s17, $0xb8;
	[tilespmem:$0x1C000] =	vst v63  }
0x68: {  	_ =	swait.ge [sflag:s16], $0x8000  }
0x69: {  	[sflag:s16] =	ssyncset.done $0x0  }
0x6a: {  	[sflag:s16] =	ssyncadd.s32 $0xFFFF8000  }
0x6b: {  	s4 =	sadd.s32 $0x1, s4  }
0x6c: {  	p0 =	sne.s32 s4, s14  }
.Ltmp2:
0x6d: {  	[bflag:$0x0] =	sbarrier.arrive $0xFFFF;
	(pc) =	sbr.rel @p0 .LBB2_1-.Ltmp2, $4  }
0x6e: {  	[hbm:s13], [sflag:s11] =	dma.local [spmem:s15], $0x2780  }
0x6f: {  	_ =	swait.ge [sflag:s16], $0x2780  }
0x70: {  	[sflag:s16] =	ssyncset.done $0x0  }
0x71: {  	[sflag:s16] =	ssyncadd.s32 $0xFFFFD880  }
0x72: {  	_ =	sfence.sel $0x180000  }
0x73: {  	[bflag:$0x0] =	sbarrier.arrive $0xFFFF  }
0x74: {  	p0 =	sne.s32 s3, $0x0;
	_ =	strace $0x9000004A  }
0x75: {  	s0 =	sadd.s32 @!p0 $0x100000, s0;
	[bflag:$0x2] =	sbarrier.arrive $0xFFFF  }
0x76: {  	[sflag:s0] =	ssyncadd.tile.s32 @!p0 $0x1;
	_ =	shalt  }
.Lfunc_end2:
_tile_overlayer_lowered:
.L_overlay_start_2:
0x77: {  	(tag) =	ssettag $0x2  }
0x78: {  	s0 =	rddreg [dreg:$0x0];
	s2 =	stileid.u32  }
0x79: {  	s1 =	rddreg [dreg:$0x1];
	p0 =	sne.s32 s2, $0x0  }
0x7a: {  	s3 =	rddreg [dreg:$0x2];
	[bflag:$0x3] =	sbarrier.arrive $0xFFFF;
	s2 =	simm.s32 @!p0 $0x1C02  }
0x7b: {  	[timem:s3], [sflag:s2] =	dma.local @!p0 [hbm:s0], s1  }
0x7c: {  	s0 =	simm.s32 @!p0 $0x2  }
0x7d: {  	_ =	swait.ge @!p0 [sflag:s0], s1  }
0x7e: {  	s1 =	ssub.s32 @!p0 $0x0, s1;
	[sflag:s0] =	ssyncset.done @!p0 $0x0  }
0x7f: {  	[sflag:s0] =	ssyncadd.s32 @!p0 s1  }
0x80: {  	[bflag:$0x3] =	sbarrier.arrive $0xFFFF  }
0x81: {  	_ =	shalt  }

// kernel: kernel.17.cloned.1.call-start
scs
__scs_entry_jumppad:
0x0: {  	(pc) =	sbr.rel $0x88, $3  }
0x1: {  	(tag) =	ssettag $0x0;
	lr =	simm.s32 $0x1  }
0x2: {  	[smem:$0x3F93] =	sst lr;
	_ =	strace $0xD0000000  }
0x3: {  	_ = 	snop  }
0x4: {  	_ = 	snop  }
0x5: {  	_ = 	snop  }
0x6: {  	_ = 	snop  }
0x7: {  	_ = 	snop  }
__scs_overlays_trampoline_lowered:
0x8: {  	[smem:$0x3FA2] =	sst s0  }
0x9: {  	[smem:$0x3FA3] =	sst s1  }
0xa: {  	[smem:$0x3FA4] =	sst s2  }
0xb: {  	[smem:$0x3FA5] =	sst s3  }
0xc: {  	[smem:$0x3FA6] =	sst s4  }
0xd: {  	[smem:$0x3FA7] =	sst s5  }
0xe: {  	[smem:$0x3FA8] =	sst s6  }
0xf: {  	[smem:$0x3FA9] =	sst s7  }
0x10: {  	[smem:$0x3FAA] =	sst s8  }
0x11: {  	[smem:$0x3FAB] =	sst s9;
	s0 =	simm.s32 @!p0 $0x0  }
0x12: {  	s1 =	sld [smem:$0x3F91];
	s0 =	simm.s32 @p0 $0x1  }
0x13: {  	[smem:$0x3FAC] =	sst s0;
	s0 =	simm.s32 @!p1 $0x0  }
0x14: {  	s2 =	sld [smem:$0x3F90];
	s0 =	simm.s32 @p1 $0x1  }
0x15: {  	[smem:$0x3FAD] =	sst s0;
	s0 =	simm.s32 @!p2 $0x0  }
0x16: {  	s3 =	sld [smem:$0x3FDB];
	s0 =	simm.s32 @p2 $0x1  }
0x17: {  	s4 =	simm.s32 $0x1BF5;
	[smem:$0x3FAF] =	sst s0  }
0x18: {  	s0 =	sld [smem:$0x3F92];
	_ =	swait.ge [sflag:s4], $0x0  }
0x19: {  	s7 =	sld [smem:$0x3F93]  }
0x1a: {  	s8 =	sadd.s32 $0xFFFFE003, lr  }
0x1b: {  	s9 =	sadd.s32 $0xFFFFFEF7, lr;
	s5 =	simm.s32 $0xFFFFFFFF;
	p2 =	slt.u32 s8, $0xFFFFF086  }
0x1c: {  	p1 =	slt.u32 s9, $0xF7A;
	s5 =	simm.s32 @!p2 $0x0  }
0x1d: {  	s5 =	simm.s32 @p1 $0x1;
	p0 =	seq.s32 s7, s2  }
0x1e: {  	s7 =	smul.u32 @!p0 $0xF7A, s2;
	p2 =	seq.s32 @!p0 s5, $0x0  }
0x1f: {  	s9 =	smul.u32 $0xF7A, s1;
	s8 =	simm.s32 @!p0 $0x1BF5;
	p2 =	por !p2, p0  }
0x20: {  	[sflag:s8] =	ssyncset.s32 @!p0 $0xFFFFF086;
	s6 =	sadd.s32 @!p0 s3, s7;
	s7 =	simm.s32 @!p0 $0x108  }
0x21: {  	s3 =	sadd.s32 s3, s9;
	s6 =	sadd.s32 @!p0 $0x88, s6;
	s7 =	simm.s32 @p2 $0x1082  }
0x22: {  	[simem:s7], [sflag:s8] =	dma.local @!p0 [hbm:s6], $0xF7A  }
0x23: {  	s9 =	sor.u32 $0xD0000000, s2;
	s6 =	simm.s32 $0x108;
	_ =	swait.ge @!p0 [sflag:s8], $0x0  }
0x24: {  	s3 =	sadd.s32 $0x88, s3;
	s6 =	simm.s32 @!p1 $0x1082;
	[sflag:s4] =	ssyncset.s32 $0xFFFFF086  }
0x25: {  	[simem:s6], [sflag:s4] =	dma.local [hbm:s3], $0xF7A  }
0x26: {  	[smem:$0x3F93] =	sst s1;
	(tag) =	ssettag s2;
	_ =	strace s9  }
0x27: {  	s1 =	sld [smem:$0x3FA3]  }
0x28: {  	s2 =	sld [smem:$0x3FA4]  }
0x29: {  	s4 =	sld [smem:$0x3FA6]  }
0x2a: {  	p0 =	seq.s32 s5, $0x0;
	s5 =	sld [smem:$0x3FA7]  }
0x2b: {  	s6 =	sld [smem:$0x3FA8]  }
0x2c: {  	s7 =	sld [smem:$0x3FA9]  }
0x2d: {  	s3 =	simm.s32 $0x108;
	s8 =	sld [smem:$0x3FAA]  }
0x2e: {  	s3 =	simm.s32 @!p0 $0x1082;
	s9 =	sld [smem:$0x3FAB]  }
0x2f: {  	lr =	sadd.s32 s0, s3;
	s0 =	sld [smem:$0x3FA2]  }
0x30: {  	s3 =	sld [smem:$0x3FA5]  }
0x31: {  	[smem:$0x3FAE] =	sst s10  }
0x32: {  	s10 =	sld [smem:$0x3FAC];
	_ =	sdelay $0x3  }
0x33: {  	p0 =	seq.s32 s10, $0x1;
	s10 =	sld [smem:$0x3FAE];
	_ =	sdelay $0x3  }
0x34: {  	[smem:$0x3FAE] =	sst s10  }
0x35: {  	s10 =	sld [smem:$0x3FAD];
	_ =	sdelay $0x3  }
0x36: {  	p1 =	seq.s32 s10, $0x1;
	s10 =	sld [smem:$0x3FAE];
	_ =	sdelay $0x3  }
0x37: {  	[smem:$0x3FAE] =	sst s10  }
0x38: {  	s10 =	sld [smem:$0x3FAF]  }
0x39: {  	_ = 	snop;
	(pc) =	sbr.ind lr, $3  }
0x3a: {  	_ = 	snop  }
0x3b: {  	_ = 	snop  }
0x3c: {  	p2 =	seq.s32 s10, $0x1;
	s10 =	sld [smem:$0x3FAE]  }
0x3d: {  	_ =	shalt  }
0x3e: {  	_ =	shalt  }
0x3f: {  	_ =	shalt  }
0x40: {  	_ =	shalt  }
0x41: {  	_ =	shalt  }
0x42: {  	_ =	shalt  }
0x43: {  	_ =	shalt  }
0x44: {  	_ =	shalt  }
0x45: {  	_ =	shalt  }
0x46: {  	_ =	shalt  }
0x47: {  	_ =	shalt  }
0x48: {  	_ =	shalt  }
0x49: {  	_ =	shalt  }
0x4a: {  	_ =	shalt  }
0x4b: {  	_ =	shalt  }
0x4c: {  	_ =	shalt  }
0x4d: {  	_ =	shalt  }
0x4e: {  	_ =	shalt  }
0x4f: {  	_ =	shalt  }
0x50: {  	_ =	shalt  }
0x51: {  	_ =	shalt  }
0x52: {  	_ =	shalt  }
0x53: {  	_ =	shalt  }
0x54: {  	_ =	shalt  }
0x55: {  	_ =	shalt  }
0x56: {  	_ =	shalt  }
0x57: {  	_ =	shalt  }
0x58: {  	_ =	shalt  }
0x59: {  	_ =	shalt  }
0x5a: {  	_ =	shalt  }
0x5b: {  	_ =	shalt  }
0x5c: {  	_ =	shalt  }
0x5d: {  	_ =	shalt  }
0x5e: {  	_ =	shalt  }
0x5f: {  	_ =	shalt  }
0x60: {  	_ =	shalt  }
0x61: {  	_ =	shalt  }
0x62: {  	_ =	shalt  }
0x63: {  	_ =	shalt  }
0x64: {  	_ =	shalt  }
0x65: {  	_ =	shalt  }
0x66: {  	_ =	shalt  }
0x67: {  	_ =	shalt  }
0x68: {  	_ =	shalt  }
0x69: {  	_ =	shalt  }
0x6a: {  	_ =	shalt  }
0x6b: {  	_ =	shalt  }
0x6c: {  	_ =	shalt  }
0x6d: {  	_ =	shalt  }
0x6e: {  	_ =	shalt  }
0x6f: {  	_ =	shalt  }
0x70: {  	_ =	shalt  }
0x71: {  	_ =	shalt  }
0x72: {  	_ =	shalt  }
0x73: {  	_ =	shalt  }
0x74: {  	_ =	shalt  }
0x75: {  	_ =	shalt  }
0x76: {  	_ =	shalt  }
0x77: {  	_ =	shalt  }
0x78: {  	_ =	shalt  }
0x79: {  	_ =	shalt  }
0x7a: {  	_ =	shalt  }
0x7b: {  	_ =	shalt  }
0x7c: {  	_ =	shalt  }
0x7d: {  	_ =	shalt  }
0x7e: {  	_ =	shalt  }
0x7f: {  	_ =	shalt  }
0x80: {  	_ =	shalt  }
0x81: {  	_ =	shalt  }
0x82: {  	_ =	shalt  }
0x83: {  	_ =	shalt  }
0x84: {  	_ =	shalt  }
0x85: {  	_ =	shalt  }
0x86: {  	_ =	shalt  }
0x87: {  	_ =	shalt  }
.Lfunc_end0:
.L_simem_size_0:
called_computation.2_lowered:
.L_overlay_start_0:
0x88: {  	s2 =	sld [smem:$0x3FD9]  }
0x89: {  	s3 =	sld [smem:$0x3FFE];
	_ =	sdelay $0x1  }
0x8a: {  	s1 =	srdreg.scid  }
0x8b: {  	s0 =	sand.u32 $0x1, s1  }
0x8c: {  	s17 =	sshll.u32 s0, $0xA;
	s2 =	sadd.s32 s3, s2  }
0x8d: {  	s2 =	sadd.s32 s2, s17  }
0x8e: {  	[smem:$0x3FBA] =	sst s2  }
0x8f: {  	_ = 	snop  }
0x90: {  	s2 =	sld [smem:$0x3FD0];
	(tm) =	ssettm $0x1  }
0x91: {  	s18 =	sld [smem:$0x3FFB];
	_ =	sdelay $0x3  }
0x92: {  	_ =	strace s18  }
0x93: {  	s3 =	sld [smem:$0x3FFC];
	_ =	sdelay $0x3  }
0x94: {  	_ =	strace s3  }
0x95: {  	s3 =	sld [smem:$0x3FFD];
	_ =	sdelay $0x3  }
0x96: {  	_ =	strace s3  }
0x97: {  	_ =	strace $0x8FFFFFFF  }
0x98: {  	s19 =	sld [smem:$0x3FDB];
	_ =	sdelay $0x1  }
0x99: {  	s4 =	simm.s32 $_scs_section_size  }
0x9a: {  	s5 =	simm.s32 $_size__tile_overlayer_lowered;
	s6 =	simm.s32 $_tile_overlayer_lowered  }
0x9b: {  	s22 =	simm.s32 $0x1BFF;
	s21 =	sshll.u32 s6, $0x1;
	s3 =	sadd.s32 s4, s19  }
0x9c: {  	s7 =	simm.s32 $0x0;
	s20 =	sshll.u32 s5, $0x1;
	s5 =	sadd.s32 s21, s3  }
0x9d: {  	[timem:s7], [sflag:s22] =	dma.local [hbm:s5], s20  }
0x9e: {  	_ =	swait.ge [sflag:s22], s20  }
0x9f: {  	s4 =	ssub.s32 $0x0, s20;
	[sflag:s22] =	ssyncset.done $0x0  }
0xa0: {  	[sflag:s22] =	ssyncadd.s32 s4;
	_ =	sdelay $0x1  }
0xa1: {  	s23 =	simm.s32 $0x1B8B  }
0xa2: {  	_ =	swait.ge [sflag:s23], $0x1  }
0xa3: {  	[sflag:s23] =	ssyncset.done $0x0  }
0xa4: {  	s25 =	simm.s32 $0x1B8E;
	s24 =	sld [smem:$0x3FFE];
	[sflag:s23] =	ssyncadd.s32 $0xFFFFFFFF  }
0xa5: {  	s26 =	simm.s32 $execute0_lowered;
	[smem:$0x3FD2] =	sst s25  }
0xa6: {  	s5 =	sshll.u32 s26, $0x1;
	_ =	strace $0x8000004C;
	[dreg:$0x1] =	wrdreg $0xFFFFFFFF  }
0xa7: {  	s28 =	simm.s32 $_size_execute0_lowered;
	s3 =	sadd.s32 s3, s5;
	[dreg:$0x0] =	wrdreg $0x0  }
0xa8: {  	s5 =	sshll.u32 s28, $0x1;
	[dreg:$0x2] =	wrdreg s3  }
0xa9: {  	[dreg:$0x3] =	wrdreg s5  }
0xaa: {  	[dreg:$0x4] =	wrdreg $0xC0  }
0xab: {  	_ =	task [dreg:s7], $0x5FFFF  }
0xac: {  	[dreg:$0x1] =	wrdreg $0xFFFFFFFF  }
0xad: {  	[dreg:$0x0] =	wrdreg $0x60  }
0xae: {  	[dreg:$0x2] =	wrdreg s24  }
0xaf: {  	[dreg:$0x3] =	wrdreg s2  }
0xb0: {  	[dreg:$0x4] =	wrdreg $0x9  }
0xb1: {  	_ =	task.clear_ibuf [dreg:s7], $0x5FFFF;
	_ =	strace $0x9000004C  }
0xb2: {  	s29 =	simm.s32 $0x9;
	_ =	strace $0x8000004E  }
0xb3: {  	_ =	swait.ge [sflag:s29], $0x1  }
0xb4: {  	[sflag:s29] =	ssyncadd.s32 $0xFFFFFFFF  }
0xb5: {  	_ =	strace $0x9000004E  }
0xb6: {  	_ =	sfence  }
0xb7: {  	s30 =	sld [smem:$0x0];
	_ =	sdelay $0x2  }
0xb8: {  	s31 =	sshll.u32 s1, $0xD;
	s1 =	sshrl.u32 s1, $0x2  }
0xb9: {  	s3 =	sand.u32 $0x4000, s31;
	s1 =	sadd.s32 s1, s30  }
0xba: {  	s0 =	sor.u32 s3, s0;
	s1 =	sshll.u32 s1, $0x11  }
0xbb: {  	s0 =	sor.u32 s1, s0  }
0xbc: {  	s0 =	sadd.s32 $0x8F2B, s0  }
0xbd: {  	[sflag:s0] =	ssyncadd.remote.s32 $0x1  }
0xbe: {  	_ =	sfence.sel $0xFFFF  }
0xbf: {  	[dreg:$0x0] =	wrdreg $0xFFFFFFFF;
	(pc) =	sbr.abs _section_cstart, $3  }
0xc0: {  	[dreg:$0x1] =	wrdreg $0xFFFFFFFF  }
0xc1: {  	_ =	task.clear_ibuf [dreg:s7], $0x2FFFF;
	_ =	strace $0x9FFFFFFF  }
0xc2: {  	(tm) =	ssettm $0x7FFFFFFF  }
0xc3: {  	_ =	shalt  }
tec
execute0_lowered:
.L_overlay_start_1:
0x0: {  	(tag) =	ssettag $0x1  }
0x1: {  	v0 =	vimm.s32 $0xEDCBA987;
	v1 =	vimm.s32 $0x65432100;
	s0 =	rddreg [dreg:$0x0]  }
0x2: {  	s1 =	srdreg.scid;
	v2 =	vimm.s32 $0xDCBA9876;
	s3 =	rddreg [dreg:$0x1];
	v3 =	vimm.s32 $0x54321000;
	v4 =	vimm.s32 $0xBA987654  }
0x3: {  	s2 =	simm.s32 $0x0;
	s8 =	stileid.u32;
	v6 =	vimm.s32 $0xFFEDCBA9;
	v7 =	vimm.s32 $0x87654321;
	s16 =	simm.s32 $0x1;
	v0 =	vunpack.c.l.s4.s8 v0  }
0x4: {  	v5 =	vimm.s32 $0xE40000;
	s17 =	simm.s32 $0x2780;
	s18 =	simm.s32 $0x4F00;
	s19 =	simm.s32 $0x7680;
	vm2 =	vcmask $0x3F30;
	v1 =	vunpack.c.l.s4.s8 v1  }
0x5: {  	s20 =	simm.s32 $0xED00;
	s21 =	simm.s32 $0xEE00;
	s22 =	simm.s32 $0xF100;
	vm0 =	vmmov $0x3;
	v2 =	vunpack.c.l.s4.s8 v2;
	v0 =	vunpack.c.0.s8.s32 v0  }
0x6: {  	s23 =	simm.s32 $0xF180;
	vm1 =	vmmov $0xf;
	s24 =	simm.s32 $0x9E00;
	s25 =	simm.s32 $0xC580;
	v3 =	vunpack.c.l.s4.s8 v3;
	v1 =	vunpack.c.0.s8.s32 v1  }
0x7: {  	s26 =	simm.s32 $0xEF00;
	s28 =	simm.s32 $0xF000;
	s29 =	simm.s32 $0x0;
	v4 =	vunpack.c.l.s4.s8 v4;
	v2 =	vunpack.c.0.s8.s32 v2;
	v0 =	vand.u32 $0xF, v0  }
0x8: {  	s1 =	sand.u32 $0x1, s1;
	[smem:$0x7FF] =	sst s2;
	s5 =	smul.u32 $0x5000, s8;
	v0 =	vcombine.low v1, v0;
	v1 =	vunpack.c.0.s8.s32 v3;
	v3 =	vimm.s32 $0x32100000  }
0x9: {  	v5 =	vunpack.c.l.s2.s4 v5;
	v6 =	vunpack.c.l.s4.s8 v6;
	s4 =	smul.u32 $0x9E00, s1;
	_ =	strace $0x8000004D;
	s6 =	sshll.u32 s1, $0x4;
	v3 =	vunpack.c.l.s4.s8 v3  }
0xa: {  	v7 =	vunpack.c.l.s4.s8 v7;
	s7 =	ssub.s32 $0x2, s1;
	s1 =	smul.u32 $0xA0000, s1;
	s8 =	sor.u32 s8, s6;
	v4 =	vunpack.c.0.s8.s32 v4;
	v2 =	vand.u32 $0xF, v2  }
0xb: {  	s6 =	sadd.s32 $0x16800, s0;
	s9 =	sshrl.u32 s7, $0x1;
	s4 =	sshrl.u32 s4, $0x3;
	v1 =	vcombine.low v1, v2;
	v2 =	vunpack.c.0.s8.s32 v3;
	v3 =	vunpack.c.l.s4.s8 v5  }
0xc: {  	s12 =	smul.u32 $0x4F00, s8;
	s15 =	ssub.s32 s7, s9;
	s10 =	sadd.s32 s5, s1;
	v4 =	vand.u32 $0xF, v4;
	v5 =	vunpack.c.0.s8.s32 v6;
	v6 =	vunpack.c.0.s8.s32 v7  }
0xd: {  	s11 =	sadd.s32 s4, s0;
	s4 =	sadd.s32 $0xA000, s0;
	s15 =	smax.u32 s15, $0x1;
	v2 =	vcombine.low v2, v4;
	v4 =	vimm.s32 $0x7060504;
	v7 =	vunpack.c.0.s8.s32 v3  }
0xe: {  	vm3 =	vcmask $0x3F3C;
	s30 =	sadd.s32 $0x14000, s11;
	s8 =	sadd.s32 $0x144F0, s11;
	s31 =	sshrl.u32 s12, $0x3;
	v6 =	vcombine.low v6, v5;
	v8 =	vunpack.c.0.s8.s32 v4  }
0xf: {  	s9 =	sadd.s32 $0x149E0, s11;
	s11 =	sadd.s32 $0x14ED0, s11;
	s13 =	sadd.s32 s3, s31;
	v3 =	vimm.f32 $0.0e+00;
	v4 =	vlaneseq.u32;
	v5 =	vand.u32 $0x3, v7  }
0x10: {  	s12 =	sadd.s32 $0x50000, s10;
	[dreg:$0x3] =	wrdreg s30;
	s14 =	sadd.s32 $0x4F0, s13;
	v6 =	vand.u32 $0xF, v6;
	v5 =	vsel vm2, v8, v5;
	vm2 =	vmmov $0xff  }
.LBB2_1:
0x11: {  	s1 =	rddreg [dreg:$0x3]  }
0x12: {  	[tilespmem:s2], [sflag:$0x1] =	stream.linear.gather [hbm4b:s1+s2], $0x2780, $0x38;
	[tilespmem:$0xF200] =	vst v63  }
0x13: {  	_ =	swait.ge [sflag:s16], $0x2780  }
0x14: {  	[sflag:s16] =	ssyncset.done $0x0  }
0x15: {  	[sflag:s16] =	ssyncadd.s32 $0xFFFFD880  }
0x16: {  	[tilespmem:s17], [sflag:$0x1] =	stream.linear.gather [hbm4b:s8+s2], $0x2780, $0x38;
	[tilespmem:$0xF200] =	vst v63  }
0x17: {  	_ =	swait.ge [sflag:s16], $0x2780  }
0x18: {  	[sflag:s16] =	ssyncset.done $0x0  }
0x19: {  	[sflag:s16] =	ssyncadd.s32 $0xFFFFD880  }
0x1a: {  	[tilespmem:s18], [sflag:$0x1] =	stream.linear.gather [hbm4b:s9+s2], $0x2780, $0x38;
	[tilespmem:$0xF200] =	vst v63  }
0x1b: {  	_ =	swait.ge [sflag:s16], $0x2780  }
0x1c: {  	[sflag:s16] =	ssyncset.done $0x0  }
0x1d: {  	[sflag:s16] =	ssyncadd.s32 $0xFFFFD880  }
0x1e: {  	[tilespmem:s19], [sflag:$0x1] =	stream.linear.gather [hbm4b:s11+s2], $0x2780, $0x38;
	[tilespmem:$0xF200] =	vst v63  }
0x1f: {  	_ =	swait.ge [sflag:s16], $0x2780  }
0x20: {  	[sflag:s16] =	ssyncset.done $0x0  }
0x21: {  	s3 =	simm.s32 $0x0;
	s1 =	simm.s32 $0x40;
	[sflag:s16] =	ssyncadd.s32 $0xFFFFD880  }
.LBB2_2:
0x22: {  	p0 =	sne.s32 s1, $0x9DC0;
	[tilespmem:s3+$0x9E00] =	vst v3;
	s30 =	smov.u32 s1;
	s1 =	sadd.s32 $0x40, s1  }
.Ltmp0:
0x23: {  	[tilespmem:s3+$0xC580] =	vst v3;
	(pc) =	sbr.rel @p0 .LBB2_2-.Ltmp0, $2  }
0x24: {  	_ =	sdelay $0x2  }
0x25: {  	s3 =	sshra.s32 s30, $0x2  }
0x26: {  	[tilespmem:s3+$0x9E00] =	vst v3  }
0x27: {  	s30 =	simm.s32 $0x0;
	[tilespmem:s3+$0xC580] =	vst v3;
	s31 =	simm.s32 $0x0  }
.LBB2_4:
0x28: {  	s1 =	sshll.u32 s31, $0x8  }
0x29: {  	s3 =	sadd.s32 s5, s1  }
0x2a: {  	s3 =	sshrl.u32 s3, $0x3  }
0x2b: {  	s7 =	sadd.s32 s0, s3  }
0x2c: {  	[tilespmem:s20], [sflag:$0x1] =	stream.linear.gather [hbm4b:s7+s30], $0x100, $0x38;
	[tilespmem:$0xF200] =	vst v63  }
0x2d: {  	_ =	swait.ge [sflag:s16], $0x100  }
0x2e: {  	[sflag:s16] =	ssyncset.done $0x0  }
0x2f: {  	s3 =	sadd.s32 s4, s3;
	[sflag:s16] =	ssyncadd.s32 $0xFFFFFF00  }
0x30: {  	[tilespmem:s21], [sflag:$0x1] =	stream.linear.gather [hbm4b:s3+s30], $0x100, $0x38;
	[tilespmem:$0xF200] =	vst v63  }
0x31: {  	_ =	swait.ge [sflag:s16], $0x100  }
0x32: {  	[sflag:s16] =	ssyncset.done $0x0  }
0x33: {  	s3 =	simm.s32 $0x0;
	[sflag:s16] =	ssyncadd.s32 $0xFFFFFF00  }
.LBB2_5:
0x34: {  	s7 =	sshra.s32 s3, $0x2  }
0x35: {  	v7 =	vld [tilespmem:s7+$0xED00]  }
0x36: {  	v8 =	vld [tilespmem:s7+$0xEE00];
	_ =	sdelay $0x6  }
0x37: {  	v9 =	vld.idx.msk [tilespmem:v7+s2+$0x0], $0xffff  }
0x38: {  	v10 =	vld.idx.msk [tilespmem:v8+s18+$0x0], $0xffff;
	_ =	sdelay $0x4  }
0x39: {  	v9 =	vadd.f32 v10, v9;
	_ =	sdelay $0x1  }
0x3a: {  	v10 =	vmul.f32 $2.000000030e-01, v9  }
0x3b: {  	vm4 =	vgt.f32 v9, $0.0e+00  }
0x3c: {  	v9 =	vsel vm4, v9, v10  }
0x3d: {  	v9 =	vmul.f32 $1.442695020e+00, v9;
	_ =	sdelay $0x1  }
0x3e: {  	(erf) = vpow2.f32 v9  }
0x3f: {  	v7 =	vld.idx.msk [tilespmem:v7+s17+$0x0], $0xffff  }
0x40: {  	v47 =	vld.idx.msk [tilespmem:v8+s19+$0x0], $0xffff;
	_ =	sdelay $0x4  }
0x41: {  	v7 =	vadd.f32 v47, v7;
	_ =	sdelay $0x1  }
0x42: {  	v8 =	vxor.u32 $0x80000000, v8;
	v9 =	vmul.f32 $2.000000030e-01, v7;
	v48 =	vpop (erf)  }
0x43: {  	vm4 =	vgt.f32 v7, $0.0e+00;
	(xrf1) =	vsort.ascd.msk.u32 $0xffff, v8, v48  }
0x44: {  	v7 =	vsel vm4, v7, v9  }
0x45: {  	v7 =	vmul.f32 $1.442695020e+00, v7;
	_ =	sdelay $0x1  }
0x46: {  	(erf) = vpow2.f32 v7;
	_ =	sdelay $0x8  }
0x47: {  	[tilespmem:s7+$0xEF00] =	vst v48;
	v7 =	vpop (erf)  }
0x48: {  	[tilespmem:s7+$0xF000] =	vst v7;
	v49, v50, _ =	vpop (xrf1)  }
0x49: {  	v9 =	vxor.u32 $0x80000000, v49;
	[tilespmem:$0xF180] =	vst v50  }
0x4a: {  	[tilespmem:$0xF100] =	vst v9  }
0x4b: {  	v11 =	vld.idx.msk [tilespmem:v0+s22+$0x0], $0xffff  }
0x4c: {  	v12 =	vld.idx.msk [tilespmem:v0+s23+$0x0], $0xffff;
	_ =	sdelay $0x2  }
0x4d: {  	vm4 =	veq.s32 v4, $0x0  }
0x4e: {  	v11 =	vsel vm4, $0xFFFFFFFF, v11  }
0x4f: {  	v12 =	vsel vm4, $0x0, v12;
	vm5 =	veq.s32 v9, v11  }
0x50: {  	v11 =	vnsel vm5, $0x0, v12  }
0x51: {  	v10 =	vadd.f32 v11, v50;
	_ =	sdelay $0x1  }
0x52: {  	[tilespmem:$0xF180] =	vst v10  }
0x53: {  	v51 =	vld.idx.msk [tilespmem:v1+s22+$0x0], $0xffff  }
0x54: {  	v52 =	vld.idx.msk [tilespmem:v1+s23+$0x0], $0xffff;
	_ =	sdelay $0x3  }
0x55: {  	v11 =	vsel vm0, $0xFFFFFFFF, v51  }
0x56: {  	v12 =	vsel vm0, $0x0, v52;
	vm5 =	veq.s32 v9, v11  }
0x57: {  	v11 =	vnsel vm5, $0x0, v12  }
0x58: {  	v10 =	vadd.f32 v11, v10;
	_ =	sdelay $0x1  }
0x59: {  	[tilespmem:$0xF180] =	vst v10  }
0x5a: {  	v53 =	vld.idx.msk [tilespmem:v2+s22+$0x0], $0xffff  }
0x5b: {  	v54 =	vld.idx.msk [tilespmem:v2+s23+$0x0], $0xffff;
	_ =	sdelay $0x3  }
0x5c: {  	v11 =	vsel vm1, $0xFFFFFFFF, v53  }
0x5d: {  	v12 =	vsel vm1, $0x0, v54;
	vm5 =	veq.s32 v9, v11  }
0x5e: {  	v11 =	vnsel vm5, $0x0, v12  }
0x5f: {  	v10 =	vadd.f32 v11, v10;
	_ =	sdelay $0x1  }
0x60: {  	[tilespmem:$0xF180] =	vst v10  }
0x61: {  	v55 =	vld.idx.msk [tilespmem:v5+s22+$0x0], $0xffff  }
0x62: {  	v56 =	vld.idx.msk [tilespmem:v5+s23+$0x0], $0xffff;
	_ =	sdelay $0x3  }
0x63: {  	v11 =	vsel vm2, $0xFFFFFFFF, v55  }
0x64: {  	v12 =	vsel vm2, $0x0, v56;
	vm5 =	veq.s32 v9, v11  }
0x65: {  	v11 =	vnsel vm5, $0x0, v12  }
0x66: {  	(xrf1) =	vsort.ascd.msk.u32 $0xffff, v8, v7;
	v10 =	vadd.f32 v11, v10;
	_ =	sdelay $0x1  }
0x67: {  	[tilespmem:$0xF180] =	vst v10  }
0x68: {  	v7 =	vld.idx.msk [tilespmem:v6+s22+$0x0], $0xffff;
	_ =	sdelay $0x4  }
0x69: {  	vm5 =	vne.s32 v9, v7  }
0x6a: {  	vm5 =	vmor vm5, vm3;
	_ =	sdelay $0x4  }
0x6b: {  	v7, v8, _ =	vpop (xrf1)  }
0x6c: {  	v7 =	vxor.u32 $0x80000000, v7;
	[tilespmem:v9+s24+$0x0] =	vst.idx.add.f32.msk vm5, v10  }
0x6d: {  	[tilespmem:$0xF100] =	vst v7  }
0x6e: {  	[tilespmem:$0xF180] =	vst v8  }
0x6f: {  	v9 =	vld.idx.msk [tilespmem:v0+s22+$0x0], $0xffff  }
0x70: {  	v10 =	vld.idx.msk [tilespmem:v0+s23+$0x0], $0xffff;
	_ =	sdelay $0x3  }
0x71: {  	v9 =	vsel vm4, $0xFFFFFFFF, v9  }
0x72: {  	v10 =	vsel vm4, $0x0, v10;
	vm4 =	veq.s32 v7, v9  }
0x73: {  	v9 =	vnsel vm4, $0x0, v10  }
0x74: {  	v8 =	vadd.f32 v9, v8;
	_ =	sdelay $0x1  }
0x75: {  	[tilespmem:$0xF180] =	vst v8  }
0x76: {  	v57 =	vld.idx.msk [tilespmem:v1+s22+$0x0], $0xffff  }
0x77: {  	v58 =	vld.idx.msk [tilespmem:v1+s23+$0x0], $0xffff;
	_ =	sdelay $0x3  }
0x78: {  	v9 =	vsel vm0, $0xFFFFFFFF, v57  }
0x79: {  	v10 =	vsel vm0, $0x0, v58;
	vm4 =	veq.s32 v7, v9  }
0x7a: {  	v9 =	vnsel vm4, $0x0, v10  }
0x7b: {  	v8 =	vadd.f32 v9, v8;
	_ =	sdelay $0x1  }
0x7c: {  	[tilespmem:$0xF180] =	vst v8  }
0x7d: {  	v59 =	vld.idx.msk [tilespmem:v2+s22+$0x0], $0xffff  }
0x7e: {  	v60 =	vld.idx.msk [tilespmem:v2+s23+$0x0], $0xffff;
	_ =	sdelay $0x3  }
0x7f: {  	v9 =	vsel vm1, $0xFFFFFFFF, v59  }
0x80: {  	v10 =	vsel vm1, $0x0, v60;
	vm4 =	veq.s32 v7, v9  }
0x81: {  	v9 =	vnsel vm4, $0x0, v10  }
0x82: {  	v8 =	vadd.f32 v9, v8;
	_ =	sdelay $0x1  }
0x83: {  	[tilespmem:$0xF180] =	vst v8  }
0x84: {  	v61 =	vld.idx.msk [tilespmem:v5+s22+$0x0], $0xffff  }
0x85: {  	v62 =	vld.idx.msk [tilespmem:v5+s23+$0x0], $0xffff;
	_ =	sdelay $0x3  }
0x86: {  	v9 =	vsel vm2, $0xFFFFFFFF, v61  }
0x87: {  	v10 =	vsel vm2, $0x0, v62;
	vm4 =	veq.s32 v7, v9  }
0x88: {  	v9 =	vnsel vm4, $0x0, v10  }
0x89: {  	v8 =	vadd.f32 v9, v8;
	_ =	sdelay $0x1  }
0x8a: {  	[tilespmem:$0xF180] =	vst v8  }
0x8b: {  	v63 =	vld.idx.msk [tilespmem:v6+s22+$0x0], $0xffff;
	_ =	sdelay $0x4  }
0x8c: {  	vm4 =	vne.s32 v7, v63  }
0x8d: {  	vm4 =	vmor vm4, vm3  }
0x8e: {  	p0 =	sne.s32 s3, $0x3C0  }
.Ltmp1:
0x8f: {  	_ = 	snop;
	(pc) =	sbr.rel @p0 .LBB2_5-.Ltmp1, $2  }
0x90: {  	_ =	sdelay $0x2  }
0x91: {  	s3 =	sadd.s32 $0x40, s3;
	[tilespmem:v7+s25+$0x0] =	vst.idx.add.f32.msk vm4, v8  }
0x92: {  	s3 =	sadd.s32 s1, s10  }
0x93: {  	s3 =	sshrl.u32 s3, $0x3  }
0x94: {  	s3 =	sadd.s32 s6, s3  }
0x95: {  	[hbm4b:s3+s2] =	stream.linear.scatter [tilespmem:s26], [sflag:$0x1], $0x100, $0x38;
	[tilespmem:$0xF200] =	vst v63  }
0x96: {  	s7 =	sadd.s32 s1, s12;
	s31 =	sadd.s32 $0x1, s31;
	_ =	swait.ge [sflag:s16], $0x100  }
0x97: {  	s1 =	sshrl.u32 s7, $0x3;
	p0 =	sne.s32 s31, $0x50;
	[sflag:s16] =	ssyncset.done $0x0  }
.Ltmp2:
0x98: {  	s1 =	sadd.s32 s6, s1;
	[sflag:s16] =	ssyncadd.s32 $0xFFFFFF00;
	(pc) =	sbr.rel @p0 .LBB2_4-.Ltmp2, $4  }
0x99: {  	[hbm4b:s1+s2] =	stream.linear.scatter [tilespmem:s28], [sflag:$0x1], $0x100, $0x38;
	[tilespmem:$0xF200] =	vst v63  }
0x9a: {  	_ =	swait.ge [sflag:s16], $0x100  }
0x9b: {  	[sflag:s16] =	ssyncset.done $0x0  }
0x9c: {  	[sflag:s16] =	ssyncadd.s32 $0xFFFFFF00  }
0x9d: {  	[hbm4b:s13+s2] =	stream.linear.scatter [tilespmem:s24], [sflag:$0x1], $0x2780, $0x38;
	[tilespmem:$0xF200] =	vst v63  }
0x9e: {  	s29 =	sadd.s32 $0x1, s29;
	_ =	swait.ge [sflag:s16], $0x2780  }
0x9f: {  	p0 =	sne.s32 s29, s15;
	[sflag:s16] =	ssyncset.done $0x0  }
.Ltmp3:
0xa0: {  	[sflag:s16] =	ssyncadd.s32 $0xFFFFD880;
	(pc) =	sbr.rel @p0 .LBB2_1-.Ltmp3, $4  }
0xa1: {  	[hbm4b:s14+s2] =	stream.linear.scatter [tilespmem:s25], [sflag:$0x1], $0x2780, $0x38;
	[tilespmem:$0xF200] =	vst v63  }
0xa2: {  	_ =	swait.ge [sflag:s16], $0x2780  }
0xa3: {  	[sflag:s16] =	ssyncset.done $0x0  }
0xa4: {  	[sflag:s16] =	ssyncadd.s32 $0xFFFFD880  }
0xa5: {  	_ =	sfence.sel $0x180000  }
0xa6: {  	[bflag:$0x0] =	sbarrier.arrive $0xFFFF  }
0xa7: {  	_ =	strace $0x9000004D  }
0xa8: {  	s0 =	stileid.u32;
	[bflag:$0x2] =	sbarrier.arrive $0xFFFF  }
0xa9: {  	p0 =	sne.s32 s0, $0x0;
	s0 =	rddreg [dreg:$0x2]  }
0xaa: {  	s0 =	sadd.s32 @!p0 $0x100000, s0  }
0xab: {  	[sflag:s0] =	ssyncadd.tile.s32 @!p0 $0x1;
	_ =	shalt  }
.Lfunc_end2:
_tile_overlayer_lowered:
.L_overlay_start_2:
0xac: {  	(tag) =	ssettag $0x2  }
0xad: {  	s0 =	rddreg [dreg:$0x0];
	s2 =	stileid.u32  }
0xae: {  	s1 =	rddreg [dreg:$0x1];
	p0 =	sne.s32 s2, $0x0  }
0xaf: {  	s3 =	rddreg [dreg:$0x2];
	[bflag:$0x3] =	sbarrier.arrive $0xFFFF;
	s2 =	simm.s32 @!p0 $0x1C01  }
0xb0: {  	[timem:s3], [sflag:s2] =	dma.local @!p0 [hbm:s0], s1  }
0xb1: {  	s0 =	simm.s32 @!p0 $0x1  }
0xb2: {  	_ =	swait.ge @!p0 [sflag:s0], s1  }
0xb3: {  	s1 =	ssub.s32 @!p0 $0x0, s1;
	[sflag:s0] =	ssyncset.done @!p0 $0x0  }
0xb4: {  	[sflag:s0] =	ssyncadd.s32 @!p0 s1  }
0xb5: {  	[bflag:$0x3] =	sbarrier.arrive $0xFFFF  }
0xb6: {  	_ =	shalt  }

// kernel: kernel.20.cloned.1.call-start
scs
__scs_entry_jumppad:
0x0: {  	(pc) =	sbr.rel $0x88, $3  }
0x1: {  	(tag) =	ssettag $0x0;
	lr =	simm.s32 $0x1  }
0x2: {  	[smem:$0x3F93] =	sst lr;
	_ =	strace $0xD0000000  }
0x3: {  	_ = 	snop  }
0x4: {  	_ = 	snop  }
0x5: {  	_ = 	snop  }
0x6: {  	_ = 	snop  }
0x7: {  	_ = 	snop  }
__scs_overlays_trampoline_lowered:
0x8: {  	[smem:$0x3FA2] =	sst s0  }
0x9: {  	[smem:$0x3FA3] =	sst s1  }
0xa: {  	[smem:$0x3FA4] =	sst s2  }
0xb: {  	[smem:$0x3FA5] =	sst s3  }
0xc: {  	[smem:$0x3FA6] =	sst s4  }
0xd: {  	[smem:$0x3FA7] =	sst s5  }
0xe: {  	[smem:$0x3FA8] =	sst s6  }
0xf: {  	[smem:$0x3FA9] =	sst s7  }
0x10: {  	[smem:$0x3FAA] =	sst s8  }
0x11: {  	[smem:$0x3FAB] =	sst s9;
	s0 =	simm.s32 @!p0 $0x0  }
0x12: {  	s1 =	sld [smem:$0x3F91];
	s0 =	simm.s32 @p0 $0x1  }
0x13: {  	[smem:$0x3FAC] =	sst s0;
	s0 =	simm.s32 @!p1 $0x0  }
0x14: {  	s2 =	sld [smem:$0x3F90];
	s0 =	simm.s32 @p1 $0x1  }
0x15: {  	[smem:$0x3FAD] =	sst s0;
	s0 =	simm.s32 @!p2 $0x0  }
0x16: {  	s3 =	sld [smem:$0x3FDB];
	s0 =	simm.s32 @p2 $0x1  }
0x17: {  	s4 =	simm.s32 $0x1BF5;
	[smem:$0x3FAF] =	sst s0  }
0x18: {  	s0 =	sld [smem:$0x3F92];
	_ =	swait.ge [sflag:s4], $0x0  }
0x19: {  	s7 =	sld [smem:$0x3F93]  }
0x1a: {  	s8 =	sadd.s32 $0xFFFFE003, lr  }
0x1b: {  	s9 =	sadd.s32 $0xFFFFFEF7, lr;
	s5 =	simm.s32 $0xFFFFFFFF;
	p2 =	slt.u32 s8, $0xFFFFF086  }
0x1c: {  	p1 =	slt.u32 s9, $0xF7A;
	s5 =	simm.s32 @!p2 $0x0  }
0x1d: {  	s5 =	simm.s32 @p1 $0x1;
	p0 =	seq.s32 s7, s2  }
0x1e: {  	s7 =	smul.u32 @!p0 $0xF7A, s2;
	p2 =	seq.s32 @!p0 s5, $0x0  }
0x1f: {  	s9 =	smul.u32 $0xF7A, s1;
	s8 =	simm.s32 @!p0 $0x1BF5;
	p2 =	por !p2, p0  }
0x20: {  	[sflag:s8] =	ssyncset.s32 @!p0 $0xFFFFF086;
	s6 =	sadd.s32 @!p0 s3, s7;
	s7 =	simm.s32 @!p0 $0x108  }
0x21: {  	s3 =	sadd.s32 s3, s9;
	s6 =	sadd.s32 @!p0 $0x88, s6;
	s7 =	simm.s32 @p2 $0x1082  }
0x22: {  	[simem:s7], [sflag:s8] =	dma.local @!p0 [hbm:s6], $0xF7A  }
0x23: {  	s9 =	sor.u32 $0xD0000000, s2;
	s6 =	simm.s32 $0x108;
	_ =	swait.ge @!p0 [sflag:s8], $0x0  }
0x24: {  	s3 =	sadd.s32 $0x88, s3;
	s6 =	simm.s32 @!p1 $0x1082;
	[sflag:s4] =	ssyncset.s32 $0xFFFFF086  }
0x25: {  	[simem:s6], [sflag:s4] =	dma.local [hbm:s3], $0xF7A  }
0x26: {  	[smem:$0x3F93] =	sst s1;
	(tag) =	ssettag s2;
	_ =	strace s9  }
0x27: {  	s1 =	sld [smem:$0x3FA3]  }
0x28: {  	s2 =	sld [smem:$0x3FA4]  }
0x29: {  	s4 =	sld [smem:$0x3FA6]  }
0x2a: {  	p0 =	seq.s32 s5, $0x0;
	s5 =	sld [smem:$0x3FA7]  }
0x2b: {  	s6 =	sld [smem:$0x3FA8]  }
0x2c: {  	s7 =	sld [smem:$0x3FA9]  }
0x2d: {  	s3 =	simm.s32 $0x108;
	s8 =	sld [smem:$0x3FAA]  }
0x2e: {  	s3 =	simm.s32 @!p0 $0x1082;
	s9 =	sld [smem:$0x3FAB]  }
0x2f: {  	lr =	sadd.s32 s0, s3;
	s0 =	sld [smem:$0x3FA2]  }
0x30: {  	s3 =	sld [smem:$0x3FA5]  }
0x31: {  	[smem:$0x3FAE] =	sst s10  }
0x32: {  	s10 =	sld [smem:$0x3FAC];
	_ =	sdelay $0x3  }
0x33: {  	p0 =	seq.s32 s10, $0x1;
	s10 =	sld [smem:$0x3FAE];
	_ =	sdelay $0x3  }
0x34: {  	[smem:$0x3FAE] =	sst s10  }
0x35: {  	s10 =	sld [smem:$0x3FAD];
	_ =	sdelay $0x3  }
0x36: {  	p1 =	seq.s32 s10, $0x1;
	s10 =	sld [smem:$0x3FAE];
	_ =	sdelay $0x3  }
0x37: {  	[smem:$0x3FAE] =	sst s10  }
0x38: {  	s10 =	sld [smem:$0x3FAF]  }
0x39: {  	_ = 	snop;
	(pc) =	sbr.ind lr, $3  }
0x3a: {  	_ = 	snop  }
0x3b: {  	_ = 	snop  }
0x3c: {  	p2 =	seq.s32 s10, $0x1;
	s10 =	sld [smem:$0x3FAE]  }
0x3d: {  	_ =	shalt  }
0x3e: {  	_ =	shalt  }
0x3f: {  	_ =	shalt  }
0x40: {  	_ =	shalt  }
0x41: {  	_ =	shalt  }
0x42: {  	_ =	shalt  }
0x43: {  	_ =	shalt  }
0x44: {  	_ =	shalt  }
0x45: {  	_ =	shalt  }
0x46: {  	_ =	shalt  }
0x47: {  	_ =	shalt  }
0x48: {  	_ =	shalt  }
0x49: {  	_ =	shalt  }
0x4a: {  	_ =	shalt  }
0x4b: {  	_ =	shalt  }
0x4c: {  	_ =	shalt  }
0x4d: {  	_ =	shalt  }
0x4e: {  	_ =	shalt  }
0x4f: {  	_ =	shalt  }
0x50: {  	_ =	shalt  }
0x51: {  	_ =	shalt  }
0x52: {  	_ =	shalt  }
0x53: {  	_ =	shalt  }
0x54: {  	_ =	shalt  }
0x55: {  	_ =	shalt  }
0x56: {  	_ =	shalt  }
0x57: {  	_ =	shalt  }
0x58: {  	_ =	shalt  }
0x59: {  	_ =	shalt  }
0x5a: {  	_ =	shalt  }
0x5b: {  	_ =	shalt  }
0x5c: {  	_ =	shalt  }
0x5d: {  	_ =	shalt  }
0x5e: {  	_ =	shalt  }
0x5f: {  	_ =	shalt  }
0x60: {  	_ =	shalt  }
0x61: {  	_ =	shalt  }
0x62: {  	_ =	shalt  }
0x63: {  	_ =	shalt  }
0x64: {  	_ =	shalt  }
0x65: {  	_ =	shalt  }
0x66: {  	_ =	shalt  }
0x67: {  	_ =	shalt  }
0x68: {  	_ =	shalt  }
0x69: {  	_ =	shalt  }
0x6a: {  	_ =	shalt  }
0x6b: {  	_ =	shalt  }
0x6c: {  	_ =	shalt  }
0x6d: {  	_ =	shalt  }
0x6e: {  	_ =	shalt  }
0x6f: {  	_ =	shalt  }
0x70: {  	_ =	shalt  }
0x71: {  	_ =	shalt  }
0x72: {  	_ =	shalt  }
0x73: {  	_ =	shalt  }
0x74: {  	_ =	shalt  }
0x75: {  	_ =	shalt  }
0x76: {  	_ =	shalt  }
0x77: {  	_ =	shalt  }
0x78: {  	_ =	shalt  }
0x79: {  	_ =	shalt  }
0x7a: {  	_ =	shalt  }
0x7b: {  	_ =	shalt  }
0x7c: {  	_ =	shalt  }
0x7d: {  	_ =	shalt  }
0x7e: {  	_ =	shalt  }
0x7f: {  	_ =	shalt  }
0x80: {  	_ =	shalt  }
0x81: {  	_ =	shalt  }
0x82: {  	_ =	shalt  }
0x83: {  	_ =	shalt  }
0x84: {  	_ =	shalt  }
0x85: {  	_ =	shalt  }
0x86: {  	_ =	shalt  }
0x87: {  	_ =	shalt  }
.Lfunc_end0:
.L_simem_size_0:
called_computation.3_lowered:
.L_overlay_start_0:
0x88: {  	s2 =	sld [smem:$0x3FD9]  }
0x89: {  	s3 =	sld [smem:$0x3FFE];
	_ =	sdelay $0x1  }
0x8a: {  	s1 =	srdreg.scid  }
0x8b: {  	s0 =	sand.u32 $0x1, s1  }
0x8c: {  	s16 =	sshll.u32 s0, $0xA;
	s2 =	sadd.s32 s3, s2  }
0x8d: {  	s2 =	sadd.s32 s2, s16  }
0x8e: {  	[smem:$0x3FBA] =	sst s2  }
0x8f: {  	_ = 	snop  }
0x90: {  	(tm) =	ssettm $0x1  }
0x91: {  	s17 =	sld [smem:$0x3FFB];
	_ =	sdelay $0x3  }
0x92: {  	_ =	strace s17  }
0x93: {  	s2 =	sld [smem:$0x3FFC];
	_ =	sdelay $0x3  }
0x94: {  	_ =	strace s2  }
0x95: {  	s2 =	sld [smem:$0x3FFD];
	_ =	sdelay $0x3  }
0x96: {  	_ =	strace s2  }
0x97: {  	_ =	strace $0x8FFFFFFF  }
0x98: {  	s18 =	sld [smem:$0x3FDB];
	_ =	sdelay $0x1  }
0x99: {  	s19 =	simm.s32 $_scs_section_size  }
0x9a: {  	s4 =	simm.s32 $_size__tile_overlayer_lowered;
	s5 =	simm.s32 $_tile_overlayer_lowered  }
0x9b: {  	s22 =	simm.s32 $0x1BFF;
	s21 =	sshll.u32 s5, $0x1;
	s2 =	sadd.s32 s19, s18  }
0x9c: {  	s6 =	simm.s32 $0x0;
	s20 =	sshll.u32 s4, $0x1;
	s4 =	sadd.s32 s21, s2  }
0x9d: {  	[timem:s6], [sflag:s22] =	dma.local [hbm:s4], s20  }
0x9e: {  	_ =	swait.ge [sflag:s22], s20  }
0x9f: {  	s3 =	ssub.s32 $0x0, s20;
	[sflag:s22] =	ssyncset.done $0x0  }
0xa0: {  	[sflag:s22] =	ssyncadd.s32 s3;
	_ =	sdelay $0x1  }
0xa1: {  	s23 =	simm.s32 $0x1B8B  }
0xa2: {  	_ =	swait.ge [sflag:s23], $0x1  }
0xa3: {  	[sflag:s23] =	ssyncset.done $0x0  }
0xa4: {  	s25 =	simm.s32 $0x1B8E;
	s24 =	sld [smem:$0x3FFE];
	[sflag:s23] =	ssyncadd.s32 $0xFFFFFFFF  }
0xa5: {  	s26 =	simm.s32 $execute0_lowered;
	[smem:$0x3FD2] =	sst s25  }
0xa6: {  	s4 =	sshll.u32 s26, $0x1;
	_ =	strace $0x8000004F;
	[dreg:$0x1] =	wrdreg $0xFFFFFFFF  }
0xa7: {  	s28 =	simm.s32 $_size_execute0_lowered;
	s2 =	sadd.s32 s2, s4;
	[dreg:$0x0] =	wrdreg $0x0  }
0xa8: {  	s4 =	sshll.u32 s28, $0x1;
	[dreg:$0x2] =	wrdreg s2  }
0xa9: {  	[dreg:$0x3] =	wrdreg s4  }
0xaa: {  	[dreg:$0x4] =	wrdreg $0xC0  }
0xab: {  	_ =	task [dreg:s6], $0x5FFFF  }
0xac: {  	[dreg:$0x1] =	wrdreg $0xFFFFFFFF  }
0xad: {  	[dreg:$0x0] =	wrdreg $0x60  }
0xae: {  	[dreg:$0x2] =	wrdreg s24  }
0xaf: {  	[dreg:$0x3] =	wrdreg $0x84000  }
0xb0: {  	[dreg:$0x4] =	wrdreg $0x9  }
0xb1: {  	_ =	task.clear_ibuf [dreg:s6], $0x5FFFF;
	_ =	strace $0x9000004F  }
0xb2: {  	s29 =	simm.s32 $0x9;
	_ =	strace $0x80000051  }
0xb3: {  	_ =	swait.ge [sflag:s29], $0x1  }
0xb4: {  	[sflag:s29] =	ssyncadd.s32 $0xFFFFFFFF  }
0xb5: {  	_ =	strace $0x90000051  }
0xb6: {  	_ =	sfence  }
0xb7: {  	s30 =	sld [smem:$0x0];
	_ =	sdelay $0x2  }
0xb8: {  	s31 =	sshll.u32 s1, $0xD;
	s1 =	sshrl.u32 s1, $0x2  }
0xb9: {  	s3 =	sand.u32 $0x4000, s31;
	s1 =	sadd.s32 s1, s30  }
0xba: {  	s0 =	sor.u32 s3, s0;
	s1 =	sshll.u32 s1, $0x11  }
0xbb: {  	s0 =	sor.u32 s1, s0  }
0xbc: {  	s0 =	sadd.s32 $0x8F2B, s0  }
0xbd: {  	[sflag:s0] =	ssyncadd.remote.s32 $0x1  }
0xbe: {  	_ =	sfence.sel $0xFFFF  }
0xbf: {  	[dreg:$0x0] =	wrdreg $0xFFFFFFFF;
	(pc) =	sbr.abs _section_cstart, $3  }
0xc0: {  	[dreg:$0x1] =	wrdreg $0xFFFFFFFF  }
0xc1: {  	_ =	task.clear_ibuf [dreg:s6], $0x2FFFF;
	_ =	strace $0x9FFFFFFF  }
0xc2: {  	(tm) =	ssettm $0x7FFFFFFF  }
0xc3: {  	_ =	shalt  }
tec
execute0_lowered:
.L_overlay_start_1:
0x0: {  	(tag) =	ssettag $0x1  }
0x1: {  	s1 =	rddreg [dreg:$0x0]  }
0x2: {  	s2 =	rddreg [dreg:$0x1]  }
0x3: {  	s0 =	rddreg [dreg:$0x2]  }
0x4: {  	s4 =	simm.s32 $0x0;
	s3 =	srdreg.scid;
	s17 =	simm.s32 $0x100  }
0x5: {  	s18 =	simm.s32 $0x8200;
	s20 =	simm.s32 $0x200;
	s9 =	sand.u32 $0x1, s3  }
0x6: {  	s21 =	simm.s32 $0x1;
	s3 =	stileid.u32;
	s19 =	smul.u32 $0x2780, s9  }
0x7: {  	[smem:$0x7FF] =	sst s4;
	s5 =	sadd.s32 $0x3E800, s1;
	s8 =	smul.u32 $0x278, s3  }
0x8: {  	s6 =	sadd.s32 $0xA000, s1;
	s7 =	sadd.s32 $0x16800, s1;
	s10 =	smul.u32 $0x4F000, s3  }
0x9: {  	_ =	strace $0x80000050;
	s12 =	ssub.s32 $0x2, s9;
	s9 =	smul.u32 $0xA0000, s9  }
0xa: {  	s31 =	sshll.u32 s3, $0x6;
	s13 =	sshrl.u32 s12, $0x1;
	s11 =	sadd.s32 s8, s19  }
0xb: {  	s8 =	smul.u32 $0x5000, s3;
	s15 =	ssub.s32 s12, s13;
	s10 =	sshrl.u32 s10, $0x2  }
0xc: {  	v0 =	vmov s19;
	s19 =	simm.s32 $0x8300;
	s11 =	sshll.u32 s11, $0x4;
	s16 =	sadd.s32 s10, s2  }
0xd: {  	s14 =	sadd.s32 s11, s1;
	s9 =	sadd.s32 s8, s9;
	s11 =	sor.u32 $0x1C02, s31  }
0xe: {  	s10 =	sadd.s32 $0x8D800, s14;
	s12 =	sadd.s32 $0x50000, s9;
	s13 =	sadd.s32 $0xDC800, s14  }
0xf: {  	s14 =	smax.u32 s15, $0x1;
	s15 =	sshrl.u32 s16, $0x3;
	s16 =	simm.s32 $0x2  }
.LBB2_1:
0x10: {  	[spmem:s15], [sflag:s11] =	dma.local [hbm:s10], $0x2780  }
0x11: {  	_ =	swait.ge [sflag:s16], $0x2780  }
0x12: {  	[sflag:s16] =	ssyncset.done $0x0  }
0x13: {  	[sflag:s16] =	ssyncadd.s32 $0xFFFFD880  }
0x14: {  	s22 =	simm.s32 $0x0;
	[bflag:$0x0] =	sbarrier.arrive $0xFFFF  }
.LBB2_2:
0x15: {  	s24 =	sshll.u32 s22, $0x8  }
0x16: {  	s23 =	sadd.s32 s8, s24  }
0x17: {  	s25 =	sshrl.u32 s23, $0x3  }
0x18: {  	s30 =	simm.s32 $0x0;
	s26 =	sadd.s32 s1, s25  }
0x19: {  	[tilespmem:s30], [sflag:$0x2] =	stream.linear.gather [hbm4b:s26+s30], $0x100, $0x38;
	[tilespmem:$0x1C000] =	vst v63  }
0x1a: {  	_ =	swait.ge [sflag:s16], $0x100  }
0x1b: {  	[sflag:s16] =	ssyncset.done $0x0  }
0x1c: {  	s25 =	sadd.s32 s6, s25;
	[sflag:s16] =	ssyncadd.s32 $0xFFFFFF00  }
0x1d: {  	[tilespmem:s17], [sflag:$0x2] =	stream.linear.gather [hbm4b:s25+s30], $0x100, $0x38;
	[tilespmem:$0x1C000] =	vst v63  }
0x1e: {  	s31 =	sadd.s32 s24, s9;
	_ =	swait.ge [sflag:s16], $0x100  }
0x1f: {  	s25 =	sshrl.u32 s31, $0x3;
	[sflag:s16] =	ssyncset.done $0x0  }
0x20: {  	s25 =	sadd.s32 s7, s25;
	[sflag:s16] =	ssyncadd.s32 $0xFFFFFF00  }
0x21: {  	[tilespmem:s18], [sflag:$0x2] =	stream.linear.gather [hbm4b:s25+s30], $0x100, $0x38;
	[tilespmem:$0x1C000] =	vst v63  }
0x22: {  	s24 =	sadd.s32 s24, s12;
	_ =	swait.ge [sflag:s16], $0x100  }
0x23: {  	s24 =	sshrl.u32 s24, $0x3;
	[sflag:s16] =	ssyncset.done $0x0  }
0x24: {  	s24 =	sadd.s32 s7, s24;
	[sflag:s16] =	ssyncadd.s32 $0xFFFFFF00  }
0x25: {  	[tilespmem:s19], [sflag:$0x2] =	stream.linear.gather [hbm4b:s24+s30], $0x100, $0x38;
	[tilespmem:$0x1C000] =	vst v63  }
0x26: {  	_ =	swait.ge [sflag:s16], $0x100  }
0x27: {  	[sflag:s16] =	ssyncset.done $0x0  }
0x28: {  	[sflag:s16] =	ssyncadd.s32 $0xFFFFFF00  }
0x29: {  	v1 =	vld [tilespmem:$0x0]  }
0x2a: {  	v2 =	vld [tilespmem:$0x10]  }
0x2b: {  	v3 =	vld [tilespmem:$0x20]  }
0x2c: {  	v4 =	vld [tilespmem:$0x30]  }
0x2d: {  	v5 =	vld [tilespmem:$0x40]  }
0x2e: {  	v6 =	vld [tilespmem:$0x50];
	v1 =	vadd.s32 v0, v1  }
0x2f: {  	[tilespmem:$0x0] =	vst v1;
	v1 =	vadd.s32 v0, v2;
	v2 =	vld [tilespmem:$0x60]  }
0x30: {  	[tilespmem:$0x10] =	vst v1;
	v1 =	vadd.s32 v0, v3;
	v3 =	vld [tilespmem:$0x70]  }
0x31: {  	[tilespmem:$0x20] =	vst v1;
	v1 =	vadd.s32 v0, v4;
	v4 =	vld [tilespmem:$0x80]  }
0x32: {  	[tilespmem:$0x30] =	vst v1;
	v1 =	vadd.s32 v0, v5;
	v5 =	vld [tilespmem:$0x90]  }
0x33: {  	[tilespmem:$0x40] =	vst v1;
	v1 =	vadd.s32 v0, v6;
	v6 =	vld [tilespmem:$0xA0]  }
0x34: {  	[tilespmem:$0x50] =	vst v1;
	v1 =	vadd.s32 v0, v2;
	v2 =	vld [tilespmem:$0xB0]  }
0x35: {  	[tilespmem:$0x60] =	vst v1;
	v1 =	vadd.s32 v0, v3;
	v3 =	vld [tilespmem:$0xC0]  }
0x36: {  	[tilespmem:$0x70] =	vst v1;
	v1 =	vadd.s32 v0, v4;
	v4 =	vld [tilespmem:$0xD0]  }
0x37: {  	[tilespmem:$0x80] =	vst v1;
	v1 =	vadd.s32 v0, v5;
	v5 =	vld [tilespmem:$0xE0]  }
0x38: {  	[tilespmem:$0x90] =	vst v1;
	v1 =	vadd.s32 v0, v6;
	v6 =	vld [tilespmem:$0xF0]  }
0x39: {  	[tilespmem:$0xA0] =	vst v1;
	v1 =	vadd.s32 v0, v2  }
0x3a: {  	[tilespmem:$0xB0] =	vst v1;
	v1 =	vadd.s32 v0, v3  }
0x3b: {  	[tilespmem:$0xC0] =	vst v1;
	v1 =	vadd.s32 v0, v4  }
0x3c: {  	[tilespmem:$0xD0] =	vst v1;
	v1 =	vadd.s32 v0, v5  }
0x3d: {  	[tilespmem:$0xE0] =	vst v1;
	v1 =	vadd.s32 v0, v6  }
0x3e: {  	[tilespmem:$0xF0] =	vst v1  }
0x3f: {  	[tilespmem:s20], [sflag:$0x1] =	stream.indirect.gather [hbm4b:s5+s17], $0x80, s30, s17, $0xb8;
	[tilespmem:$0x1C000] =	vst v63  }
0x40: {  	_ =	swait.ge [sflag:s21], $0x8000  }
0x41: {  	v1 =	vmov s30;
	[sflag:s21] =	ssyncset.done $0x0  }
0x42: {  	s23 =	simm.s32 $0x240;
	[sflag:s21] =	ssyncadd.s32 $0xFFFF8000  }
0x43: {  	v8 =	vld [tilespmem:s23+$0xFFFFFFF0]  }
0x44: {  	v6 =	vld [tilespmem:s23+$0xFFFFFFC0]  }
0x45: {  	v7 =	vld [tilespmem:s23+$0xFFFFFFD0]  }
0x46: {  	v4 =	vld.idx.msk [tilespmem:v1+s18+$0x0], $0xffff  }
0x47: {  	v2 =	vld.idx.msk [tilespmem:v1+s19+$0x0], $0xffff  }
0x48: {  	v11 =	vld [tilespmem:s23+$0x0]  }
0x49: {  	v3 =	vld [tilespmem:s23+$0xFFFFFFE0]  }
0x4a: {  	v1 =	vld [tilespmem:s23+$0x30]  }
0x4b: {  	v5 =	vld [tilespmem:s23+$0x20]  }
0x4c: {  	v10 =	vmul.f32 v6, v4;
	v6 =	vld [tilespmem:s23+$0x10]  }
0x4d: {  	v7 =	vmul.f32 v7, v4  }
0x4e: {  	s25 =	simm.s32 $0x240;
	s24 =	simm.s32 $0x1;
	v9 =	vmul.f32 v8, v4;
	v8 =	vmul.f32 v11, v2  }
.LBB2_3:
0x4f: {  	p0 =	sne.s32 s24, $0xFF  }
0x50: {  	[tilespmem:s23+$0xFFFFFFC0] =	vst v10;
	v3 =	vmul.f32 v3, v4;
	v4 =	vmul.f32 v5, v2;
	s25 =	sadd.s32 $0x80, s25;
	s26 =	smov.u32 s24;
	s24 =	sadd.s32 $0x1, s24  }
0x51: {  	v1 =	vmul.f32 v1, v2;
	[tilespmem:s23+$0xFFFFFFF0] =	vst v9;
	v5 =	vmul.f32 v6, v2  }
0x52: {  	[tilespmem:s23+$0xFFFFFFD0] =	vst v7  }
0x53: {  	v2 =	vmov s26;
	v9 =	vld [tilespmem:s25+$0xFFFFFFF0];
	[tilespmem:s23+$0x0] =	vst v8  }
0x54: {  	v7 =	vld [tilespmem:s25+$0xFFFFFFC0];
	[tilespmem:s23+$0xFFFFFFE0] =	vst v3  }
0x55: {  	v3 =	vld [tilespmem:s25+$0xFFFFFFE0];
	[tilespmem:s23+$0x30] =	vst v1  }
0x56: {  	v1 =	vld [tilespmem:s25+$0x30];
	[tilespmem:s23+$0x10] =	vst v5  }
0x57: {  	v8 =	vld [tilespmem:s25+$0xFFFFFFD0];
	[tilespmem:s23+$0x20] =	vst v4;
	s23 =	smov.u32 s25  }
0x58: {  	v4 =	vld.idx.msk [tilespmem:v2+s18+$0x0], $0xffff  }
0x59: {  	v2 =	vld.idx.msk [tilespmem:v2+s19+$0x0], $0xffff  }
0x5a: {  	v11 =	vld [tilespmem:s25+$0x0]  }
.Ltmp0:
0x5b: {  	v5 =	vld [tilespmem:s25+$0x20];
	(pc) =	sbr.rel @p0 .LBB2_3-.Ltmp0, $3  }
0x5c: {  	v6 =	vld [tilespmem:s25+$0x10];
	_ =	sdelay $0x1  }
0x5d: {  	v10 =	vmul.f32 v7, v4;
	v7 =	vmul.f32 v8, v4  }
0x5e: {  	v9 =	vmul.f32 v9, v4;
	v8 =	vmul.f32 v11, v2  }
0x5f: {  	[tilespmem:s23+$0xFFFFFFC0] =	vst v10  }
0x60: {  	[tilespmem:s23+$0xFFFFFFD0] =	vst v7  }
0x61: {  	v3 =	vmul.f32 v3, v4;
	[tilespmem:s23+$0xFFFFFFF0] =	vst v9  }
0x62: {  	v1 =	vmul.f32 v1, v2;
	[tilespmem:s23+$0x0] =	vst v8  }
0x63: {  	v63 =	vmul.f32 v6, v2;
	[tilespmem:s23+$0xFFFFFFE0] =	vst v3  }
0x64: {  	s22 =	sadd.s32 $0x1, s22;
	v2 =	vmul.f32 v5, v2;
	[tilespmem:s23+$0x30] =	vst v1  }
0x65: {  	p0 =	sne.s32 s22, $0x50;
	[tilespmem:s23+$0x10] =	vst v63  }
.Ltmp1:
0x66: {  	[tilespmem:s23+$0x20] =	vst v2;
	(pc) =	sbr.rel @p0 .LBB2_2-.Ltmp1, $4  }
0x67: {  	[spmem:s2] =	stream.indirect.scatter.add.f32 [tilespmem:s20], [sflag:$0x2], $0x80, s17, s17, $0xb8;
	[tilespmem:$0x1C000] =	vst v63  }
0x68: {  	_ =	swait.ge [sflag:s16], $0x8000  }
0x69: {  	[sflag:s16] =	ssyncset.done $0x0  }
0x6a: {  	[sflag:s16] =	ssyncadd.s32 $0xFFFF8000  }
0x6b: {  	s4 =	sadd.s32 $0x1, s4  }
0x6c: {  	p0 =	sne.s32 s4, s14  }
.Ltmp2:
0x6d: {  	[bflag:$0x0] =	sbarrier.arrive $0xFFFF;
	(pc) =	sbr.rel @p0 .LBB2_1-.Ltmp2, $4  }
0x6e: {  	[hbm:s13], [sflag:s11] =	dma.local [spmem:s15], $0x2780  }
0x6f: {  	_ =	swait.ge [sflag:s16], $0x2780  }
0x70: {  	[sflag:s16] =	ssyncset.done $0x0  }
0x71: {  	[sflag:s16] =	ssyncadd.s32 $0xFFFFD880  }
0x72: {  	_ =	sfence.sel $0x180000  }
0x73: {  	[bflag:$0x0] =	sbarrier.arrive $0xFFFF  }
0x74: {  	p0 =	sne.s32 s3, $0x0;
	_ =	strace $0x90000050  }
0x75: {  	s0 =	sadd.s32 @!p0 $0x100000, s0;
	[bflag:$0x2] =	sbarrier.arrive $0xFFFF  }
0x76: {  	[sflag:s0] =	ssyncadd.tile.s32 @!p0 $0x1;
	_ =	shalt  }
.Lfunc_end2:
_tile_overlayer_lowered:
.L_overlay_start_2:
0x77: {  	(tag) =	ssettag $0x2  }
0x78: {  	s0 =	rddreg [dreg:$0x0];
	s2 =	stileid.u32  }
0x79: {  	s1 =	rddreg [dreg:$0x1];
	p0 =	sne.s32 s2, $0x0  }
0x7a: {  	s3 =	rddreg [dreg:$0x2];
	[bflag:$0x3] =	sbarrier.arrive $0xFFFF;
	s2 =	simm.s32 @!p0 $0x1C02  }
0x7b: {  	[timem:s3], [sflag:s2] =	dma.local @!p0 [hbm:s0], s1  }
0x7c: {  	s0 =	simm.s32 @!p0 $0x2  }
0x7d: {  	_ =	swait.ge @!p0 [sflag:s0], s1  }
0x7e: {  	s1 =	ssub.s32 @!p0 $0x0, s1;
	[sflag:s0] =	ssyncset.done @!p0 $0x0  }
0x7f: {  	[sflag:s0] =	ssyncadd.s32 @!p0 s1  }
0x80: {  	[bflag:$0x3] =	sbarrier.arrive $0xFFFF  }
0x81: {  	_ =	shalt  }

// kernel: kernel.23.cloned.1.call-start
scs
__scs_entry_jumppad:
0x0: {  	(pc) =	sbr.rel $0x88, $3  }
0x1: {  	(tag) =	ssettag $0x0;
	lr =	simm.s32 $0x1  }
0x2: {  	[smem:$0x3F93] =	sst lr;
	_ =	strace $0xD0000000  }
0x3: {  	_ = 	snop  }
0x4: {  	_ = 	snop  }
0x5: {  	_ = 	snop  }
0x6: {  	_ = 	snop  }
0x7: {  	_ = 	snop  }
__scs_overlays_trampoline_lowered:
0x8: {  	[smem:$0x3FA2] =	sst s0  }
0x9: {  	[smem:$0x3FA3] =	sst s1  }
0xa: {  	[smem:$0x3FA4] =	sst s2  }
0xb: {  	[smem:$0x3FA5] =	sst s3  }
0xc: {  	[smem:$0x3FA6] =	sst s4  }
0xd: {  	[smem:$0x3FA7] =	sst s5  }
0xe: {  	[smem:$0x3FA8] =	sst s6  }
0xf: {  	[smem:$0x3FA9] =	sst s7  }
0x10: {  	[smem:$0x3FAA] =	sst s8  }
0x11: {  	[smem:$0x3FAB] =	sst s9;
	s0 =	simm.s32 @!p0 $0x0  }
0x12: {  	s1 =	sld [smem:$0x3F91];
	s0 =	simm.s32 @p0 $0x1  }
0x13: {  	[smem:$0x3FAC] =	sst s0;
	s0 =	simm.s32 @!p1 $0x0  }
0x14: {  	s2 =	sld [smem:$0x3F90];
	s0 =	simm.s32 @p1 $0x1  }
0x15: {  	[smem:$0x3FAD] =	sst s0;
	s0 =	simm.s32 @!p2 $0x0  }
0x16: {  	s3 =	sld [smem:$0x3FDB];
	s0 =	simm.s32 @p2 $0x1  }
0x17: {  	s4 =	simm.s32 $0x1BF5;
	[smem:$0x3FAF] =	sst s0  }
0x18: {  	s0 =	sld [smem:$0x3F92];
	_ =	swait.ge [sflag:s4], $0x0  }
0x19: {  	s7 =	sld [smem:$0x3F93]  }
0x1a: {  	s8 =	sadd.s32 $0xFFFFE003, lr  }
0x1b: {  	s9 =	sadd.s32 $0xFFFFFEF7, lr;
	s5 =	simm.s32 $0xFFFFFFFF;
	p2 =	slt.u32 s8, $0xFFFFF086  }
0x1c: {  	p1 =	slt.u32 s9, $0xF7A;
	s5 =	simm.s32 @!p2 $0x0  }
0x1d: {  	s5 =	simm.s32 @p1 $0x1;
	p0 =	seq.s32 s7, s2  }
0x1e: {  	s7 =	smul.u32 @!p0 $0xF7A, s2;
	p2 =	seq.s32 @!p0 s5, $0x0  }
0x1f: {  	s9 =	smul.u32 $0xF7A, s1;
	s8 =	simm.s32 @!p0 $0x1BF5;
	p2 =	por !p2, p0  }
0x20: {  	[sflag:s8] =	ssyncset.s32 @!p0 $0xFFFFF086;
	s6 =	sadd.s32 @!p0 s3, s7;
	s7 =	simm.s32 @!p0 $0x108  }
0x21: {  	s3 =	sadd.s32 s3, s9;
	s6 =	sadd.s32 @!p0 $0x88, s6;
	s7 =	simm.s32 @p2 $0x1082  }
0x22: {  	[simem:s7], [sflag:s8] =	dma.local @!p0 [hbm:s6], $0xF7A  }
0x23: {  	s9 =	sor.u32 $0xD0000000, s2;
	s6 =	simm.s32 $0x108;
	_ =	swait.ge @!p0 [sflag:s8], $0x0  }
0x24: {  	s3 =	sadd.s32 $0x88, s3;
	s6 =	simm.s32 @!p1 $0x1082;
	[sflag:s4] =	ssyncset.s32 $0xFFFFF086  }
0x25: {  	[simem:s6], [sflag:s4] =	dma.local [hbm:s3], $0xF7A  }
0x26: {  	[smem:$0x3F93] =	sst s1;
	(tag) =	ssettag s2;
	_ =	strace s9  }
0x27: {  	s1 =	sld [smem:$0x3FA3]  }
0x28: {  	s2 =	sld [smem:$0x3FA4]  }
0x29: {  	s4 =	sld [smem:$0x3FA6]  }
0x2a: {  	p0 =	seq.s32 s5, $0x0;
	s5 =	sld [smem:$0x3FA7]  }
0x2b: {  	s6 =	sld [smem:$0x3FA8]  }
0x2c: {  	s7 =	sld [smem:$0x3FA9]  }
0x2d: {  	s3 =	simm.s32 $0x108;
	s8 =	sld [smem:$0x3FAA]  }
0x2e: {  	s3 =	simm.s32 @!p0 $0x1082;
	s9 =	sld [smem:$0x3FAB]  }
0x2f: {  	lr =	sadd.s32 s0, s3;
	s0 =	sld [smem:$0x3FA2]  }
0x30: {  	s3 =	sld [smem:$0x3FA5]  }
0x31: {  	[smem:$0x3FAE] =	sst s10  }
0x32: {  	s10 =	sld [smem:$0x3FAC];
	_ =	sdelay $0x3  }
0x33: {  	p0 =	seq.s32 s10, $0x1;
	s10 =	sld [smem:$0x3FAE];
	_ =	sdelay $0x3  }
0x34: {  	[smem:$0x3FAE] =	sst s10  }
0x35: {  	s10 =	sld [smem:$0x3FAD];
	_ =	sdelay $0x3  }
0x36: {  	p1 =	seq.s32 s10, $0x1;
	s10 =	sld [smem:$0x3FAE];
	_ =	sdelay $0x3  }
0x37: {  	[smem:$0x3FAE] =	sst s10  }
0x38: {  	s10 =	sld [smem:$0x3FAF]  }
0x39: {  	_ = 	snop;
	(pc) =	sbr.ind lr, $3  }
0x3a: {  	_ = 	snop  }
0x3b: {  	_ = 	snop  }
0x3c: {  	p2 =	seq.s32 s10, $0x1;
	s10 =	sld [smem:$0x3FAE]  }
0x3d: {  	_ =	shalt  }
0x3e: {  	_ =	shalt  }
0x3f: {  	_ =	shalt  }
0x40: {  	_ =	shalt  }
0x41: {  	_ =	shalt  }
0x42: {  	_ =	shalt  }
0x43: {  	_ =	shalt  }
0x44: {  	_ =	shalt  }
0x45: {  	_ =	shalt  }
0x46: {  	_ =	shalt  }
0x47: {  	_ =	shalt  }
0x48: {  	_ =	shalt  }
0x49: {  	_ =	shalt  }
0x4a: {  	_ =	shalt  }
0x4b: {  	_ =	shalt  }
0x4c: {  	_ =	shalt  }
0x4d: {  	_ =	shalt  }
0x4e: {  	_ =	shalt  }
0x4f: {  	_ =	shalt  }
0x50: {  	_ =	shalt  }
0x51: {  	_ =	shalt  }
0x52: {  	_ =	shalt  }
0x53: {  	_ =	shalt  }
0x54: {  	_ =	shalt  }
0x55: {  	_ =	shalt  }
0x56: {  	_ =	shalt  }
0x57: {  	_ =	shalt  }
0x58: {  	_ =	shalt  }
0x59: {  	_ =	shalt  }
0x5a: {  	_ =	shalt  }
0x5b: {  	_ =	shalt  }
0x5c: {  	_ =	shalt  }
0x5d: {  	_ =	shalt  }
0x5e: {  	_ =	shalt  }
0x5f: {  	_ =	shalt  }
0x60: {  	_ =	shalt  }
0x61: {  	_ =	shalt  }
0x62: {  	_ =	shalt  }
0x63: {  	_ =	shalt  }
0x64: {  	_ =	shalt  }
0x65: {  	_ =	shalt  }
0x66: {  	_ =	shalt  }
0x67: {  	_ =	shalt  }
0x68: {  	_ =	shalt  }
0x69: {  	_ =	shalt  }
0x6a: {  	_ =	shalt  }
0x6b: {  	_ =	shalt  }
0x6c: {  	_ =	shalt  }
0x6d: {  	_ =	shalt  }
0x6e: {  	_ =	shalt  }
0x6f: {  	_ =	shalt  }
0x70: {  	_ =	shalt  }
0x71: {  	_ =	shalt  }
0x72: {  	_ =	shalt  }
0x73: {  	_ =	shalt  }
0x74: {  	_ =	shalt  }
0x75: {  	_ =	shalt  }
0x76: {  	_ =	shalt  }
0x77: {  	_ =	shalt  }
0x78: {  	_ =	shalt  }
0x79: {  	_ =	shalt  }
0x7a: {  	_ =	shalt  }
0x7b: {  	_ =	shalt  }
0x7c: {  	_ =	shalt  }
0x7d: {  	_ =	shalt  }
0x7e: {  	_ =	shalt  }
0x7f: {  	_ =	shalt  }
0x80: {  	_ =	shalt  }
0x81: {  	_ =	shalt  }
0x82: {  	_ =	shalt  }
0x83: {  	_ =	shalt  }
0x84: {  	_ =	shalt  }
0x85: {  	_ =	shalt  }
0x86: {  	_ =	shalt  }
0x87: {  	_ =	shalt  }
.Lfunc_end0:
.L_simem_size_0:
called_computation.4_lowered:
.L_overlay_start_0:
0x88: {  	s2 =	sld [smem:$0x3FD9]  }
0x89: {  	s3 =	sld [smem:$0x3FFE];
	_ =	sdelay $0x1  }
0x8a: {  	s1 =	srdreg.scid  }
0x8b: {  	s0 =	sand.u32 $0x1, s1  }
0x8c: {  	s17 =	sshll.u32 s0, $0xA;
	s2 =	sadd.s32 s3, s2  }
0x8d: {  	s2 =	sadd.s32 s2, s17  }
0x8e: {  	[smem:$0x3FBA] =	sst s2  }
0x8f: {  	_ = 	snop  }
0x90: {  	s2 =	sld [smem:$0x3FD0];
	(tm) =	ssettm $0x1  }
0x91: {  	s18 =	sld [smem:$0x3FFB];
	_ =	sdelay $0x3  }
0x92: {  	_ =	strace s18  }
0x93: {  	s3 =	sld [smem:$0x3FFC];
	_ =	sdelay $0x3  }
0x94: {  	_ =	strace s3  }
0x95: {  	s3 =	sld [smem:$0x3FFD];
	_ =	sdelay $0x3  }
0x96: {  	_ =	strace s3  }
0x97: {  	_ =	strace $0x8FFFFFFF  }
0x98: {  	s19 =	sld [smem:$0x3FDB];
	_ =	sdelay $0x1  }
0x99: {  	s4 =	simm.s32 $_scs_section_size  }
0x9a: {  	s5 =	simm.s32 $_size__tile_overlayer_lowered;
	s6 =	simm.s32 $_tile_overlayer_lowered  }
0x9b: {  	s22 =	simm.s32 $0x1BFF;
	s21 =	sshll.u32 s6, $0x1;
	s3 =	sadd.s32 s4, s19  }
0x9c: {  	s7 =	simm.s32 $0x0;
	s20 =	sshll.u32 s5, $0x1;
	s5 =	sadd.s32 s21, s3  }
0x9d: {  	[timem:s7], [sflag:s22] =	dma.local [hbm:s5], s20  }
0x9e: {  	_ =	swait.ge [sflag:s22], s20  }
0x9f: {  	s4 =	ssub.s32 $0x0, s20;
	[sflag:s22] =	ssyncset.done $0x0  }
0xa0: {  	[sflag:s22] =	ssyncadd.s32 s4;
	_ =	sdelay $0x1  }
0xa1: {  	s23 =	simm.s32 $0x1B8B  }
0xa2: {  	_ =	swait.ge [sflag:s23], $0x1  }
0xa3: {  	[sflag:s23] =	ssyncset.done $0x0  }
0xa4: {  	s25 =	simm.s32 $0x1B8E;
	s24 =	sld [smem:$0x3FFE];
	[sflag:s23] =	ssyncadd.s32 $0xFFFFFFFF  }
0xa5: {  	s26 =	simm.s32 $execute0_lowered;
	[smem:$0x3FD2] =	sst s25  }
0xa6: {  	s5 =	sshll.u32 s26, $0x1;
	_ =	strace $0x80000052;
	[dreg:$0x1] =	wrdreg $0xFFFFFFFF  }
0xa7: {  	s28 =	simm.s32 $_size_execute0_lowered;
	s3 =	sadd.s32 s3, s5;
	[dreg:$0x0] =	wrdreg $0x0  }
0xa8: {  	s5 =	sshll.u32 s28, $0x1;
	[dreg:$0x2] =	wrdreg s3  }
0xa9: {  	[dreg:$0x3] =	wrdreg s5  }
0xaa: {  	[dreg:$0x4] =	wrdreg $0xC0  }
0xab: {  	_ =	task [dreg:s7], $0x5FFFF  }
0xac: {  	[dreg:$0x1] =	wrdreg $0xFFFFFFFF  }
0xad: {  	[dreg:$0x0] =	wrdreg $0x60  }
0xae: {  	[dreg:$0x2] =	wrdreg s24  }
0xaf: {  	[dreg:$0x3] =	wrdreg s2  }
0xb0: {  	[dreg:$0x4] =	wrdreg $0x9  }
0xb1: {  	_ =	task.clear_ibuf [dreg:s7], $0x5FFFF;
	_ =	strace $0x90000052  }
0xb2: {  	s29 =	simm.s32 $0x9;
	_ =	strace $0x80000054  }
0xb3: {  	_ =	swait.ge [sflag:s29], $0x1  }
0xb4: {  	[sflag:s29] =	ssyncadd.s32 $0xFFFFFFFF  }
0xb5: {  	_ =	strace $0x90000054  }
0xb6: {  	_ =	sfence  }
0xb7: {  	s30 =	sld [smem:$0x0];
	_ =	sdelay $0x2  }
0xb8: {  	s31 =	sshll.u32 s1, $0xD;
	s1 =	sshrl.u32 s1, $0x2  }
0xb9: {  	s3 =	sand.u32 $0x4000, s31;
	s1 =	sadd.s32 s1, s30  }
0xba: {  	s0 =	sor.u32 s3, s0;
	s1 =	sshll.u32 s1, $0x11  }
0xbb: {  	s0 =	sor.u32 s1, s0  }
0xbc: {  	s0 =	sadd.s32 $0x8F2B, s0  }
0xbd: {  	[sflag:s0] =	ssyncadd.remote.s32 $0x1  }
0xbe: {  	_ =	sfence.sel $0xFFFF  }
0xbf: {  	[dreg:$0x0] =	wrdreg $0xFFFFFFFF;
	(pc) =	sbr.abs _section_cstart, $3  }
0xc0: {  	[dreg:$0x1] =	wrdreg $0xFFFFFFFF  }
0xc1: {  	_ =	task.clear_ibuf [dreg:s7], $0x2FFFF;
	_ =	strace $0x9FFFFFFF  }
0xc2: {  	(tm) =	ssettm $0x7FFFFFFF  }
0xc3: {  	_ =	shalt  }
tec
execute0_lowered:
.L_overlay_start_1:
0x0: {  	(tag) =	ssettag $0x1  }
0x1: {  	v0 =	vimm.s32 $0xEDCBA987;
	v1 =	vimm.s32 $0x65432100  }
0x2: {  	v2 =	vimm.s32 $0xDCBA9876;
	v3 =	vimm.s32 $0x54321000;
	v4 =	vimm.s32 $0xBA987654  }
0x3: {  	s0 =	rddreg [dreg:$0x0];
	v5 =	vimm.s32 $0xE40000;
	v6 =	vimm.s32 $0xFFEDCBA9;
	v0 =	vunpack.c.l.s4.s8 v0  }
0x4: {  	s1 =	rddreg [dreg:$0x1];
	s2 =	simm.s32 $0x0;
	s3 =	srdreg.scid;
	v7 =	vimm.s32 $0x87654321;
	vm2 =	vcmask $0x3F30;
	v1 =	vunpack.c.l.s4.s8 v1  }
0x5: {  	s4 =	stileid.u32;
	s15 =	simm.s32 $0x1;
	s16 =	simm.s32 $0x2780;
	vm0 =	vmmov $0x3;
	v2 =	vunpack.c.l.s4.s8 v2;
	v0 =	vunpack.c.0.s8.s32 v0  }
0x6: {  	s17 =	simm.s32 $0x4F00;
	s18 =	simm.s32 $0x7680;
	s19 =	simm.s32 $0xED00;
	vm1 =	vmmov $0xf;
	v3 =	vunpack.c.l.s4.s8 v3;
	v1 =	vunpack.c.0.s8.s32 v1  }
0x7: {  	s20 =	simm.s32 $0xEE00;
	s21 =	simm.s32 $0xF100;
	s22 =	simm.s32 $0xF180;
	v4 =	vunpack.c.l.s4.s8 v4;
	v2 =	vunpack.c.0.s8.s32 v2;
	v0 =	vand.u32 $0xF, v0  }
0x8: {  	s23 =	simm.s32 $0x9E00;
	s24 =	simm.s32 $0xC580;
	s25 =	simm.s32 $0xEF00;
	v0 =	vcombine.low v1, v0;
	v1 =	vunpack.c.0.s8.s32 v3;
	v3 =	vimm.s32 $0x32100000  }
0x9: {  	s26 =	simm.s32 $0xF000;
	s28 =	simm.s32 $0x0;
	s3 =	sand.u32 $0x1, s3;
	v5 =	vunpack.c.l.s2.s4 v5;
	v6 =	vunpack.c.l.s4.s8 v6;
	v3 =	vunpack.c.l.s4.s8 v3  }
0xa: {  	[smem:$0x7FF] =	sst s2;
	s6 =	sadd.s32 $0x14000, s0;
	v7 =	vunpack.c.l.s4.s8 v7;
	s5 =	sshll.u32 s3, $0x4;
	v4 =	vunpack.c.0.s8.s32 v4;
	v2 =	vand.u32 $0xF, v2  }
0xb: {  	s9 =	sadd.s32 $0x149E0, s0;
	_ =	strace $0x80000053;
	s7 =	sor.u32 s4, s5;
	v1 =	vcombine.low v1, v2;
	v2 =	vunpack.c.0.s8.s32 v3;
	v3 =	vunpack.c.l.s4.s8 v5  }
0xc: {  	[dreg:$0x3] =	wrdreg s6;
	s3 =	ssub.s32 $0x2, s3;
	s10 =	smul.u32 $0x4F00, s7;
	v4 =	vand.u32 $0xF, v4;
	v5 =	vunpack.c.0.s8.s32 v6;
	v6 =	vunpack.c.0.s8.s32 v7  }
0xd: {  	s6 =	sadd.s32 $0x15400, s0;
	s5 =	sadd.s32 $0xA000, s0;
	s8 =	sshrl.u32 s3, $0x1;
	v2 =	vcombine.low v2, v4;
	v4 =	vimm.s32 $0x7060504;
	v7 =	vunpack.c.0.s8.s32 v3  }
0xe: {  	vm3 =	vcmask $0x3F3C;
	s3 =	ssub.s32 s3, s8;
	s7 =	smul.u32 $0x2800, s7;
	s12 =	sshrl.u32 s10, $0x3;
	v6 =	vcombine.low v6, v5;
	v8 =	vunpack.c.0.s8.s32 v4  }
0xf: {  	s8 =	sadd.s32 $0x144F0, s0;
	s14 =	smax.u32 s3, $0x1;
	s12 =	sadd.s32 s1, s12;
	v3 =	vimm.f32 $0.0e+00;
	v4 =	vlaneseq.u32;
	v5 =	vand.u32 $0x3, v7  }
0x10: {  	s10 =	sadd.s32 $0x14ED0, s0;
	s11 =	sadd.s32 $0x50000, s7;
	s13 =	sadd.s32 $0x4F0, s12;
	v6 =	vand.u32 $0xF, v6;
	v5 =	vsel vm2, v8, v5;
	vm2 =	vmmov $0xff  }
.LBB2_1:
0x11: {  	s1 =	rddreg [dreg:$0x3]  }
0x12: {  	[tilespmem:s2], [sflag:$0x1] =	stream.linear.gather [hbm4b:s1+s2], $0x2780, $0x38;
	[tilespmem:$0xF200] =	vst v63  }
0x13: {  	_ =	swait.ge [sflag:s15], $0x2780  }
0x14: {  	[sflag:s15] =	ssyncset.done $0x0  }
0x15: {  	[sflag:s15] =	ssyncadd.s32 $0xFFFFD880  }
0x16: {  	[tilespmem:s16], [sflag:$0x1] =	stream.linear.gather [hbm4b:s8+s2], $0x2780, $0x38;
	[tilespmem:$0xF200] =	vst v63  }
0x17: {  	_ =	swait.ge [sflag:s15], $0x2780  }
0x18: {  	[sflag:s15] =	ssyncset.done $0x0  }
0x19: {  	[sflag:s15] =	ssyncadd.s32 $0xFFFFD880  }
0x1a: {  	[tilespmem:s17], [sflag:$0x1] =	stream.linear.gather [hbm4b:s9+s2], $0x2780, $0x38;
	[tilespmem:$0xF200] =	vst v63  }
0x1b: {  	_ =	swait.ge [sflag:s15], $0x2780  }
0x1c: {  	[sflag:s15] =	ssyncset.done $0x0  }
0x1d: {  	[sflag:s15] =	ssyncadd.s32 $0xFFFFD880  }
0x1e: {  	[tilespmem:s18], [sflag:$0x1] =	stream.linear.gather [hbm4b:s10+s2], $0x2780, $0x38;
	[tilespmem:$0xF200] =	vst v63  }
0x1f: {  	_ =	swait.ge [sflag:s15], $0x2780  }
0x20: {  	[sflag:s15] =	ssyncset.done $0x0  }
0x21: {  	s3 =	simm.s32 $0x0;
	s1 =	simm.s32 $0x40;
	[sflag:s15] =	ssyncadd.s32 $0xFFFFD880  }
.LBB2_2:
0x22: {  	p0 =	sne.s32 s1, $0x9DC0;
	[tilespmem:s3+$0x9E00] =	vst v3;
	s29 =	smov.u32 s1;
	s1 =	sadd.s32 $0x40, s1  }
.Ltmp0:
0x23: {  	[tilespmem:s3+$0xC580] =	vst v3;
	(pc) =	sbr.rel @p0 .LBB2_2-.Ltmp0, $2  }
0x24: {  	_ =	sdelay $0x2  }
0x25: {  	s3 =	sshra.s32 s29, $0x2  }
0x26: {  	[tilespmem:s3+$0x9E00] =	vst v3  }
0x27: {  	s29 =	simm.s32 $0x0;
	[tilespmem:s3+$0xC580] =	vst v3;
	s30 =	simm.s32 $0x0  }
.LBB2_4:
0x28: {  	s31 =	sshll.u32 s30, $0x8  }
0x29: {  	s1 =	sadd.s32 s7, s31  }
0x2a: {  	s1 =	sshrl.u32 s1, $0x3  }
0x2b: {  	s3 =	sadd.s32 s0, s1  }
0x2c: {  	[tilespmem:s19], [sflag:$0x1] =	stream.linear.gather [hbm4b:s3+s29], $0x100, $0x38;
	[tilespmem:$0xF200] =	vst v63  }
0x2d: {  	_ =	swait.ge [sflag:s15], $0x100  }
0x2e: {  	[sflag:s15] =	ssyncset.done $0x0  }
0x2f: {  	s4 =	sadd.s32 s5, s1;
	[sflag:s15] =	ssyncadd.s32 $0xFFFFFF00  }
0x30: {  	[tilespmem:s20], [sflag:$0x1] =	stream.linear.gather [hbm4b:s4+s29], $0x100, $0x38;
	[tilespmem:$0xF200] =	vst v63  }
0x31: {  	_ =	swait.ge [sflag:s15], $0x100  }
0x32: {  	[sflag:s15] =	ssyncset.done $0x0  }
0x33: {  	s3 =	simm.s32 $0x0;
	[sflag:s15] =	ssyncadd.s32 $0xFFFFFF00  }
.LBB2_5:
0x34: {  	s4 =	sshra.s32 s3, $0x2  }
0x35: {  	v7 =	vld [tilespmem:s4+$0xED00]  }
0x36: {  	v8 =	vld [tilespmem:s4+$0xEE00];
	_ =	sdelay $0x6  }
0x37: {  	v9 =	vld.idx.msk [tilespmem:v7+s2+$0x0], $0xffff  }
0x38: {  	v10 =	vld.idx.msk [tilespmem:v8+s17+$0x0], $0xffff;
	_ =	sdelay $0x4  }
0x39: {  	v9 =	vadd.f32 v10, v9;
	_ =	sdelay $0x1  }
0x3a: {  	v10 =	vmul.f32 $2.000000030e-01, v9  }
0x3b: {  	vm4 =	vgt.f32 v9, $0.0e+00  }
0x3c: {  	v9 =	vsel vm4, v9, v10  }
0x3d: {  	v9 =	vmul.f32 $1.442695020e+00, v9;
	_ =	sdelay $0x1  }
0x3e: {  	(erf) = vpow2.f32 v9  }
0x3f: {  	v7 =	vld.idx.msk [tilespmem:v7+s16+$0x0], $0xffff  }
0x40: {  	v47 =	vld.idx.msk [tilespmem:v8+s18+$0x0], $0xffff;
	_ =	sdelay $0x4  }
0x41: {  	v7 =	vadd.f32 v47, v7;
	_ =	sdelay $0x1  }
0x42: {  	v8 =	vxor.u32 $0x80000000, v8;
	v9 =	vmul.f32 $2.000000030e-01, v7;
	v48 =	vpop (erf)  }
0x43: {  	vm4 =	vgt.f32 v7, $0.0e+00;
	(xrf1) =	vsort.ascd.msk.u32 $0xffff, v8, v48  }
0x44: {  	v7 =	vsel vm4, v7, v9  }
0x45: {  	v7 =	vmul.f32 $1.442695020e+00, v7;
	_ =	sdelay $0x1  }
0x46: {  	(erf) = vpow2.f32 v7;
	_ =	sdelay $0x8  }
0x47: {  	[tilespmem:s4+$0xEF00] =	vst v48;
	v7 =	vpop (erf)  }
0x48: {  	[tilespmem:s4+$0xF000] =	vst v7;
	v49, v50, _ =	vpop (xrf1)  }
0x49: {  	v9 =	vxor.u32 $0x80000000, v49;
	[tilespmem:$0xF180] =	vst v50  }
0x4a: {  	[tilespmem:$0xF100] =	vst v9  }
0x4b: {  	v11 =	vld.idx.msk [tilespmem:v0+s21+$0x0], $0xffff  }
0x4c: {  	v12 =	vld.idx.msk [tilespmem:v0+s22+$0x0], $0xffff;
	_ =	sdelay $0x2  }
0x4d: {  	vm4 =	veq.s32 v4, $0x0  }
0x4e: {  	v11 =	vsel vm4, $0xFFFFFFFF, v11  }
0x4f: {  	v12 =	vsel vm4, $0x0, v12;
	vm5 =	veq.s32 v9, v11  }
0x50: {  	v11 =	vnsel vm5, $0x0, v12  }
0x51: {  	v10 =	vadd.f32 v11, v50;
	_ =	sdelay $0x1  }
0x52: {  	[tilespmem:$0xF180] =	vst v10  }
0x53: {  	v51 =	vld.idx.msk [tilespmem:v1+s21+$0x0], $0xffff  }
0x54: {  	v52 =	vld.idx.msk [tilespmem:v1+s22+$0x0], $0xffff;
	_ =	sdelay $0x3  }
0x55: {  	v11 =	vsel vm0, $0xFFFFFFFF, v51  }
0x56: {  	v12 =	vsel vm0, $0x0, v52;
	vm5 =	veq.s32 v9, v11  }
0x57: {  	v11 =	vnsel vm5, $0x0, v12  }
0x58: {  	v10 =	vadd.f32 v11, v10;
	_ =	sdelay $0x1  }
0x59: {  	[tilespmem:$0xF180] =	vst v10  }
0x5a: {  	v53 =	vld.idx.msk [tilespmem:v2+s21+$0x0], $0xffff  }
0x5b: {  	v54 =	vld.idx.msk [tilespmem:v2+s22+$0x0], $0xffff;
	_ =	sdelay $0x3  }
0x5c: {  	v11 =	vsel vm1, $0xFFFFFFFF, v53  }
0x5d: {  	v12 =	vsel vm1, $0x0, v54;
	vm5 =	veq.s32 v9, v11  }
0x5e: {  	v11 =	vnsel vm5, $0x0, v12  }
0x5f: {  	v10 =	vadd.f32 v11, v10;
	_ =	sdelay $0x1  }
0x60: {  	[tilespmem:$0xF180] =	vst v10  }
0x61: {  	v55 =	vld.idx.msk [tilespmem:v5+s21+$0x0], $0xffff  }
0x62: {  	v56 =	vld.idx.msk [tilespmem:v5+s22+$0x0], $0xffff;
	_ =	sdelay $0x3  }
0x63: {  	v11 =	vsel vm2, $0xFFFFFFFF, v55  }
0x64: {  	v12 =	vsel vm2, $0x0, v56;
	vm5 =	veq.s32 v9, v11  }
0x65: {  	v11 =	vnsel vm5, $0x0, v12  }
0x66: {  	(xrf1) =	vsort.ascd.msk.u32 $0xffff, v8, v7;
	v10 =	vadd.f32 v11, v10;
	_ =	sdelay $0x1  }
0x67: {  	[tilespmem:$0xF180] =	vst v10  }
0x68: {  	v7 =	vld.idx.msk [tilespmem:v6+s21+$0x0], $0xffff;
	_ =	sdelay $0x4  }
0x69: {  	vm5 =	vne.s32 v9, v7  }
0x6a: {  	vm5 =	vmor vm5, vm3;
	_ =	sdelay $0x4  }
0x6b: {  	v7, v8, _ =	vpop (xrf1)  }
0x6c: {  	v7 =	vxor.u32 $0x80000000, v7;
	[tilespmem:v9+s23+$0x0] =	vst.idx.add.f32.msk vm5, v10  }
0x6d: {  	[tilespmem:$0xF100] =	vst v7  }
0x6e: {  	[tilespmem:$0xF180] =	vst v8  }
0x6f: {  	v9 =	vld.idx.msk [tilespmem:v0+s21+$0x0], $0xffff  }
0x70: {  	v10 =	vld.idx.msk [tilespmem:v0+s22+$0x0], $0xffff;
	_ =	sdelay $0x3  }
0x71: {  	v9 =	vsel vm4, $0xFFFFFFFF, v9  }
0x72: {  	v10 =	vsel vm4, $0x0, v10;
	vm4 =	veq.s32 v7, v9  }
0x73: {  	v9 =	vnsel vm4, $0x0, v10  }
0x74: {  	v8 =	vadd.f32 v9, v8;
	_ =	sdelay $0x1  }
0x75: {  	[tilespmem:$0xF180] =	vst v8  }
0x76: {  	v57 =	vld.idx.msk [tilespmem:v1+s21+$0x0], $0xffff  }
0x77: {  	v58 =	vld.idx.msk [tilespmem:v1+s22+$0x0], $0xffff;
	_ =	sdelay $0x3  }
0x78: {  	v9 =	vsel vm0, $0xFFFFFFFF, v57  }
0x79: {  	v10 =	vsel vm0, $0x0, v58;
	vm4 =	veq.s32 v7, v9  }
0x7a: {  	v9 =	vnsel vm4, $0x0, v10  }
0x7b: {  	v8 =	vadd.f32 v9, v8;
	_ =	sdelay $0x1  }
0x7c: {  	[tilespmem:$0xF180] =	vst v8  }
0x7d: {  	v59 =	vld.idx.msk [tilespmem:v2+s21+$0x0], $0xffff  }
0x7e: {  	v60 =	vld.idx.msk [tilespmem:v2+s22+$0x0], $0xffff;
	_ =	sdelay $0x3  }
0x7f: {  	v9 =	vsel vm1, $0xFFFFFFFF, v59  }
0x80: {  	v10 =	vsel vm1, $0x0, v60;
	vm4 =	veq.s32 v7, v9  }
0x81: {  	v9 =	vnsel vm4, $0x0, v10  }
0x82: {  	v8 =	vadd.f32 v9, v8;
	_ =	sdelay $0x1  }
0x83: {  	[tilespmem:$0xF180] =	vst v8  }
0x84: {  	v61 =	vld.idx.msk [tilespmem:v5+s21+$0x0], $0xffff  }
0x85: {  	v62 =	vld.idx.msk [tilespmem:v5+s22+$0x0], $0xffff;
	_ =	sdelay $0x3  }
0x86: {  	v9 =	vsel vm2, $0xFFFFFFFF, v61  }
0x87: {  	v10 =	vsel vm2, $0x0, v62;
	vm4 =	veq.s32 v7, v9  }
0x88: {  	v9 =	vnsel vm4, $0x0, v10  }
0x89: {  	v8 =	vadd.f32 v9, v8;
	_ =	sdelay $0x1  }
0x8a: {  	[tilespmem:$0xF180] =	vst v8  }
0x8b: {  	v63 =	vld.idx.msk [tilespmem:v6+s21+$0x0], $0xffff;
	_ =	sdelay $0x4  }
0x8c: {  	vm4 =	vne.s32 v7, v63  }
0x8d: {  	vm4 =	vmor vm4, vm3  }
0x8e: {  	p0 =	sne.s32 s3, $0x3C0  }
.Ltmp1:
0x8f: {  	_ = 	snop;
	(pc) =	sbr.rel @p0 .LBB2_5-.Ltmp1, $2  }
0x90: {  	_ =	sdelay $0x2  }
0x91: {  	s3 =	sadd.s32 $0x40, s3;
	[tilespmem:v7+s24+$0x0] =	vst.idx.add.f32.msk vm4, v8  }
0x92: {  	s1 =	sadd.s32 s6, s1  }
0x93: {  	[hbm4b:s1+s2] =	stream.linear.scatter [tilespmem:s25], [sflag:$0x1], $0x100, $0x38;
	[tilespmem:$0xF200] =	vst v63  }
0x94: {  	s31 =	sadd.s32 s31, s11;
	s30 =	sadd.s32 $0x1, s30;
	_ =	swait.ge [sflag:s15], $0x100  }
0x95: {  	s1 =	sshrl.u32 s31, $0x3;
	p0 =	sne.s32 s30, $0x28;
	[sflag:s15] =	ssyncset.done $0x0  }
.Ltmp2:
0x96: {  	s1 =	sadd.s32 s6, s1;
	[sflag:s15] =	ssyncadd.s32 $0xFFFFFF00;
	(pc) =	sbr.rel @p0 .LBB2_4-.Ltmp2, $4  }
0x97: {  	[hbm4b:s1+s2] =	stream.linear.scatter [tilespmem:s26], [sflag:$0x1], $0x100, $0x38;
	[tilespmem:$0xF200] =	vst v63  }
0x98: {  	_ =	swait.ge [sflag:s15], $0x100  }
0x99: {  	[sflag:s15] =	ssyncset.done $0x0  }
0x9a: {  	[sflag:s15] =	ssyncadd.s32 $0xFFFFFF00  }
0x9b: {  	[hbm4b:s12+s2] =	stream.linear.scatter [tilespmem:s23], [sflag:$0x1], $0x2780, $0x38;
	[tilespmem:$0xF200] =	vst v63  }
0x9c: {  	s28 =	sadd.s32 $0x1, s28;
	_ =	swait.ge [sflag:s15], $0x2780  }
0x9d: {  	p0 =	sne.s32 s28, s14;
	[sflag:s15] =	ssyncset.done $0x0  }
.Ltmp3:
0x9e: {  	[sflag:s15] =	ssyncadd.s32 $0xFFFFD880;
	(pc) =	sbr.rel @p0 .LBB2_1-.Ltmp3, $4  }
0x9f: {  	[hbm4b:s13+s2] =	stream.linear.scatter [tilespmem:s24], [sflag:$0x1], $0x2780, $0x38;
	[tilespmem:$0xF200] =	vst v63  }
0xa0: {  	_ =	swait.ge [sflag:s15], $0x2780  }
0xa1: {  	[sflag:s15] =	ssyncset.done $0x0  }
0xa2: {  	[sflag:s15] =	ssyncadd.s32 $0xFFFFD880  }
0xa3: {  	_ =	sfence.sel $0x180000  }
0xa4: {  	[bflag:$0x0] =	sbarrier.arrive $0xFFFF  }
0xa5: {  	_ =	strace $0x90000053  }
0xa6: {  	s0 =	stileid.u32;
	[bflag:$0x2] =	sbarrier.arrive $0xFFFF  }
0xa7: {  	p0 =	sne.s32 s0, $0x0;
	s0 =	rddreg [dreg:$0x2]  }
0xa8: {  	s0 =	sadd.s32 @!p0 $0x100000, s0  }
0xa9: {  	[sflag:s0] =	ssyncadd.tile.s32 @!p0 $0x1;
	_ =	shalt  }
.Lfunc_end2:
_tile_overlayer_lowered:
.L_overlay_start_2:
0xaa: {  	(tag) =	ssettag $0x2  }
0xab: {  	s0 =	rddreg [dreg:$0x0];
	s2 =	stileid.u32  }
0xac: {  	s1 =	rddreg [dreg:$0x1];
	p0 =	sne.s32 s2, $0x0  }
0xad: {  	s3 =	rddreg [dreg:$0x2];
	[bflag:$0x3] =	sbarrier.arrive $0xFFFF;
	s2 =	simm.s32 @!p0 $0x1C01  }
0xae: {  	[timem:s3], [sflag:s2] =	dma.local @!p0 [hbm:s0], s1  }
0xaf: {  	s0 =	simm.s32 @!p0 $0x1  }
0xb0: {  	_ =	swait.ge @!p0 [sflag:s0], s1  }
0xb1: {  	s1 =	ssub.s32 @!p0 $0x0, s1;
	[sflag:s0] =	ssyncset.done @!p0 $0x0  }
0xb2: {  	[sflag:s0] =	ssyncadd.s32 @!p0 s1  }
0xb3: {  	[bflag:$0x3] =	sbarrier.arrive $0xFFFF  }
0xb4: {  	_ =	shalt  }

// kernel: kernel.26.cloned.1.call-start
scs
__scs_entry_jumppad:
0x0: {  	(pc) =	sbr.rel $0x88, $3  }
0x1: {  	(tag) =	ssettag $0x0;
	lr =	simm.s32 $0x1  }
0x2: {  	[smem:$0x3F93] =	sst lr;
	_ =	strace $0xD0000000  }
0x3: {  	_ = 	snop  }
0x4: {  	_ = 	snop  }
0x5: {  	_ = 	snop  }
0x6: {  	_ = 	snop  }
0x7: {  	_ = 	snop  }
__scs_overlays_trampoline_lowered:
0x8: {  	[smem:$0x3FA2] =	sst s0  }
0x9: {  	[smem:$0x3FA3] =	sst s1  }
0xa: {  	[smem:$0x3FA4] =	sst s2  }
0xb: {  	[smem:$0x3FA5] =	sst s3  }
0xc: {  	[smem:$0x3FA6] =	sst s4  }
0xd: {  	[smem:$0x3FA7] =	sst s5  }
0xe: {  	[smem:$0x3FA8] =	sst s6  }
0xf: {  	[smem:$0x3FA9] =	sst s7  }
0x10: {  	[smem:$0x3FAA] =	sst s8  }
0x11: {  	[smem:$0x3FAB] =	sst s9;
	s0 =	simm.s32 @!p0 $0x0  }
0x12: {  	s1 =	sld [smem:$0x3F91];
	s0 =	simm.s32 @p0 $0x1  }
0x13: {  	[smem:$0x3FAC] =	sst s0;
	s0 =	simm.s32 @!p1 $0x0  }
0x14: {  	s2 =	sld [smem:$0x3F90];
	s0 =	simm.s32 @p1 $0x1  }
0x15: {  	[smem:$0x3FAD] =	sst s0;
	s0 =	simm.s32 @!p2 $0x0  }
0x16: {  	s3 =	sld [smem:$0x3FDB];
	s0 =	simm.s32 @p2 $0x1  }
0x17: {  	s4 =	simm.s32 $0x1BF5;
	[smem:$0x3FAF] =	sst s0  }
0x18: {  	s0 =	sld [smem:$0x3F92];
	_ =	swait.ge [sflag:s4], $0x0  }
0x19: {  	s7 =	sld [smem:$0x3F93]  }
0x1a: {  	s8 =	sadd.s32 $0xFFFFE003, lr  }
0x1b: {  	s9 =	sadd.s32 $0xFFFFFEF7, lr;
	s5 =	simm.s32 $0xFFFFFFFF;
	p2 =	slt.u32 s8, $0xFFFFF086  }
0x1c: {  	p1 =	slt.u32 s9, $0xF7A;
	s5 =	simm.s32 @!p2 $0x0  }
0x1d: {  	s5 =	simm.s32 @p1 $0x1;
	p0 =	seq.s32 s7, s2  }
0x1e: {  	s7 =	smul.u32 @!p0 $0xF7A, s2;
	p2 =	seq.s32 @!p0 s5, $0x0  }
0x1f: {  	s9 =	smul.u32 $0xF7A, s1;
	s8 =	simm.s32 @!p0 $0x1BF5;
	p2 =	por !p2, p0  }
0x20: {  	[sflag:s8] =	ssyncset.s32 @!p0 $0xFFFFF086;
	s6 =	sadd.s32 @!p0 s3, s7;
	s7 =	simm.s32 @!p0 $0x108  }
0x21: {  	s3 =	sadd.s32 s3, s9;
	s6 =	sadd.s32 @!p0 $0x88, s6;
	s7 =	simm.s32 @p2 $0x1082  }
0x22: {  	[simem:s7], [sflag:s8] =	dma.local @!p0 [hbm:s6], $0xF7A  }
0x23: {  	s9 =	sor.u32 $0xD0000000, s2;
	s6 =	simm.s32 $0x108;
	_ =	swait.ge @!p0 [sflag:s8], $0x0  }
0x24: {  	s3 =	sadd.s32 $0x88, s3;
	s6 =	simm.s32 @!p1 $0x1082;
	[sflag:s4] =	ssyncset.s32 $0xFFFFF086  }
0x25: {  	[simem:s6], [sflag:s4] =	dma.local [hbm:s3], $0xF7A  }
0x26: {  	[smem:$0x3F93] =	sst s1;
	(tag) =	ssettag s2;
	_ =	strace s9  }
0x27: {  	s1 =	sld [smem:$0x3FA3]  }
0x28: {  	s2 =	sld [smem:$0x3FA4]  }
0x29: {  	s4 =	sld [smem:$0x3FA6]  }
0x2a: {  	p0 =	seq.s32 s5, $0x0;
	s5 =	sld [smem:$0x3FA7]  }
0x2b: {  	s6 =	sld [smem:$0x3FA8]  }
0x2c: {  	s7 =	sld [smem:$0x3FA9]  }
0x2d: {  	s3 =	simm.s32 $0x108;
	s8 =	sld [smem:$0x3FAA]  }
0x2e: {  	s3 =	simm.s32 @!p0 $0x1082;
	s9 =	sld [smem:$0x3FAB]  }
0x2f: {  	lr =	sadd.s32 s0, s3;
	s0 =	sld [smem:$0x3FA2]  }
0x30: {  	s3 =	sld [smem:$0x3FA5]  }
0x31: {  	[smem:$0x3FAE] =	sst s10  }
0x32: {  	s10 =	sld [smem:$0x3FAC];
	_ =	sdelay $0x3  }
0x33: {  	p0 =	seq.s32 s10, $0x1;
	s10 =	sld [smem:$0x3FAE];
	_ =	sdelay $0x3  }
0x34: {  	[smem:$0x3FAE] =	sst s10  }
0x35: {  	s10 =	sld [smem:$0x3FAD];
	_ =	sdelay $0x3  }
0x36: {  	p1 =	seq.s32 s10, $0x1;
	s10 =	sld [smem:$0x3FAE];
	_ =	sdelay $0x3  }
0x37: {  	[smem:$0x3FAE] =	sst s10  }
0x38: {  	s10 =	sld [smem:$0x3FAF]  }
0x39: {  	_ = 	snop;
	(pc) =	sbr.ind lr, $3  }
0x3a: {  	_ = 	snop  }
0x3b: {  	_ = 	snop  }
0x3c: {  	p2 =	seq.s32 s10, $0x1;
	s10 =	sld [smem:$0x3FAE]  }
0x3d: {  	_ =	shalt  }
0x3e: {  	_ =	shalt  }
0x3f: {  	_ =	shalt  }
0x40: {  	_ =	shalt  }
0x41: {  	_ =	shalt  }
0x42: {  	_ =	shalt  }
0x43: {  	_ =	shalt  }
0x44: {  	_ =	shalt  }
0x45: {  	_ =	shalt  }
0x46: {  	_ =	shalt  }
0x47: {  	_ =	shalt  }
0x48: {  	_ =	shalt  }
0x49: {  	_ =	shalt  }
0x4a: {  	_ =	shalt  }
0x4b: {  	_ =	shalt  }
0x4c: {  	_ =	shalt  }
0x4d: {  	_ =	shalt  }
0x4e: {  	_ =	shalt  }
0x4f: {  	_ =	shalt  }
0x50: {  	_ =	shalt  }
0x51: {  	_ =	shalt  }
0x52: {  	_ =	shalt  }
0x53: {  	_ =	shalt  }
0x54: {  	_ =	shalt  }
0x55: {  	_ =	shalt  }
0x56: {  	_ =	shalt  }
0x57: {  	_ =	shalt  }
0x58: {  	_ =	shalt  }
0x59: {  	_ =	shalt  }
0x5a: {  	_ =	shalt  }
0x5b: {  	_ =	shalt  }
0x5c: {  	_ =	shalt  }
0x5d: {  	_ =	shalt  }
0x5e: {  	_ =	shalt  }
0x5f: {  	_ =	shalt  }
0x60: {  	_ =	shalt  }
0x61: {  	_ =	shalt  }
0x62: {  	_ =	shalt  }
0x63: {  	_ =	shalt  }
0x64: {  	_ =	shalt  }
0x65: {  	_ =	shalt  }
0x66: {  	_ =	shalt  }
0x67: {  	_ =	shalt  }
0x68: {  	_ =	shalt  }
0x69: {  	_ =	shalt  }
0x6a: {  	_ =	shalt  }
0x6b: {  	_ =	shalt  }
0x6c: {  	_ =	shalt  }
0x6d: {  	_ =	shalt  }
0x6e: {  	_ =	shalt  }
0x6f: {  	_ =	shalt  }
0x70: {  	_ =	shalt  }
0x71: {  	_ =	shalt  }
0x72: {  	_ =	shalt  }
0x73: {  	_ =	shalt  }
0x74: {  	_ =	shalt  }
0x75: {  	_ =	shalt  }
0x76: {  	_ =	shalt  }
0x77: {  	_ =	shalt  }
0x78: {  	_ =	shalt  }
0x79: {  	_ =	shalt  }
0x7a: {  	_ =	shalt  }
0x7b: {  	_ =	shalt  }
0x7c: {  	_ =	shalt  }
0x7d: {  	_ =	shalt  }
0x7e: {  	_ =	shalt  }
0x7f: {  	_ =	shalt  }
0x80: {  	_ =	shalt  }
0x81: {  	_ =	shalt  }
0x82: {  	_ =	shalt  }
0x83: {  	_ =	shalt  }
0x84: {  	_ =	shalt  }
0x85: {  	_ =	shalt  }
0x86: {  	_ =	shalt  }
0x87: {  	_ =	shalt  }
.Lfunc_end0:
.L_simem_size_0:
called_computation.5_lowered:
.L_overlay_start_0:
0x88: {  	s2 =	sld [smem:$0x3FD9]  }
0x89: {  	s3 =	sld [smem:$0x3FFE];
	_ =	sdelay $0x1  }
0x8a: {  	s1 =	srdreg.scid  }
0x8b: {  	s0 =	sand.u32 $0x1, s1  }
0x8c: {  	s16 =	sshll.u32 s0, $0xA;
	s2 =	sadd.s32 s3, s2  }
0x8d: {  	s2 =	sadd.s32 s2, s16  }
0x8e: {  	[smem:$0x3FBA] =	sst s2  }
0x8f: {  	_ = 	snop  }
0x90: {  	(tm) =	ssettm $0x1  }
0x91: {  	s17 =	sld [smem:$0x3FFB];
	_ =	sdelay $0x3  }
0x92: {  	_ =	strace s17  }
0x93: {  	s2 =	sld [smem:$0x3FFC];
	_ =	sdelay $0x3  }
0x94: {  	_ =	strace s2  }
0x95: {  	s2 =	sld [smem:$0x3FFD];
	_ =	sdelay $0x3  }
0x96: {  	_ =	strace s2  }
0x97: {  	_ =	strace $0x8FFFFFFF  }
0x98: {  	s18 =	sld [smem:$0x3FDB];
	_ =	sdelay $0x1  }
0x99: {  	s19 =	simm.s32 $_scs_section_size  }
0x9a: {  	s4 =	simm.s32 $_size__tile_overlayer_lowered;
	s5 =	simm.s32 $_tile_overlayer_lowered  }
0x9b: {  	s22 =	simm.s32 $0x1BFF;
	s21 =	sshll.u32 s5, $0x1;
	s2 =	sadd.s32 s19, s18  }
0x9c: {  	s6 =	simm.s32 $0x0;
	s20 =	sshll.u32 s4, $0x1;
	s4 =	sadd.s32 s21, s2  }
0x9d: {  	[timem:s6], [sflag:s22] =	dma.local [hbm:s4], s20  }
0x9e: {  	_ =	swait.ge [sflag:s22], s20  }
0x9f: {  	s3 =	ssub.s32 $0x0, s20;
	[sflag:s22] =	ssyncset.done $0x0  }
0xa0: {  	[sflag:s22] =	ssyncadd.s32 s3;
	_ =	sdelay $0x1  }
0xa1: {  	s23 =	simm.s32 $0x1B8B  }
0xa2: {  	_ =	swait.ge [sflag:s23], $0x1  }
0xa3: {  	[sflag:s23] =	ssyncset.done $0x0  }
0xa4: {  	s25 =	simm.s32 $0x1B8E;
	s24 =	sld [smem:$0x3FFE];
	[sflag:s23] =	ssyncadd.s32 $0xFFFFFFFF  }
0xa5: {  	s26 =	simm.s32 $execute0_lowered;
	[smem:$0x3FD2] =	sst s25  }
0xa6: {  	s4 =	sshll.u32 s26, $0x1;
	_ =	strace $0x80000055;
	[dreg:$0x1] =	wrdreg $0xFFFFFFFF  }
0xa7: {  	s28 =	simm.s32 $_size_execute0_lowered;
	s2 =	sadd.s32 s2, s4;
	[dreg:$0x0] =	wrdreg $0x0  }
0xa8: {  	s4 =	sshll.u32 s28, $0x1;
	[dreg:$0x2] =	wrdreg s2  }
0xa9: {  	[dreg:$0x3] =	wrdreg s4  }
0xaa: {  	[dreg:$0x4] =	wrdreg $0xC0  }
0xab: {  	_ =	task [dreg:s6], $0x5FFFF  }
0xac: {  	[dreg:$0x1] =	wrdreg $0xFFFFFFFF  }
0xad: {  	[dreg:$0x0] =	wrdreg $0x60  }
0xae: {  	[dreg:$0x2] =	wrdreg s24  }
0xaf: {  	[dreg:$0x3] =	wrdreg $0x84000  }
0xb0: {  	[dreg:$0x4] =	wrdreg $0x9  }
0xb1: {  	_ =	task.clear_ibuf [dreg:s6], $0x5FFFF;
	_ =	strace $0x90000055  }
0xb2: {  	s29 =	simm.s32 $0x9;
	_ =	strace $0x80000057  }
0xb3: {  	_ =	swait.ge [sflag:s29], $0x1  }
0xb4: {  	[sflag:s29] =	ssyncadd.s32 $0xFFFFFFFF  }
0xb5: {  	_ =	strace $0x90000057  }
0xb6: {  	_ =	sfence  }
0xb7: {  	s30 =	sld [smem:$0x0];
	_ =	sdelay $0x2  }
0xb8: {  	s31 =	sshll.u32 s1, $0xD;
	s1 =	sshrl.u32 s1, $0x2  }
0xb9: {  	s3 =	sand.u32 $0x4000, s31;
	s1 =	sadd.s32 s1, s30  }
0xba: {  	s0 =	sor.u32 s3, s0;
	s1 =	sshll.u32 s1, $0x11  }
0xbb: {  	s0 =	sor.u32 s1, s0  }
0xbc: {  	s0 =	sadd.s32 $0x8F2B, s0  }
0xbd: {  	[sflag:s0] =	ssyncadd.remote.s32 $0x1  }
0xbe: {  	_ =	sfence.sel $0xFFFF  }
0xbf: {  	[dreg:$0x0] =	wrdreg $0xFFFFFFFF;
	(pc) =	sbr.abs _section_cstart, $3  }
0xc0: {  	[dreg:$0x1] =	wrdreg $0xFFFFFFFF  }
0xc1: {  	_ =	task.clear_ibuf [dreg:s6], $0x2FFFF;
	_ =	strace $0x9FFFFFFF  }
0xc2: {  	(tm) =	ssettm $0x7FFFFFFF  }
0xc3: {  	_ =	shalt  }
tec
execute0_lowered:
.L_overlay_start_1:
0x0: {  	(tag) =	ssettag $0x1  }
0x1: {  	s1 =	rddreg [dreg:$0x0]  }
0x2: {  	s2 =	rddreg [dreg:$0x1];
	s3 =	srdreg.scid  }
0x3: {  	s0 =	rddreg [dreg:$0x2];
	s4 =	simm.s32 $0x0;
	s15 =	simm.s32 $0x2  }
0x4: {  	s16 =	simm.s32 $0x100;
	s17 =	simm.s32 $0x8200;
	s18 =	simm.s32 $0x8300  }
0x5: {  	s19 =	simm.s32 $0x200;
	s8 =	sand.u32 $0x1, s3;
	s3 =	stileid.u32  }
0x6: {  	s20 =	simm.s32 $0x1;
	[smem:$0x7FF] =	sst s4;
	s9 =	smul.u32 $0x2780, s8  }
0x7: {  	s5 =	sadd.s32 $0x3D400, s1;
	s6 =	sadd.s32 $0xA000, s1;
	s10 =	smul.u32 $0x278, s3  }
0x8: {  	s7 =	sadd.s32 $0x15400, s1;
	_ =	strace $0x80000056;
	s26 =	smul.u32 $0x4F000, s3  }
0x9: {  	s11 =	sshll.u32 s8, $0x4;
	s28 =	ssub.s32 $0x2, s8;
	s31 =	sshll.u32 s3, $0x6  }
0xa: {  	s29 =	sor.u32 s3, s11;
	s30 =	sshrl.u32 s28, $0x1;
	s9 =	sadd.s32 s10, s9  }
0xb: {  	s10 =	sshrl.u32 s26, $0x2;
	s8 =	smul.u32 $0x2800, s29;
	s13 =	ssub.s32 s28, s30  }
0xc: {  	s9 =	sshll.u32 s9, $0x4;
	s14 =	sadd.s32 s10, s2;
	s10 =	sor.u32 $0x1C02, s31  }
0xd: {  	s13 =	smax.u32 s13, $0x1;
	s12 =	sadd.s32 s9, s1;
	s11 =	sadd.s32 $0x50000, s8  }
0xe: {  	s14 =	sshrl.u32 s14, $0x3;
	s9 =	sadd.s32 $0x64C00, s12;
	s12 =	sadd.s32 $0xB3C00, s12  }
.LBB2_1:
0xf: {  	[spmem:s14], [sflag:s10] =	dma.local [hbm:s9], $0x2780  }
0x10: {  	_ =	swait.ge [sflag:s15], $0x2780  }
0x11: {  	[sflag:s15] =	ssyncset.done $0x0  }
0x12: {  	[sflag:s15] =	ssyncadd.s32 $0xFFFFD880  }
0x13: {  	s21 =	simm.s32 $0x0;
	[bflag:$0x0] =	sbarrier.arrive $0xFFFF  }
.LBB2_2:
0x14: {  	s22 =	sshll.u32 s21, $0x8  }
0x15: {  	s23 =	sadd.s32 s8, s22  }
0x16: {  	s23 =	sshrl.u32 s23, $0x3  }
0x17: {  	s25 =	simm.s32 $0x0;
	s24 =	sadd.s32 s1, s23  }
0x18: {  	[tilespmem:s25], [sflag:$0x2] =	stream.linear.gather [hbm4b:s24+s25], $0x100, $0x38;
	[tilespmem:$0x1C000] =	vst v63  }
0x19: {  	_ =	swait.ge [sflag:s15], $0x100  }
0x1a: {  	[sflag:s15] =	ssyncset.done $0x0  }
0x1b: {  	s31 =	sadd.s32 s6, s23;
	[sflag:s15] =	ssyncadd.s32 $0xFFFFFF00  }
0x1c: {  	[tilespmem:s16], [sflag:$0x2] =	stream.linear.gather [hbm4b:s31+s25], $0x100, $0x38;
	[tilespmem:$0x1C000] =	vst v63  }
0x1d: {  	_ =	swait.ge [sflag:s15], $0x100  }
0x1e: {  	[sflag:s15] =	ssyncset.done $0x0  }
0x1f: {  	s23 =	sadd.s32 s7, s23;
	[sflag:s15] =	ssyncadd.s32 $0xFFFFFF00  }
0x20: {  	[tilespmem:s17], [sflag:$0x2] =	stream.linear.gather [hbm4b:s23+s25], $0x100, $0x38;
	[tilespmem:$0x1C000] =	vst v63  }
0x21: {  	s22 =	sadd.s32 s22, s11;
	_ =	swait.ge [sflag:s15], $0x100  }
0x22: {  	s22 =	sshrl.u32 s22, $0x3;
	[sflag:s15] =	ssyncset.done $0x0  }
0x23: {  	s22 =	sadd.s32 s7, s22;
	[sflag:s15] =	ssyncadd.s32 $0xFFFFFF00  }
0x24: {  	[tilespmem:s18], [sflag:$0x2] =	stream.linear.gather [hbm4b:s22+s25], $0x100, $0x38;
	[tilespmem:$0x1C000] =	vst v63  }
0x25: {  	_ =	swait.ge [sflag:s15], $0x100  }
0x26: {  	[sflag:s15] =	ssyncset.done $0x0  }
0x27: {  	[sflag:s15] =	ssyncadd.s32 $0xFFFFFF00  }
0x28: {  	[tilespmem:s19], [sflag:$0x1] =	stream.indirect.gather [hbm4b:s5+s16], $0x80, s25, s16, $0xb8;
	[tilespmem:$0x1C000] =	vst v63  }
0x29: {  	_ =	swait.ge [sflag:s20], $0x8000  }
0x2a: {  	v0 =	vmov s25;
	[sflag:s20] =	ssyncset.done $0x0  }
0x2b: {  	s22 =	simm.s32 $0x240;
	[sflag:s20] =	ssyncadd.s32 $0xFFFF8000  }
0x2c: {  	v7 =	vld [tilespmem:s22+$0xFFFFFFF0]  }
0x2d: {  	v5 =	vld [tilespmem:s22+$0xFFFFFFC0]  }
0x2e: {  	v6 =	vld [tilespmem:s22+$0xFFFFFFD0]  }
0x2f: {  	v3 =	vld.idx.msk [tilespmem:v0+s17+$0x0], $0xffff  }
0x30: {  	v1 =	vld.idx.msk [tilespmem:v0+s18+$0x0], $0xffff  }
0x31: {  	v10 =	vld [tilespmem:s22+$0x0]  }
0x32: {  	v2 =	vld [tilespmem:s22+$0xFFFFFFE0]  }
0x33: {  	v0 =	vld [tilespmem:s22+$0x30]  }
0x34: {  	v4 =	vld [tilespmem:s22+$0x20]  }
0x35: {  	v9 =	vmul.f32 v5, v3;
	v5 =	vld [tilespmem:s22+$0x10]  }
0x36: {  	v6 =	vmul.f32 v6, v3  }
0x37: {  	s24 =	simm.s32 $0x240;
	s23 =	simm.s32 $0x1;
	v8 =	vmul.f32 v7, v3;
	v7 =	vmul.f32 v10, v1  }
.LBB2_3:
0x38: {  	p0 =	sne.s32 s23, $0xFF  }
0x39: {  	[tilespmem:s22+$0xFFFFFFC0] =	vst v9;
	v2 =	vmul.f32 v2, v3;
	v3 =	vmul.f32 v4, v1;
	s24 =	sadd.s32 $0x80, s24;
	s25 =	smov.u32 s23;
	s23 =	sadd.s32 $0x1, s23  }
0x3a: {  	v0 =	vmul.f32 v0, v1;
	[tilespmem:s22+$0xFFFFFFF0] =	vst v8;
	v4 =	vmul.f32 v5, v1  }
0x3b: {  	[tilespmem:s22+$0xFFFFFFD0] =	vst v6  }
0x3c: {  	v1 =	vmov s25;
	v8 =	vld [tilespmem:s24+$0xFFFFFFF0];
	[tilespmem:s22+$0x0] =	vst v7  }
0x3d: {  	v6 =	vld [tilespmem:s24+$0xFFFFFFC0];
	[tilespmem:s22+$0xFFFFFFE0] =	vst v2  }
0x3e: {  	v2 =	vld [tilespmem:s24+$0xFFFFFFE0];
	[tilespmem:s22+$0x30] =	vst v0  }
0x3f: {  	v0 =	vld [tilespmem:s24+$0x30];
	[tilespmem:s22+$0x10] =	vst v4  }
0x40: {  	v7 =	vld [tilespmem:s24+$0xFFFFFFD0];
	[tilespmem:s22+$0x20] =	vst v3;
	s22 =	smov.u32 s24  }
0x41: {  	v3 =	vld.idx.msk [tilespmem:v1+s17+$0x0], $0xffff  }
0x42: {  	v1 =	vld.idx.msk [tilespmem:v1+s18+$0x0], $0xffff  }
0x43: {  	v10 =	vld [tilespmem:s24+$0x0]  }
.Ltmp0:
0x44: {  	v4 =	vld [tilespmem:s24+$0x20];
	(pc) =	sbr.rel @p0 .LBB2_3-.Ltmp0, $3  }
0x45: {  	v5 =	vld [tilespmem:s24+$0x10];
	_ =	sdelay $0x1  }
0x46: {  	v9 =	vmul.f32 v6, v3;
	v6 =	vmul.f32 v7, v3  }
0x47: {  	v8 =	vmul.f32 v8, v3;
	v7 =	vmul.f32 v10, v1  }
0x48: {  	[tilespmem:s22+$0xFFFFFFC0] =	vst v9  }
0x49: {  	[tilespmem:s22+$0xFFFFFFD0] =	vst v6  }
0x4a: {  	v2 =	vmul.f32 v2, v3;
	[tilespmem:s22+$0xFFFFFFF0] =	vst v8  }
0x4b: {  	v0 =	vmul.f32 v0, v1;
	[tilespmem:s22+$0x0] =	vst v7  }
0x4c: {  	v63 =	vmul.f32 v4, v1;
	[tilespmem:s22+$0xFFFFFFE0] =	vst v2  }
0x4d: {  	s21 =	sadd.s32 $0x1, s21;
	v62 =	vmul.f32 v5, v1;
	[tilespmem:s22+$0x30] =	vst v0  }
0x4e: {  	p0 =	sne.s32 s21, $0x28;
	[tilespmem:s22+$0x20] =	vst v63  }
.Ltmp1:
0x4f: {  	[tilespmem:s22+$0x10] =	vst v62;
	(pc) =	sbr.rel @p0 .LBB2_2-.Ltmp1, $4  }
0x50: {  	[spmem:s2] =	stream.indirect.scatter.add.f32 [tilespmem:s19], [sflag:$0x2], $0x80, s16, s16, $0xb8;
	[tilespmem:$0x1C000] =	vst v63  }
0x51: {  	_ =	swait.ge [sflag:s15], $0x8000  }
0x52: {  	[sflag:s15] =	ssyncset.done $0x0  }
0x53: {  	[sflag:s15] =	ssyncadd.s32 $0xFFFF8000  }
0x54: {  	s4 =	sadd.s32 $0x1, s4  }
0x55: {  	p0 =	sne.s32 s4, s13  }
.Ltmp2:
0x56: {  	[bflag:$0x0] =	sbarrier.arrive $0xFFFF;
	(pc) =	sbr.rel @p0 .LBB2_1-.Ltmp2, $4  }
0x57: {  	[hbm:s12], [sflag:s10] =	dma.local [spmem:s14], $0x2780  }
0x58: {  	_ =	swait.ge [sflag:s15], $0x2780  }
0x59: {  	[sflag:s15] =	ssyncset.done $0x0  }
0x5a: {  	[sflag:s15] =	ssyncadd.s32 $0xFFFFD880  }
0x5b: {  	_ =	sfence.sel $0x180000  }
0x5c: {  	[bflag:$0x0] =	sbarrier.arrive $0xFFFF  }
0x5d: {  	p0 =	sne.s32 s3, $0x0;
	_ =	strace $0x90000056  }
0x5e: {  	s0 =	sadd.s32 @!p0 $0x100000, s0;
	[bflag:$0x2] =	sbarrier.arrive $0xFFFF  }
0x5f: {  	[sflag:s0] =	ssyncadd.tile.s32 @!p0 $0x1;
	_ =	shalt  }
.Lfunc_end2:
_tile_overlayer_lowered:
.L_overlay_start_2:
0x60: {  	(tag) =	ssettag $0x2  }
0x61: {  	s0 =	rddreg [dreg:$0x0];
	s2 =	stileid.u32  }
0x62: {  	s1 =	rddreg [dreg:$0x1];
	p0 =	sne.s32 s2, $0x0  }
0x63: {  	s3 =	rddreg [dreg:$0x2];
	[bflag:$0x3] =	sbarrier.arrive $0xFFFF;
	s2 =	simm.s32 @!p0 $0x1C02  }
0x64: {  	[timem:s3], [sflag:s2] =	dma.local @!p0 [hbm:s0], s1  }
0x65: {  	s0 =	simm.s32 @!p0 $0x2  }
0x66: {  	_ =	swait.ge @!p0 [sflag:s0], s1  }
0x67: {  	s1 =	ssub.s32 @!p0 $0x0, s1;
	[sflag:s0] =	ssyncset.done @!p0 $0x0  }
0x68: {  	[sflag:s0] =	ssyncadd.s32 @!p0 s1  }
0x69: {  	[bflag:$0x3] =	sbarrier.arrive $0xFFFF  }
0x6a: {  	_ =	shalt  }

</sc_bundles>
